<compile_context>
chip_gen: v7x
topology: tpu7x:2x2x1
jax: 0.10.2.dev20260603
libtpu: 0.0.44.dev20260713+nightly
codegen_flags: <defaults>
</compile_context>

<pallas_src>
import functools

import jax
import jax.numpy as jnp
from jax import lax
from jax.experimental import pallas as pl
from jax.experimental.pallas import tpu as pltpu
from jax.experimental.pallas import tpu_sc as plsc

B, N, D, K = 8, 4096, 256, 512
NB = 1
BLK = N // NB

SC_CORES = 2
SC_SUBCORES = 16
SC_WORKERS = SC_CORES * SC_SUBCORES
ROWS_PER_WORKER = (B * K) // SC_WORKERS
CHUNKS_PER_BATCH = K // ROWS_PER_WORKER


def _ce_stage(key, idx, j, want_best):
    lane = lax.broadcasted_iota(jnp.int32, key.shape, 1)
    islo = (lane & j) == 0
    pkey = jnp.where(islo, jnp.roll(key, -j, axis=1), jnp.roll(key, j, axis=1))
    pidx = jnp.where(islo, jnp.roll(idx, -j, axis=1), jnp.roll(idx, j, axis=1))
    sel = (key > pkey) | ((key == pkey) & (idx < pidx))
    keep_a = (want_best & sel) | (~want_best & ~sel)
    return jnp.where(keep_a, key, pkey), jnp.where(keep_a, idx, pidx)


def _bitonic_topk(s):
    key = lax.bitcast_convert_type(s, jnp.int32)
    idx = lax.broadcasted_iota(jnp.int32, (B, N), 1)
    k = 2
    while k <= K:
        j = k // 2
        while j >= 1:
            lane = lax.broadcasted_iota(jnp.int32, (B, N), 1)
            islo = (lane & j) == 0
            descblk = (lane & k) == 0
            key, idx = _ce_stage(key, idx, j,
                                 (islo & descblk) | (~islo & ~descblk))
            j //= 2
        k *= 2
    width = N
    while width > K:
        lane = lax.broadcasted_iota(jnp.int32, (B, width), 1)
        key, idx = _ce_stage(key, idx, K, (lane & K) == 0)
        nblk = width // (2 * K)
        key = jnp.concatenate(
            [key[:, p * 2 * K:p * 2 * K + K] for p in range(nblk)], axis=1)
        idx = jnp.concatenate(
            [idx[:, p * 2 * K:p * 2 * K + K] for p in range(nblk)], axis=1)
        width //= 2
        j = K // 2
        while j >= 1:
            lane = lax.broadcasted_iota(jnp.int32, (B, width), 1)
            islo = (lane & j) == 0
            if width > K:
                descblk = (lane & K) == 0
                want_best = (islo & descblk) | (~islo & ~descblk)
            else:
                want_best = islo
            key, idx = _ce_stage(key, idx, j, want_best)
            j //= 2
    return key, idx


def _ab_body(z_ref, w_ref, b_ref, vals_ref, idx_ref, gidx_ref, s_acc):
    i = pl.program_id(0)
    j = pl.program_id(1)
    z = z_ref[0]
    w = w_ref[...]
    lg = jnp.dot(z, w)[:, :1] + b_ref[0]
    s = 1.0 / (1.0 + jnp.exp(-lg))
    col = pl.multiple_of(j * BLK, BLK)
    s_acc[pl.ds(i, 1), pl.ds(col, BLK)] = s.reshape(1, BLK)

    @pl.when((i == B - 1) & (j == NB - 1))
    def _():
        key, idx = _bitonic_topk(s_acc[...])
        vals_ref[...] = lax.bitcast_convert_type(key[:, :K], jnp.float32)
        idx_ref[...] = idx[:, :K]
        gidx_ref[...] = idx[:, :K] + N * lax.broadcasted_iota(
            jnp.int32, (B, K), 0)


def _score_topk(scores, Wpad, b):
    return pl.pallas_call(
        _ab_body,
        grid=(B, NB),
        in_specs=[
            pl.BlockSpec((1, BLK, D), lambda i, j: (i, j, 0)),
            pl.BlockSpec((D, 128), lambda i, j: (0, 0)),
            pl.BlockSpec((1,), lambda i, j: (0,)),
        ],
        out_specs=[
            pl.BlockSpec((B, K), lambda i, j: (0, 0)),
            pl.BlockSpec((B, K), lambda i, j: (0, 0)),
            pl.BlockSpec((B, K), lambda i, j: (0, 0)),
        ],
        out_shape=[
            jax.ShapeDtypeStruct((B, K), jnp.float32),
            jax.ShapeDtypeStruct((B, K), jnp.int32),
            jax.ShapeDtypeStruct((B, K), jnp.int32),
        ],
        scratch_shapes=[pltpu.VMEM((B, N), jnp.float32)],
    )(scores, Wpad, b)


def _sc_gather_body(h_hbm, gidx_hbm, vals16_hbm, out_hbm, idx_v, vals16_v,
                    rows_v, sem):
    wid = lax.axis_index("s") * SC_CORES + lax.axis_index("c")
    bat = wid // CHUNKS_PER_BATCH
    chunk = wid % CHUNKS_PER_BATCH
    col = chunk * ROWS_PER_WORKER
    base = wid * ROWS_PER_WORKER
    pltpu.sync_copy(gidx_hbm.at[bat, pl.ds(col, ROWS_PER_WORKER)], idx_v)
    pltpu.sync_copy(vals16_hbm.at[pl.ds(base * 16, ROWS_PER_WORKER * 16)],
                    vals16_v)
    pltpu.async_copy(h_hbm.at[idx_v], rows_v, sem).wait()

    def scale_row(r, carry):
        vvec = vals16_v[pl.ds(r * 16, 16)]
        for c in range(D // 16):
            sl = pl.ds(c * 16, 16)
            rows_v[r, sl] = rows_v[r, sl] * vvec
        return carry

    lax.fori_loop(0, ROWS_PER_WORKER, scale_row, 0)
    pltpu.sync_copy(rows_v, out_hbm.at[pl.ds(base, ROWS_PER_WORKER)])


@functools.cache
def _sc_gather_scale():
    return functools.partial(
        pl.kernel,
        mesh=plsc.VectorSubcoreMesh(core_axis_name="c", subcore_axis_name="s"),
        out_type=jax.ShapeDtypeStruct((B * K, D), jnp.float32),
        scratch_types=[
            pltpu.VMEM((ROWS_PER_WORKER,), jnp.int32),
            pltpu.VMEM((ROWS_PER_WORKER * 16,), jnp.float32),
            pltpu.VMEM((ROWS_PER_WORKER, D), jnp.float32),
            pltpu.SemaphoreType.DMA,
        ],
    )(_sc_gather_body)


def kernel(h, scores, W, b):
    Wpad = jnp.zeros((D, 128), jnp.float32).at[:, 0].set(W[0])
    vals, idx, gidx = _score_topk(scores, Wpad, b)
    vals16 = jnp.broadcast_to(vals.reshape(B * K, 1), (B * K, 16)).reshape(-1)
    new_h = _sc_gather_scale()(h.reshape(B * N, D), gidx, vals16)
    return new_h.reshape(B, K, D), idx

# --- scband reference (transcript-rebuilt; emitter-appended) ---
"""Pipeline reference for scband-pool-27650999452117 (READ-ONLY COPY).

The authoritative reference and input builder live on the scoring server;
editing this copy changes nothing except your own understanding.
"""

import jax, jax.numpy as jnp
import numpy as np

B, N, D = 8, 4096, 256
K = 512

def setup_inputs(seed: int = 0) -> dict:
    key = jax.random.key(seed)
    k1, k2, k3, k4 = jax.random.split(key, 4)
    h = jax.random.normal(k1, (B, N, D), dtype=jnp.float32)
    scores = jax.random.normal(k2, (B, N, D), dtype=jnp.float32)
    # nn.Linear(in_dim, 1): W [1, D], b [1]
    bound = 1.0 / np.sqrt(D)
    W = jax.random.uniform(k3, (1, D), dtype=jnp.float32, minval=-bound, maxval=bound)
    b = jax.random.uniform(k4, (1,), dtype=jnp.float32, minval=-bound, maxval=bound)
    return {"h": h, "scores": scores, "W": W, "b": b}

def reference(h, scores, W, b):
    # Dropout with p=0 is identity.
    Z = scores
    weights = jnp.einsum('bnd,od->bno', Z, W) + b  # [B, N, 1]
    s = jax.nn.sigmoid(weights)                    # [B, N, 1]
    s2 = s[..., 0]                                 # [B, N]
    values, idx = jax.lax.top_k(s2, K)             # [B, K]
    new_h = jnp.take_along_axis(h, idx[:, :, None], axis=1)  # [B, K, D]
    new_h = new_h * values[:, :, None]
    return new_h, idx

if __name__ == "__main__":
    import jax
    _d = setup_inputs()
    print(jax.jit(kernel)(*tuple(_d.values())))

</pallas_src>

<mosaic_0001>
#map = affine_map<(d0, d1) -> (0, 0)>
#map1 = affine_map<(d0, d1) -> (0)>
module attributes {stable_mosaic.version = 14 : i64} {
  func.func @_sc_gather_body(%arg0: i32, %arg1: i32, %arg2: memref<32768x256xf32, #tpu.memory_space<hbm>>, %arg3: memref<8x512xi32, #tpu.memory_space<hbm>>, %arg4: memref<65536xf32, #tpu.memory_space<hbm>>, %arg5: memref<4096x256xf32, #tpu.memory_space<hbm>>, %arg6: memref<128xi32, #tpu.memory_space<vmem>>, %arg7: memref<2048xf32, #tpu.memory_space<vmem>>, %arg8: memref<128x256xf32, #tpu.memory_space<vmem>>, %arg9: memref<!tpu.dma_semaphore, #tpu.memory_space<semaphore_mem>>) attributes {dimension_semantics = [#tpu.dimension_semantics<core_parallel>, #tpu.dimension_semantics<subcore_parallel>], iteration_bounds = array<i64: 2, 16>, scalar_prefetch = 0 : i64, scratch_operands = 4 : i64, tpu.core_type = #tpu.core_type<sc_vector_subcore>, window_params = [{transform_indices = #map}, {transform_indices = #map}, {transform_indices = #map1}, {transform_indices = #map}]} {
    %mul3A = arith.constant 2 : i32
    %mul3A_0 = arith.muli %arg1, %mul3A : i32
    %add3A = arith.addi %mul3A_0, %arg0 : i32
    %jit3A = arith.constant 4 : i32
    %div3A = arith.divsi %add3A, %jit3A : i32
    %sign3A = arith.constant 0 : i32
    %sign3A_1 = arith.cmpi sgt, %add3A, %sign3A : i32
    %sign3A_2 = arith.extui %sign3A_1 : i1 to i32
    %sign3A_3 = arith.constant 0 : i32
    %sign3A_4 = arith.cmpi slt, %add3A, %sign3A_3 : i32
    %sign3A_5 = arith.extui %sign3A_4 : i1 to i32
    %sign3A_6 = arith.subi %sign3A_2, %sign3A_5 : i32
    %sign3A_7 = arith.constant 0 : i32
    %sign3A_8 = arith.cmpi sgt, %jit3A, %sign3A_7 : i32
    %sign3A_9 = arith.extui %sign3A_8 : i1 to i32
    %sign3A_10 = arith.constant 0 : i32
    %sign3A_11 = arith.cmpi slt, %jit3A, %sign3A_10 : i32
    %sign3A_12 = arith.extui %sign3A_11 : i1 to i32
    %sign3A_13 = arith.subi %sign3A_9, %sign3A_12 : i32
    %ne3A = arith.cmpi ne, %sign3A_6, %sign3A_13 : i32
    %rem3A = arith.remsi %add3A, %jit3A : i32
    %ne3A_14 = arith.constant 0 : i32
    %ne3A_15 = arith.cmpi ne, %rem3A, %ne3A_14 : i32
    %and3A = arith.andi %ne3A, %ne3A_15 : i1
    %sub3A = arith.constant 1 : i32
    %sub3A_16 = arith.subi %div3A, %sub3A : i32
    %select_n3A = arith.select %and3A, %sub3A_16, %div3A : i32
    %jit3A_17 = arith.constant 4 : i32
    %eq3A = arith.constant 0 : i32
    %eq3A_18 = arith.cmpi eq, %jit3A_17, %eq3A : i32
    %jit3A_19 = arith.constant 1 : i32
    %select_n3A_20 = arith.select %eq3A_18, %jit3A_19, %jit3A_17 : i32
    %rem3A_21 = arith.remsi %add3A, %select_n3A_20 : i32
    %ne3A_22 = arith.constant 0 : i32
    %ne3A_23 = arith.cmpi ne, %rem3A_21, %ne3A_22 : i32
    %lt3A = arith.constant 0 : i32
    %lt3A_24 = arith.cmpi slt, %rem3A_21, %lt3A : i32
    %lt3A_25 = arith.constant 0 : i32
    %lt3A_26 = arith.cmpi slt, %select_n3A_20, %lt3A_25 : i32
    %ne3A_27 = arith.xori %lt3A_24, %lt3A_26 : i1
    %and3A_28 = arith.andi %ne3A_27, %ne3A_23 : i1
    %add3A_29 = arith.addi %rem3A_21, %select_n3A_20 : i32
    %select_n3A_30 = arith.select %and3A_28, %add3A_29, %rem3A_21 : i32
    %mul3A_31 = arith.constant 128 : i32
    %mul3A_32 = arith.muli %select_n3A_30, %mul3A_31 : i32
    %mul3A_33 = arith.constant 128 : i32
    %mul3A_34 = arith.muli %add3A, %mul3A_33 : i32
    "tpu.region"() ({
      %run_scoped3A = tpu.sem_alloc : memref<!tpu.dma_semaphore, #tpu.memory_space<semaphore_mem>>
      %dma_start3A_46 = tpu.memref_slice %arg3[%select_n3A, %mul3A_32] : memref<8x512xi32, #tpu.memory_space<hbm>> -> memref<1x128xi32, #tpu.memory_space<hbm>>
      %dma_start3A_47 = tpu.memref_squeeze %dma_start3A_46 : memref<1x128xi32, #tpu.memory_space<hbm>> -> memref<128xi32, #tpu.memory_space<hbm>>
      %dma_start3A_48 = tpu.memref_slice %arg3[%select_n3A, %mul3A_32] : memref<8x512xi32, #tpu.memory_space<hbm>> -> memref<1x128xi32, #tpu.memory_space<hbm>>
      %dma_start3A_49 = tpu.memref_squeeze %dma_start3A_48 : memref<1x128xi32, #tpu.memory_space<hbm>> -> memref<128xi32, #tpu.memory_space<hbm>>
      tpu.enqueue_dma source(%dma_start3A_49 : memref<128xi32, #tpu.memory_space<hbm>>) target(%arg6 : memref<128xi32, #tpu.memory_space<vmem>>) target_semaphore(%run_scoped3A : memref<!tpu.dma_semaphore, #tpu.memory_space<semaphore_mem>>)
      %dma_wait3A_50 = tpu.memref_slice %arg3[%select_n3A, %mul3A_32] : memref<8x512xi32, #tpu.memory_space<hbm>> -> memref<1x128xi32, #tpu.memory_space<hbm>>
      %dma_wait3A_51 = tpu.memref_squeeze %dma_wait3A_50 : memref<1x128xi32, #tpu.memory_space<hbm>> -> memref<128xi32, #tpu.memory_space<hbm>>
      %dma_wait3A_52 = tpu.memref_slice %arg3[%select_n3A, %mul3A_32] : memref<8x512xi32, #tpu.memory_space<hbm>> -> memref<1x128xi32, #tpu.memory_space<hbm>>
      %dma_wait3A_53 = tpu.memref_squeeze %dma_wait3A_52 : memref<1x128xi32, #tpu.memory_space<hbm>> -> memref<128xi32, #tpu.memory_space<hbm>>
      tpu.wait_dma2 semaphore(%run_scoped3A : memref<!tpu.dma_semaphore, #tpu.memory_space<semaphore_mem>>) src(%dma_wait3A_53 : memref<128xi32, #tpu.memory_space<hbm>>) dst(%arg6 : memref<128xi32, #tpu.memory_space<vmem>>)
      tpu.yield
    }) : () -> ()
    %mul3A_35 = arith.constant 16 : i32
    %mul3A_36 = arith.muli %mul3A_34, %mul3A_35 : i32
    "tpu.region"() ({
      %run_scoped3A = tpu.sem_alloc : memref<!tpu.dma_semaphore, #tpu.memory_space<semaphore_mem>>
      %dma_start3A_46 = tpu.memref_slice %arg4[%mul3A_36] : memref<65536xf32, #tpu.memory_space<hbm>> -> memref<2048xf32, #tpu.memory_space<hbm>>
      %dma_start3A_47 = tpu.memref_slice %arg4[%mul3A_36] : memref<65536xf32, #tpu.memory_space<hbm>> -> memref<2048xf32, #tpu.memory_space<hbm>>
      tpu.enqueue_dma source(%dma_start3A_47 : memref<2048xf32, #tpu.memory_space<hbm>>) target(%arg7 : memref<2048xf32, #tpu.memory_space<vmem>>) target_semaphore(%run_scoped3A : memref<!tpu.dma_semaphore, #tpu.memory_space<semaphore_mem>>)
      %dma_wait3A_48 = tpu.memref_slice %arg4[%mul3A_36] : memref<65536xf32, #tpu.memory_space<hbm>> -> memref<2048xf32, #tpu.memory_space<hbm>>
      %dma_wait3A_49 = tpu.memref_slice %arg4[%mul3A_36] : memref<65536xf32, #tpu.memory_space<hbm>> -> memref<2048xf32, #tpu.memory_space<hbm>>
      tpu.wait_dma2 semaphore(%run_scoped3A : memref<!tpu.dma_semaphore, #tpu.memory_space<semaphore_mem>>) src(%dma_wait3A_49 : memref<2048xf32, #tpu.memory_space<hbm>>) dst(%arg7 : memref<2048xf32, #tpu.memory_space<vmem>>)
      tpu.yield
    }) : () -> ()
    %dma_start3A = arith.constant 0 : i32
    %dma_start3A_37 = arith.constant 0 : i32
    %dma_start3A_38 = tpu.memref_slice %arg2[%dma_start3A, %dma_start3A_37] : memref<32768x256xf32, #tpu.memory_space<hbm>> -> memref<32768x256xf32, #tpu.memory_space<hbm>>
    tpu.enqueue_indirect_dma source(%dma_start3A_38 : memref<32768x256xf32, #tpu.memory_space<hbm>>) target(%arg8 : memref<128x256xf32, #tpu.memory_space<vmem>>) offsets(%arg6 : memref<128xi32, #tpu.memory_space<vmem>>) semaphore(%arg9 : memref<!tpu.dma_semaphore, #tpu.memory_space<semaphore_mem>>)
    %dma_wait3A = arith.constant 0 : i32
    %dma_wait3A_39 = arith.constant 0 : i32
    %dma_wait3A_40 = tpu.memref_slice %arg2[%dma_wait3A, %dma_wait3A_39] : memref<32768x256xf32, #tpu.memory_space<hbm>> -> memref<32768x256xf32, #tpu.memory_space<hbm>>
    tpu.wait_indirect_dma semaphore(%arg9 : memref<!tpu.dma_semaphore, #tpu.memory_space<semaphore_mem>>) src(%dma_wait3A_40 : memref<32768x256xf32, #tpu.memory_space<hbm>>) dst(%arg8 : memref<128x256xf32, #tpu.memory_space<vmem>>)
    %scan3A = arith.constant 0 : i32
    %scan3A_41 = arith.constant 0 : i32
    %scan3A_42 = arith.constant 128 : i32
    %scan3A_43 = arith.addi %scan3A_41, %scan3A_42 : i32
    %scan3A_44 = arith.constant 1 : i32
    scf.for %scan3A_46 = %scan3A_41 to %scan3A_43 step %scan3A_44  : i32 {
      %mul3A_47 = arith.constant 16 : i32
      %mul3A_48 = arith.muli %scan3A_46, %mul3A_47 : i32
      %get3A = arith.index_cast %mul3A_48 : i32 to index
      %get3A_49 = tpu.vector_load %arg7[%get3A] {strides = array<i32>} : memref<2048xf32, #tpu.memory_space<vmem>>, vector<16xf32>,
      %get3A_50 = vector.shape_cast %get3A_49 : vector<16xf32> to vector<16xf32>
      %get3A_51 = arith.index_cast %scan3A_46 : i32 to index
      %get3A_52 = arith.constant 0 : index
      %get3A_53 = tpu.vector_load %arg8[%get3A_51, %get3A_52] {strides = array<i32>} : memref<128x256xf32, #tpu.memory_space<vmem>>, vector<1x16xf32>,
      %get3A_54 = vector.shape_cast %get3A_53 : vector<1x16xf32> to vector<16xf32>
      %mul3A_55 = arith.mulf %get3A_54, %get3A_50 : vector<16xf32>
      %swap3A = arith.index_cast %scan3A_46 : i32 to index
      %swap3A_56 = arith.constant 0 : index
      %swap3A_57 = tpu.vector_load %arg8[%swap3A, %swap3A_56] {strides = array<i32>} : memref<128x256xf32, #tpu.memory_space<vmem>>, vector<1x16xf32>,
      %swap3A_58 = vector.shape_cast %swap3A_57 : vector<1x16xf32> to vector<16xf32>
      %swap3A_59 = vector.shape_cast %mul3A_55 : vector<16xf32> to vector<1x16xf32>
      tpu.vector_store %arg8[%swap3A, %swap3A_56], %swap3A_59 {strides = array<i32>} : memref<128x256xf32, #tpu.memory_space<vmem>>, vector<1x16xf32>,
      %get3A_60 = arith.index_cast %scan3A_46 : i32 to index
      %get3A_61 = arith.constant 16 : index
      %get3A_62 = tpu.vector_load %arg8[%get3A_60, %get3A_61] {strides = array<i32>} : memref<128x256xf32, #tpu.memory_space<vmem>>, vector<1x16xf32>,
      %get3A_63 = vector.shape_cast %get3A_62 : vector<1x16xf32> to vector<16xf32>
      %mul3A_64 = arith.mulf %get3A_63, %get3A_50 : vector<16xf32>
      %swap3A_65 = arith.index_cast %scan3A_46 : i32 to index
      %swap3A_66 = arith.constant 16 : index
      %swap3A_67 = tpu.vector_load %arg8[%swap3A_65, %swap3A_66] {strides = array<i32>} : memref<128x256xf32, #tpu.memory_space<vmem>>, vector<1x16xf32>,
      %swap3A_68 = vector.shape_cast %swap3A_67 : vector<1x16xf32> to vector<16xf32>
      %swap3A_69 = vector.shape_cast %mul3A_64 : vector<16xf32> to vector<1x16xf32>
      tpu.vector_store %arg8[%swap3A_65, %swap3A_66], %swap3A_69 {strides = array<i32>} : memref<128x256xf32, #tpu.memory_space<vmem>>, vector<1x16xf32>,
      %get3A_70 = arith.index_cast %scan3A_46 : i32 to index
      %get3A_71 = arith.constant 32 : index
      %get3A_72 = tpu.vector_load %arg8[%get3A_70, %get3A_71] {strides = array<i32>} : memref<128x256xf32, #tpu.memory_space<vmem>>, vector<1x16xf32>,
      %get3A_73 = vector.shape_cast %get3A_72 : vector<1x16xf32> to vector<16xf32>
      %mul3A_74 = arith.mulf %get3A_73, %get3A_50 : vector<16xf32>
      %swap3A_75 = arith.index_cast %scan3A_46 : i32 to index
      %swap3A_76 = arith.constant 32 : index
      %swap3A_77 = tpu.vector_load %arg8[%swap3A_75, %swap3A_76] {strides = array<i32>} : memref<128x256xf32, #tpu.memory_space<vmem>>, vector<1x16xf32>,
      %swap3A_78 = vector.shape_cast %swap3A_77 : vector<1x16xf32> to vector<16xf32>
      %swap3A_79 = vector.shape_cast %mul3A_74 : vector<16xf32> to vector<1x16xf32>
      tpu.vector_store %arg8[%swap3A_75, %swap3A_76], %swap3A_79 {strides = array<i32>} : memref<128x256xf32, #tpu.memory_space<vmem>>, vector<1x16xf32>,
      %get3A_80 = arith.index_cast %scan3A_46 : i32 to index
      %get3A_81 = arith.constant 48 : index
      %get3A_82 = tpu.vector_load %arg8[%get3A_80, %get3A_81] {strides = array<i32>} : memref<128x256xf32, #tpu.memory_space<vmem>>, vector<1x16xf32>,
      %get3A_83 = vector.shape_cast %get3A_82 : vector<1x16xf32> to vector<16xf32>
      %mul3A_84 = arith.mulf %get3A_83, %get3A_50 : vector<16xf32>
      %swap3A_85 = arith.index_cast %scan3A_46 : i32 to index
      %swap3A_86 = arith.constant 48 : index
      %swap3A_87 = tpu.vector_load %arg8[%swap3A_85, %swap3A_86] {strides = array<i32>} : memref<128x256xf32, #tpu.memory_space<vmem>>, vector<1x16xf32>,
      %swap3A_88 = vector.shape_cast %swap3A_87 : vector<1x16xf32> to vector<16xf32>
      %swap3A_89 = vector.shape_cast %mul3A_84 : vector<16xf32> to vector<1x16xf32>
      tpu.vector_store %arg8[%swap3A_85, %swap3A_86], %swap3A_89 {strides = array<i32>} : memref<128x256xf32, #tpu.memory_space<vmem>>, vector<1x16xf32>,
      %get3A_90 = arith.index_cast %scan3A_46 : i32 to index
      %get3A_91 = arith.constant 64 : index
      %get3A_92 = tpu.vector_load %arg8[%get3A_90, %get3A_91] {strides = array<i32>} : memref<128x256xf32, #tpu.memory_space<vmem>>, vector<1x16xf32>,
      %get3A_93 = vector.shape_cast %get3A_92 : vector<1x16xf32> to vector<16xf32>
      %mul3A_94 = arith.mulf %get3A_93, %get3A_50 : vector<16xf32>
      %swap3A_95 = arith.index_cast %scan3A_46 : i32 to index
      %swap3A_96 = arith.constant 64 : index
      %swap3A_97 = tpu.vector_load %arg8[%swap3A_95, %swap3A_96] {strides = array<i32>} : memref<128x256xf32, #tpu.memory_space<vmem>>, vector<1x16xf32>,
      %swap3A_98 = vector.shape_cast %swap3A_97 : vector<1x16xf32> to vector<16xf32>
      %swap3A_99 = vector.shape_cast %mul3A_94 : vector<16xf32> to vector<1x16xf32>
      tpu.vector_store %arg8[%swap3A_95, %swap3A_96], %swap3A_99 {strides = array<i32>} : memref<128x256xf32, #tpu.memory_space<vmem>>, vector<1x16xf32>,
      %get3A_100 = arith.index_cast %scan3A_46 : i32 to index
      %get3A_101 = arith.constant 80 : index
      %get3A_102 = tpu.vector_load %arg8[%get3A_100, %get3A_101] {strides = array<i32>} : memref<128x256xf32, #tpu.memory_space<vmem>>, vector<1x16xf32>,
      %get3A_103 = vector.shape_cast %get3A_102 : vector<1x16xf32> to vector<16xf32>
      %mul3A_104 = arith.mulf %get3A_103, %get3A_50 : vector<16xf32>
      %swap3A_105 = arith.index_cast %scan3A_46 : i32 to index
      %swap3A_106 = arith.constant 80 : index
      %swap3A_107 = tpu.vector_load %arg8[%swap3A_105, %swap3A_106] {strides = array<i32>} : memref<128x256xf32, #tpu.memory_space<vmem>>, vector<1x16xf32>,
      %swap3A_108 = vector.shape_cast %swap3A_107 : vector<1x16xf32> to vector<16xf32>
      %swap3A_109 = vector.shape_cast %mul3A_104 : vector<16xf32> to vector<1x16xf32>
      tpu.vector_store %arg8[%swap3A_105, %swap3A_106], %swap3A_109 {strides = array<i32>} : memref<128x256xf32, #tpu.memory_space<vmem>>, vector<1x16xf32>,
      %get3A_110 = arith.index_cast %scan3A_46 : i32 to index
      %get3A_111 = arith.constant 96 : index
      %get3A_112 = tpu.vector_load %arg8[%get3A_110, %get3A_111] {strides = array<i32>} : memref<128x256xf32, #tpu.memory_space<vmem>>, vector<1x16xf32>,
      %get3A_113 = vector.shape_cast %get3A_112 : vector<1x16xf32> to vector<16xf32>
      %mul3A_114 = arith.mulf %get3A_113, %get3A_50 : vector<16xf32>
      %swap3A_115 = arith.index_cast %scan3A_46 : i32 to index
      %swap3A_116 = arith.constant 96 : index
      %swap3A_117 = tpu.vector_load %arg8[%swap3A_115, %swap3A_116] {strides = array<i32>} : memref<128x256xf32, #tpu.memory_space<vmem>>, vector<1x16xf32>,
      %swap3A_118 = vector.shape_cast %swap3A_117 : vector<1x16xf32> to vector<16xf32>
      %swap3A_119 = vector.shape_cast %mul3A_114 : vector<16xf32> to vector<1x16xf32>
      tpu.vector_store %arg8[%swap3A_115, %swap3A_116], %swap3A_119 {strides = array<i32>} : memref<128x256xf32, #tpu.memory_space<vmem>>, vector<1x16xf32>,
      %get3A_120 = arith.index_cast %scan3A_46 : i32 to index
      %get3A_121 = arith.constant 112 : index
      %get3A_122 = tpu.vector_load %arg8[%get3A_120, %get3A_121] {strides = array<i32>} : memref<128x256xf32, #tpu.memory_space<vmem>>, vector<1x16xf32>,
      %get3A_123 = vector.shape_cast %get3A_122 : vector<1x16xf32> to vector<16xf32>
      %mul3A_124 = arith.mulf %get3A_123, %get3A_50 : vector<16xf32>
      %swap3A_125 = arith.index_cast %scan3A_46 : i32 to index
      %swap3A_126 = arith.constant 112 : index
      %swap3A_127 = tpu.vector_load %arg8[%swap3A_125, %swap3A_126] {strides = array<i32>} : memref<128x256xf32, #tpu.memory_space<vmem>>, vector<1x16xf32>,
      %swap3A_128 = vector.shape_cast %swap3A_127 : vector<1x16xf32> to vector<16xf32>
      %swap3A_129 = vector.shape_cast %mul3A_124 : vector<16xf32> to vector<1x16xf32>
      tpu.vector_store %arg8[%swap3A_125, %swap3A_126], %swap3A_129 {strides = array<i32>} : memref<128x256xf32, #tpu.memory_space<vmem>>, vector<1x16xf32>,
      %get3A_130 = arith.index_cast %scan3A_46 : i32 to index
      %get3A_131 = arith.constant 128 : index
      %get3A_132 = tpu.vector_load %arg8[%get3A_130, %get3A_131] {strides = array<i32>} : memref<128x256xf32, #tpu.memory_space<vmem>>, vector<1x16xf32>,
      %get3A_133 = vector.shape_cast %get3A_132 : vector<1x16xf32> to vector<16xf32>
      %mul3A_134 = arith.mulf %get3A_133, %get3A_50 : vector<16xf32>
      %swap3A_135 = arith.index_cast %scan3A_46 : i32 to index
      %swap3A_136 = arith.constant 128 : index
      %swap3A_137 = tpu.vector_load %arg8[%swap3A_135, %swap3A_136] {strides = array<i32>} : memref<128x256xf32, #tpu.memory_space<vmem>>, vector<1x16xf32>,
      %swap3A_138 = vector.shape_cast %swap3A_137 : vector<1x16xf32> to vector<16xf32>
      %swap3A_139 = vector.shape_cast %mul3A_134 : vector<16xf32> to vector<1x16xf32>
      tpu.vector_store %arg8[%swap3A_135, %swap3A_136], %swap3A_139 {strides = array<i32>} : memref<128x256xf32, #tpu.memory_space<vmem>>, vector<1x16xf32>,
      %get3A_140 = arith.index_cast %scan3A_46 : i32 to index
      %get3A_141 = arith.constant 144 : index
      %get3A_142 = tpu.vector_load %arg8[%get3A_140, %get3A_141] {strides = array<i32>} : memref<128x256xf32, #tpu.memory_space<vmem>>, vector<1x16xf32>,
      %get3A_143 = vector.shape_cast %get3A_142 : vector<1x16xf32> to vector<16xf32>
      %mul3A_144 = arith.mulf %get3A_143, %get3A_50 : vector<16xf32>
      %swap3A_145 = arith.index_cast %scan3A_46 : i32 to index
      %swap3A_146 = arith.constant 144 : index
      %swap3A_147 = tpu.vector_load %arg8[%swap3A_145, %swap3A_146] {strides = array<i32>} : memref<128x256xf32, #tpu.memory_space<vmem>>, vector<1x16xf32>,
      %swap3A_148 = vector.shape_cast %swap3A_147 : vector<1x16xf32> to vector<16xf32>
      %swap3A_149 = vector.shape_cast %mul3A_144 : vector<16xf32> to vector<1x16xf32>
      tpu.vector_store %arg8[%swap3A_145, %swap3A_146], %swap3A_149 {strides = array<i32>} : memref<128x256xf32, #tpu.memory_space<vmem>>, vector<1x16xf32>,
      %get3A_150 = arith.index_cast %scan3A_46 : i32 to index
      %get3A_151 = arith.constant 160 : index
      %get3A_152 = tpu.vector_load %arg8[%get3A_150, %get3A_151] {strides = array<i32>} : memref<128x256xf32, #tpu.memory_space<vmem>>, vector<1x16xf32>,
      %get3A_153 = vector.shape_cast %get3A_152 : vector<1x16xf32> to vector<16xf32>
      %mul3A_154 = arith.mulf %get3A_153, %get3A_50 : vector<16xf32>
      %swap3A_155 = arith.index_cast %scan3A_46 : i32 to index
      %swap3A_156 = arith.constant 160 : index
      %swap3A_157 = tpu.vector_load %arg8[%swap3A_155, %swap3A_156] {strides = array<i32>} : memref<128x256xf32, #tpu.memory_space<vmem>>, vector<1x16xf32>,
      %swap3A_158 = vector.shape_cast %swap3A_157 : vector<1x16xf32> to vector<16xf32>
      %swap3A_159 = vector.shape_cast %mul3A_154 : vector<16xf32> to vector<1x16xf32>
      tpu.vector_store %arg8[%swap3A_155, %swap3A_156], %swap3A_159 {strides = array<i32>} : memref<128x256xf32, #tpu.memory_space<vmem>>, vector<1x16xf32>,
      %get3A_160 = arith.index_cast %scan3A_46 : i32 to index
      %get3A_161 = arith.constant 176 : index
      %get3A_162 = tpu.vector_load %arg8[%get3A_160, %get3A_161] {strides = array<i32>} : memref<128x256xf32, #tpu.memory_space<vmem>>, vector<1x16xf32>,
      %get3A_163 = vector.shape_cast %get3A_162 : vector<1x16xf32> to vector<16xf32>
      %mul3A_164 = arith.mulf %get3A_163, %get3A_50 : vector<16xf32>
      %swap3A_165 = arith.index_cast %scan3A_46 : i32 to index
      %swap3A_166 = arith.constant 176 : index
      %swap3A_167 = tpu.vector_load %arg8[%swap3A_165, %swap3A_166] {strides = array<i32>} : memref<128x256xf32, #tpu.memory_space<vmem>>, vector<1x16xf32>,
      %swap3A_168 = vector.shape_cast %swap3A_167 : vector<1x16xf32> to vector<16xf32>
      %swap3A_169 = vector.shape_cast %mul3A_164 : vector<16xf32> to vector<1x16xf32>
      tpu.vector_store %arg8[%swap3A_165, %swap3A_166], %swap3A_169 {strides = array<i32>} : memref<128x256xf32, #tpu.memory_space<vmem>>, vector<1x16xf32>,
      %get3A_170 = arith.index_cast %scan3A_46 : i32 to index
      %get3A_171 = arith.constant 192 : index
      %get3A_172 = tpu.vector_load %arg8[%get3A_170, %get3A_171] {strides = array<i32>} : memref<128x256xf32, #tpu.memory_space<vmem>>, vector<1x16xf32>,
      %get3A_173 = vector.shape_cast %get3A_172 : vector<1x16xf32> to vector<16xf32>
      %mul3A_174 = arith.mulf %get3A_173, %get3A_50 : vector<16xf32>
      %swap3A_175 = arith.index_cast %scan3A_46 : i32 to index
      %swap3A_176 = arith.constant 192 : index
      %swap3A_177 = tpu.vector_load %arg8[%swap3A_175, %swap3A_176] {strides = array<i32>} : memref<128x256xf32, #tpu.memory_space<vmem>>, vector<1x16xf32>,
      %swap3A_178 = vector.shape_cast %swap3A_177 : vector<1x16xf32> to vector<16xf32>
      %swap3A_179 = vector.shape_cast %mul3A_174 : vector<16xf32> to vector<1x16xf32>
      tpu.vector_store %arg8[%swap3A_175, %swap3A_176], %swap3A_179 {strides = array<i32>} : memref<128x256xf32, #tpu.memory_space<vmem>>, vector<1x16xf32>,
      %get3A_180 = arith.index_cast %scan3A_46 : i32 to index
      %get3A_181 = arith.constant 208 : index
      %get3A_182 = tpu.vector_load %arg8[%get3A_180, %get3A_181] {strides = array<i32>} : memref<128x256xf32, #tpu.memory_space<vmem>>, vector<1x16xf32>,
      %get3A_183 = vector.shape_cast %get3A_182 : vector<1x16xf32> to vector<16xf32>
      %mul3A_184 = arith.mulf %get3A_183, %get3A_50 : vector<16xf32>
      %swap3A_185 = arith.index_cast %scan3A_46 : i32 to index
      %swap3A_186 = arith.constant 208 : index
      %swap3A_187 = tpu.vector_load %arg8[%swap3A_185, %swap3A_186] {strides = array<i32>} : memref<128x256xf32, #tpu.memory_space<vmem>>, vector<1x16xf32>,
      %swap3A_188 = vector.shape_cast %swap3A_187 : vector<1x16xf32> to vector<16xf32>
      %swap3A_189 = vector.shape_cast %mul3A_184 : vector<16xf32> to vector<1x16xf32>
      tpu.vector_store %arg8[%swap3A_185, %swap3A_186], %swap3A_189 {strides = array<i32>} : memref<128x256xf32, #tpu.memory_space<vmem>>, vector<1x16xf32>,
      %get3A_190 = arith.index_cast %scan3A_46 : i32 to index
      %get3A_191 = arith.constant 224 : index
      %get3A_192 = tpu.vector_load %arg8[%get3A_190, %get3A_191] {strides = array<i32>} : memref<128x256xf32, #tpu.memory_space<vmem>>, vector<1x16xf32>,
      %get3A_193 = vector.shape_cast %get3A_192 : vector<1x16xf32> to vector<16xf32>
      %mul3A_194 = arith.mulf %get3A_193, %get3A_50 : vector<16xf32>
      %swap3A_195 = arith.index_cast %scan3A_46 : i32 to index
      %swap3A_196 = arith.constant 224 : index
      %swap3A_197 = tpu.vector_load %arg8[%swap3A_195, %swap3A_196] {strides = array<i32>} : memref<128x256xf32, #tpu.memory_space<vmem>>, vector<1x16xf32>,
      %swap3A_198 = vector.shape_cast %swap3A_197 : vector<1x16xf32> to vector<16xf32>
      %swap3A_199 = vector.shape_cast %mul3A_194 : vector<16xf32> to vector<1x16xf32>
      tpu.vector_store %arg8[%swap3A_195, %swap3A_196], %swap3A_199 {strides = array<i32>} : memref<128x256xf32, #tpu.memory_space<vmem>>, vector<1x16xf32>,
      %get3A_200 = arith.index_cast %scan3A_46 : i32 to index
      %get3A_201 = arith.constant 240 : index
      %get3A_202 = tpu.vector_load %arg8[%get3A_200, %get3A_201] {strides = array<i32>} : memref<128x256xf32, #tpu.memory_space<vmem>>, vector<1x16xf32>,
      %get3A_203 = vector.shape_cast %get3A_202 : vector<1x16xf32> to vector<16xf32>
      %mul3A_204 = arith.mulf %get3A_203, %get3A_50 : vector<16xf32>
      %swap3A_205 = arith.index_cast %scan3A_46 : i32 to index
      %swap3A_206 = arith.constant 240 : index
      %swap3A_207 = tpu.vector_load %arg8[%swap3A_205, %swap3A_206] {strides = array<i32>} : memref<128x256xf32, #tpu.memory_space<vmem>>, vector<1x16xf32>,
      %swap3A_208 = vector.shape_cast %swap3A_207 : vector<1x16xf32> to vector<16xf32>
      %swap3A_209 = vector.shape_cast %mul3A_204 : vector<16xf32> to vector<1x16xf32>
      tpu.vector_store %arg8[%swap3A_205, %swap3A_206], %swap3A_209 {strides = array<i32>} : memref<128x256xf32, #tpu.memory_space<vmem>>, vector<1x16xf32>,
    }
    %scan3A_45 = arith.constant 128 : i32
    "tpu.region"() ({
      %run_scoped3A = tpu.sem_alloc : memref<!tpu.dma_semaphore, #tpu.memory_space<semaphore_mem>>
      %dma_start3A_46 = arith.constant 0 : i32
      %dma_start3A_47 = tpu.memref_slice %arg5[%mul3A_34, %dma_start3A_46] : memref<4096x256xf32, #tpu.memory_space<hbm>> -> memref<128x256xf32, #tpu.memory_space<hbm>>
      %dma_start3A_48 = arith.constant 0 : i32
      %dma_start3A_49 = tpu.memref_slice %arg5[%mul3A_34, %dma_start3A_48] : memref<4096x256xf32, #tpu.memory_space<hbm>> -> memref<128x256xf32, #tpu.memory_space<hbm>>
      tpu.enqueue_dma source(%arg8 : memref<128x256xf32, #tpu.memory_space<vmem>>) target(%dma_start3A_49 : memref<128x256xf32, #tpu.memory_space<hbm>>) target_semaphore(%run_scoped3A : memref<!tpu.dma_semaphore, #tpu.memory_space<semaphore_mem>>)
      %dma_wait3A_50 = arith.constant 0 : i32
      %dma_wait3A_51 = tpu.memref_slice %arg5[%mul3A_34, %dma_wait3A_50] : memref<4096x256xf32, #tpu.memory_space<hbm>> -> memref<128x256xf32, #tpu.memory_space<hbm>>
      %dma_wait3A_52 = arith.constant 0 : i32
      %dma_wait3A_53 = tpu.memref_slice %arg5[%mul3A_34, %dma_wait3A_52] : memref<4096x256xf32, #tpu.memory_space<hbm>> -> memref<128x256xf32, #tpu.memory_space<hbm>>
      tpu.wait_dma2 semaphore(%run_scoped3A : memref<!tpu.dma_semaphore, #tpu.memory_space<semaphore_mem>>) src(%arg8 : memref<128x256xf32, #tpu.memory_space<vmem>>) dst(%dma_wait3A_53 : memref<128x256xf32, #tpu.memory_space<hbm>>)
      tpu.yield
    }) : () -> ()
    return
  }
}

module attributes {stable_mosaic.version = 14 : i64} {
  func.func @_ab_body(%arg0: i32, %arg1: i32, %arg2: memref<1x4096x256xf32, #tpu.memory_space<vmem>>, %arg3: memref<256x128xf32, #tpu.memory_space<vmem>>, %arg4: memref<1xf32, #tpu.memory_space<vmem>>, %arg5: memref<8x512xf32, #tpu.memory_space<vmem>>, %arg6: memref<8x512xi32, #tpu.memory_space<vmem>>, %arg7: memref<8x512xi32, #tpu.memory_space<vmem>>, %arg8: memref<8x4096xf32, #tpu.memory_space<vmem>>) attributes {dimension_semantics = [#tpu.dimension_semantics<arbitrary>, #tpu.dimension_semantics<arbitrary>], iteration_bounds = array<i64: 8, 1>, scalar_prefetch = 0 : i64, scratch_operands = 1 : i64, tpu.core_type = #tpu.core_type<tc>, window_params = [{transform_indices = @transform_0, window_bounds = array<i64: 1, 4096, 256>}, {pipeline_mode = #tpu.pipeline_mode<synchronous>, transform_indices = @transform_1, window_bounds = array<i64: 256, 128>}, {pipeline_mode = #tpu.pipeline_mode<synchronous>, transform_indices = @transform_2, window_bounds = array<i64: 1>}, {pipeline_mode = #tpu.pipeline_mode<synchronous>, transform_indices = @transform_3, window_bounds = array<i64: 8, 512>}, {pipeline_mode = #tpu.pipeline_mode<synchronous>, transform_indices = @transform_4, window_bounds = array<i64: 8, 512>}, {pipeline_mode = #tpu.pipeline_mode<synchronous>, transform_indices = @transform_5, window_bounds = array<i64: 8, 512>}]} {
    %get3A = arith.constant 0 : index
    %get3A_0 = arith.constant 0 : index
    %get3A_1 = arith.constant 0 : index
    %get3A_2 = vector.load %arg2[%get3A, %get3A_0, %get3A_1] : memref<1x4096x256xf32, #tpu.memory_space<vmem>>, vector<1x4096x256xf32>
    %get3A_3 = vector.shape_cast %get3A_2 : vector<1x4096x256xf32> to vector<4096x256xf32>
    %get3A_4 = arith.constant 0 : index
    %get3A_5 = arith.constant 0 : index
    %get3A_6 = vector.load %arg3[%get3A_4, %get3A_5] : memref<256x128xf32, #tpu.memory_space<vmem>>, vector<256x128xf32>
    %dot_general3A = arith.constant dense<0.000000e+00> : vector<4096x128xf32>
    %dot_general3A_7 = tpu.matmul %get3A_3, %get3A_6, %dot_general3A {dimension_numbers = #tpu.dot_dimension_numbers<[1], [0], [0], [1], [0, 0, 1, 1], [], []>, transpose_lhs_hint = false} : vector<4096x256xf32>, vector<256x128xf32>, vector<4096x128xf32> -> vector<4096x128xf32>
    %slice3A = vector.extract_strided_slice %dot_general3A_7 {offsets = [0, 0], sizes = [4096, 1], strides = [1, 1]} : vector<4096x128xf32> to vector<4096x1xf32>
    %get3A_8 = arith.constant 0 : index
    %get3A_9 = vector.load %arg4[%get3A_8] : memref<1xf32, #tpu.memory_space<vmem>>, vector<1xf32>
    %get3A_10 = vector.extract %get3A_9[0] : f32 from vector<1xf32>
    %add3A = vector.broadcast %get3A_10 : f32 to vector<4096x1xf32>
    %add3A_11 = arith.addf %slice3A, %add3A : vector<4096x1xf32>
    %neg3A = arith.constant 0.000000e+00 : f32
    %neg3A_12 = vector.broadcast %neg3A : f32 to vector<4096x1xf32>
    %neg3A_13 = arith.subf %neg3A_12, %add3A_11 : vector<4096x1xf32>
    %exp3A = math.exp %neg3A_13 : vector<4096x1xf32>
    %add3A_14 = arith.constant 1.000000e+00 : f32
    %add3A_15 = vector.broadcast %add3A_14 : f32 to vector<4096x1xf32>
    %add3A_16 = arith.addf %add3A_15, %exp3A : vector<4096x1xf32>
    %div3A = arith.constant 1.000000e+00 : f32
    %div3A_17 = vector.broadcast %div3A : f32 to vector<4096x1xf32>
    %div3A_18 = arith.divf %div3A_17, %add3A_16 : vector<4096x1xf32>
    %mul3A = arith.constant 4096 : i32
    %mul3A_19 = arith.muli %arg1, %mul3A : i32
    %multiple_of3A = tpu.assume_multiple %mul3A_19, 4096 : i32
    %reshape3A = vector.shape_cast %div3A_18 : vector<4096x1xf32> to vector<1x4096xf32>
    %swap3A = arith.index_cast %arg0 : i32 to index
    %swap3A_20 = arith.index_cast %multiple_of3A : i32 to index
    %swap3A_21 = vector.load %arg8[%swap3A, %swap3A_20] : memref<8x4096xf32, #tpu.memory_space<vmem>>, vector<1x4096xf32>
    tpu.vector_store %arg8[%swap3A, %swap3A_20], %reshape3A {strides = array<i32>} : memref<8x4096xf32, #tpu.memory_space<vmem>>, vector<1x4096xf32>,
    %eq3A = arith.constant 7 : i32
    %eq3A_22 = arith.cmpi eq, %arg0, %eq3A : i32
    %eq3A_23 = arith.constant 0 : i32
    %eq3A_24 = arith.cmpi eq, %arg1, %eq3A_23 : i32
    %and3A = arith.andi %eq3A_22, %eq3A_24 : i1
    %convert_element_type3A = arith.extui %and3A : i1 to i32
    %cond3A = arith.constant 0 : i32
    %cond3A_25 = arith.cmpi ne, %convert_element_type3A, %cond3A : i32
    scf.if %cond3A_25 {
      %get3A_26 = arith.constant 0 : index
      %get3A_27 = arith.constant 0 : index
      %get3A_28 = vector.load %arg8[%get3A_26, %get3A_27] : memref<8x4096xf32, #tpu.memory_space<vmem>>, vector<8x4096xf32>
      %bitcast_convert_type3A = tpu.bitcast %get3A_28 : vector<8x4096xf32> -> vector<8x4096xi32>
      %iota3A = tpu.iota {dimensions = array<i32: 1>} : vector<8x4096xi32>
      %iota3A_29 = tpu.iota {dimensions = array<i32: 1>} : vector<8x4096xi32>
      %and3A_30 = arith.constant 1 : i32
      %and3A_31 = vector.broadcast %and3A_30 : i32 to vector<8x4096xi32>
      %and3A_32 = arith.andi %iota3A_29, %and3A_31 : vector<8x4096xi32>
      %eq3A_33 = arith.constant 0 : i32
      %eq3A_34 = vector.broadcast %eq3A_33 : i32 to vector<8x4096xi32>
      %eq3A_35 = arith.cmpi eq, %and3A_32, %eq3A_34 : vector<8x4096xi32>
      %and3A_36 = arith.constant 2 : i32
      %and3A_37 = vector.broadcast %and3A_36 : i32 to vector<8x4096xi32>
      %and3A_38 = arith.andi %iota3A_29, %and3A_37 : vector<8x4096xi32>
      %eq3A_39 = arith.constant 0 : i32
      %eq3A_40 = vector.broadcast %eq3A_39 : i32 to vector<8x4096xi32>
      %eq3A_41 = arith.cmpi eq, %and3A_38, %eq3A_40 : vector<8x4096xi32>
      %and3A_42 = arith.andi %eq3A_35, %eq3A_41 : vector<8x4096xi1>
      %not3A = arith.constant dense<true> : vector<8x4096xi1>
      %not3A_43 = arith.xori %eq3A_35, %not3A : vector<8x4096xi1>
      %not3A_44 = arith.constant dense<true> : vector<8x4096xi1>
      %not3A_45 = arith.xori %eq3A_41, %not3A_44 : vector<8x4096xi1>
      %and3A_46 = arith.andi %not3A_43, %not3A_45 : vector<8x4096xi1>
      %or3A = arith.ori %and3A_42, %and3A_46 : vector<8x4096xi1>
      %iota3A_47 = tpu.iota {dimensions = array<i32: 1>} : vector<8x4096xi32>
      %and3A_48 = arith.constant 1 : i32
      %and3A_49 = vector.broadcast %and3A_48 : i32 to vector<8x4096xi32>
      %and3A_50 = arith.andi %iota3A_47, %and3A_49 : vector<8x4096xi32>
      %eq3A_51 = arith.constant 0 : i32
      %eq3A_52 = vector.broadcast %eq3A_51 : i32 to vector<8x4096xi32>
      %eq3A_53 = arith.cmpi eq, %and3A_50, %eq3A_52 : vector<8x4096xi32>
      %slice3A_54 = vector.extract_strided_slice %bitcast_convert_type3A {offsets = [0, 1], sizes = [8, 4095], strides = [1, 1]} : vector<8x4096xi32> to vector<8x4095xi32>
      %slice3A_55 = vector.extract_strided_slice %bitcast_convert_type3A {offsets = [0, 0], sizes = [8, 1], strides = [1, 1]} : vector<8x4096xi32> to vector<8x1xi32>
      %concatenate3A = tpu.concatenate %slice3A_54, %slice3A_55 in 1 : vector<8x4095xi32>, vector<8x1xi32> -> vector<8x4096xi32>
      %slice3A_56 = vector.extract_strided_slice %bitcast_convert_type3A {offsets = [0, 4095], sizes = [8, 1], strides = [1, 1]} : vector<8x4096xi32> to vector<8x1xi32>
      %slice3A_57 = vector.extract_strided_slice %bitcast_convert_type3A {offsets = [0, 0], sizes = [8, 4095], strides = [1, 1]} : vector<8x4096xi32> to vector<8x4095xi32>
      %concatenate3A_58 = tpu.concatenate %slice3A_56, %slice3A_57 in 1 : vector<8x1xi32>, vector<8x4095xi32> -> vector<8x4096xi32>
      %select_n3A = arith.select %eq3A_53, %concatenate3A, %concatenate3A_58 : vector<8x4096xi1>, vector<8x4096xi32>
      %slice3A_59 = vector.extract_strided_slice %iota3A {offsets = [0, 1], sizes = [8, 4095], strides = [1, 1]} : vector<8x4096xi32> to vector<8x4095xi32>
      %slice3A_60 = vector.extract_strided_slice %iota3A {offsets = [0, 0], sizes = [8, 1], strides = [1, 1]} : vector<8x4096xi32> to vector<8x1xi32>
      %concatenate3A_61 = tpu.concatenate %slice3A_59, %slice3A_60 in 1 : vector<8x4095xi32>, vector<8x1xi32> -> vector<8x4096xi32>
      %slice3A_62 = vector.extract_strided_slice %iota3A {offsets = [0, 4095], sizes = [8, 1], strides = [1, 1]} : vector<8x4096xi32> to vector<8x1xi32>
      %slice3A_63 = vector.extract_strided_slice %iota3A {offsets = [0, 0], sizes = [8, 4095], strides = [1, 1]} : vector<8x4096xi32> to vector<8x4095xi32>
      %concatenate3A_64 = tpu.concatenate %slice3A_62, %slice3A_63 in 1 : vector<8x1xi32>, vector<8x4095xi32> -> vector<8x4096xi32>
      %select_n3A_65 = arith.select %eq3A_53, %concatenate3A_61, %concatenate3A_64 : vector<8x4096xi1>, vector<8x4096xi32>
      %gt3A = arith.cmpi sgt, %bitcast_convert_type3A, %select_n3A : vector<8x4096xi32>
      %eq3A_66 = arith.cmpi eq, %bitcast_convert_type3A, %select_n3A : vector<8x4096xi32>
      %lt3A = arith.cmpi slt, %iota3A, %select_n3A_65 : vector<8x4096xi32>
      %and3A_67 = arith.andi %eq3A_66, %lt3A : vector<8x4096xi1>
      %or3A_68 = arith.ori %gt3A, %and3A_67 : vector<8x4096xi1>
      %and3A_69 = arith.andi %or3A, %or3A_68 : vector<8x4096xi1>
      %not3A_70 = arith.constant dense<true> : vector<8x4096xi1>
      %not3A_71 = arith.xori %or3A, %not3A_70 : vector<8x4096xi1>
      %not3A_72 = arith.constant dense<true> : vector<8x4096xi1>
      %not3A_73 = arith.xori %or3A_68, %not3A_72 : vector<8x4096xi1>
      %and3A_74 = arith.andi %not3A_71, %not3A_73 : vector<8x4096xi1>
      %or3A_75 = arith.ori %and3A_69, %and3A_74 : vector<8x4096xi1>
      %select_n3A_76 = arith.select %or3A_75, %bitcast_convert_type3A, %select_n3A : vector<8x4096xi1>, vector<8x4096xi32>
      %select_n3A_77 = arith.select %or3A_75, %iota3A, %select_n3A_65 : vector<8x4096xi1>, vector<8x4096xi32>
      %iota3A_78 = tpu.iota {dimensions = array<i32: 1>} : vector<8x4096xi32>
      %and3A_79 = arith.constant 2 : i32
      %and3A_80 = vector.broadcast %and3A_79 : i32 to vector<8x4096xi32>
      %and3A_81 = arith.andi %iota3A_78, %and3A_80 : vector<8x4096xi32>
      %eq3A_82 = arith.constant 0 : i32
      %eq3A_83 = vector.broadcast %eq3A_82 : i32 to vector<8x4096xi32>
      %eq3A_84 = arith.cmpi eq, %and3A_81, %eq3A_83 : vector<8x4096xi32>
      %and3A_85 = arith.constant 4 : i32
      %and3A_86 = vector.broadcast %and3A_85 : i32 to vector<8x4096xi32>
      %and3A_87 = arith.andi %iota3A_78, %and3A_86 : vector<8x4096xi32>
      %eq3A_88 = arith.constant 0 : i32
      %eq3A_89 = vector.broadcast %eq3A_88 : i32 to vector<8x4096xi32>
      %eq3A_90 = arith.cmpi eq, %and3A_87, %eq3A_89 : vector<8x4096xi32>
      %and3A_91 = arith.andi %eq3A_84, %eq3A_90 : vector<8x4096xi1>
      %not3A_92 = arith.constant dense<true> : vector<8x4096xi1>
      %not3A_93 = arith.xori %eq3A_84, %not3A_92 : vector<8x4096xi1>
      %not3A_94 = arith.constant dense<true> : vector<8x4096xi1>
      %not3A_95 = arith.xori %eq3A_90, %not3A_94 : vector<8x4096xi1>
      %and3A_96 = arith.andi %not3A_93, %not3A_95 : vector<8x4096xi1>
      %or3A_97 = arith.ori %and3A_91, %and3A_96 : vector<8x4096xi1>
      %iota3A_98 = tpu.iota {dimensions = array<i32: 1>} : vector<8x4096xi32>
      %and3A_99 = arith.constant 2 : i32
      %and3A_100 = vector.broadcast %and3A_99 : i32 to vector<8x4096xi32>
      %and3A_101 = arith.andi %iota3A_98, %and3A_100 : vector<8x4096xi32>
      %eq3A_102 = arith.constant 0 : i32
      %eq3A_103 = vector.broadcast %eq3A_102 : i32 to vector<8x4096xi32>
      %eq3A_104 = arith.cmpi eq, %and3A_101, %eq3A_103 : vector<8x4096xi32>
      %slice3A_105 = vector.extract_strided_slice %select_n3A_76 {offsets = [0, 2], sizes = [8, 4094], strides = [1, 1]} : vector<8x4096xi32> to vector<8x4094xi32>
      %slice3A_106 = vector.extract_strided_slice %select_n3A_76 {offsets = [0, 0], sizes = [8, 2], strides = [1, 1]} : vector<8x4096xi32> to vector<8x2xi32>
      %concatenate3A_107 = tpu.concatenate %slice3A_105, %slice3A_106 in 1 : vector<8x4094xi32>, vector<8x2xi32> -> vector<8x4096xi32>
      %slice3A_108 = vector.extract_strided_slice %select_n3A_76 {offsets = [0, 4094], sizes = [8, 2], strides = [1, 1]} : vector<8x4096xi32> to vector<8x2xi32>
      %slice3A_109 = vector.extract_strided_slice %select_n3A_76 {offsets = [0, 0], sizes = [8, 4094], strides = [1, 1]} : vector<8x4096xi32> to vector<8x4094xi32>
      %concatenate3A_110 = tpu.concatenate %slice3A_108, %slice3A_109 in 1 : vector<8x2xi32>, vector<8x4094xi32> -> vector<8x4096xi32>
      %select_n3A_111 = arith.select %eq3A_104, %concatenate3A_107, %concatenate3A_110 : vector<8x4096xi1>, vector<8x4096xi32>
      %slice3A_112 = vector.extract_strided_slice %select_n3A_77 {offsets = [0, 2], sizes = [8, 4094], strides = [1, 1]} : vector<8x4096xi32> to vector<8x4094xi32>
      %slice3A_113 = vector.extract_strided_slice %select_n3A_77 {offsets = [0, 0], sizes = [8, 2], strides = [1, 1]} : vector<8x4096xi32> to vector<8x2xi32>
      %concatenate3A_114 = tpu.concatenate %slice3A_112, %slice3A_113 in 1 : vector<8x4094xi32>, vector<8x2xi32> -> vector<8x4096xi32>
      %slice3A_115 = vector.extract_strided_slice %select_n3A_77 {offsets = [0, 4094], sizes = [8, 2], strides = [1, 1]} : vector<8x4096xi32> to vector<8x2xi32>
      %slice3A_116 = vector.extract_strided_slice %select_n3A_77 {offsets = [0, 0], sizes = [8, 4094], strides = [1, 1]} : vector<8x4096xi32> to vector<8x4094xi32>
      %concatenate3A_117 = tpu.concatenate %slice3A_115, %slice3A_116 in 1 : vector<8x2xi32>, vector<8x4094xi32> -> vector<8x4096xi32>
      %select_n3A_118 = arith.select %eq3A_104, %concatenate3A_114, %concatenate3A_117 : vector<8x4096xi1>, vector<8x4096xi32>
      %gt3A_119 = arith.cmpi sgt, %select_n3A_76, %select_n3A_111 : vector<8x4096xi32>
      %eq3A_120 = arith.cmpi eq, %select_n3A_76, %select_n3A_111 : vector<8x4096xi32>
      %lt3A_121 = arith.cmpi slt, %select_n3A_77, %select_n3A_118 : vector<8x4096xi32>
      %and3A_122 = arith.andi %eq3A_120, %lt3A_121 : vector<8x4096xi1>
      %or3A_123 = arith.ori %gt3A_119, %and3A_122 : vector<8x4096xi1>
      %and3A_124 = arith.andi %or3A_97, %or3A_123 : vector<8x4096xi1>
      %not3A_125 = arith.constant dense<true> : vector<8x4096xi1>
      %not3A_126 = arith.xori %or3A_97, %not3A_125 : vector<8x4096xi1>
      %not3A_127 = arith.constant dense<true> : vector<8x4096xi1>
      %not3A_128 = arith.xori %or3A_123, %not3A_127 : vector<8x4096xi1>
      %and3A_129 = arith.andi %not3A_126, %not3A_128 : vector<8x4096xi1>
      %or3A_130 = arith.ori %and3A_124, %and3A_129 : vector<8x4096xi1>
      %select_n3A_131 = arith.select %or3A_130, %select_n3A_76, %select_n3A_111 : vector<8x4096xi1>, vector<8x4096xi32>
      %select_n3A_132 = arith.select %or3A_130, %select_n3A_77, %select_n3A_118 : vector<8x4096xi1>, vector<8x4096xi32>
      %iota3A_133 = tpu.iota {dimensions = array<i32: 1>} : vector<8x4096xi32>
      %and3A_134 = arith.constant 1 : i32
      %and3A_135 = vector.broadcast %and3A_134 : i32 to vector<8x4096xi32>
      %and3A_136 = arith.andi %iota3A_133, %and3A_135 : vector<8x4096xi32>
      %eq3A_137 = arith.constant 0 : i32
      %eq3A_138 = vector.broadcast %eq3A_137 : i32 to vector<8x4096xi32>
      %eq3A_139 = arith.cmpi eq, %and3A_136, %eq3A_138 : vector<8x4096xi32>
      %and3A_140 = arith.constant 4 : i32
      %and3A_141 = vector.broadcast %and3A_140 : i32 to vector<8x4096xi32>
      %and3A_142 = arith.andi %iota3A_133, %and3A_141 : vector<8x4096xi32>
      %eq3A_143 = arith.constant 0 : i32
      %eq3A_144 = vector.broadcast %eq3A_143 : i32 to vector<8x4096xi32>
      %eq3A_145 = arith.cmpi eq, %and3A_142, %eq3A_144 : vector<8x4096xi32>
      %and3A_146 = arith.andi %eq3A_139, %eq3A_145 : vector<8x4096xi1>
      %not3A_147 = arith.constant dense<true> : vector<8x4096xi1>
      %not3A_148 = arith.xori %eq3A_139, %not3A_147 : vector<8x4096xi1>
      %not3A_149 = arith.constant dense<true> : vector<8x4096xi1>
      %not3A_150 = arith.xori %eq3A_145, %not3A_149 : vector<8x4096xi1>
      %and3A_151 = arith.andi %not3A_148, %not3A_150 : vector<8x4096xi1>
      %or3A_152 = arith.ori %and3A_146, %and3A_151 : vector<8x4096xi1>
      %iota3A_153 = tpu.iota {dimensions = array<i32: 1>} : vector<8x4096xi32>
      %and3A_154 = arith.constant 1 : i32
      %and3A_155 = vector.broadcast %and3A_154 : i32 to vector<8x4096xi32>
      %and3A_156 = arith.andi %iota3A_153, %and3A_155 : vector<8x4096xi32>
      %eq3A_157 = arith.constant 0 : i32
      %eq3A_158 = vector.broadcast %eq3A_157 : i32 to vector<8x4096xi32>
      %eq3A_159 = arith.cmpi eq, %and3A_156, %eq3A_158 : vector<8x4096xi32>
      %slice3A_160 = vector.extract_strided_slice %select_n3A_131 {offsets = [0, 1], sizes = [8, 4095], strides = [1, 1]} : vector<8x4096xi32> to vector<8x4095xi32>
      %slice3A_161 = vector.extract_strided_slice %select_n3A_131 {offsets = [0, 0], sizes = [8, 1], strides = [1, 1]} : vector<8x4096xi32> to vector<8x1xi32>
      %concatenate3A_162 = tpu.concatenate %slice3A_160, %slice3A_161 in 1 : vector<8x4095xi32>, vector<8x1xi32> -> vector<8x4096xi32>
      %slice3A_163 = vector.extract_strided_slice %select_n3A_131 {offsets = [0, 4095], sizes = [8, 1], strides = [1, 1]} : vector<8x4096xi32> to vector<8x1xi32>
      %slice3A_164 = vector.extract_strided_slice %select_n3A_131 {offsets = [0, 0], sizes = [8, 4095], strides = [1, 1]} : vector<8x4096xi32> to vector<8x4095xi32>
      %concatenate3A_165 = tpu.concatenate %slice3A_163, %slice3A_164 in 1 : vector<8x1xi32>, vector<8x4095xi32> -> vector<8x4096xi32>
      %select_n3A_166 = arith.select %eq3A_159, %concatenate3A_162, %concatenate3A_165 : vector<8x4096xi1>, vector<8x4096xi32>
      %slice3A_167 = vector.extract_strided_slice %select_n3A_132 {offsets = [0, 1], sizes = [8, 4095], strides = [1, 1]} : vector<8x4096xi32> to vector<8x4095xi32>
      %slice3A_168 = vector.extract_strided_slice %select_n3A_132 {offsets = [0, 0], sizes = [8, 1], strides = [1, 1]} : vector<8x4096xi32> to vector<8x1xi32>
      %concatenate3A_169 = tpu.concatenate %slice3A_167, %slice3A_168 in 1 : vector<8x4095xi32>, vector<8x1xi32> -> vector<8x4096xi32>
      %slice3A_170 = vector.extract_strided_slice %select_n3A_132 {offsets = [0, 4095], sizes = [8, 1], strides = [1, 1]} : vector<8x4096xi32> to vector<8x1xi32>
      %slice3A_171 = vector.extract_strided_slice %select_n3A_132 {offsets = [0, 0], sizes = [8, 4095], strides = [1, 1]} : vector<8x4096xi32> to vector<8x4095xi32>
      %concatenate3A_172 = tpu.concatenate %slice3A_170, %slice3A_171 in 1 : vector<8x1xi32>, vector<8x4095xi32> -> vector<8x4096xi32>
      %select_n3A_173 = arith.select %eq3A_159, %concatenate3A_169, %concatenate3A_172 : vector<8x4096xi1>, vector<8x4096xi32>
      %gt3A_174 = arith.cmpi sgt, %select_n3A_131, %select_n3A_166 : vector<8x4096xi32>
      %eq3A_175 = arith.cmpi eq, %select_n3A_131, %select_n3A_166 : vector<8x4096xi32>
      %lt3A_176 = arith.cmpi slt, %select_n3A_132, %select_n3A_173 : vector<8x4096xi32>
      %and3A_177 = arith.andi %eq3A_175, %lt3A_176 : vector<8x4096xi1>
      %or3A_178 = arith.ori %gt3A_174, %and3A_177 : vector<8x4096xi1>
      %and3A_179 = arith.andi %or3A_152, %or3A_178 : vector<8x4096xi1>
      %not3A_180 = arith.constant dense<true> : vector<8x4096xi1>
      %not3A_181 = arith.xori %or3A_152, %not3A_180 : vector<8x4096xi1>
      %not3A_182 = arith.constant dense<true> : vector<8x4096xi1>
      %not3A_183 = arith.xori %or3A_178, %not3A_182 : vector<8x4096xi1>
      %and3A_184 = arith.andi %not3A_181, %not3A_183 : vector<8x4096xi1>
      %or3A_185 = arith.ori %and3A_179, %and3A_184 : vector<8x4096xi1>
      %select_n3A_186 = arith.select %or3A_185, %select_n3A_131, %select_n3A_166 : vector<8x4096xi1>, vector<8x4096xi32>
      %select_n3A_187 = arith.select %or3A_185, %select_n3A_132, %select_n3A_173 : vector<8x4096xi1>, vector<8x4096xi32>
      %iota3A_188 = tpu.iota {dimensions = array<i32: 1>} : vector<8x4096xi32>
      %and3A_189 = arith.constant 4 : i32
      %and3A_190 = vector.broadcast %and3A_189 : i32 to vector<8x4096xi32>
      %and3A_191 = arith.andi %iota3A_188, %and3A_190 : vector<8x4096xi32>
      %eq3A_192 = arith.constant 0 : i32
      %eq3A_193 = vector.broadcast %eq3A_192 : i32 to vector<8x4096xi32>
      %eq3A_194 = arith.cmpi eq, %and3A_191, %eq3A_193 : vector<8x4096xi32>
      %and3A_195 = arith.constant 8 : i32
      %and3A_196 = vector.broadcast %and3A_195 : i32 to vector<8x4096xi32>
      %and3A_197 = arith.andi %iota3A_188, %and3A_196 : vector<8x4096xi32>
      %eq3A_198 = arith.constant 0 : i32
      %eq3A_199 = vector.broadcast %eq3A_198 : i32 to vector<8x4096xi32>
      %eq3A_200 = arith.cmpi eq, %and3A_197, %eq3A_199 : vector<8x4096xi32>
      %and3A_201 = arith.andi %eq3A_194, %eq3A_200 : vector<8x4096xi1>
      %not3A_202 = arith.constant dense<true> : vector<8x4096xi1>
      %not3A_203 = arith.xori %eq3A_194, %not3A_202 : vector<8x4096xi1>
      %not3A_204 = arith.constant dense<true> : vector<8x4096xi1>
      %not3A_205 = arith.xori %eq3A_200, %not3A_204 : vector<8x4096xi1>
      %and3A_206 = arith.andi %not3A_203, %not3A_205 : vector<8x4096xi1>
      %or3A_207 = arith.ori %and3A_201, %and3A_206 : vector<8x4096xi1>
      %iota3A_208 = tpu.iota {dimensions = array<i32: 1>} : vector<8x4096xi32>
      %and3A_209 = arith.constant 4 : i32
      %and3A_210 = vector.broadcast %and3A_209 : i32 to vector<8x4096xi32>
      %and3A_211 = arith.andi %iota3A_208, %and3A_210 : vector<8x4096xi32>
      %eq3A_212 = arith.constant 0 : i32
      %eq3A_213 = vector.broadcast %eq3A_212 : i32 to vector<8x4096xi32>
      %eq3A_214 = arith.cmpi eq, %and3A_211, %eq3A_213 : vector<8x4096xi32>
      %slice3A_215 = vector.extract_strided_slice %select_n3A_186 {offsets = [0, 4], sizes = [8, 4092], strides = [1, 1]} : vector<8x4096xi32> to vector<8x4092xi32>
      %slice3A_216 = vector.extract_strided_slice %select_n3A_186 {offsets = [0, 0], sizes = [8, 4], strides = [1, 1]} : vector<8x4096xi32> to vector<8x4xi32>
      %concatenate3A_217 = tpu.concatenate %slice3A_215, %slice3A_216 in 1 : vector<8x4092xi32>, vector<8x4xi32> -> vector<8x4096xi32>
      %slice3A_218 = vector.extract_strided_slice %select_n3A_186 {offsets = [0, 4092], sizes = [8, 4], strides = [1, 1]} : vector<8x4096xi32> to vector<8x4xi32>
      %slice3A_219 = vector.extract_strided_slice %select_n3A_186 {offsets = [0, 0], sizes = [8, 4092], strides = [1, 1]} : vector<8x4096xi32> to vector<8x4092xi32>
      %concatenate3A_220 = tpu.concatenate %slice3A_218, %slice3A_219 in 1 : vector<8x4xi32>, vector<8x4092xi32> -> vector<8x4096xi32>
      %select_n3A_221 = arith.select %eq3A_214, %concatenate3A_217, %concatenate3A_220 : vector<8x4096xi1>, vector<8x4096xi32>
      %slice3A_222 = vector.extract_strided_slice %select_n3A_187 {offsets = [0, 4], sizes = [8, 4092], strides = [1, 1]} : vector<8x4096xi32> to vector<8x4092xi32>
      %slice3A_223 = vector.extract_strided_slice %select_n3A_187 {offsets = [0, 0], sizes = [8, 4], strides = [1, 1]} : vector<8x4096xi32> to vector<8x4xi32>
      %concatenate3A_224 = tpu.concatenate %slice3A_222, %slice3A_223 in 1 : vector<8x4092xi32>, vector<8x4xi32> -> vector<8x4096xi32>
      %slice3A_225 = vector.extract_strided_slice %select_n3A_187 {offsets = [0, 4092], sizes = [8, 4], strides = [1, 1]} : vector<8x4096xi32> to vector<8x4xi32>
      %slice3A_226 = vector.extract_strided_slice %select_n3A_187 {offsets = [0, 0], sizes = [8, 4092], strides = [1, 1]} : vector<8x4096xi32> to vector<8x4092xi32>
      %concatenate3A_227 = tpu.concatenate %slice3A_225, %slice3A_226 in 1 : vector<8x4xi32>, vector<8x4092xi32> -> vector<8x4096xi32>
      %select_n3A_228 = arith.select %eq3A_214, %concatenate3A_224, %concatenate3A_227 : vector<8x4096xi1>, vector<8x4096xi32>
      %gt3A_229 = arith.cmpi sgt, %select_n3A_186, %select_n3A_221 : vector<8x4096xi32>
      %eq3A_230 = arith.cmpi eq, %select_n3A_186, %select_n3A_221 : vector<8x4096xi32>
      %lt3A_231 = arith.cmpi slt, %select_n3A_187, %select_n3A_228 : vector<8x4096xi32>
      %and3A_232 = arith.andi %eq3A_230, %lt3A_231 : vector<8x4096xi1>
      %or3A_233 = arith.ori %gt3A_229, %and3A_232 : vector<8x4096xi1>
      %and3A_234 = arith.andi %or3A_207, %or3A_233 : vector<8x4096xi1>
      %not3A_235 = arith.constant dense<true> : vector<8x4096xi1>
      %not3A_236 = arith.xori %or3A_207, %not3A_235 : vector<8x4096xi1>
      %not3A_237 = arith.constant dense<true> : vector<8x4096xi1>
      %not3A_238 = arith.xori %or3A_233, %not3A_237 : vector<8x4096xi1>
      %and3A_239 = arith.andi %not3A_236, %not3A_238 : vector<8x4096xi1>
      %or3A_240 = arith.ori %and3A_234, %and3A_239 : vector<8x4096xi1>
      %select_n3A_241 = arith.select %or3A_240, %select_n3A_186, %select_n3A_221 : vector<8x4096xi1>, vector<8x4096xi32>
      %select_n3A_242 = arith.select %or3A_240, %select_n3A_187, %select_n3A_228 : vector<8x4096xi1>, vector<8x4096xi32>
      %iota3A_243 = tpu.iota {dimensions = array<i32: 1>} : vector<8x4096xi32>
      %and3A_244 = arith.constant 2 : i32
      %and3A_245 = vector.broadcast %and3A_244 : i32 to vector<8x4096xi32>
      %and3A_246 = arith.andi %iota3A_243, %and3A_245 : vector<8x4096xi32>
      %eq3A_247 = arith.constant 0 : i32
      %eq3A_248 = vector.broadcast %eq3A_247 : i32 to vector<8x4096xi32>
      %eq3A_249 = arith.cmpi eq, %and3A_246, %eq3A_248 : vector<8x4096xi32>
      %and3A_250 = arith.constant 8 : i32
      %and3A_251 = vector.broadcast %and3A_250 : i32 to vector<8x4096xi32>
      %and3A_252 = arith.andi %iota3A_243, %and3A_251 : vector<8x4096xi32>
      %eq3A_253 = arith.constant 0 : i32
      %eq3A_254 = vector.broadcast %eq3A_253 : i32 to vector<8x4096xi32>
      %eq3A_255 = arith.cmpi eq, %and3A_252, %eq3A_254 : vector<8x4096xi32>
      %and3A_256 = arith.andi %eq3A_249, %eq3A_255 : vector<8x4096xi1>
      %not3A_257 = arith.constant dense<true> : vector<8x4096xi1>
      %not3A_258 = arith.xori %eq3A_249, %not3A_257 : vector<8x4096xi1>
      %not3A_259 = arith.constant dense<true> : vector<8x4096xi1>
      %not3A_260 = arith.xori %eq3A_255, %not3A_259 : vector<8x4096xi1>
      %and3A_261 = arith.andi %not3A_258, %not3A_260 : vector<8x4096xi1>
      %or3A_262 = arith.ori %and3A_256, %and3A_261 : vector<8x4096xi1>
      %iota3A_263 = tpu.iota {dimensions = array<i32: 1>} : vector<8x4096xi32>
      %and3A_264 = arith.constant 2 : i32
      %and3A_265 = vector.broadcast %and3A_264 : i32 to vector<8x4096xi32>
      %and3A_266 = arith.andi %iota3A_263, %and3A_265 : vector<8x4096xi32>
      %eq3A_267 = arith.constant 0 : i32
      %eq3A_268 = vector.broadcast %eq3A_267 : i32 to vector<8x4096xi32>
      %eq3A_269 = arith.cmpi eq, %and3A_266, %eq3A_268 : vector<8x4096xi32>
      %slice3A_270 = vector.extract_strided_slice %select_n3A_241 {offsets = [0, 2], sizes = [8, 4094], strides = [1, 1]} : vector<8x4096xi32> to vector<8x4094xi32>
      %slice3A_271 = vector.extract_strided_slice %select_n3A_241 {offsets = [0, 0], sizes = [8, 2], strides = [1, 1]} : vector<8x4096xi32> to vector<8x2xi32>
      %concatenate3A_272 = tpu.concatenate %slice3A_270, %slice3A_271 in 1 : vector<8x4094xi32>, vector<8x2xi32> -> vector<8x4096xi32>
      %slice3A_273 = vector.extract_strided_slice %select_n3A_241 {offsets = [0, 4094], sizes = [8, 2], strides = [1, 1]} : vector<8x4096xi32> to vector<8x2xi32>
      %slice3A_274 = vector.extract_strided_slice %select_n3A_241 {offsets = [0, 0], sizes = [8, 4094], strides = [1, 1]} : vector<8x4096xi32> to vector<8x4094xi32>
      %concatenate3A_275 = tpu.concatenate %slice3A_273, %slice3A_274 in 1 : vector<8x2xi32>, vector<8x4094xi32> -> vector<8x4096xi32>
      %select_n3A_276 = arith.select %eq3A_269, %concatenate3A_272, %concatenate3A_275 : vector<8x4096xi1>, vector<8x4096xi32>
      %slice3A_277 = vector.extract_strided_slice %select_n3A_242 {offsets = [0, 2], sizes = [8, 4094], strides = [1, 1]} : vector<8x4096xi32> to vector<8x4094xi32>
      %slice3A_278 = vector.extract_strided_slice %select_n3A_242 {offsets = [0, 0], sizes = [8, 2], strides = [1, 1]} : vector<8x4096xi32> to vector<8x2xi32>
      %concatenate3A_279 = tpu.concatenate %slice3A_277, %slice3A_278 in 1 : vector<8x4094xi32>, vector<8x2xi32> -> vector<8x4096xi32>
      %slice3A_280 = vector.extract_strided_slice %select_n3A_242 {offsets = [0, 4094], sizes = [8, 2], strides = [1, 1]} : vector<8x4096xi32> to vector<8x2xi32>
      %slice3A_281 = vector.extract_strided_slice %select_n3A_242 {offsets = [0, 0], sizes = [8, 4094], strides = [1, 1]} : vector<8x4096xi32> to vector<8x4094xi32>
      %concatenate3A_282 = tpu.concatenate %slice3A_280, %slice3A_281 in 1 : vector<8x2xi32>, vector<8x4094xi32> -> vector<8x4096xi32>
      %select_n3A_283 = arith.select %eq3A_269, %concatenate3A_279, %concatenate3A_282 : vector<8x4096xi1>, vector<8x4096xi32>
      %gt3A_284 = arith.cmpi sgt, %select_n3A_241, %select_n3A_276 : vector<8x4096xi32>
      %eq3A_285 = arith.cmpi eq, %select_n3A_241, %select_n3A_276 : vector<8x4096xi32>
      %lt3A_286 = arith.cmpi slt, %select_n3A_242, %select_n3A_283 : vector<8x4096xi32>
      %and3A_287 = arith.andi %eq3A_285, %lt3A_286 : vector<8x4096xi1>
      %or3A_288 = arith.ori %gt3A_284, %and3A_287 : vector<8x4096xi1>
      %and3A_289 = arith.andi %or3A_262, %or3A_288 : vector<8x4096xi1>
      %not3A_290 = arith.constant dense<true> : vector<8x4096xi1>
      %not3A_291 = arith.xori %or3A_262, %not3A_290 : vector<8x4096xi1>
      %not3A_292 = arith.constant dense<true> : vector<8x4096xi1>
      %not3A_293 = arith.xori %or3A_288, %not3A_292 : vector<8x4096xi1>
      %and3A_294 = arith.andi %not3A_291, %not3A_293 : vector<8x4096xi1>
      %or3A_295 = arith.ori %and3A_289, %and3A_294 : vector<8x4096xi1>
      %select_n3A_296 = arith.select %or3A_295, %select_n3A_241, %select_n3A_276 : vector<8x4096xi1>, vector<8x4096xi32>
      %select_n3A_297 = arith.select %or3A_295, %select_n3A_242, %select_n3A_283 : vector<8x4096xi1>, vector<8x4096xi32>
      %iota3A_298 = tpu.iota {dimensions = array<i32: 1>} : vector<8x4096xi32>
      %and3A_299 = arith.constant 1 : i32
      %and3A_300 = vector.broadcast %and3A_299 : i32 to vector<8x4096xi32>
      %and3A_301 = arith.andi %iota3A_298, %and3A_300 : vector<8x4096xi32>
      %eq3A_302 = arith.constant 0 : i32
      %eq3A_303 = vector.broadcast %eq3A_302 : i32 to vector<8x4096xi32>
      %eq3A_304 = arith.cmpi eq, %and3A_301, %eq3A_303 : vector<8x4096xi32>
      %and3A_305 = arith.constant 8 : i32
      %and3A_306 = vector.broadcast %and3A_305 : i32 to vector<8x4096xi32>
      %and3A_307 = arith.andi %iota3A_298, %and3A_306 : vector<8x4096xi32>
      %eq3A_308 = arith.constant 0 : i32
      %eq3A_309 = vector.broadcast %eq3A_308 : i32 to vector<8x4096xi32>
      %eq3A_310 = arith.cmpi eq, %and3A_307, %eq3A_309 : vector<8x4096xi32>
      %and3A_311 = arith.andi %eq3A_304, %eq3A_310 : vector<8x4096xi1>
      %not3A_312 = arith.constant dense<true> : vector<8x4096xi1>
      %not3A_313 = arith.xori %eq3A_304, %not3A_312 : vector<8x4096xi1>
      %not3A_314 = arith.constant dense<true> : vector<8x4096xi1>
      %not3A_315 = arith.xori %eq3A_310, %not3A_314 : vector<8x4096xi1>
      %and3A_316 = arith.andi %not3A_313, %not3A_315 : vector<8x4096xi1>
      %or3A_317 = arith.ori %and3A_311, %and3A_316 : vector<8x4096xi1>
      %iota3A_318 = tpu.iota {dimensions = array<i32: 1>} : vector<8x4096xi32>
      %and3A_319 = arith.constant 1 : i32
      %and3A_320 = vector.broadcast %and3A_319 : i32 to vector<8x4096xi32>
      %and3A_321 = arith.andi %iota3A_318, %and3A_320 : vector<8x4096xi32>
      %eq3A_322 = arith.constant 0 : i32
      %eq3A_323 = vector.broadcast %eq3A_322 : i32 to vector<8x4096xi32>
      %eq3A_324 = arith.cmpi eq, %and3A_321, %eq3A_323 : vector<8x4096xi32>
      %slice3A_325 = vector.extract_strided_slice %select_n3A_296 {offsets = [0, 1], sizes = [8, 4095], strides = [1, 1]} : vector<8x4096xi32> to vector<8x4095xi32>
      %slice3A_326 = vector.extract_strided_slice %select_n3A_296 {offsets = [0, 0], sizes = [8, 1], strides = [1, 1]} : vector<8x4096xi32> to vector<8x1xi32>
      %concatenate3A_327 = tpu.concatenate %slice3A_325, %slice3A_326 in 1 : vector<8x4095xi32>, vector<8x1xi32> -> vector<8x4096xi32>
      %slice3A_328 = vector.extract_strided_slice %select_n3A_296 {offsets = [0, 4095], sizes = [8, 1], strides = [1, 1]} : vector<8x4096xi32> to vector<8x1xi32>
      %slice3A_329 = vector.extract_strided_slice %select_n3A_296 {offsets = [0, 0], sizes = [8, 4095], strides = [1, 1]} : vector<8x4096xi32> to vector<8x4095xi32>
      %concatenate3A_330 = tpu.concatenate %slice3A_328, %slice3A_329 in 1 : vector<8x1xi32>, vector<8x4095xi32> -> vector<8x4096xi32>
      %select_n3A_331 = arith.select %eq3A_324, %concatenate3A_327, %concatenate3A_330 : vector<8x4096xi1>, vector<8x4096xi32>
      %slice3A_332 = vector.extract_strided_slice %select_n3A_297 {offsets = [0, 1], sizes = [8, 4095], strides = [1, 1]} : vector<8x4096xi32> to vector<8x4095xi32>
      %slice3A_333 = vector.extract_strided_slice %select_n3A_297 {offsets = [0, 0], sizes = [8, 1], strides = [1, 1]} : vector<8x4096xi32> to vector<8x1xi32>
      %concatenate3A_334 = tpu.concatenate %slice3A_332, %slice3A_333 in 1 : vector<8x4095xi32>, vector<8x1xi32> -> vector<8x4096xi32>
      %slice3A_335 = vector.extract_strided_slice %select_n3A_297 {offsets = [0, 4095], sizes = [8, 1], strides = [1, 1]} : vector<8x4096xi32> to vector<8x1xi32>
      %slice3A_336 = vector.extract_strided_slice %select_n3A_297 {offsets = [0, 0], sizes = [8, 4095], strides = [1, 1]} : vector<8x4096xi32> to vector<8x4095xi32>
      %concatenate3A_337 = tpu.concatenate %slice3A_335, %slice3A_336 in 1 : vector<8x1xi32>, vector<8x4095xi32> -> vector<8x4096xi32>
      %select_n3A_338 = arith.select %eq3A_324, %concatenate3A_334, %concatenate3A_337 : vector<8x4096xi1>, vector<8x4096xi32>
      %gt3A_339 = arith.cmpi sgt, %select_n3A_296, %select_n3A_331 : vector<8x4096xi32>
      %eq3A_340 = arith.cmpi eq, %select_n3A_296, %select_n3A_331 : vector<8x4096xi32>
      %lt3A_341 = arith.cmpi slt, %select_n3A_297, %select_n3A_338 : vector<8x4096xi32>
      %and3A_342 = arith.andi %eq3A_340, %lt3A_341 : vector<8x4096xi1>
      %or3A_343 = arith.ori %gt3A_339, %and3A_342 : vector<8x4096xi1>
      %and3A_344 = arith.andi %or3A_317, %or3A_343 : vector<8x4096xi1>
      %not3A_345 = arith.constant dense<true> : vector<8x4096xi1>
      %not3A_346 = arith.xori %or3A_317, %not3A_345 : vector<8x4096xi1>
      %not3A_347 = arith.constant dense<true> : vector<8x4096xi1>
      %not3A_348 = arith.xori %or3A_343, %not3A_347 : vector<8x4096xi1>
      %and3A_349 = arith.andi %not3A_346, %not3A_348 : vector<8x4096xi1>
      %or3A_350 = arith.ori %and3A_344, %and3A_349 : vector<8x4096xi1>
      %select_n3A_351 = arith.select %or3A_350, %select_n3A_296, %select_n3A_331 : vector<8x4096xi1>, vector<8x4096xi32>
      %select_n3A_352 = arith.select %or3A_350, %select_n3A_297, %select_n3A_338 : vector<8x4096xi1>, vector<8x4096xi32>
      %iota3A_353 = tpu.iota {dimensions = array<i32: 1>} : vector<8x4096xi32>
      %and3A_354 = arith.constant 8 : i32
      %and3A_355 = vector.broadcast %and3A_354 : i32 to vector<8x4096xi32>
      %and3A_356 = arith.andi %iota3A_353, %and3A_355 : vector<8x4096xi32>
      %eq3A_357 = arith.constant 0 : i32
      %eq3A_358 = vector.broadcast %eq3A_357 : i32 to vector<8x4096xi32>
      %eq3A_359 = arith.cmpi eq, %and3A_356, %eq3A_358 : vector<8x4096xi32>
      %and3A_360 = arith.constant 16 : i32
      %and3A_361 = vector.broadcast %and3A_360 : i32 to vector<8x4096xi32>
      %and3A_362 = arith.andi %iota3A_353, %and3A_361 : vector<8x4096xi32>
      %eq3A_363 = arith.constant 0 : i32
      %eq3A_364 = vector.broadcast %eq3A_363 : i32 to vector<8x4096xi32>
      %eq3A_365 = arith.cmpi eq, %and3A_362, %eq3A_364 : vector<8x4096xi32>
      %and3A_366 = arith.andi %eq3A_359, %eq3A_365 : vector<8x4096xi1>
      %not3A_367 = arith.constant dense<true> : vector<8x4096xi1>
      %not3A_368 = arith.xori %eq3A_359, %not3A_367 : vector<8x4096xi1>
      %not3A_369 = arith.constant dense<true> : vector<8x4096xi1>
      %not3A_370 = arith.xori %eq3A_365, %not3A_369 : vector<8x4096xi1>
      %and3A_371 = arith.andi %not3A_368, %not3A_370 : vector<8x4096xi1>
      %or3A_372 = arith.ori %and3A_366, %and3A_371 : vector<8x4096xi1>
      %iota3A_373 = tpu.iota {dimensions = array<i32: 1>} : vector<8x4096xi32>
      %and3A_374 = arith.constant 8 : i32
      %and3A_375 = vector.broadcast %and3A_374 : i32 to vector<8x4096xi32>
      %and3A_376 = arith.andi %iota3A_373, %and3A_375 : vector<8x4096xi32>
      %eq3A_377 = arith.constant 0 : i32
      %eq3A_378 = vector.broadcast %eq3A_377 : i32 to vector<8x4096xi32>
      %eq3A_379 = arith.cmpi eq, %and3A_376, %eq3A_378 : vector<8x4096xi32>
      %slice3A_380 = vector.extract_strided_slice %select_n3A_351 {offsets = [0, 8], sizes = [8, 4088], strides = [1, 1]} : vector<8x4096xi32> to vector<8x4088xi32>
      %slice3A_381 = vector.extract_strided_slice %select_n3A_351 {offsets = [0, 0], sizes = [8, 8], strides = [1, 1]} : vector<8x4096xi32> to vector<8x8xi32>
      %concatenate3A_382 = tpu.concatenate %slice3A_380, %slice3A_381 in 1 : vector<8x4088xi32>, vector<8x8xi32> -> vector<8x4096xi32>
      %slice3A_383 = vector.extract_strided_slice %select_n3A_351 {offsets = [0, 4088], sizes = [8, 8], strides = [1, 1]} : vector<8x4096xi32> to vector<8x8xi32>
      %slice3A_384 = vector.extract_strided_slice %select_n3A_351 {offsets = [0, 0], sizes = [8, 4088], strides = [1, 1]} : vector<8x4096xi32> to vector<8x4088xi32>
      %concatenate3A_385 = tpu.concatenate %slice3A_383, %slice3A_384 in 1 : vector<8x8xi32>, vector<8x4088xi32> -> vector<8x4096xi32>
      %select_n3A_386 = arith.select %eq3A_379, %concatenate3A_382, %concatenate3A_385 : vector<8x4096xi1>, vector<8x4096xi32>
      %slice3A_387 = vector.extract_strided_slice %select_n3A_352 {offsets = [0, 8], sizes = [8, 4088], strides = [1, 1]} : vector<8x4096xi32> to vector<8x4088xi32>
      %slice3A_388 = vector.extract_strided_slice %select_n3A_352 {offsets = [0, 0], sizes = [8, 8], strides = [1, 1]} : vector<8x4096xi32> to vector<8x8xi32>
      %concatenate3A_389 = tpu.concatenate %slice3A_387, %slice3A_388 in 1 : vector<8x4088xi32>, vector<8x8xi32> -> vector<8x4096xi32>
      %slice3A_390 = vector.extract_strided_slice %select_n3A_352 {offsets = [0, 4088], sizes = [8, 8], strides = [1, 1]} : vector<8x4096xi32> to vector<8x8xi32>
      %slice3A_391 = vector.extract_strided_slice %select_n3A_352 {offsets = [0, 0], sizes = [8, 4088], strides = [1, 1]} : vector<8x4096xi32> to vector<8x4088xi32>
      %concatenate3A_392 = tpu.concatenate %slice3A_390, %slice3A_391 in 1 : vector<8x8xi32>, vector<8x4088xi32> -> vector<8x4096xi32>
      %select_n3A_393 = arith.select %eq3A_379, %concatenate3A_389, %concatenate3A_392 : vector<8x4096xi1>, vector<8x4096xi32>
      %gt3A_394 = arith.cmpi sgt, %select_n3A_351, %select_n3A_386 : vector<8x4096xi32>
      %eq3A_395 = arith.cmpi eq, %select_n3A_351, %select_n3A_386 : vector<8x4096xi32>
      %lt3A_396 = arith.cmpi slt, %select_n3A_352, %select_n3A_393 : vector<8x4096xi32>
      %and3A_397 = arith.andi %eq3A_395, %lt3A_396 : vector<8x4096xi1>
      %or3A_398 = arith.ori %gt3A_394, %and3A_397 : vector<8x4096xi1>
      %and3A_399 = arith.andi %or3A_372, %or3A_398 : vector<8x4096xi1>
      %not3A_400 = arith.constant dense<true> : vector<8x4096xi1>
      %not3A_401 = arith.xori %or3A_372, %not3A_400 : vector<8x4096xi1>
      %not3A_402 = arith.constant dense<true> : vector<8x4096xi1>
      %not3A_403 = arith.xori %or3A_398, %not3A_402 : vector<8x4096xi1>
      %and3A_404 = arith.andi %not3A_401, %not3A_403 : vector<8x4096xi1>
      %or3A_405 = arith.ori %and3A_399, %and3A_404 : vector<8x4096xi1>
      %select_n3A_406 = arith.select %or3A_405, %select_n3A_351, %select_n3A_386 : vector<8x4096xi1>, vector<8x4096xi32>
      %select_n3A_407 = arith.select %or3A_405, %select_n3A_352, %select_n3A_393 : vector<8x4096xi1>, vector<8x4096xi32>
      %iota3A_408 = tpu.iota {dimensions = array<i32: 1>} : vector<8x4096xi32>
      %and3A_409 = arith.constant 4 : i32
      %and3A_410 = vector.broadcast %and3A_409 : i32 to vector<8x4096xi32>
      %and3A_411 = arith.andi %iota3A_408, %and3A_410 : vector<8x4096xi32>
      %eq3A_412 = arith.constant 0 : i32
      %eq3A_413 = vector.broadcast %eq3A_412 : i32 to vector<8x4096xi32>
      %eq3A_414 = arith.cmpi eq, %and3A_411, %eq3A_413 : vector<8x4096xi32>
      %and3A_415 = arith.constant 16 : i32
      %and3A_416 = vector.broadcast %and3A_415 : i32 to vector<8x4096xi32>
      %and3A_417 = arith.andi %iota3A_408, %and3A_416 : vector<8x4096xi32>
      %eq3A_418 = arith.constant 0 : i32
      %eq3A_419 = vector.broadcast %eq3A_418 : i32 to vector<8x4096xi32>
      %eq3A_420 = arith.cmpi eq, %and3A_417, %eq3A_419 : vector<8x4096xi32>
      %and3A_421 = arith.andi %eq3A_414, %eq3A_420 : vector<8x4096xi1>
      %not3A_422 = arith.constant dense<true> : vector<8x4096xi1>
      %not3A_423 = arith.xori %eq3A_414, %not3A_422 : vector<8x4096xi1>
      %not3A_424 = arith.constant dense<true> : vector<8x4096xi1>
      %not3A_425 = arith.xori %eq3A_420, %not3A_424 : vector<8x4096xi1>
      %and3A_426 = arith.andi %not3A_423, %not3A_425 : vector<8x4096xi1>
      %or3A_427 = arith.ori %and3A_421, %and3A_426 : vector<8x4096xi1>
      %iota3A_428 = tpu.iota {dimensions = array<i32: 1>} : vector<8x4096xi32>
      %and3A_429 = arith.constant 4 : i32
      %and3A_430 = vector.broadcast %and3A_429 : i32 to vector<8x4096xi32>
      %and3A_431 = arith.andi %iota3A_428, %and3A_430 : vector<8x4096xi32>
      %eq3A_432 = arith.constant 0 : i32
      %eq3A_433 = vector.broadcast %eq3A_432 : i32 to vector<8x4096xi32>
      %eq3A_434 = arith.cmpi eq, %and3A_431, %eq3A_433 : vector<8x4096xi32>
      %slice3A_435 = vector.extract_strided_slice %select_n3A_406 {offsets = [0, 4], sizes = [8, 4092], strides = [1, 1]} : vector<8x4096xi32> to vector<8x4092xi32>
      %slice3A_436 = vector.extract_strided_slice %select_n3A_406 {offsets = [0, 0], sizes = [8, 4], strides = [1, 1]} : vector<8x4096xi32> to vector<8x4xi32>
      %concatenate3A_437 = tpu.concatenate %slice3A_435, %slice3A_436 in 1 : vector<8x4092xi32>, vector<8x4xi32> -> vector<8x4096xi32>
      %slice3A_438 = vector.extract_strided_slice %select_n3A_406 {offsets = [0, 4092], sizes = [8, 4], strides = [1, 1]} : vector<8x4096xi32> to vector<8x4xi32>
      %slice3A_439 = vector.extract_strided_slice %select_n3A_406 {offsets = [0, 0], sizes = [8, 4092], strides = [1, 1]} : vector<8x4096xi32> to vector<8x4092xi32>
      %concatenate3A_440 = tpu.concatenate %slice3A_438, %slice3A_439 in 1 : vector<8x4xi32>, vector<8x4092xi32> -> vector<8x4096xi32>
      %select_n3A_441 = arith.select %eq3A_434, %concatenate3A_437, %concatenate3A_440 : vector<8x4096xi1>, vector<8x4096xi32>
      %slice3A_442 = vector.extract_strided_slice %select_n3A_407 {offsets = [0, 4], sizes = [8, 4092], strides = [1, 1]} : vector<8x4096xi32> to vector<8x4092xi32>
      %slice3A_443 = vector.extract_strided_slice %select_n3A_407 {offsets = [0, 0], sizes = [8, 4], strides = [1, 1]} : vector<8x4096xi32> to vector<8x4xi32>
      %concatenate3A_444 = tpu.concatenate %slice3A_442, %slice3A_443 in 1 : vector<8x4092xi32>, vector<8x4xi32> -> vector<8x4096xi32>
      %slice3A_445 = vector.extract_strided_slice %select_n3A_407 {offsets = [0, 4092], sizes = [8, 4], strides = [1, 1]} : vector<8x4096xi32> to vector<8x4xi32>
      %slice3A_446 = vector.extract_strided_slice %select_n3A_407 {offsets = [0, 0], sizes = [8, 4092], strides = [1, 1]} : vector<8x4096xi32> to vector<8x4092xi32>
      %concatenate3A_447 = tpu.concatenate %slice3A_445, %slice3A_446 in 1 : vector<8x4xi32>, vector<8x4092xi32> -> vector<8x4096xi32>
      %select_n3A_448 = arith.select %eq3A_434, %concatenate3A_444, %concatenate3A_447 : vector<8x4096xi1>, vector<8x4096xi32>
      %gt3A_449 = arith.cmpi sgt, %select_n3A_406, %select_n3A_441 : vector<8x4096xi32>
      %eq3A_450 = arith.cmpi eq, %select_n3A_406, %select_n3A_441 : vector<8x4096xi32>
      %lt3A_451 = arith.cmpi slt, %select_n3A_407, %select_n3A_448 : vector<8x4096xi32>
      %and3A_452 = arith.andi %eq3A_450, %lt3A_451 : vector<8x4096xi1>
      %or3A_453 = arith.ori %gt3A_449, %and3A_452 : vector<8x4096xi1>
      %and3A_454 = arith.andi %or3A_427, %or3A_453 : vector<8x4096xi1>
      %not3A_455 = arith.constant dense<true> : vector<8x4096xi1>
      %not3A_456 = arith.xori %or3A_427, %not3A_455 : vector<8x4096xi1>
      %not3A_457 = arith.constant dense<true> : vector<8x4096xi1>
      %not3A_458 = arith.xori %or3A_453, %not3A_457 : vector<8x4096xi1>
      %and3A_459 = arith.andi %not3A_456, %not3A_458 : vector<8x4096xi1>
      %or3A_460 = arith.ori %and3A_454, %and3A_459 : vector<8x4096xi1>
      %select_n3A_461 = arith.select %or3A_460, %select_n3A_406, %select_n3A_441 : vector<8x4096xi1>, vector<8x4096xi32>
      %select_n3A_462 = arith.select %or3A_460, %select_n3A_407, %select_n3A_448 : vector<8x4096xi1>, vector<8x4096xi32>
      %iota3A_463 = tpu.iota {dimensions = array<i32: 1>} : vector<8x4096xi32>
      %and3A_464 = arith.constant 2 : i32
      %and3A_465 = vector.broadcast %and3A_464 : i32 to vector<8x4096xi32>
      %and3A_466 = arith.andi %iota3A_463, %and3A_465 : vector<8x4096xi32>
      %eq3A_467 = arith.constant 0 : i32
      %eq3A_468 = vector.broadcast %eq3A_467 : i32 to vector<8x4096xi32>
      %eq3A_469 = arith.cmpi eq, %and3A_466, %eq3A_468 : vector<8x4096xi32>
      %and3A_470 = arith.constant 16 : i32
      %and3A_471 = vector.broadcast %and3A_470 : i32 to vector<8x4096xi32>
      %and3A_472 = arith.andi %iota3A_463, %and3A_471 : vector<8x4096xi32>
      %eq3A_473 = arith.constant 0 : i32
      %eq3A_474 = vector.broadcast %eq3A_473 : i32 to vector<8x4096xi32>
      %eq3A_475 = arith.cmpi eq, %and3A_472, %eq3A_474 : vector<8x4096xi32>
      %and3A_476 = arith.andi %eq3A_469, %eq3A_475 : vector<8x4096xi1>
      %not3A_477 = arith.constant dense<true> : vector<8x4096xi1>
      %not3A_478 = arith.xori %eq3A_469, %not3A_477 : vector<8x4096xi1>
      %not3A_479 = arith.constant dense<true> : vector<8x4096xi1>
      %not3A_480 = arith.xori %eq3A_475, %not3A_479 : vector<8x4096xi1>
      %and3A_481 = arith.andi %not3A_478, %not3A_480 : vector<8x4096xi1>
      %or3A_482 = arith.ori %and3A_476, %and3A_481 : vector<8x4096xi1>
      %iota3A_483 = tpu.iota {dimensions = array<i32: 1>} : vector<8x4096xi32>
      %and3A_484 = arith.constant 2 : i32
      %and3A_485 = vector.broadcast %and3A_484 : i32 to vector<8x4096xi32>
      %and3A_486 = arith.andi %iota3A_483, %and3A_485 : vector<8x4096xi32>
      %eq3A_487 = arith.constant 0 : i32
      %eq3A_488 = vector.broadcast %eq3A_487 : i32 to vector<8x4096xi32>
      %eq3A_489 = arith.cmpi eq, %and3A_486, %eq3A_488 : vector<8x4096xi32>
      %slice3A_490 = vector.extract_strided_slice %select_n3A_461 {offsets = [0, 2], sizes = [8, 4094], strides = [1, 1]} : vector<8x4096xi32> to vector<8x4094xi32>
      %slice3A_491 = vector.extract_strided_slice %select_n3A_461 {offsets = [0, 0], sizes = [8, 2], strides = [1, 1]} : vector<8x4096xi32> to vector<8x2xi32>
      %concatenate3A_492 = tpu.concatenate %slice3A_490, %slice3A_491 in 1 : vector<8x4094xi32>, vector<8x2xi32> -> vector<8x4096xi32>
      %slice3A_493 = vector.extract_strided_slice %select_n3A_461 {offsets = [0, 4094], sizes = [8, 2], strides = [1, 1]} : vector<8x4096xi32> to vector<8x2xi32>
      %slice3A_494 = vector.extract_strided_slice %select_n3A_461 {offsets = [0, 0], sizes = [8, 4094], strides = [1, 1]} : vector<8x4096xi32> to vector<8x4094xi32>
      %concatenate3A_495 = tpu.concatenate %slice3A_493, %slice3A_494 in 1 : vector<8x2xi32>, vector<8x4094xi32> -> vector<8x4096xi32>
      %select_n3A_496 = arith.select %eq3A_489, %concatenate3A_492, %concatenate3A_495 : vector<8x4096xi1>, vector<8x4096xi32>
      %slice3A_497 = vector.extract_strided_slice %select_n3A_462 {offsets = [0, 2], sizes = [8, 4094], strides = [1, 1]} : vector<8x4096xi32> to vector<8x4094xi32>
      %slice3A_498 = vector.extract_strided_slice %select_n3A_462 {offsets = [0, 0], sizes = [8, 2], strides = [1, 1]} : vector<8x4096xi32> to vector<8x2xi32>
      %concatenate3A_499 = tpu.concatenate %slice3A_497, %slice3A_498 in 1 : vector<8x4094xi32>, vector<8x2xi32> -> vector<8x4096xi32>
      %slice3A_500 = vector.extract_strided_slice %select_n3A_462 {offsets = [0, 4094], sizes = [8, 2], strides = [1, 1]} : vector<8x4096xi32> to vector<8x2xi32>
      %slice3A_501 = vector.extract_strided_slice %select_n3A_462 {offsets = [0, 0], sizes = [8, 4094], strides = [1, 1]} : vector<8x4096xi32> to vector<8x4094xi32>
      %concatenate3A_502 = tpu.concatenate %slice3A_500, %slice3A_501 in 1 : vector<8x2xi32>, vector<8x4094xi32> -> vector<8x4096xi32>
      %select_n3A_503 = arith.select %eq3A_489, %concatenate3A_499, %concatenate3A_502 : vector<8x4096xi1>, vector<8x4096xi32>
      %gt3A_504 = arith.cmpi sgt, %select_n3A_461, %select_n3A_496 : vector<8x4096xi32>
      %eq3A_505 = arith.cmpi eq, %select_n3A_461, %select_n3A_496 : vector<8x4096xi32>
      %lt3A_506 = arith.cmpi slt, %select_n3A_462, %select_n3A_503 : vector<8x4096xi32>
      %and3A_507 = arith.andi %eq3A_505, %lt3A_506 : vector<8x4096xi1>
      %or3A_508 = arith.ori %gt3A_504, %and3A_507 : vector<8x4096xi1>
      %and3A_509 = arith.andi %or3A_482, %or3A_508 : vector<8x4096xi1>
      %not3A_510 = arith.constant dense<true> : vector<8x4096xi1>
      %not3A_511 = arith.xori %or3A_482, %not3A_510 : vector<8x4096xi1>
      %not3A_512 = arith.constant dense<true> : vector<8x4096xi1>
      %not3A_513 = arith.xori %or3A_508, %not3A_512 : vector<8x4096xi1>
      %and3A_514 = arith.andi %not3A_511, %not3A_513 : vector<8x4096xi1>
      %or3A_515 = arith.ori %and3A_509, %and3A_514 : vector<8x4096xi1>
      %select_n3A_516 = arith.select %or3A_515, %select_n3A_461, %select_n3A_496 : vector<8x4096xi1>, vector<8x4096xi32>
      %select_n3A_517 = arith.select %or3A_515, %select_n3A_462, %select_n3A_503 : vector<8x4096xi1>, vector<8x4096xi32>
      %iota3A_518 = tpu.iota {dimensions = array<i32: 1>} : vector<8x4096xi32>
      %and3A_519 = arith.constant 1 : i32
      %and3A_520 = vector.broadcast %and3A_519 : i32 to vector<8x4096xi32>
      %and3A_521 = arith.andi %iota3A_518, %and3A_520 : vector<8x4096xi32>
      %eq3A_522 = arith.constant 0 : i32
      %eq3A_523 = vector.broadcast %eq3A_522 : i32 to vector<8x4096xi32>
      %eq3A_524 = arith.cmpi eq, %and3A_521, %eq3A_523 : vector<8x4096xi32>
      %and3A_525 = arith.constant 16 : i32
      %and3A_526 = vector.broadcast %and3A_525 : i32 to vector<8x4096xi32>
      %and3A_527 = arith.andi %iota3A_518, %and3A_526 : vector<8x4096xi32>
      %eq3A_528 = arith.constant 0 : i32
      %eq3A_529 = vector.broadcast %eq3A_528 : i32 to vector<8x4096xi32>
      %eq3A_530 = arith.cmpi eq, %and3A_527, %eq3A_529 : vector<8x4096xi32>
      %and3A_531 = arith.andi %eq3A_524, %eq3A_530 : vector<8x4096xi1>
      %not3A_532 = arith.constant dense<true> : vector<8x4096xi1>
      %not3A_533 = arith.xori %eq3A_524, %not3A_532 : vector<8x4096xi1>
      %not3A_534 = arith.constant dense<true> : vector<8x4096xi1>
      %not3A_535 = arith.xori %eq3A_530, %not3A_534 : vector<8x4096xi1>
      %and3A_536 = arith.andi %not3A_533, %not3A_535 : vector<8x4096xi1>
      %or3A_537 = arith.ori %and3A_531, %and3A_536 : vector<8x4096xi1>
      %iota3A_538 = tpu.iota {dimensions = array<i32: 1>} : vector<8x4096xi32>
      %and3A_539 = arith.constant 1 : i32
      %and3A_540 = vector.broadcast %and3A_539 : i32 to vector<8x4096xi32>
      %and3A_541 = arith.andi %iota3A_538, %and3A_540 : vector<8x4096xi32>
      %eq3A_542 = arith.constant 0 : i32
      %eq3A_543 = vector.broadcast %eq3A_542 : i32 to vector<8x4096xi32>
      %eq3A_544 = arith.cmpi eq, %and3A_541, %eq3A_543 : vector<8x4096xi32>
      %slice3A_545 = vector.extract_strided_slice %select_n3A_516 {offsets = [0, 1], sizes = [8, 4095], strides = [1, 1]} : vector<8x4096xi32> to vector<8x4095xi32>
      %slice3A_546 = vector.extract_strided_slice %select_n3A_516 {offsets = [0, 0], sizes = [8, 1], strides = [1, 1]} : vector<8x4096xi32> to vector<8x1xi32>
      %concatenate3A_547 = tpu.concatenate %slice3A_545, %slice3A_546 in 1 : vector<8x4095xi32>, vector<8x1xi32> -> vector<8x4096xi32>
      %slice3A_548 = vector.extract_strided_slice %select_n3A_516 {offsets = [0, 4095], sizes = [8, 1], strides = [1, 1]} : vector<8x4096xi32> to vector<8x1xi32>
      %slice3A_549 = vector.extract_strided_slice %select_n3A_516 {offsets = [0, 0], sizes = [8, 4095], strides = [1, 1]} : vector<8x4096xi32> to vector<8x4095xi32>
      %concatenate3A_550 = tpu.concatenate %slice3A_548, %slice3A_549 in 1 : vector<8x1xi32>, vector<8x4095xi32> -> vector<8x4096xi32>
      %select_n3A_551 = arith.select %eq3A_544, %concatenate3A_547, %concatenate3A_550 : vector<8x4096xi1>, vector<8x4096xi32>
      %slice3A_552 = vector.extract_strided_slice %select_n3A_517 {offsets = [0, 1], sizes = [8, 4095], strides = [1, 1]} : vector<8x4096xi32> to vector<8x4095xi32>
      %slice3A_553 = vector.extract_strided_slice %select_n3A_517 {offsets = [0, 0], sizes = [8, 1], strides = [1, 1]} : vector<8x4096xi32> to vector<8x1xi32>
      %concatenate3A_554 = tpu.concatenate %slice3A_552, %slice3A_553 in 1 : vector<8x4095xi32>, vector<8x1xi32> -> vector<8x4096xi32>
      %slice3A_555 = vector.extract_strided_slice %select_n3A_517 {offsets = [0, 4095], sizes = [8, 1], strides = [1, 1]} : vector<8x4096xi32> to vector<8x1xi32>
      %slice3A_556 = vector.extract_strided_slice %select_n3A_517 {offsets = [0, 0], sizes = [8, 4095], strides = [1, 1]} : vector<8x4096xi32> to vector<8x4095xi32>
      %concatenate3A_557 = tpu.concatenate %slice3A_555, %slice3A_556 in 1 : vector<8x1xi32>, vector<8x4095xi32> -> vector<8x4096xi32>
      %select_n3A_558 = arith.select %eq3A_544, %concatenate3A_554, %concatenate3A_557 : vector<8x4096xi1>, vector<8x4096xi32>
      %gt3A_559 = arith.cmpi sgt, %select_n3A_516, %select_n3A_551 : vector<8x4096xi32>
      %eq3A_560 = arith.cmpi eq, %select_n3A_516, %select_n3A_551 : vector<8x4096xi32>
      %lt3A_561 = arith.cmpi slt, %select_n3A_517, %select_n3A_558 : vector<8x4096xi32>
      %and3A_562 = arith.andi %eq3A_560, %lt3A_561 : vector<8x4096xi1>
      %or3A_563 = arith.ori %gt3A_559, %and3A_562 : vector<8x4096xi1>
      %and3A_564 = arith.andi %or3A_537, %or3A_563 : vector<8x4096xi1>
      %not3A_565 = arith.constant dense<true> : vector<8x4096xi1>
      %not3A_566 = arith.xori %or3A_537, %not3A_565 : vector<8x4096xi1>
      %not3A_567 = arith.constant dense<true> : vector<8x4096xi1>
      %not3A_568 = arith.xori %or3A_563, %not3A_567 : vector<8x4096xi1>
      %and3A_569 = arith.andi %not3A_566, %not3A_568 : vector<8x4096xi1>
      %or3A_570 = arith.ori %and3A_564, %and3A_569 : vector<8x4096xi1>
      %select_n3A_571 = arith.select %or3A_570, %select_n3A_516, %select_n3A_551 : vector<8x4096xi1>, vector<8x4096xi32>
      %select_n3A_572 = arith.select %or3A_570, %select_n3A_517, %select_n3A_558 : vector<8x4096xi1>, vector<8x4096xi32>
      %iota3A_573 = tpu.iota {dimensions = array<i32: 1>} : vector<8x4096xi32>
      %and3A_574 = arith.constant 16 : i32
      %and3A_575 = vector.broadcast %and3A_574 : i32 to vector<8x4096xi32>
      %and3A_576 = arith.andi %iota3A_573, %and3A_575 : vector<8x4096xi32>
      %eq3A_577 = arith.constant 0 : i32
      %eq3A_578 = vector.broadcast %eq3A_577 : i32 to vector<8x4096xi32>
      %eq3A_579 = arith.cmpi eq, %and3A_576, %eq3A_578 : vector<8x4096xi32>
      %and3A_580 = arith.constant 32 : i32
      %and3A_581 = vector.broadcast %and3A_580 : i32 to vector<8x4096xi32>
      %and3A_582 = arith.andi %iota3A_573, %and3A_581 : vector<8x4096xi32>
      %eq3A_583 = arith.constant 0 : i32
      %eq3A_584 = vector.broadcast %eq3A_583 : i32 to vector<8x4096xi32>
      %eq3A_585 = arith.cmpi eq, %and3A_582, %eq3A_584 : vector<8x4096xi32>
      %and3A_586 = arith.andi %eq3A_579, %eq3A_585 : vector<8x4096xi1>
      %not3A_587 = arith.constant dense<true> : vector<8x4096xi1>
      %not3A_588 = arith.xori %eq3A_579, %not3A_587 : vector<8x4096xi1>
      %not3A_589 = arith.constant dense<true> : vector<8x4096xi1>
      %not3A_590 = arith.xori %eq3A_585, %not3A_589 : vector<8x4096xi1>
      %and3A_591 = arith.andi %not3A_588, %not3A_590 : vector<8x4096xi1>
      %or3A_592 = arith.ori %and3A_586, %and3A_591 : vector<8x4096xi1>
      %iota3A_593 = tpu.iota {dimensions = array<i32: 1>} : vector<8x4096xi32>
      %and3A_594 = arith.constant 16 : i32
      %and3A_595 = vector.broadcast %and3A_594 : i32 to vector<8x4096xi32>
      %and3A_596 = arith.andi %iota3A_593, %and3A_595 : vector<8x4096xi32>
      %eq3A_597 = arith.constant 0 : i32
      %eq3A_598 = vector.broadcast %eq3A_597 : i32 to vector<8x4096xi32>
      %eq3A_599 = arith.cmpi eq, %and3A_596, %eq3A_598 : vector<8x4096xi32>
      %slice3A_600 = vector.extract_strided_slice %select_n3A_571 {offsets = [0, 16], sizes = [8, 4080], strides = [1, 1]} : vector<8x4096xi32> to vector<8x4080xi32>
      %slice3A_601 = vector.extract_strided_slice %select_n3A_571 {offsets = [0, 0], sizes = [8, 16], strides = [1, 1]} : vector<8x4096xi32> to vector<8x16xi32>
      %concatenate3A_602 = tpu.concatenate %slice3A_600, %slice3A_601 in 1 : vector<8x4080xi32>, vector<8x16xi32> -> vector<8x4096xi32>
      %slice3A_603 = vector.extract_strided_slice %select_n3A_571 {offsets = [0, 4080], sizes = [8, 16], strides = [1, 1]} : vector<8x4096xi32> to vector<8x16xi32>
      %slice3A_604 = vector.extract_strided_slice %select_n3A_571 {offsets = [0, 0], sizes = [8, 4080], strides = [1, 1]} : vector<8x4096xi32> to vector<8x4080xi32>
      %concatenate3A_605 = tpu.concatenate %slice3A_603, %slice3A_604 in 1 : vector<8x16xi32>, vector<8x4080xi32> -> vector<8x4096xi32>
      %select_n3A_606 = arith.select %eq3A_599, %concatenate3A_602, %concatenate3A_605 : vector<8x4096xi1>, vector<8x4096xi32>
      %slice3A_607 = vector.extract_strided_slice %select_n3A_572 {offsets = [0, 16], sizes = [8, 4080], strides = [1, 1]} : vector<8x4096xi32> to vector<8x4080xi32>
      %slice3A_608 = vector.extract_strided_slice %select_n3A_572 {offsets = [0, 0], sizes = [8, 16], strides = [1, 1]} : vector<8x4096xi32> to vector<8x16xi32>
      %concatenate3A_609 = tpu.concatenate %slice3A_607, %slice3A_608 in 1 : vector<8x4080xi32>, vector<8x16xi32> -> vector<8x4096xi32>
      %slice3A_610 = vector.extract_strided_slice %select_n3A_572 {offsets = [0, 4080], sizes = [8, 16], strides = [1, 1]} : vector<8x4096xi32> to vector<8x16xi32>
      %slice3A_611 = vector.extract_strided_slice %select_n3A_572 {offsets = [0, 0], sizes = [8, 4080], strides = [1, 1]} : vector<8x4096xi32> to vector<8x4080xi32>
      %concatenate3A_612 = tpu.concatenate %slice3A_610, %slice3A_611 in 1 : vector<8x16xi32>, vector<8x4080xi32> -> vector<8x4096xi32>
      %select_n3A_613 = arith.select %eq3A_599, %concatenate3A_609, %concatenate3A_612 : vector<8x4096xi1>, vector<8x4096xi32>
      %gt3A_614 = arith.cmpi sgt, %select_n3A_571, %select_n3A_606 : vector<8x4096xi32>
      %eq3A_615 = arith.cmpi eq, %select_n3A_571, %select_n3A_606 : vector<8x4096xi32>
      %lt3A_616 = arith.cmpi slt, %select_n3A_572, %select_n3A_613 : vector<8x4096xi32>
      %and3A_617 = arith.andi %eq3A_615, %lt3A_616 : vector<8x4096xi1>
      %or3A_618 = arith.ori %gt3A_614, %and3A_617 : vector<8x4096xi1>
      %and3A_619 = arith.andi %or3A_592, %or3A_618 : vector<8x4096xi1>
      %not3A_620 = arith.constant dense<true> : vector<8x4096xi1>
      %not3A_621 = arith.xori %or3A_592, %not3A_620 : vector<8x4096xi1>
      %not3A_622 = arith.constant dense<true> : vector<8x4096xi1>
      %not3A_623 = arith.xori %or3A_618, %not3A_622 : vector<8x4096xi1>
      %and3A_624 = arith.andi %not3A_621, %not3A_623 : vector<8x4096xi1>
      %or3A_625 = arith.ori %and3A_619, %and3A_624 : vector<8x4096xi1>
      %select_n3A_626 = arith.select %or3A_625, %select_n3A_571, %select_n3A_606 : vector<8x4096xi1>, vector<8x4096xi32>
      %select_n3A_627 = arith.select %or3A_625, %select_n3A_572, %select_n3A_613 : vector<8x4096xi1>, vector<8x4096xi32>
      %iota3A_628 = tpu.iota {dimensions = array<i32: 1>} : vector<8x4096xi32>
      %and3A_629 = arith.constant 8 : i32
      %and3A_630 = vector.broadcast %and3A_629 : i32 to vector<8x4096xi32>
      %and3A_631 = arith.andi %iota3A_628, %and3A_630 : vector<8x4096xi32>
      %eq3A_632 = arith.constant 0 : i32
      %eq3A_633 = vector.broadcast %eq3A_632 : i32 to vector<8x4096xi32>
      %eq3A_634 = arith.cmpi eq, %and3A_631, %eq3A_633 : vector<8x4096xi32>
      %and3A_635 = arith.constant 32 : i32
      %and3A_636 = vector.broadcast %and3A_635 : i32 to vector<8x4096xi32>
      %and3A_637 = arith.andi %iota3A_628, %and3A_636 : vector<8x4096xi32>
      %eq3A_638 = arith.constant 0 : i32
      %eq3A_639 = vector.broadcast %eq3A_638 : i32 to vector<8x4096xi32>
      %eq3A_640 = arith.cmpi eq, %and3A_637, %eq3A_639 : vector<8x4096xi32>
      %and3A_641 = arith.andi %eq3A_634, %eq3A_640 : vector<8x4096xi1>
      %not3A_642 = arith.constant dense<true> : vector<8x4096xi1>
      %not3A_643 = arith.xori %eq3A_634, %not3A_642 : vector<8x4096xi1>
      %not3A_644 = arith.constant dense<true> : vector<8x4096xi1>
      %not3A_645 = arith.xori %eq3A_640, %not3A_644 : vector<8x4096xi1>
      %and3A_646 = arith.andi %not3A_643, %not3A_645 : vector<8x4096xi1>
      %or3A_647 = arith.ori %and3A_641, %and3A_646 : vector<8x4096xi1>
      %iota3A_648 = tpu.iota {dimensions = array<i32: 1>} : vector<8x4096xi32>
      %and3A_649 = arith.constant 8 : i32
      %and3A_650 = vector.broadcast %and3A_649 : i32 to vector<8x4096xi32>
      %and3A_651 = arith.andi %iota3A_648, %and3A_650 : vector<8x4096xi32>
      %eq3A_652 = arith.constant 0 : i32
      %eq3A_653 = vector.broadcast %eq3A_652 : i32 to vector<8x4096xi32>
      %eq3A_654 = arith.cmpi eq, %and3A_651, %eq3A_653 : vector<8x4096xi32>
      %slice3A_655 = vector.extract_strided_slice %select_n3A_626 {offsets = [0, 8], sizes = [8, 4088], strides = [1, 1]} : vector<8x4096xi32> to vector<8x4088xi32>
      %slice3A_656 = vector.extract_strided_slice %select_n3A_626 {offsets = [0, 0], sizes = [8, 8], strides = [1, 1]} : vector<8x4096xi32> to vector<8x8xi32>
      %concatenate3A_657 = tpu.concatenate %slice3A_655, %slice3A_656 in 1 : vector<8x4088xi32>, vector<8x8xi32> -> vector<8x4096xi32>
      %slice3A_658 = vector.extract_strided_slice %select_n3A_626 {offsets = [0, 4088], sizes = [8, 8], strides = [1, 1]} : vector<8x4096xi32> to vector<8x8xi32>
      %slice3A_659 = vector.extract_strided_slice %select_n3A_626 {offsets = [0, 0], sizes = [8, 4088], strides = [1, 1]} : vector<8x4096xi32> to vector<8x4088xi32>
      %concatenate3A_660 = tpu.concatenate %slice3A_658, %slice3A_659 in 1 : vector<8x8xi32>, vector<8x4088xi32> -> vector<8x4096xi32>
      %select_n3A_661 = arith.select %eq3A_654, %concatenate3A_657, %concatenate3A_660 : vector<8x4096xi1>, vector<8x4096xi32>
      %slice3A_662 = vector.extract_strided_slice %select_n3A_627 {offsets = [0, 8], sizes = [8, 4088], strides = [1, 1]} : vector<8x4096xi32> to vector<8x4088xi32>
      %slice3A_663 = vector.extract_strided_slice %select_n3A_627 {offsets = [0, 0], sizes = [8, 8], strides = [1, 1]} : vector<8x4096xi32> to vector<8x8xi32>
      %concatenate3A_664 = tpu.concatenate %slice3A_662, %slice3A_663 in 1 : vector<8x4088xi32>, vector<8x8xi32> -> vector<8x4096xi32>
      %slice3A_665 = vector.extract_strided_slice %select_n3A_627 {offsets = [0, 4088], sizes = [8, 8], strides = [1, 1]} : vector<8x4096xi32> to vector<8x8xi32>
      %slice3A_666 = vector.extract_strided_slice %select_n3A_627 {offsets = [0, 0], sizes = [8, 4088], strides = [1, 1]} : vector<8x4096xi32> to vector<8x4088xi32>
      %concatenate3A_667 = tpu.concatenate %slice3A_665, %slice3A_666 in 1 : vector<8x8xi32>, vector<8x4088xi32> -> vector<8x4096xi32>
      %select_n3A_668 = arith.select %eq3A_654, %concatenate3A_664, %concatenate3A_667 : vector<8x4096xi1>, vector<8x4096xi32>
      %gt3A_669 = arith.cmpi sgt, %select_n3A_626, %select_n3A_661 : vector<8x4096xi32>
      %eq3A_670 = arith.cmpi eq, %select_n3A_626, %select_n3A_661 : vector<8x4096xi32>
      %lt3A_671 = arith.cmpi slt, %select_n3A_627, %select_n3A_668 : vector<8x4096xi32>
      %and3A_672 = arith.andi %eq3A_670, %lt3A_671 : vector<8x4096xi1>
      %or3A_673 = arith.ori %gt3A_669, %and3A_672 : vector<8x4096xi1>
      %and3A_674 = arith.andi %or3A_647, %or3A_673 : vector<8x4096xi1>
      %not3A_675 = arith.constant dense<true> : vector<8x4096xi1>
      %not3A_676 = arith.xori %or3A_647, %not3A_675 : vector<8x4096xi1>
      %not3A_677 = arith.constant dense<true> : vector<8x4096xi1>
      %not3A_678 = arith.xori %or3A_673, %not3A_677 : vector<8x4096xi1>
      %and3A_679 = arith.andi %not3A_676, %not3A_678 : vector<8x4096xi1>
      %or3A_680 = arith.ori %and3A_674, %and3A_679 : vector<8x4096xi1>
      %select_n3A_681 = arith.select %or3A_680, %select_n3A_626, %select_n3A_661 : vector<8x4096xi1>, vector<8x4096xi32>
      %select_n3A_682 = arith.select %or3A_680, %select_n3A_627, %select_n3A_668 : vector<8x4096xi1>, vector<8x4096xi32>
      %iota3A_683 = tpu.iota {dimensions = array<i32: 1>} : vector<8x4096xi32>
      %and3A_684 = arith.constant 4 : i32
      %and3A_685 = vector.broadcast %and3A_684 : i32 to vector<8x4096xi32>
      %and3A_686 = arith.andi %iota3A_683, %and3A_685 : vector<8x4096xi32>
      %eq3A_687 = arith.constant 0 : i32
      %eq3A_688 = vector.broadcast %eq3A_687 : i32 to vector<8x4096xi32>
      %eq3A_689 = arith.cmpi eq, %and3A_686, %eq3A_688 : vector<8x4096xi32>
      %and3A_690 = arith.constant 32 : i32
      %and3A_691 = vector.broadcast %and3A_690 : i32 to vector<8x4096xi32>
      %and3A_692 = arith.andi %iota3A_683, %and3A_691 : vector<8x4096xi32>
      %eq3A_693 = arith.constant 0 : i32
      %eq3A_694 = vector.broadcast %eq3A_693 : i32 to vector<8x4096xi32>
      %eq3A_695 = arith.cmpi eq, %and3A_692, %eq3A_694 : vector<8x4096xi32>
      %and3A_696 = arith.andi %eq3A_689, %eq3A_695 : vector<8x4096xi1>
      %not3A_697 = arith.constant dense<true> : vector<8x4096xi1>
      %not3A_698 = arith.xori %eq3A_689, %not3A_697 : vector<8x4096xi1>
      %not3A_699 = arith.constant dense<true> : vector<8x4096xi1>
      %not3A_700 = arith.xori %eq3A_695, %not3A_699 : vector<8x4096xi1>
      %and3A_701 = arith.andi %not3A_698, %not3A_700 : vector<8x4096xi1>
      %or3A_702 = arith.ori %and3A_696, %and3A_701 : vector<8x4096xi1>
      %iota3A_703 = tpu.iota {dimensions = array<i32: 1>} : vector<8x4096xi32>
      %and3A_704 = arith.constant 4 : i32
      %and3A_705 = vector.broadcast %and3A_704 : i32 to vector<8x4096xi32>
      %and3A_706 = arith.andi %iota3A_703, %and3A_705 : vector<8x4096xi32>
      %eq3A_707 = arith.constant 0 : i32
      %eq3A_708 = vector.broadcast %eq3A_707 : i32 to vector<8x4096xi32>
      %eq3A_709 = arith.cmpi eq, %and3A_706, %eq3A_708 : vector<8x4096xi32>
      %slice3A_710 = vector.extract_strided_slice %select_n3A_681 {offsets = [0, 4], sizes = [8, 4092], strides = [1, 1]} : vector<8x4096xi32> to vector<8x4092xi32>
      %slice3A_711 = vector.extract_strided_slice %select_n3A_681 {offsets = [0, 0], sizes = [8, 4], strides = [1, 1]} : vector<8x4096xi32> to vector<8x4xi32>
      %concatenate3A_712 = tpu.concatenate %slice3A_710, %slice3A_711 in 1 : vector<8x4092xi32>, vector<8x4xi32> -> vector<8x4096xi32>
      %slice3A_713 = vector.extract_strided_slice %select_n3A_681 {offsets = [0, 4092], sizes = [8, 4], strides = [1, 1]} : vector<8x4096xi32> to vector<8x4xi32>
      %slice3A_714 = vector.extract_strided_slice %select_n3A_681 {offsets = [0, 0], sizes = [8, 4092], strides = [1, 1]} : vector<8x4096xi32> to vector<8x4092xi32>
      %concatenate3A_715 = tpu.concatenate %slice3A_713, %slice3A_714 in 1 : vector<8x4xi32>, vector<8x4092xi32> -> vector<8x4096xi32>
      %select_n3A_716 = arith.select %eq3A_709, %concatenate3A_712, %concatenate3A_715 : vector<8x4096xi1>, vector<8x4096xi32>
      %slice3A_717 = vector.extract_strided_slice %select_n3A_682 {offsets = [0, 4], sizes = [8, 4092], strides = [1, 1]} : vector<8x4096xi32> to vector<8x4092xi32>
      %slice3A_718 = vector.extract_strided_slice %select_n3A_682 {offsets = [0, 0], sizes = [8, 4], strides = [1, 1]} : vector<8x4096xi32> to vector<8x4xi32>
      %concatenate3A_719 = tpu.concatenate %slice3A_717, %slice3A_718 in 1 : vector<8x4092xi32>, vector<8x4xi32> -> vector<8x4096xi32>
      %slice3A_720 = vector.extract_strided_slice %select_n3A_682 {offsets = [0, 4092], sizes = [8, 4], strides = [1, 1]} : vector<8x4096xi32> to vector<8x4xi32>
      %slice3A_721 = vector.extract_strided_slice %select_n3A_682 {offsets = [0, 0], sizes = [8, 4092], strides = [1, 1]} : vector<8x4096xi32> to vector<8x4092xi32>
      %concatenate3A_722 = tpu.concatenate %slice3A_720, %slice3A_721 in 1 : vector<8x4xi32>, vector<8x4092xi32> -> vector<8x4096xi32>
      %select_n3A_723 = arith.select %eq3A_709, %concatenate3A_719, %concatenate3A_722 : vector<8x4096xi1>, vector<8x4096xi32>
      %gt3A_724 = arith.cmpi sgt, %select_n3A_681, %select_n3A_716 : vector<8x4096xi32>
      %eq3A_725 = arith.cmpi eq, %select_n3A_681, %select_n3A_716 : vector<8x4096xi32>
      %lt3A_726 = arith.cmpi slt, %select_n3A_682, %select_n3A_723 : vector<8x4096xi32>
      %and3A_727 = arith.andi %eq3A_725, %lt3A_726 : vector<8x4096xi1>
      %or3A_728 = arith.ori %gt3A_724, %and3A_727 : vector<8x4096xi1>
      %and3A_729 = arith.andi %or3A_702, %or3A_728 : vector<8x4096xi1>
      %not3A_730 = arith.constant dense<true> : vector<8x4096xi1>
      %not3A_731 = arith.xori %or3A_702, %not3A_730 : vector<8x4096xi1>
      %not3A_732 = arith.constant dense<true> : vector<8x4096xi1>
      %not3A_733 = arith.xori %or3A_728, %not3A_732 : vector<8x4096xi1>
      %and3A_734 = arith.andi %not3A_731, %not3A_733 : vector<8x4096xi1>
      %or3A_735 = arith.ori %and3A_729, %and3A_734 : vector<8x4096xi1>
      %select_n3A_736 = arith.select %or3A_735, %select_n3A_681, %select_n3A_716 : vector<8x4096xi1>, vector<8x4096xi32>
      %select_n3A_737 = arith.select %or3A_735, %select_n3A_682, %select_n3A_723 : vector<8x4096xi1>, vector<8x4096xi32>
      %iota3A_738 = tpu.iota {dimensions = array<i32: 1>} : vector<8x4096xi32>
      %and3A_739 = arith.constant 2 : i32
      %and3A_740 = vector.broadcast %and3A_739 : i32 to vector<8x4096xi32>
      %and3A_741 = arith.andi %iota3A_738, %and3A_740 : vector<8x4096xi32>
      %eq3A_742 = arith.constant 0 : i32
      %eq3A_743 = vector.broadcast %eq3A_742 : i32 to vector<8x4096xi32>
      %eq3A_744 = arith.cmpi eq, %and3A_741, %eq3A_743 : vector<8x4096xi32>
      %and3A_745 = arith.constant 32 : i32
      %and3A_746 = vector.broadcast %and3A_745 : i32 to vector<8x4096xi32>
      %and3A_747 = arith.andi %iota3A_738, %and3A_746 : vector<8x4096xi32>
      %eq3A_748 = arith.constant 0 : i32
      %eq3A_749 = vector.broadcast %eq3A_748 : i32 to vector<8x4096xi32>
      %eq3A_750 = arith.cmpi eq, %and3A_747, %eq3A_749 : vector<8x4096xi32>
      %and3A_751 = arith.andi %eq3A_744, %eq3A_750 : vector<8x4096xi1>
      %not3A_752 = arith.constant dense<true> : vector<8x4096xi1>
      %not3A_753 = arith.xori %eq3A_744, %not3A_752 : vector<8x4096xi1>
      %not3A_754 = arith.constant dense<true> : vector<8x4096xi1>
      %not3A_755 = arith.xori %eq3A_750, %not3A_754 : vector<8x4096xi1>
      %and3A_756 = arith.andi %not3A_753, %not3A_755 : vector<8x4096xi1>
      %or3A_757 = arith.ori %and3A_751, %and3A_756 : vector<8x4096xi1>
      %iota3A_758 = tpu.iota {dimensions = array<i32: 1>} : vector<8x4096xi32>
      %and3A_759 = arith.constant 2 : i32
      %and3A_760 = vector.broadcast %and3A_759 : i32 to vector<8x4096xi32>
      %and3A_761 = arith.andi %iota3A_758, %and3A_760 : vector<8x4096xi32>
      %eq3A_762 = arith.constant 0 : i32
      %eq3A_763 = vector.broadcast %eq3A_762 : i32 to vector<8x4096xi32>
      %eq3A_764 = arith.cmpi eq, %and3A_761, %eq3A_763 : vector<8x4096xi32>
      %slice3A_765 = vector.extract_strided_slice %select_n3A_736 {offsets = [0, 2], sizes = [8, 4094], strides = [1, 1]} : vector<8x4096xi32> to vector<8x4094xi32>
      %slice3A_766 = vector.extract_strided_slice %select_n3A_736 {offsets = [0, 0], sizes = [8, 2], strides = [1, 1]} : vector<8x4096xi32> to vector<8x2xi32>
      %concatenate3A_767 = tpu.concatenate %slice3A_765, %slice3A_766 in 1 : vector<8x4094xi32>, vector<8x2xi32> -> vector<8x4096xi32>
      %slice3A_768 = vector.extract_strided_slice %select_n3A_736 {offsets = [0, 4094], sizes = [8, 2], strides = [1, 1]} : vector<8x4096xi32> to vector<8x2xi32>
      %slice3A_769 = vector.extract_strided_slice %select_n3A_736 {offsets = [0, 0], sizes = [8, 4094], strides = [1, 1]} : vector<8x4096xi32> to vector<8x4094xi32>
      %concatenate3A_770 = tpu.concatenate %slice3A_768, %slice3A_769 in 1 : vector<8x2xi32>, vector<8x4094xi32> -> vector<8x4096xi32>
      %select_n3A_771 = arith.select %eq3A_764, %concatenate3A_767, %concatenate3A_770 : vector<8x4096xi1>, vector<8x4096xi32>
      %slice3A_772 = vector.extract_strided_slice %select_n3A_737 {offsets = [0, 2], sizes = [8, 4094], strides = [1, 1]} : vector<8x4096xi32> to vector<8x4094xi32>
      %slice3A_773 = vector.extract_strided_slice %select_n3A_737 {offsets = [0, 0], sizes = [8, 2], strides = [1, 1]} : vector<8x4096xi32> to vector<8x2xi32>
      %concatenate3A_774 = tpu.concatenate %slice3A_772, %slice3A_773 in 1 : vector<8x4094xi32>, vector<8x2xi32> -> vector<8x4096xi32>
      %slice3A_775 = vector.extract_strided_slice %select_n3A_737 {offsets = [0, 4094], sizes = [8, 2], strides = [1, 1]} : vector<8x4096xi32> to vector<8x2xi32>
      %slice3A_776 = vector.extract_strided_slice %select_n3A_737 {offsets = [0, 0], sizes = [8, 4094], strides = [1, 1]} : vector<8x4096xi32> to vector<8x4094xi32>
      %concatenate3A_777 = tpu.concatenate %slice3A_775, %slice3A_776 in 1 : vector<8x2xi32>, vector<8x4094xi32> -> vector<8x4096xi32>
      %select_n3A_778 = arith.select %eq3A_764, %concatenate3A_774, %concatenate3A_777 : vector<8x4096xi1>, vector<8x4096xi32>
      %gt3A_779 = arith.cmpi sgt, %select_n3A_736, %select_n3A_771 : vector<8x4096xi32>
      %eq3A_780 = arith.cmpi eq, %select_n3A_736, %select_n3A_771 : vector<8x4096xi32>
      %lt3A_781 = arith.cmpi slt, %select_n3A_737, %select_n3A_778 : vector<8x4096xi32>
      %and3A_782 = arith.andi %eq3A_780, %lt3A_781 : vector<8x4096xi1>
      %or3A_783 = arith.ori %gt3A_779, %and3A_782 : vector<8x4096xi1>
      %and3A_784 = arith.andi %or3A_757, %or3A_783 : vector<8x4096xi1>
      %not3A_785 = arith.constant dense<true> : vector<8x4096xi1>
      %not3A_786 = arith.xori %or3A_757, %not3A_785 : vector<8x4096xi1>
      %not3A_787 = arith.constant dense<true> : vector<8x4096xi1>
      %not3A_788 = arith.xori %or3A_783, %not3A_787 : vector<8x4096xi1>
      %and3A_789 = arith.andi %not3A_786, %not3A_788 : vector<8x4096xi1>
      %or3A_790 = arith.ori %and3A_784, %and3A_789 : vector<8x4096xi1>
      %select_n3A_791 = arith.select %or3A_790, %select_n3A_736, %select_n3A_771 : vector<8x4096xi1>, vector<8x4096xi32>
      %select_n3A_792 = arith.select %or3A_790, %select_n3A_737, %select_n3A_778 : vector<8x4096xi1>, vector<8x4096xi32>
      %iota3A_793 = tpu.iota {dimensions = array<i32: 1>} : vector<8x4096xi32>
      %and3A_794 = arith.constant 1 : i32
      %and3A_795 = vector.broadcast %and3A_794 : i32 to vector<8x4096xi32>
      %and3A_796 = arith.andi %iota3A_793, %and3A_795 : vector<8x4096xi32>
      %eq3A_797 = arith.constant 0 : i32
      %eq3A_798 = vector.broadcast %eq3A_797 : i32 to vector<8x4096xi32>
      %eq3A_799 = arith.cmpi eq, %and3A_796, %eq3A_798 : vector<8x4096xi32>
      %and3A_800 = arith.constant 32 : i32
      %and3A_801 = vector.broadcast %and3A_800 : i32 to vector<8x4096xi32>
      %and3A_802 = arith.andi %iota3A_793, %and3A_801 : vector<8x4096xi32>
      %eq3A_803 = arith.constant 0 : i32
      %eq3A_804 = vector.broadcast %eq3A_803 : i32 to vector<8x4096xi32>
      %eq3A_805 = arith.cmpi eq, %and3A_802, %eq3A_804 : vector<8x4096xi32>
      %and3A_806 = arith.andi %eq3A_799, %eq3A_805 : vector<8x4096xi1>
      %not3A_807 = arith.constant dense<true> : vector<8x4096xi1>
      %not3A_808 = arith.xori %eq3A_799, %not3A_807 : vector<8x4096xi1>
      %not3A_809 = arith.constant dense<true> : vector<8x4096xi1>
      %not3A_810 = arith.xori %eq3A_805, %not3A_809 : vector<8x4096xi1>
      %and3A_811 = arith.andi %not3A_808, %not3A_810 : vector<8x4096xi1>
      %or3A_812 = arith.ori %and3A_806, %and3A_811 : vector<8x4096xi1>
      %iota3A_813 = tpu.iota {dimensions = array<i32: 1>} : vector<8x4096xi32>
      %and3A_814 = arith.constant 1 : i32
      %and3A_815 = vector.broadcast %and3A_814 : i32 to vector<8x4096xi32>
      %and3A_816 = arith.andi %iota3A_813, %and3A_815 : vector<8x4096xi32>
      %eq3A_817 = arith.constant 0 : i32
      %eq3A_818 = vector.broadcast %eq3A_817 : i32 to vector<8x4096xi32>
      %eq3A_819 = arith.cmpi eq, %and3A_816, %eq3A_818 : vector<8x4096xi32>
      %slice3A_820 = vector.extract_strided_slice %select_n3A_791 {offsets = [0, 1], sizes = [8, 4095], strides = [1, 1]} : vector<8x4096xi32> to vector<8x4095xi32>
      %slice3A_821 = vector.extract_strided_slice %select_n3A_791 {offsets = [0, 0], sizes = [8, 1], strides = [1, 1]} : vector<8x4096xi32> to vector<8x1xi32>
      %concatenate3A_822 = tpu.concatenate %slice3A_820, %slice3A_821 in 1 : vector<8x4095xi32>, vector<8x1xi32> -> vector<8x4096xi32>
      %slice3A_823 = vector.extract_strided_slice %select_n3A_791 {offsets = [0, 4095], sizes = [8, 1], strides = [1, 1]} : vector<8x4096xi32> to vector<8x1xi32>
      %slice3A_824 = vector.extract_strided_slice %select_n3A_791 {offsets = [0, 0], sizes = [8, 4095], strides = [1, 1]} : vector<8x4096xi32> to vector<8x4095xi32>
      %concatenate3A_825 = tpu.concatenate %slice3A_823, %slice3A_824 in 1 : vector<8x1xi32>, vector<8x4095xi32> -> vector<8x4096xi32>
      %select_n3A_826 = arith.select %eq3A_819, %concatenate3A_822, %concatenate3A_825 : vector<8x4096xi1>, vector<8x4096xi32>
      %slice3A_827 = vector.extract_strided_slice %select_n3A_792 {offsets = [0, 1], sizes = [8, 4095], strides = [1, 1]} : vector<8x4096xi32> to vector<8x4095xi32>
      %slice3A_828 = vector.extract_strided_slice %select_n3A_792 {offsets = [0, 0], sizes = [8, 1], strides = [1, 1]} : vector<8x4096xi32> to vector<8x1xi32>
      %concatenate3A_829 = tpu.concatenate %slice3A_827, %slice3A_828 in 1 : vector<8x4095xi32>, vector<8x1xi32> -> vector<8x4096xi32>
      %slice3A_830 = vector.extract_strided_slice %select_n3A_792 {offsets = [0, 4095], sizes = [8, 1], strides = [1, 1]} : vector<8x4096xi32> to vector<8x1xi32>
      %slice3A_831 = vector.extract_strided_slice %select_n3A_792 {offsets = [0, 0], sizes = [8, 4095], strides = [1, 1]} : vector<8x4096xi32> to vector<8x4095xi32>
      %concatenate3A_832 = tpu.concatenate %slice3A_830, %slice3A_831 in 1 : vector<8x1xi32>, vector<8x4095xi32> -> vector<8x4096xi32>
      %select_n3A_833 = arith.select %eq3A_819, %concatenate3A_829, %concatenate3A_832 : vector<8x4096xi1>, vector<8x4096xi32>
      %gt3A_834 = arith.cmpi sgt, %select_n3A_791, %select_n3A_826 : vector<8x4096xi32>
      %eq3A_835 = arith.cmpi eq, %select_n3A_791, %select_n3A_826 : vector<8x4096xi32>
      %lt3A_836 = arith.cmpi slt, %select_n3A_792, %select_n3A_833 : vector<8x4096xi32>
      %and3A_837 = arith.andi %eq3A_835, %lt3A_836 : vector<8x4096xi1>
      %or3A_838 = arith.ori %gt3A_834, %and3A_837 : vector<8x4096xi1>
      %and3A_839 = arith.andi %or3A_812, %or3A_838 : vector<8x4096xi1>
      %not3A_840 = arith.constant dense<true> : vector<8x4096xi1>
      %not3A_841 = arith.xori %or3A_812, %not3A_840 : vector<8x4096xi1>
      %not3A_842 = arith.constant dense<true> : vector<8x4096xi1>
      %not3A_843 = arith.xori %or3A_838, %not3A_842 : vector<8x4096xi1>
      %and3A_844 = arith.andi %not3A_841, %not3A_843 : vector<8x4096xi1>
      %or3A_845 = arith.ori %and3A_839, %and3A_844 : vector<8x4096xi1>
      %select_n3A_846 = arith.select %or3A_845, %select_n3A_791, %select_n3A_826 : vector<8x4096xi1>, vector<8x4096xi32>
      %select_n3A_847 = arith.select %or3A_845, %select_n3A_792, %select_n3A_833 : vector<8x4096xi1>, vector<8x4096xi32>
      %iota3A_848 = tpu.iota {dimensions = array<i32: 1>} : vector<8x4096xi32>
      %and3A_849 = arith.constant 32 : i32
      %and3A_850 = vector.broadcast %and3A_849 : i32 to vector<8x4096xi32>
      %and3A_851 = arith.andi %iota3A_848, %and3A_850 : vector<8x4096xi32>
      %eq3A_852 = arith.constant 0 : i32
      %eq3A_853 = vector.broadcast %eq3A_852 : i32 to vector<8x4096xi32>
      %eq3A_854 = arith.cmpi eq, %and3A_851, %eq3A_853 : vector<8x4096xi32>
      %and3A_855 = arith.constant 64 : i32
      %and3A_856 = vector.broadcast %and3A_855 : i32 to vector<8x4096xi32>
      %and3A_857 = arith.andi %iota3A_848, %and3A_856 : vector<8x4096xi32>
      %eq3A_858 = arith.constant 0 : i32
      %eq3A_859 = vector.broadcast %eq3A_858 : i32 to vector<8x4096xi32>
      %eq3A_860 = arith.cmpi eq, %and3A_857, %eq3A_859 : vector<8x4096xi32>
      %and3A_861 = arith.andi %eq3A_854, %eq3A_860 : vector<8x4096xi1>
      %not3A_862 = arith.constant dense<true> : vector<8x4096xi1>
      %not3A_863 = arith.xori %eq3A_854, %not3A_862 : vector<8x4096xi1>
      %not3A_864 = arith.constant dense<true> : vector<8x4096xi1>
      %not3A_865 = arith.xori %eq3A_860, %not3A_864 : vector<8x4096xi1>
      %and3A_866 = arith.andi %not3A_863, %not3A_865 : vector<8x4096xi1>
      %or3A_867 = arith.ori %and3A_861, %and3A_866 : vector<8x4096xi1>
      %iota3A_868 = tpu.iota {dimensions = array<i32: 1>} : vector<8x4096xi32>
      %and3A_869 = arith.constant 32 : i32
      %and3A_870 = vector.broadcast %and3A_869 : i32 to vector<8x4096xi32>
      %and3A_871 = arith.andi %iota3A_868, %and3A_870 : vector<8x4096xi32>
      %eq3A_872 = arith.constant 0 : i32
      %eq3A_873 = vector.broadcast %eq3A_872 : i32 to vector<8x4096xi32>
      %eq3A_874 = arith.cmpi eq, %and3A_871, %eq3A_873 : vector<8x4096xi32>
      %slice3A_875 = vector.extract_strided_slice %select_n3A_846 {offsets = [0, 32], sizes = [8, 4064], strides = [1, 1]} : vector<8x4096xi32> to vector<8x4064xi32>
      %slice3A_876 = vector.extract_strided_slice %select_n3A_846 {offsets = [0, 0], sizes = [8, 32], strides = [1, 1]} : vector<8x4096xi32> to vector<8x32xi32>
      %concatenate3A_877 = tpu.concatenate %slice3A_875, %slice3A_876 in 1 : vector<8x4064xi32>, vector<8x32xi32> -> vector<8x4096xi32>
      %slice3A_878 = vector.extract_strided_slice %select_n3A_846 {offsets = [0, 4064], sizes = [8, 32], strides = [1, 1]} : vector<8x4096xi32> to vector<8x32xi32>
      %slice3A_879 = vector.extract_strided_slice %select_n3A_846 {offsets = [0, 0], sizes = [8, 4064], strides = [1, 1]} : vector<8x4096xi32> to vector<8x4064xi32>
      %concatenate3A_880 = tpu.concatenate %slice3A_878, %slice3A_879 in 1 : vector<8x32xi32>, vector<8x4064xi32> -> vector<8x4096xi32>
      %select_n3A_881 = arith.select %eq3A_874, %concatenate3A_877, %concatenate3A_880 : vector<8x4096xi1>, vector<8x4096xi32>
      %slice3A_882 = vector.extract_strided_slice %select_n3A_847 {offsets = [0, 32], sizes = [8, 4064], strides = [1, 1]} : vector<8x4096xi32> to vector<8x4064xi32>
      %slice3A_883 = vector.extract_strided_slice %select_n3A_847 {offsets = [0, 0], sizes = [8, 32], strides = [1, 1]} : vector<8x4096xi32> to vector<8x32xi32>
      %concatenate3A_884 = tpu.concatenate %slice3A_882, %slice3A_883 in 1 : vector<8x4064xi32>, vector<8x32xi32> -> vector<8x4096xi32>
      %slice3A_885 = vector.extract_strided_slice %select_n3A_847 {offsets = [0, 4064], sizes = [8, 32], strides = [1, 1]} : vector<8x4096xi32> to vector<8x32xi32>
      %slice3A_886 = vector.extract_strided_slice %select_n3A_847 {offsets = [0, 0], sizes = [8, 4064], strides = [1, 1]} : vector<8x4096xi32> to vector<8x4064xi32>
      %concatenate3A_887 = tpu.concatenate %slice3A_885, %slice3A_886 in 1 : vector<8x32xi32>, vector<8x4064xi32> -> vector<8x4096xi32>
      %select_n3A_888 = arith.select %eq3A_874, %concatenate3A_884, %concatenate3A_887 : vector<8x4096xi1>, vector<8x4096xi32>
      %gt3A_889 = arith.cmpi sgt, %select_n3A_846, %select_n3A_881 : vector<8x4096xi32>
      %eq3A_890 = arith.cmpi eq, %select_n3A_846, %select_n3A_881 : vector<8x4096xi32>
      %lt3A_891 = arith.cmpi slt, %select_n3A_847, %select_n3A_888 : vector<8x4096xi32>
      %and3A_892 = arith.andi %eq3A_890, %lt3A_891 : vector<8x4096xi1>
      %or3A_893 = arith.ori %gt3A_889, %and3A_892 : vector<8x4096xi1>
      %and3A_894 = arith.andi %or3A_867, %or3A_893 : vector<8x4096xi1>
      %not3A_895 = arith.constant dense<true> : vector<8x4096xi1>
      %not3A_896 = arith.xori %or3A_867, %not3A_895 : vector<8x4096xi1>
      %not3A_897 = arith.constant dense<true> : vector<8x4096xi1>
      %not3A_898 = arith.xori %or3A_893, %not3A_897 : vector<8x4096xi1>
      %and3A_899 = arith.andi %not3A_896, %not3A_898 : vector<8x4096xi1>
      %or3A_900 = arith.ori %and3A_894, %and3A_899 : vector<8x4096xi1>
      %select_n3A_901 = arith.select %or3A_900, %select_n3A_846, %select_n3A_881 : vector<8x4096xi1>, vector<8x4096xi32>
      %select_n3A_902 = arith.select %or3A_900, %select_n3A_847, %select_n3A_888 : vector<8x4096xi1>, vector<8x4096xi32>
      %iota3A_903 = tpu.iota {dimensions = array<i32: 1>} : vector<8x4096xi32>
      %and3A_904 = arith.constant 16 : i32
      %and3A_905 = vector.broadcast %and3A_904 : i32 to vector<8x4096xi32>
      %and3A_906 = arith.andi %iota3A_903, %and3A_905 : vector<8x4096xi32>
      %eq3A_907 = arith.constant 0 : i32
      %eq3A_908 = vector.broadcast %eq3A_907 : i32 to vector<8x4096xi32>
      %eq3A_909 = arith.cmpi eq, %and3A_906, %eq3A_908 : vector<8x4096xi32>
      %and3A_910 = arith.constant 64 : i32
      %and3A_911 = vector.broadcast %and3A_910 : i32 to vector<8x4096xi32>
      %and3A_912 = arith.andi %iota3A_903, %and3A_911 : vector<8x4096xi32>
      %eq3A_913 = arith.constant 0 : i32
      %eq3A_914 = vector.broadcast %eq3A_913 : i32 to vector<8x4096xi32>
      %eq3A_915 = arith.cmpi eq, %and3A_912, %eq3A_914 : vector<8x4096xi32>
      %and3A_916 = arith.andi %eq3A_909, %eq3A_915 : vector<8x4096xi1>
      %not3A_917 = arith.constant dense<true> : vector<8x4096xi1>
      %not3A_918 = arith.xori %eq3A_909, %not3A_917 : vector<8x4096xi1>
      %not3A_919 = arith.constant dense<true> : vector<8x4096xi1>
      %not3A_920 = arith.xori %eq3A_915, %not3A_919 : vector<8x4096xi1>
      %and3A_921 = arith.andi %not3A_918, %not3A_920 : vector<8x4096xi1>
      %or3A_922 = arith.ori %and3A_916, %and3A_921 : vector<8x4096xi1>
      %iota3A_923 = tpu.iota {dimensions = array<i32: 1>} : vector<8x4096xi32>
      %and3A_924 = arith.constant 16 : i32
      %and3A_925 = vector.broadcast %and3A_924 : i32 to vector<8x4096xi32>
      %and3A_926 = arith.andi %iota3A_923, %and3A_925 : vector<8x4096xi32>
      %eq3A_927 = arith.constant 0 : i32
      %eq3A_928 = vector.broadcast %eq3A_927 : i32 to vector<8x4096xi32>
      %eq3A_929 = arith.cmpi eq, %and3A_926, %eq3A_928 : vector<8x4096xi32>
      %slice3A_930 = vector.extract_strided_slice %select_n3A_901 {offsets = [0, 16], sizes = [8, 4080], strides = [1, 1]} : vector<8x4096xi32> to vector<8x4080xi32>
      %slice3A_931 = vector.extract_strided_slice %select_n3A_901 {offsets = [0, 0], sizes = [8, 16], strides = [1, 1]} : vector<8x4096xi32> to vector<8x16xi32>
      %concatenate3A_932 = tpu.concatenate %slice3A_930, %slice3A_931 in 1 : vector<8x4080xi32>, vector<8x16xi32> -> vector<8x4096xi32>
      %slice3A_933 = vector.extract_strided_slice %select_n3A_901 {offsets = [0, 4080], sizes = [8, 16], strides = [1, 1]} : vector<8x4096xi32> to vector<8x16xi32>
      %slice3A_934 = vector.extract_strided_slice %select_n3A_901 {offsets = [0, 0], sizes = [8, 4080], strides = [1, 1]} : vector<8x4096xi32> to vector<8x4080xi32>
      %concatenate3A_935 = tpu.concatenate %slice3A_933, %slice3A_934 in 1 : vector<8x16xi32>, vector<8x4080xi32> -> vector<8x4096xi32>
      %select_n3A_936 = arith.select %eq3A_929, %concatenate3A_932, %concatenate3A_935 : vector<8x4096xi1>, vector<8x4096xi32>
      %slice3A_937 = vector.extract_strided_slice %select_n3A_902 {offsets = [0, 16], sizes = [8, 4080], strides = [1, 1]} : vector<8x4096xi32> to vector<8x4080xi32>
      %slice3A_938 = vector.extract_strided_slice %select_n3A_902 {offsets = [0, 0], sizes = [8, 16], strides = [1, 1]} : vector<8x4096xi32> to vector<8x16xi32>
      %concatenate3A_939 = tpu.concatenate %slice3A_937, %slice3A_938 in 1 : vector<8x4080xi32>, vector<8x16xi32> -> vector<8x4096xi32>
      %slice3A_940 = vector.extract_strided_slice %select_n3A_902 {offsets = [0, 4080], sizes = [8, 16], strides = [1, 1]} : vector<8x4096xi32> to vector<8x16xi32>
      %slice3A_941 = vector.extract_strided_slice %select_n3A_902 {offsets = [0, 0], sizes = [8, 4080], strides = [1, 1]} : vector<8x4096xi32> to vector<8x4080xi32>
      %concatenate3A_942 = tpu.concatenate %slice3A_940, %slice3A_941 in 1 : vector<8x16xi32>, vector<8x4080xi32> -> vector<8x4096xi32>
      %select_n3A_943 = arith.select %eq3A_929, %concatenate3A_939, %concatenate3A_942 : vector<8x4096xi1>, vector<8x4096xi32>
      %gt3A_944 = arith.cmpi sgt, %select_n3A_901, %select_n3A_936 : vector<8x4096xi32>
      %eq3A_945 = arith.cmpi eq, %select_n3A_901, %select_n3A_936 : vector<8x4096xi32>
      %lt3A_946 = arith.cmpi slt, %select_n3A_902, %select_n3A_943 : vector<8x4096xi32>
      %and3A_947 = arith.andi %eq3A_945, %lt3A_946 : vector<8x4096xi1>
      %or3A_948 = arith.ori %gt3A_944, %and3A_947 : vector<8x4096xi1>
      %and3A_949 = arith.andi %or3A_922, %or3A_948 : vector<8x4096xi1>
      %not3A_950 = arith.constant dense<true> : vector<8x4096xi1>
      %not3A_951 = arith.xori %or3A_922, %not3A_950 : vector<8x4096xi1>
      %not3A_952 = arith.constant dense<true> : vector<8x4096xi1>
      %not3A_953 = arith.xori %or3A_948, %not3A_952 : vector<8x4096xi1>
      %and3A_954 = arith.andi %not3A_951, %not3A_953 : vector<8x4096xi1>
      %or3A_955 = arith.ori %and3A_949, %and3A_954 : vector<8x4096xi1>
      %select_n3A_956 = arith.select %or3A_955, %select_n3A_901, %select_n3A_936 : vector<8x4096xi1>, vector<8x4096xi32>
      %select_n3A_957 = arith.select %or3A_955, %select_n3A_902, %select_n3A_943 : vector<8x4096xi1>, vector<8x4096xi32>
      %iota3A_958 = tpu.iota {dimensions = array<i32: 1>} : vector<8x4096xi32>
      %and3A_959 = arith.constant 8 : i32
      %and3A_960 = vector.broadcast %and3A_959 : i32 to vector<8x4096xi32>
      %and3A_961 = arith.andi %iota3A_958, %and3A_960 : vector<8x4096xi32>
      %eq3A_962 = arith.constant 0 : i32
      %eq3A_963 = vector.broadcast %eq3A_962 : i32 to vector<8x4096xi32>
      %eq3A_964 = arith.cmpi eq, %and3A_961, %eq3A_963 : vector<8x4096xi32>
      %and3A_965 = arith.constant 64 : i32
      %and3A_966 = vector.broadcast %and3A_965 : i32 to vector<8x4096xi32>
      %and3A_967 = arith.andi %iota3A_958, %and3A_966 : vector<8x4096xi32>
      %eq3A_968 = arith.constant 0 : i32
      %eq3A_969 = vector.broadcast %eq3A_968 : i32 to vector<8x4096xi32>
      %eq3A_970 = arith.cmpi eq, %and3A_967, %eq3A_969 : vector<8x4096xi32>
      %and3A_971 = arith.andi %eq3A_964, %eq3A_970 : vector<8x4096xi1>
      %not3A_972 = arith.constant dense<true> : vector<8x4096xi1>
      %not3A_973 = arith.xori %eq3A_964, %not3A_972 : vector<8x4096xi1>
      %not3A_974 = arith.constant dense<true> : vector<8x4096xi1>
      %not3A_975 = arith.xori %eq3A_970, %not3A_974 : vector<8x4096xi1>
      %and3A_976 = arith.andi %not3A_973, %not3A_975 : vector<8x4096xi1>
      %or3A_977 = arith.ori %and3A_971, %and3A_976 : vector<8x4096xi1>
      %iota3A_978 = tpu.iota {dimensions = array<i32: 1>} : vector<8x4096xi32>
      %and3A_979 = arith.constant 8 : i32
      %and3A_980 = vector.broadcast %and3A_979 : i32 to vector<8x4096xi32>
      %and3A_981 = arith.andi %iota3A_978, %and3A_980 : vector<8x4096xi32>
      %eq3A_982 = arith.constant 0 : i32
      %eq3A_983 = vector.broadcast %eq3A_982 : i32 to vector<8x4096xi32>
      %eq3A_984 = arith.cmpi eq, %and3A_981, %eq3A_983 : vector<8x4096xi32>
      %slice3A_985 = vector.extract_strided_slice %select_n3A_956 {offsets = [0, 8], sizes = [8, 4088], strides = [1, 1]} : vector<8x4096xi32> to vector<8x4088xi32>
      %slice3A_986 = vector.extract_strided_slice %select_n3A_956 {offsets = [0, 0], sizes = [8, 8], strides = [1, 1]} : vector<8x4096xi32> to vector<8x8xi32>
      %concatenate3A_987 = tpu.concatenate %slice3A_985, %slice3A_986 in 1 : vector<8x4088xi32>, vector<8x8xi32> -> vector<8x4096xi32>
      %slice3A_988 = vector.extract_strided_slice %select_n3A_956 {offsets = [0, 4088], sizes = [8, 8], strides = [1, 1]} : vector<8x4096xi32> to vector<8x8xi32>
      %slice3A_989 = vector.extract_strided_slice %select_n3A_956 {offsets = [0, 0], sizes = [8, 4088], strides = [1, 1]} : vector<8x4096xi32> to vector<8x4088xi32>
      %concatenate3A_990 = tpu.concatenate %slice3A_988, %slice3A_989 in 1 : vector<8x8xi32>, vector<8x4088xi32> -> vector<8x4096xi32>
      %select_n3A_991 = arith.select %eq3A_984, %concatenate3A_987, %concatenate3A_990 : vector<8x4096xi1>, vector<8x4096xi32>
      %slice3A_992 = vector.extract_strided_slice %select_n3A_957 {offsets = [0, 8], sizes = [8, 4088], strides = [1, 1]} : vector<8x4096xi32> to vector<8x4088xi32>
      %slice3A_993 = vector.extract_strided_slice %select_n3A_957 {offsets = [0, 0], sizes = [8, 8], strides = [1, 1]} : vector<8x4096xi32> to vector<8x8xi32>
      %concatenate3A_994 = tpu.concatenate %slice3A_992, %slice3A_993 in 1 : vector<8x4088xi32>, vector<8x8xi32> -> vector<8x4096xi32>
      %slice3A_995 = vector.extract_strided_slice %select_n3A_957 {offsets = [0, 4088], sizes = [8, 8], strides = [1, 1]} : vector<8x4096xi32> to vector<8x8xi32>
      %slice3A_996 = vector.extract_strided_slice %select_n3A_957 {offsets = [0, 0], sizes = [8, 4088], strides = [1, 1]} : vector<8x4096xi32> to vector<8x4088xi32>
      %concatenate3A_997 = tpu.concatenate %slice3A_995, %slice3A_996 in 1 : vector<8x8xi32>, vector<8x4088xi32> -> vector<8x4096xi32>
      %select_n3A_998 = arith.select %eq3A_984, %concatenate3A_994, %concatenate3A_997 : vector<8x4096xi1>, vector<8x4096xi32>
      %gt3A_999 = arith.cmpi sgt, %select_n3A_956, %select_n3A_991 : vector<8x4096xi32>
      %eq3A_1000 = arith.cmpi eq, %select_n3A_956, %select_n3A_991 : vector<8x4096xi32>
      %lt3A_1001 = arith.cmpi slt, %select_n3A_957, %select_n3A_998 : vector<8x4096xi32>
      %and3A_1002 = arith.andi %eq3A_1000, %lt3A_1001 : vector<8x4096xi1>
      %or3A_1003 = arith.ori %gt3A_999, %and3A_1002 : vector<8x4096xi1>
      %and3A_1004 = arith.andi %or3A_977, %or3A_1003 : vector<8x4096xi1>
      %not3A_1005 = arith.constant dense<true> : vector<8x4096xi1>
      %not3A_1006 = arith.xori %or3A_977, %not3A_1005 : vector<8x4096xi1>
      %not3A_1007 = arith.constant dense<true> : vector<8x4096xi1>
      %not3A_1008 = arith.xori %or3A_1003, %not3A_1007 : vector<8x4096xi1>
      %and3A_1009 = arith.andi %not3A_1006, %not3A_1008 : vector<8x4096xi1>
      %or3A_1010 = arith.ori %and3A_1004, %and3A_1009 : vector<8x4096xi1>
      %select_n3A_1011 = arith.select %or3A_1010, %select_n3A_956, %select_n3A_991 : vector<8x4096xi1>, vector<8x4096xi32>
      %select_n3A_1012 = arith.select %or3A_1010, %select_n3A_957, %select_n3A_998 : vector<8x4096xi1>, vector<8x4096xi32>
      %iota3A_1013 = tpu.iota {dimensions = array<i32: 1>} : vector<8x4096xi32>
      %and3A_1014 = arith.constant 4 : i32
      %and3A_1015 = vector.broadcast %and3A_1014 : i32 to vector<8x4096xi32>
      %and3A_1016 = arith.andi %iota3A_1013, %and3A_1015 : vector<8x4096xi32>
      %eq3A_1017 = arith.constant 0 : i32
      %eq3A_1018 = vector.broadcast %eq3A_1017 : i32 to vector<8x4096xi32>
      %eq3A_1019 = arith.cmpi eq, %and3A_1016, %eq3A_1018 : vector<8x4096xi32>
      %and3A_1020 = arith.constant 64 : i32
      %and3A_1021 = vector.broadcast %and3A_1020 : i32 to vector<8x4096xi32>
      %and3A_1022 = arith.andi %iota3A_1013, %and3A_1021 : vector<8x4096xi32>
      %eq3A_1023 = arith.constant 0 : i32
      %eq3A_1024 = vector.broadcast %eq3A_1023 : i32 to vector<8x4096xi32>
      %eq3A_1025 = arith.cmpi eq, %and3A_1022, %eq3A_1024 : vector<8x4096xi32>
      %and3A_1026 = arith.andi %eq3A_1019, %eq3A_1025 : vector<8x4096xi1>
      %not3A_1027 = arith.constant dense<true> : vector<8x4096xi1>
      %not3A_1028 = arith.xori %eq3A_1019, %not3A_1027 : vector<8x4096xi1>
      %not3A_1029 = arith.constant dense<true> : vector<8x4096xi1>
      %not3A_1030 = arith.xori %eq3A_1025, %not3A_1029 : vector<8x4096xi1>
      %and3A_1031 = arith.andi %not3A_1028, %not3A_1030 : vector<8x4096xi1>
      %or3A_1032 = arith.ori %and3A_1026, %and3A_1031 : vector<8x4096xi1>
      %iota3A_1033 = tpu.iota {dimensions = array<i32: 1>} : vector<8x4096xi32>
      %and3A_1034 = arith.constant 4 : i32
      %and3A_1035 = vector.broadcast %and3A_1034 : i32 to vector<8x4096xi32>
      %and3A_1036 = arith.andi %iota3A_1033, %and3A_1035 : vector<8x4096xi32>
      %eq3A_1037 = arith.constant 0 : i32
      %eq3A_1038 = vector.broadcast %eq3A_1037 : i32 to vector<8x4096xi32>
      %eq3A_1039 = arith.cmpi eq, %and3A_1036, %eq3A_1038 : vector<8x4096xi32>
      %slice3A_1040 = vector.extract_strided_slice %select_n3A_1011 {offsets = [0, 4], sizes = [8, 4092], strides = [1, 1]} : vector<8x4096xi32> to vector<8x4092xi32>
      %slice3A_1041 = vector.extract_strided_slice %select_n3A_1011 {offsets = [0, 0], sizes = [8, 4], strides = [1, 1]} : vector<8x4096xi32> to vector<8x4xi32>
      %concatenate3A_1042 = tpu.concatenate %slice3A_1040, %slice3A_1041 in 1 : vector<8x4092xi32>, vector<8x4xi32> -> vector<8x4096xi32>
      %slice3A_1043 = vector.extract_strided_slice %select_n3A_1011 {offsets = [0, 4092], sizes = [8, 4], strides = [1, 1]} : vector<8x4096xi32> to vector<8x4xi32>
      %slice3A_1044 = vector.extract_strided_slice %select_n3A_1011 {offsets = [0, 0], sizes = [8, 4092], strides = [1, 1]} : vector<8x4096xi32> to vector<8x4092xi32>
      %concatenate3A_1045 = tpu.concatenate %slice3A_1043, %slice3A_1044 in 1 : vector<8x4xi32>, vector<8x4092xi32> -> vector<8x4096xi32>
      %select_n3A_1046 = arith.select %eq3A_1039, %concatenate3A_1042, %concatenate3A_1045 : vector<8x4096xi1>, vector<8x4096xi32>
      %slice3A_1047 = vector.extract_strided_slice %select_n3A_1012 {offsets = [0, 4], sizes = [8, 4092], strides = [1, 1]} : vector<8x4096xi32> to vector<8x4092xi32>
      %slice3A_1048 = vector.extract_strided_slice %select_n3A_1012 {offsets = [0, 0], sizes = [8, 4], strides = [1, 1]} : vector<8x4096xi32> to vector<8x4xi32>
      %concatenate3A_1049 = tpu.concatenate %slice3A_1047, %slice3A_1048 in 1 : vector<8x4092xi32>, vector<8x4xi32> -> vector<8x4096xi32>
      %slice3A_1050 = vector.extract_strided_slice %select_n3A_1012 {offsets = [0, 4092], sizes = [8, 4], strides = [1, 1]} : vector<8x4096xi32> to vector<8x4xi32>
      %slice3A_1051 = vector.extract_strided_slice %select_n3A_1012 {offsets = [0, 0], sizes = [8, 4092], strides = [1, 1]} : vector<8x4096xi32> to vector<8x4092xi32>
      %concatenate3A_1052 = tpu.concatenate %slice3A_1050, %slice3A_1051 in 1 : vector<8x4xi32>, vector<8x4092xi32> -> vector<8x4096xi32>
      %select_n3A_1053 = arith.select %eq3A_1039, %concatenate3A_1049, %concatenate3A_1052 : vector<8x4096xi1>, vector<8x4096xi32>
      %gt3A_1054 = arith.cmpi sgt, %select_n3A_1011, %select_n3A_1046 : vector<8x4096xi32>
      %eq3A_1055 = arith.cmpi eq, %select_n3A_1011, %select_n3A_1046 : vector<8x4096xi32>
      %lt3A_1056 = arith.cmpi slt, %select_n3A_1012, %select_n3A_1053 : vector<8x4096xi32>
      %and3A_1057 = arith.andi %eq3A_1055, %lt3A_1056 : vector<8x4096xi1>
      %or3A_1058 = arith.ori %gt3A_1054, %and3A_1057 : vector<8x4096xi1>
      %and3A_1059 = arith.andi %or3A_1032, %or3A_1058 : vector<8x4096xi1>
      %not3A_1060 = arith.constant dense<true> : vector<8x4096xi1>
      %not3A_1061 = arith.xori %or3A_1032, %not3A_1060 : vector<8x4096xi1>
      %not3A_1062 = arith.constant dense<true> : vector<8x4096xi1>
      %not3A_1063 = arith.xori %or3A_1058, %not3A_1062 : vector<8x4096xi1>
      %and3A_1064 = arith.andi %not3A_1061, %not3A_1063 : vector<8x4096xi1>
      %or3A_1065 = arith.ori %and3A_1059, %and3A_1064 : vector<8x4096xi1>
      %select_n3A_1066 = arith.select %or3A_1065, %select_n3A_1011, %select_n3A_1046 : vector<8x4096xi1>, vector<8x4096xi32>
      %select_n3A_1067 = arith.select %or3A_1065, %select_n3A_1012, %select_n3A_1053 : vector<8x4096xi1>, vector<8x4096xi32>
      %iota3A_1068 = tpu.iota {dimensions = array<i32: 1>} : vector<8x4096xi32>
      %and3A_1069 = arith.constant 2 : i32
      %and3A_1070 = vector.broadcast %and3A_1069 : i32 to vector<8x4096xi32>
      %and3A_1071 = arith.andi %iota3A_1068, %and3A_1070 : vector<8x4096xi32>
      %eq3A_1072 = arith.constant 0 : i32
      %eq3A_1073 = vector.broadcast %eq3A_1072 : i32 to vector<8x4096xi32>
      %eq3A_1074 = arith.cmpi eq, %and3A_1071, %eq3A_1073 : vector<8x4096xi32>
      %and3A_1075 = arith.constant 64 : i32
      %and3A_1076 = vector.broadcast %and3A_1075 : i32 to vector<8x4096xi32>
      %and3A_1077 = arith.andi %iota3A_1068, %and3A_1076 : vector<8x4096xi32>
      %eq3A_1078 = arith.constant 0 : i32
      %eq3A_1079 = vector.broadcast %eq3A_1078 : i32 to vector<8x4096xi32>
      %eq3A_1080 = arith.cmpi eq, %and3A_1077, %eq3A_1079 : vector<8x4096xi32>
      %and3A_1081 = arith.andi %eq3A_1074, %eq3A_1080 : vector<8x4096xi1>
      %not3A_1082 = arith.constant dense<true> : vector<8x4096xi1>
      %not3A_1083 = arith.xori %eq3A_1074, %not3A_1082 : vector<8x4096xi1>
      %not3A_1084 = arith.constant dense<true> : vector<8x4096xi1>
      %not3A_1085 = arith.xori %eq3A_1080, %not3A_1084 : vector<8x4096xi1>
      %and3A_1086 = arith.andi %not3A_1083, %not3A_1085 : vector<8x4096xi1>
      %or3A_1087 = arith.ori %and3A_1081, %and3A_1086 : vector<8x4096xi1>
      %iota3A_1088 = tpu.iota {dimensions = array<i32: 1>} : vector<8x4096xi32>
      %and3A_1089 = arith.constant 2 : i32
      %and3A_1090 = vector.broadcast %and3A_1089 : i32 to vector<8x4096xi32>
      %and3A_1091 = arith.andi %iota3A_1088, %and3A_1090 : vector<8x4096xi32>
      %eq3A_1092 = arith.constant 0 : i32
      %eq3A_1093 = vector.broadcast %eq3A_1092 : i32 to vector<8x4096xi32>
      %eq3A_1094 = arith.cmpi eq, %and3A_1091, %eq3A_1093 : vector<8x4096xi32>
      %slice3A_1095 = vector.extract_strided_slice %select_n3A_1066 {offsets = [0, 2], sizes = [8, 4094], strides = [1, 1]} : vector<8x4096xi32> to vector<8x4094xi32>
      %slice3A_1096 = vector.extract_strided_slice %select_n3A_1066 {offsets = [0, 0], sizes = [8, 2], strides = [1, 1]} : vector<8x4096xi32> to vector<8x2xi32>
      %concatenate3A_1097 = tpu.concatenate %slice3A_1095, %slice3A_1096 in 1 : vector<8x4094xi32>, vector<8x2xi32> -> vector<8x4096xi32>
      %slice3A_1098 = vector.extract_strided_slice %select_n3A_1066 {offsets = [0, 4094], sizes = [8, 2], strides = [1, 1]} : vector<8x4096xi32> to vector<8x2xi32>
      %slice3A_1099 = vector.extract_strided_slice %select_n3A_1066 {offsets = [0, 0], sizes = [8, 4094], strides = [1, 1]} : vector<8x4096xi32> to vector<8x4094xi32>
      %concatenate3A_1100 = tpu.concatenate %slice3A_1098, %slice3A_1099 in 1 : vector<8x2xi32>, vector<8x4094xi32> -> vector<8x4096xi32>
      %select_n3A_1101 = arith.select %eq3A_1094, %concatenate3A_1097, %concatenate3A_1100 : vector<8x4096xi1>, vector<8x4096xi32>
      %slice3A_1102 = vector.extract_strided_slice %select_n3A_1067 {offsets = [0, 2], sizes = [8, 4094], strides = [1, 1]} : vector<8x4096xi32> to vector<8x4094xi32>
      %slice3A_1103 = vector.extract_strided_slice %select_n3A_1067 {offsets = [0, 0], sizes = [8, 2], strides = [1, 1]} : vector<8x4096xi32> to vector<8x2xi32>
      %concatenate3A_1104 = tpu.concatenate %slice3A_1102, %slice3A_1103 in 1 : vector<8x4094xi32>, vector<8x2xi32> -> vector<8x4096xi32>
      %slice3A_1105 = vector.extract_strided_slice %select_n3A_1067 {offsets = [0, 4094], sizes = [8, 2], strides = [1, 1]} : vector<8x4096xi32> to vector<8x2xi32>
      %slice3A_1106 = vector.extract_strided_slice %select_n3A_1067 {offsets = [0, 0], sizes = [8, 4094], strides = [1, 1]} : vector<8x4096xi32> to vector<8x4094xi32>
      %concatenate3A_1107 = tpu.concatenate %slice3A_1105, %slice3A_1106 in 1 : vector<8x2xi32>, vector<8x4094xi32> -> vector<8x4096xi32>
      %select_n3A_1108 = arith.select %eq3A_1094, %concatenate3A_1104, %concatenate3A_1107 : vector<8x4096xi1>, vector<8x4096xi32>
      %gt3A_1109 = arith.cmpi sgt, %select_n3A_1066, %select_n3A_1101 : vector<8x4096xi32>
      %eq3A_1110 = arith.cmpi eq, %select_n3A_1066, %select_n3A_1101 : vector<8x4096xi32>
      %lt3A_1111 = arith.cmpi slt, %select_n3A_1067, %select_n3A_1108 : vector<8x4096xi32>
      %and3A_1112 = arith.andi %eq3A_1110, %lt3A_1111 : vector<8x4096xi1>
      %or3A_1113 = arith.ori %gt3A_1109, %and3A_1112 : vector<8x4096xi1>
      %and3A_1114 = arith.andi %or3A_1087, %or3A_1113 : vector<8x4096xi1>
      %not3A_1115 = arith.constant dense<true> : vector<8x4096xi1>
      %not3A_1116 = arith.xori %or3A_1087, %not3A_1115 : vector<8x4096xi1>
      %not3A_1117 = arith.constant dense<true> : vector<8x4096xi1>
      %not3A_1118 = arith.xori %or3A_1113, %not3A_1117 : vector<8x4096xi1>
      %and3A_1119 = arith.andi %not3A_1116, %not3A_1118 : vector<8x4096xi1>
      %or3A_1120 = arith.ori %and3A_1114, %and3A_1119 : vector<8x4096xi1>
      %select_n3A_1121 = arith.select %or3A_1120, %select_n3A_1066, %select_n3A_1101 : vector<8x4096xi1>, vector<8x4096xi32>
      %select_n3A_1122 = arith.select %or3A_1120, %select_n3A_1067, %select_n3A_1108 : vector<8x4096xi1>, vector<8x4096xi32>
      %iota3A_1123 = tpu.iota {dimensions = array<i32: 1>} : vector<8x4096xi32>
      %and3A_1124 = arith.constant 1 : i32
      %and3A_1125 = vector.broadcast %and3A_1124 : i32 to vector<8x4096xi32>
      %and3A_1126 = arith.andi %iota3A_1123, %and3A_1125 : vector<8x4096xi32>
      %eq3A_1127 = arith.constant 0 : i32
      %eq3A_1128 = vector.broadcast %eq3A_1127 : i32 to vector<8x4096xi32>
      %eq3A_1129 = arith.cmpi eq, %and3A_1126, %eq3A_1128 : vector<8x4096xi32>
      %and3A_1130 = arith.constant 64 : i32
      %and3A_1131 = vector.broadcast %and3A_1130 : i32 to vector<8x4096xi32>
      %and3A_1132 = arith.andi %iota3A_1123, %and3A_1131 : vector<8x4096xi32>
      %eq3A_1133 = arith.constant 0 : i32
      %eq3A_1134 = vector.broadcast %eq3A_1133 : i32 to vector<8x4096xi32>
      %eq3A_1135 = arith.cmpi eq, %and3A_1132, %eq3A_1134 : vector<8x4096xi32>
      %and3A_1136 = arith.andi %eq3A_1129, %eq3A_1135 : vector<8x4096xi1>
      %not3A_1137 = arith.constant dense<true> : vector<8x4096xi1>
      %not3A_1138 = arith.xori %eq3A_1129, %not3A_1137 : vector<8x4096xi1>
      %not3A_1139 = arith.constant dense<true> : vector<8x4096xi1>
      %not3A_1140 = arith.xori %eq3A_1135, %not3A_1139 : vector<8x4096xi1>
      %and3A_1141 = arith.andi %not3A_1138, %not3A_1140 : vector<8x4096xi1>
      %or3A_1142 = arith.ori %and3A_1136, %and3A_1141 : vector<8x4096xi1>
      %iota3A_1143 = tpu.iota {dimensions = array<i32: 1>} : vector<8x4096xi32>
      %and3A_1144 = arith.constant 1 : i32
      %and3A_1145 = vector.broadcast %and3A_1144 : i32 to vector<8x4096xi32>
      %and3A_1146 = arith.andi %iota3A_1143, %and3A_1145 : vector<8x4096xi32>
      %eq3A_1147 = arith.constant 0 : i32
      %eq3A_1148 = vector.broadcast %eq3A_1147 : i32 to vector<8x4096xi32>
      %eq3A_1149 = arith.cmpi eq, %and3A_1146, %eq3A_1148 : vector<8x4096xi32>
      %slice3A_1150 = vector.extract_strided_slice %select_n3A_1121 {offsets = [0, 1], sizes = [8, 4095], strides = [1, 1]} : vector<8x4096xi32> to vector<8x4095xi32>
      %slice3A_1151 = vector.extract_strided_slice %select_n3A_1121 {offsets = [0, 0], sizes = [8, 1], strides = [1, 1]} : vector<8x4096xi32> to vector<8x1xi32>
      %concatenate3A_1152 = tpu.concatenate %slice3A_1150, %slice3A_1151 in 1 : vector<8x4095xi32>, vector<8x1xi32> -> vector<8x4096xi32>
      %slice3A_1153 = vector.extract_strided_slice %select_n3A_1121 {offsets = [0, 4095], sizes = [8, 1], strides = [1, 1]} : vector<8x4096xi32> to vector<8x1xi32>
      %slice3A_1154 = vector.extract_strided_slice %select_n3A_1121 {offsets = [0, 0], sizes = [8, 4095], strides = [1, 1]} : vector<8x4096xi32> to vector<8x4095xi32>
      %concatenate3A_1155 = tpu.concatenate %slice3A_1153, %slice3A_1154 in 1 : vector<8x1xi32>, vector<8x4095xi32> -> vector<8x4096xi32>
      %select_n3A_1156 = arith.select %eq3A_1149, %concatenate3A_1152, %concatenate3A_1155 : vector<8x4096xi1>, vector<8x4096xi32>
      %slice3A_1157 = vector.extract_strided_slice %select_n3A_1122 {offsets = [0, 1], sizes = [8, 4095], strides = [1, 1]} : vector<8x4096xi32> to vector<8x4095xi32>
      %slice3A_1158 = vector.extract_strided_slice %select_n3A_1122 {offsets = [0, 0], sizes = [8, 1], strides = [1, 1]} : vector<8x4096xi32> to vector<8x1xi32>
      %concatenate3A_1159 = tpu.concatenate %slice3A_1157, %slice3A_1158 in 1 : vector<8x4095xi32>, vector<8x1xi32> -> vector<8x4096xi32>
      %slice3A_1160 = vector.extract_strided_slice %select_n3A_1122 {offsets = [0, 4095], sizes = [8, 1], strides = [1, 1]} : vector<8x4096xi32> to vector<8x1xi32>
      %slice3A_1161 = vector.extract_strided_slice %select_n3A_1122 {offsets = [0, 0], sizes = [8, 4095], strides = [1, 1]} : vector<8x4096xi32> to vector<8x4095xi32>
      %concatenate3A_1162 = tpu.concatenate %slice3A_1160, %slice3A_1161 in 1 : vector<8x1xi32>, vector<8x4095xi32> -> vector<8x4096xi32>
      %select_n3A_1163 = arith.select %eq3A_1149, %concatenate3A_1159, %concatenate3A_1162 : vector<8x4096xi1>, vector<8x4096xi32>
      %gt3A_1164 = arith.cmpi sgt, %select_n3A_1121, %select_n3A_1156 : vector<8x4096xi32>
      %eq3A_1165 = arith.cmpi eq, %select_n3A_1121, %select_n3A_1156 : vector<8x4096xi32>
      %lt3A_1166 = arith.cmpi slt, %select_n3A_1122, %select_n3A_1163 : vector<8x4096xi32>
      %and3A_1167 = arith.andi %eq3A_1165, %lt3A_1166 : vector<8x4096xi1>
      %or3A_1168 = arith.ori %gt3A_1164, %and3A_1167 : vector<8x4096xi1>
      %and3A_1169 = arith.andi %or3A_1142, %or3A_1168 : vector<8x4096xi1>
      %not3A_1170 = arith.constant dense<true> : vector<8x4096xi1>
      %not3A_1171 = arith.xori %or3A_1142, %not3A_1170 : vector<8x4096xi1>
      %not3A_1172 = arith.constant dense<true> : vector<8x4096xi1>
      %not3A_1173 = arith.xori %or3A_1168, %not3A_1172 : vector<8x4096xi1>
      %and3A_1174 = arith.andi %not3A_1171, %not3A_1173 : vector<8x4096xi1>
      %or3A_1175 = arith.ori %and3A_1169, %and3A_1174 : vector<8x4096xi1>
      %select_n3A_1176 = arith.select %or3A_1175, %select_n3A_1121, %select_n3A_1156 : vector<8x4096xi1>, vector<8x4096xi32>
      %select_n3A_1177 = arith.select %or3A_1175, %select_n3A_1122, %select_n3A_1163 : vector<8x4096xi1>, vector<8x4096xi32>
      %iota3A_1178 = tpu.iota {dimensions = array<i32: 1>} : vector<8x4096xi32>
      %and3A_1179 = arith.constant 64 : i32
      %and3A_1180 = vector.broadcast %and3A_1179 : i32 to vector<8x4096xi32>
      %and3A_1181 = arith.andi %iota3A_1178, %and3A_1180 : vector<8x4096xi32>
      %eq3A_1182 = arith.constant 0 : i32
      %eq3A_1183 = vector.broadcast %eq3A_1182 : i32 to vector<8x4096xi32>
      %eq3A_1184 = arith.cmpi eq, %and3A_1181, %eq3A_1183 : vector<8x4096xi32>
      %and3A_1185 = arith.constant 128 : i32
      %and3A_1186 = vector.broadcast %and3A_1185 : i32 to vector<8x4096xi32>
      %and3A_1187 = arith.andi %iota3A_1178, %and3A_1186 : vector<8x4096xi32>
      %eq3A_1188 = arith.constant 0 : i32
      %eq3A_1189 = vector.broadcast %eq3A_1188 : i32 to vector<8x4096xi32>
      %eq3A_1190 = arith.cmpi eq, %and3A_1187, %eq3A_1189 : vector<8x4096xi32>
      %and3A_1191 = arith.andi %eq3A_1184, %eq3A_1190 : vector<8x4096xi1>
      %not3A_1192 = arith.constant dense<true> : vector<8x4096xi1>
      %not3A_1193 = arith.xori %eq3A_1184, %not3A_1192 : vector<8x4096xi1>
      %not3A_1194 = arith.constant dense<true> : vector<8x4096xi1>
      %not3A_1195 = arith.xori %eq3A_1190, %not3A_1194 : vector<8x4096xi1>
      %and3A_1196 = arith.andi %not3A_1193, %not3A_1195 : vector<8x4096xi1>
      %or3A_1197 = arith.ori %and3A_1191, %and3A_1196 : vector<8x4096xi1>
      %iota3A_1198 = tpu.iota {dimensions = array<i32: 1>} : vector<8x4096xi32>
      %and3A_1199 = arith.constant 64 : i32
      %and3A_1200 = vector.broadcast %and3A_1199 : i32 to vector<8x4096xi32>
      %and3A_1201 = arith.andi %iota3A_1198, %and3A_1200 : vector<8x4096xi32>
      %eq3A_1202 = arith.constant 0 : i32
      %eq3A_1203 = vector.broadcast %eq3A_1202 : i32 to vector<8x4096xi32>
      %eq3A_1204 = arith.cmpi eq, %and3A_1201, %eq3A_1203 : vector<8x4096xi32>
      %slice3A_1205 = vector.extract_strided_slice %select_n3A_1176 {offsets = [0, 64], sizes = [8, 4032], strides = [1, 1]} : vector<8x4096xi32> to vector<8x4032xi32>
      %slice3A_1206 = vector.extract_strided_slice %select_n3A_1176 {offsets = [0, 0], sizes = [8, 64], strides = [1, 1]} : vector<8x4096xi32> to vector<8x64xi32>
      %concatenate3A_1207 = tpu.concatenate %slice3A_1205, %slice3A_1206 in 1 : vector<8x4032xi32>, vector<8x64xi32> -> vector<8x4096xi32>
      %slice3A_1208 = vector.extract_strided_slice %select_n3A_1176 {offsets = [0, 4032], sizes = [8, 64], strides = [1, 1]} : vector<8x4096xi32> to vector<8x64xi32>
      %slice3A_1209 = vector.extract_strided_slice %select_n3A_1176 {offsets = [0, 0], sizes = [8, 4032], strides = [1, 1]} : vector<8x4096xi32> to vector<8x4032xi32>
      %concatenate3A_1210 = tpu.concatenate %slice3A_1208, %slice3A_1209 in 1 : vector<8x64xi32>, vector<8x4032xi32> -> vector<8x4096xi32>
      %select_n3A_1211 = arith.select %eq3A_1204, %concatenate3A_1207, %concatenate3A_1210 : vector<8x4096xi1>, vector<8x4096xi32>
      %slice3A_1212 = vector.extract_strided_slice %select_n3A_1177 {offsets = [0, 64], sizes = [8, 4032], strides = [1, 1]} : vector<8x4096xi32> to vector<8x4032xi32>
      %slice3A_1213 = vector.extract_strided_slice %select_n3A_1177 {offsets = [0, 0], sizes = [8, 64], strides = [1, 1]} : vector<8x4096xi32> to vector<8x64xi32>
      %concatenate3A_1214 = tpu.concatenate %slice3A_1212, %slice3A_1213 in 1 : vector<8x4032xi32>, vector<8x64xi32> -> vector<8x4096xi32>
      %slice3A_1215 = vector.extract_strided_slice %select_n3A_1177 {offsets = [0, 4032], sizes = [8, 64], strides = [1, 1]} : vector<8x4096xi32> to vector<8x64xi32>
      %slice3A_1216 = vector.extract_strided_slice %select_n3A_1177 {offsets = [0, 0], sizes = [8, 4032], strides = [1, 1]} : vector<8x4096xi32> to vector<8x4032xi32>
      %concatenate3A_1217 = tpu.concatenate %slice3A_1215, %slice3A_1216 in 1 : vector<8x64xi32>, vector<8x4032xi32> -> vector<8x4096xi32>
      %select_n3A_1218 = arith.select %eq3A_1204, %concatenate3A_1214, %concatenate3A_1217 : vector<8x4096xi1>, vector<8x4096xi32>
      %gt3A_1219 = arith.cmpi sgt, %select_n3A_1176, %select_n3A_1211 : vector<8x4096xi32>
      %eq3A_1220 = arith.cmpi eq, %select_n3A_1176, %select_n3A_1211 : vector<8x4096xi32>
      %lt3A_1221 = arith.cmpi slt, %select_n3A_1177, %select_n3A_1218 : vector<8x4096xi32>
      %and3A_1222 = arith.andi %eq3A_1220, %lt3A_1221 : vector<8x4096xi1>
      %or3A_1223 = arith.ori %gt3A_1219, %and3A_1222 : vector<8x4096xi1>
      %and3A_1224 = arith.andi %or3A_1197, %or3A_1223 : vector<8x4096xi1>
      %not3A_1225 = arith.constant dense<true> : vector<8x4096xi1>
      %not3A_1226 = arith.xori %or3A_1197, %not3A_1225 : vector<8x4096xi1>
      %not3A_1227 = arith.constant dense<true> : vector<8x4096xi1>
      %not3A_1228 = arith.xori %or3A_1223, %not3A_1227 : vector<8x4096xi1>
      %and3A_1229 = arith.andi %not3A_1226, %not3A_1228 : vector<8x4096xi1>
      %or3A_1230 = arith.ori %and3A_1224, %and3A_1229 : vector<8x4096xi1>
      %select_n3A_1231 = arith.select %or3A_1230, %select_n3A_1176, %select_n3A_1211 : vector<8x4096xi1>, vector<8x4096xi32>
      %select_n3A_1232 = arith.select %or3A_1230, %select_n3A_1177, %select_n3A_1218 : vector<8x4096xi1>, vector<8x4096xi32>
      %iota3A_1233 = tpu.iota {dimensions = array<i32: 1>} : vector<8x4096xi32>
      %and3A_1234 = arith.constant 32 : i32
      %and3A_1235 = vector.broadcast %and3A_1234 : i32 to vector<8x4096xi32>
      %and3A_1236 = arith.andi %iota3A_1233, %and3A_1235 : vector<8x4096xi32>
      %eq3A_1237 = arith.constant 0 : i32
      %eq3A_1238 = vector.broadcast %eq3A_1237 : i32 to vector<8x4096xi32>
      %eq3A_1239 = arith.cmpi eq, %and3A_1236, %eq3A_1238 : vector<8x4096xi32>
      %and3A_1240 = arith.constant 128 : i32
      %and3A_1241 = vector.broadcast %and3A_1240 : i32 to vector<8x4096xi32>
      %and3A_1242 = arith.andi %iota3A_1233, %and3A_1241 : vector<8x4096xi32>
      %eq3A_1243 = arith.constant 0 : i32
      %eq3A_1244 = vector.broadcast %eq3A_1243 : i32 to vector<8x4096xi32>
      %eq3A_1245 = arith.cmpi eq, %and3A_1242, %eq3A_1244 : vector<8x4096xi32>
      %and3A_1246 = arith.andi %eq3A_1239, %eq3A_1245 : vector<8x4096xi1>
      %not3A_1247 = arith.constant dense<true> : vector<8x4096xi1>
      %not3A_1248 = arith.xori %eq3A_1239, %not3A_1247 : vector<8x4096xi1>
      %not3A_1249 = arith.constant dense<true> : vector<8x4096xi1>
      %not3A_1250 = arith.xori %eq3A_1245, %not3A_1249 : vector<8x4096xi1>
      %and3A_1251 = arith.andi %not3A_1248, %not3A_1250 : vector<8x4096xi1>
      %or3A_1252 = arith.ori %and3A_1246, %and3A_1251 : vector<8x4096xi1>
      %iota3A_1253 = tpu.iota {dimensions = array<i32: 1>} : vector<8x4096xi32>
      %and3A_1254 = arith.constant 32 : i32
      %and3A_1255 = vector.broadcast %and3A_1254 : i32 to vector<8x4096xi32>
      %and3A_1256 = arith.andi %iota3A_1253, %and3A_1255 : vector<8x4096xi32>
      %eq3A_1257 = arith.constant 0 : i32
      %eq3A_1258 = vector.broadcast %eq3A_1257 : i32 to vector<8x4096xi32>
      %eq3A_1259 = arith.cmpi eq, %and3A_1256, %eq3A_1258 : vector<8x4096xi32>
      %slice3A_1260 = vector.extract_strided_slice %select_n3A_1231 {offsets = [0, 32], sizes = [8, 4064], strides = [1, 1]} : vector<8x4096xi32> to vector<8x4064xi32>
      %slice3A_1261 = vector.extract_strided_slice %select_n3A_1231 {offsets = [0, 0], sizes = [8, 32], strides = [1, 1]} : vector<8x4096xi32> to vector<8x32xi32>
      %concatenate3A_1262 = tpu.concatenate %slice3A_1260, %slice3A_1261 in 1 : vector<8x4064xi32>, vector<8x32xi32> -> vector<8x4096xi32>
      %slice3A_1263 = vector.extract_strided_slice %select_n3A_1231 {offsets = [0, 4064], sizes = [8, 32], strides = [1, 1]} : vector<8x4096xi32> to vector<8x32xi32>
      %slice3A_1264 = vector.extract_strided_slice %select_n3A_1231 {offsets = [0, 0], sizes = [8, 4064], strides = [1, 1]} : vector<8x4096xi32> to vector<8x4064xi32>
      %concatenate3A_1265 = tpu.concatenate %slice3A_1263, %slice3A_1264 in 1 : vector<8x32xi32>, vector<8x4064xi32> -> vector<8x4096xi32>
      %select_n3A_1266 = arith.select %eq3A_1259, %concatenate3A_1262, %concatenate3A_1265 : vector<8x4096xi1>, vector<8x4096xi32>
      %slice3A_1267 = vector.extract_strided_slice %select_n3A_1232 {offsets = [0, 32], sizes = [8, 4064], strides = [1, 1]} : vector<8x4096xi32> to vector<8x4064xi32>
      %slice3A_1268 = vector.extract_strided_slice %select_n3A_1232 {offsets = [0, 0], sizes = [8, 32], strides = [1, 1]} : vector<8x4096xi32> to vector<8x32xi32>
      %concatenate3A_1269 = tpu.concatenate %slice3A_1267, %slice3A_1268 in 1 : vector<8x4064xi32>, vector<8x32xi32> -> vector<8x4096xi32>
      %slice3A_1270 = vector.extract_strided_slice %select_n3A_1232 {offsets = [0, 4064], sizes = [8, 32], strides = [1, 1]} : vector<8x4096xi32> to vector<8x32xi32>
      %slice3A_1271 = vector.extract_strided_slice %select_n3A_1232 {offsets = [0, 0], sizes = [8, 4064], strides = [1, 1]} : vector<8x4096xi32> to vector<8x4064xi32>
      %concatenate3A_1272 = tpu.concatenate %slice3A_1270, %slice3A_1271 in 1 : vector<8x32xi32>, vector<8x4064xi32> -> vector<8x4096xi32>
      %select_n3A_1273 = arith.select %eq3A_1259, %concatenate3A_1269, %concatenate3A_1272 : vector<8x4096xi1>, vector<8x4096xi32>
      %gt3A_1274 = arith.cmpi sgt, %select_n3A_1231, %select_n3A_1266 : vector<8x4096xi32>
      %eq3A_1275 = arith.cmpi eq, %select_n3A_1231, %select_n3A_1266 : vector<8x4096xi32>
      %lt3A_1276 = arith.cmpi slt, %select_n3A_1232, %select_n3A_1273 : vector<8x4096xi32>
      %and3A_1277 = arith.andi %eq3A_1275, %lt3A_1276 : vector<8x4096xi1>
      %or3A_1278 = arith.ori %gt3A_1274, %and3A_1277 : vector<8x4096xi1>
      %and3A_1279 = arith.andi %or3A_1252, %or3A_1278 : vector<8x4096xi1>
      %not3A_1280 = arith.constant dense<true> : vector<8x4096xi1>
      %not3A_1281 = arith.xori %or3A_1252, %not3A_1280 : vector<8x4096xi1>
      %not3A_1282 = arith.constant dense<true> : vector<8x4096xi1>
      %not3A_1283 = arith.xori %or3A_1278, %not3A_1282 : vector<8x4096xi1>
      %and3A_1284 = arith.andi %not3A_1281, %not3A_1283 : vector<8x4096xi1>
      %or3A_1285 = arith.ori %and3A_1279, %and3A_1284 : vector<8x4096xi1>
      %select_n3A_1286 = arith.select %or3A_1285, %select_n3A_1231, %select_n3A_1266 : vector<8x4096xi1>, vector<8x4096xi32>
      %select_n3A_1287 = arith.select %or3A_1285, %select_n3A_1232, %select_n3A_1273 : vector<8x4096xi1>, vector<8x4096xi32>
      %iota3A_1288 = tpu.iota {dimensions = array<i32: 1>} : vector<8x4096xi32>
      %and3A_1289 = arith.constant 16 : i32
      %and3A_1290 = vector.broadcast %and3A_1289 : i32 to vector<8x4096xi32>
      %and3A_1291 = arith.andi %iota3A_1288, %and3A_1290 : vector<8x4096xi32>
      %eq3A_1292 = arith.constant 0 : i32
      %eq3A_1293 = vector.broadcast %eq3A_1292 : i32 to vector<8x4096xi32>
      %eq3A_1294 = arith.cmpi eq, %and3A_1291, %eq3A_1293 : vector<8x4096xi32>
      %and3A_1295 = arith.constant 128 : i32
      %and3A_1296 = vector.broadcast %and3A_1295 : i32 to vector<8x4096xi32>
      %and3A_1297 = arith.andi %iota3A_1288, %and3A_1296 : vector<8x4096xi32>
      %eq3A_1298 = arith.constant 0 : i32
      %eq3A_1299 = vector.broadcast %eq3A_1298 : i32 to vector<8x4096xi32>
      %eq3A_1300 = arith.cmpi eq, %and3A_1297, %eq3A_1299 : vector<8x4096xi32>
      %and3A_1301 = arith.andi %eq3A_1294, %eq3A_1300 : vector<8x4096xi1>
      %not3A_1302 = arith.constant dense<true> : vector<8x4096xi1>
      %not3A_1303 = arith.xori %eq3A_1294, %not3A_1302 : vector<8x4096xi1>
      %not3A_1304 = arith.constant dense<true> : vector<8x4096xi1>
      %not3A_1305 = arith.xori %eq3A_1300, %not3A_1304 : vector<8x4096xi1>
      %and3A_1306 = arith.andi %not3A_1303, %not3A_1305 : vector<8x4096xi1>
      %or3A_1307 = arith.ori %and3A_1301, %and3A_1306 : vector<8x4096xi1>
      %iota3A_1308 = tpu.iota {dimensions = array<i32: 1>} : vector<8x4096xi32>
      %and3A_1309 = arith.constant 16 : i32
      %and3A_1310 = vector.broadcast %and3A_1309 : i32 to vector<8x4096xi32>
      %and3A_1311 = arith.andi %iota3A_1308, %and3A_1310 : vector<8x4096xi32>
      %eq3A_1312 = arith.constant 0 : i32
      %eq3A_1313 = vector.broadcast %eq3A_1312 : i32 to vector<8x4096xi32>
      %eq3A_1314 = arith.cmpi eq, %and3A_1311, %eq3A_1313 : vector<8x4096xi32>
      %slice3A_1315 = vector.extract_strided_slice %select_n3A_1286 {offsets = [0, 16], sizes = [8, 4080], strides = [1, 1]} : vector<8x4096xi32> to vector<8x4080xi32>
      %slice3A_1316 = vector.extract_strided_slice %select_n3A_1286 {offsets = [0, 0], sizes = [8, 16], strides = [1, 1]} : vector<8x4096xi32> to vector<8x16xi32>
      %concatenate3A_1317 = tpu.concatenate %slice3A_1315, %slice3A_1316 in 1 : vector<8x4080xi32>, vector<8x16xi32> -> vector<8x4096xi32>
      %slice3A_1318 = vector.extract_strided_slice %select_n3A_1286 {offsets = [0, 4080], sizes = [8, 16], strides = [1, 1]} : vector<8x4096xi32> to vector<8x16xi32>
      %slice3A_1319 = vector.extract_strided_slice %select_n3A_1286 {offsets = [0, 0], sizes = [8, 4080], strides = [1, 1]} : vector<8x4096xi32> to vector<8x4080xi32>
      %concatenate3A_1320 = tpu.concatenate %slice3A_1318, %slice3A_1319 in 1 : vector<8x16xi32>, vector<8x4080xi32> -> vector<8x4096xi32>
      %select_n3A_1321 = arith.select %eq3A_1314, %concatenate3A_1317, %concatenate3A_1320 : vector<8x4096xi1>, vector<8x4096xi32>
      %slice3A_1322 = vector.extract_strided_slice %select_n3A_1287 {offsets = [0, 16], sizes = [8, 4080], strides = [1, 1]} : vector<8x4096xi32> to vector<8x4080xi32>
      %slice3A_1323 = vector.extract_strided_slice %select_n3A_1287 {offsets = [0, 0], sizes = [8, 16], strides = [1, 1]} : vector<8x4096xi32> to vector<8x16xi32>
      %concatenate3A_1324 = tpu.concatenate %slice3A_1322, %slice3A_1323 in 1 : vector<8x4080xi32>, vector<8x16xi32> -> vector<8x4096xi32>
      %slice3A_1325 = vector.extract_strided_slice %select_n3A_1287 {offsets = [0, 4080], sizes = [8, 16], strides = [1, 1]} : vector<8x4096xi32> to vector<8x16xi32>
      %slice3A_1326 = vector.extract_strided_slice %select_n3A_1287 {offsets = [0, 0], sizes = [8, 4080], strides = [1, 1]} : vector<8x4096xi32> to vector<8x4080xi32>
      %concatenate3A_1327 = tpu.concatenate %slice3A_1325, %slice3A_1326 in 1 : vector<8x16xi32>, vector<8x4080xi32> -> vector<8x4096xi32>
      %select_n3A_1328 = arith.select %eq3A_1314, %concatenate3A_1324, %concatenate3A_1327 : vector<8x4096xi1>, vector<8x4096xi32>
      %gt3A_1329 = arith.cmpi sgt, %select_n3A_1286, %select_n3A_1321 : vector<8x4096xi32>
      %eq3A_1330 = arith.cmpi eq, %select_n3A_1286, %select_n3A_1321 : vector<8x4096xi32>
      %lt3A_1331 = arith.cmpi slt, %select_n3A_1287, %select_n3A_1328 : vector<8x4096xi32>
      %and3A_1332 = arith.andi %eq3A_1330, %lt3A_1331 : vector<8x4096xi1>
      %or3A_1333 = arith.ori %gt3A_1329, %and3A_1332 : vector<8x4096xi1>
      %and3A_1334 = arith.andi %or3A_1307, %or3A_1333 : vector<8x4096xi1>
      %not3A_1335 = arith.constant dense<true> : vector<8x4096xi1>
      %not3A_1336 = arith.xori %or3A_1307, %not3A_1335 : vector<8x4096xi1>
      %not3A_1337 = arith.constant dense<true> : vector<8x4096xi1>
      %not3A_1338 = arith.xori %or3A_1333, %not3A_1337 : vector<8x4096xi1>
      %and3A_1339 = arith.andi %not3A_1336, %not3A_1338 : vector<8x4096xi1>
      %or3A_1340 = arith.ori %and3A_1334, %and3A_1339 : vector<8x4096xi1>
      %select_n3A_1341 = arith.select %or3A_1340, %select_n3A_1286, %select_n3A_1321 : vector<8x4096xi1>, vector<8x4096xi32>
      %select_n3A_1342 = arith.select %or3A_1340, %select_n3A_1287, %select_n3A_1328 : vector<8x4096xi1>, vector<8x4096xi32>
      %iota3A_1343 = tpu.iota {dimensions = array<i32: 1>} : vector<8x4096xi32>
      %and3A_1344 = arith.constant 8 : i32
      %and3A_1345 = vector.broadcast %and3A_1344 : i32 to vector<8x4096xi32>
      %and3A_1346 = arith.andi %iota3A_1343, %and3A_1345 : vector<8x4096xi32>
      %eq3A_1347 = arith.constant 0 : i32
      %eq3A_1348 = vector.broadcast %eq3A_1347 : i32 to vector<8x4096xi32>
      %eq3A_1349 = arith.cmpi eq, %and3A_1346, %eq3A_1348 : vector<8x4096xi32>
      %and3A_1350 = arith.constant 128 : i32
      %and3A_1351 = vector.broadcast %and3A_1350 : i32 to vector<8x4096xi32>
      %and3A_1352 = arith.andi %iota3A_1343, %and3A_1351 : vector<8x4096xi32>
      %eq3A_1353 = arith.constant 0 : i32
      %eq3A_1354 = vector.broadcast %eq3A_1353 : i32 to vector<8x4096xi32>
      %eq3A_1355 = arith.cmpi eq, %and3A_1352, %eq3A_1354 : vector<8x4096xi32>
      %and3A_1356 = arith.andi %eq3A_1349, %eq3A_1355 : vector<8x4096xi1>
      %not3A_1357 = arith.constant dense<true> : vector<8x4096xi1>
      %not3A_1358 = arith.xori %eq3A_1349, %not3A_1357 : vector<8x4096xi1>
      %not3A_1359 = arith.constant dense<true> : vector<8x4096xi1>
      %not3A_1360 = arith.xori %eq3A_1355, %not3A_1359 : vector<8x4096xi1>
      %and3A_1361 = arith.andi %not3A_1358, %not3A_1360 : vector<8x4096xi1>
      %or3A_1362 = arith.ori %and3A_1356, %and3A_1361 : vector<8x4096xi1>
      %iota3A_1363 = tpu.iota {dimensions = array<i32: 1>} : vector<8x4096xi32>
      %and3A_1364 = arith.constant 8 : i32
      %and3A_1365 = vector.broadcast %and3A_1364 : i32 to vector<8x4096xi32>
      %and3A_1366 = arith.andi %iota3A_1363, %and3A_1365 : vector<8x4096xi32>
      %eq3A_1367 = arith.constant 0 : i32
      %eq3A_1368 = vector.broadcast %eq3A_1367 : i32 to vector<8x4096xi32>
      %eq3A_1369 = arith.cmpi eq, %and3A_1366, %eq3A_1368 : vector<8x4096xi32>
      %slice3A_1370 = vector.extract_strided_slice %select_n3A_1341 {offsets = [0, 8], sizes = [8, 4088], strides = [1, 1]} : vector<8x4096xi32> to vector<8x4088xi32>
      %slice3A_1371 = vector.extract_strided_slice %select_n3A_1341 {offsets = [0, 0], sizes = [8, 8], strides = [1, 1]} : vector<8x4096xi32> to vector<8x8xi32>
      %concatenate3A_1372 = tpu.concatenate %slice3A_1370, %slice3A_1371 in 1 : vector<8x4088xi32>, vector<8x8xi32> -> vector<8x4096xi32>
      %slice3A_1373 = vector.extract_strided_slice %select_n3A_1341 {offsets = [0, 4088], sizes = [8, 8], strides = [1, 1]} : vector<8x4096xi32> to vector<8x8xi32>
      %slice3A_1374 = vector.extract_strided_slice %select_n3A_1341 {offsets = [0, 0], sizes = [8, 4088], strides = [1, 1]} : vector<8x4096xi32> to vector<8x4088xi32>
      %concatenate3A_1375 = tpu.concatenate %slice3A_1373, %slice3A_1374 in 1 : vector<8x8xi32>, vector<8x4088xi32> -> vector<8x4096xi32>
      %select_n3A_1376 = arith.select %eq3A_1369, %concatenate3A_1372, %concatenate3A_1375 : vector<8x4096xi1>, vector<8x4096xi32>
      %slice3A_1377 = vector.extract_strided_slice %select_n3A_1342 {offsets = [0, 8], sizes = [8, 4088], strides = [1, 1]} : vector<8x4096xi32> to vector<8x4088xi32>
      %slice3A_1378 = vector.extract_strided_slice %select_n3A_1342 {offsets = [0, 0], sizes = [8, 8], strides = [1, 1]} : vector<8x4096xi32> to vector<8x8xi32>
      %concatenate3A_1379 = tpu.concatenate %slice3A_1377, %slice3A_1378 in 1 : vector<8x4088xi32>, vector<8x8xi32> -> vector<8x4096xi32>
      %slice3A_1380 = vector.extract_strided_slice %select_n3A_1342 {offsets = [0, 4088], sizes = [8, 8], strides = [1, 1]} : vector<8x4096xi32> to vector<8x8xi32>
      %slice3A_1381 = vector.extract_strided_slice %select_n3A_1342 {offsets = [0, 0], sizes = [8, 4088], strides = [1, 1]} : vector<8x4096xi32> to vector<8x4088xi32>
      %concatenate3A_1382 = tpu.concatenate %slice3A_1380, %slice3A_1381 in 1 : vector<8x8xi32>, vector<8x4088xi32> -> vector<8x4096xi32>
      %select_n3A_1383 = arith.select %eq3A_1369, %concatenate3A_1379, %concatenate3A_1382 : vector<8x4096xi1>, vector<8x4096xi32>
      %gt3A_1384 = arith.cmpi sgt, %select_n3A_1341, %select_n3A_1376 : vector<8x4096xi32>
      %eq3A_1385 = arith.cmpi eq, %select_n3A_1341, %select_n3A_1376 : vector<8x4096xi32>
      %lt3A_1386 = arith.cmpi slt, %select_n3A_1342, %select_n3A_1383 : vector<8x4096xi32>
      %and3A_1387 = arith.andi %eq3A_1385, %lt3A_1386 : vector<8x4096xi1>
      %or3A_1388 = arith.ori %gt3A_1384, %and3A_1387 : vector<8x4096xi1>
      %and3A_1389 = arith.andi %or3A_1362, %or3A_1388 : vector<8x4096xi1>
      %not3A_1390 = arith.constant dense<true> : vector<8x4096xi1>
      %not3A_1391 = arith.xori %or3A_1362, %not3A_1390 : vector<8x4096xi1>
      %not3A_1392 = arith.constant dense<true> : vector<8x4096xi1>
      %not3A_1393 = arith.xori %or3A_1388, %not3A_1392 : vector<8x4096xi1>
      %and3A_1394 = arith.andi %not3A_1391, %not3A_1393 : vector<8x4096xi1>
      %or3A_1395 = arith.ori %and3A_1389, %and3A_1394 : vector<8x4096xi1>
      %select_n3A_1396 = arith.select %or3A_1395, %select_n3A_1341, %select_n3A_1376 : vector<8x4096xi1>, vector<8x4096xi32>
      %select_n3A_1397 = arith.select %or3A_1395, %select_n3A_1342, %select_n3A_1383 : vector<8x4096xi1>, vector<8x4096xi32>
      %iota3A_1398 = tpu.iota {dimensions = array<i32: 1>} : vector<8x4096xi32>
      %and3A_1399 = arith.constant 4 : i32
      %and3A_1400 = vector.broadcast %and3A_1399 : i32 to vector<8x4096xi32>
      %and3A_1401 = arith.andi %iota3A_1398, %and3A_1400 : vector<8x4096xi32>
      %eq3A_1402 = arith.constant 0 : i32
      %eq3A_1403 = vector.broadcast %eq3A_1402 : i32 to vector<8x4096xi32>
      %eq3A_1404 = arith.cmpi eq, %and3A_1401, %eq3A_1403 : vector<8x4096xi32>
      %and3A_1405 = arith.constant 128 : i32
      %and3A_1406 = vector.broadcast %and3A_1405 : i32 to vector<8x4096xi32>
      %and3A_1407 = arith.andi %iota3A_1398, %and3A_1406 : vector<8x4096xi32>
      %eq3A_1408 = arith.constant 0 : i32
      %eq3A_1409 = vector.broadcast %eq3A_1408 : i32 to vector<8x4096xi32>
      %eq3A_1410 = arith.cmpi eq, %and3A_1407, %eq3A_1409 : vector<8x4096xi32>
      %and3A_1411 = arith.andi %eq3A_1404, %eq3A_1410 : vector<8x4096xi1>
      %not3A_1412 = arith.constant dense<true> : vector<8x4096xi1>
      %not3A_1413 = arith.xori %eq3A_1404, %not3A_1412 : vector<8x4096xi1>
      %not3A_1414 = arith.constant dense<true> : vector<8x4096xi1>
      %not3A_1415 = arith.xori %eq3A_1410, %not3A_1414 : vector<8x4096xi1>
      %and3A_1416 = arith.andi %not3A_1413, %not3A_1415 : vector<8x4096xi1>
      %or3A_1417 = arith.ori %and3A_1411, %and3A_1416 : vector<8x4096xi1>
      %iota3A_1418 = tpu.iota {dimensions = array<i32: 1>} : vector<8x4096xi32>
      %and3A_1419 = arith.constant 4 : i32
      %and3A_1420 = vector.broadcast %and3A_1419 : i32 to vector<8x4096xi32>
      %and3A_1421 = arith.andi %iota3A_1418, %and3A_1420 : vector<8x4096xi32>
      %eq3A_1422 = arith.constant 0 : i32
      %eq3A_1423 = vector.broadcast %eq3A_1422 : i32 to vector<8x4096xi32>
      %eq3A_1424 = arith.cmpi eq, %and3A_1421, %eq3A_1423 : vector<8x4096xi32>
      %slice3A_1425 = vector.extract_strided_slice %select_n3A_1396 {offsets = [0, 4], sizes = [8, 4092], strides = [1, 1]} : vector<8x4096xi32> to vector<8x4092xi32>
      %slice3A_1426 = vector.extract_strided_slice %select_n3A_1396 {offsets = [0, 0], sizes = [8, 4], strides = [1, 1]} : vector<8x4096xi32> to vector<8x4xi32>
      %concatenate3A_1427 = tpu.concatenate %slice3A_1425, %slice3A_1426 in 1 : vector<8x4092xi32>, vector<8x4xi32> -> vector<8x4096xi32>
      %slice3A_1428 = vector.extract_strided_slice %select_n3A_1396 {offsets = [0, 4092], sizes = [8, 4], strides = [1, 1]} : vector<8x4096xi32> to vector<8x4xi32>
      %slice3A_1429 = vector.extract_strided_slice %select_n3A_1396 {offsets = [0, 0], sizes = [8, 4092], strides = [1, 1]} : vector<8x4096xi32> to vector<8x4092xi32>
      %concatenate3A_1430 = tpu.concatenate %slice3A_1428, %slice3A_1429 in 1 : vector<8x4xi32>, vector<8x4092xi32> -> vector<8x4096xi32>
      %select_n3A_1431 = arith.select %eq3A_1424, %concatenate3A_1427, %concatenate3A_1430 : vector<8x4096xi1>, vector<8x4096xi32>
      %slice3A_1432 = vector.extract_strided_slice %select_n3A_1397 {offsets = [0, 4], sizes = [8, 4092], strides = [1, 1]} : vector<8x4096xi32> to vector<8x4092xi32>
      %slice3A_1433 = vector.extract_strided_slice %select_n3A_1397 {offsets = [0, 0], sizes = [8, 4], strides = [1, 1]} : vector<8x4096xi32> to vector<8x4xi32>
      %concatenate3A_1434 = tpu.concatenate %slice3A_1432, %slice3A_1433 in 1 : vector<8x4092xi32>, vector<8x4xi32> -> vector<8x4096xi32>
      %slice3A_1435 = vector.extract_strided_slice %select_n3A_1397 {offsets = [0, 4092], sizes = [8, 4], strides = [1, 1]} : vector<8x4096xi32> to vector<8x4xi32>
      %slice3A_1436 = vector.extract_strided_slice %select_n3A_1397 {offsets = [0, 0], sizes = [8, 4092], strides = [1, 1]} : vector<8x4096xi32> to vector<8x4092xi32>
      %concatenate3A_1437 = tpu.concatenate %slice3A_1435, %slice3A_1436 in 1 : vector<8x4xi32>, vector<8x4092xi32> -> vector<8x4096xi32>
      %select_n3A_1438 = arith.select %eq3A_1424, %concatenate3A_1434, %concatenate3A_1437 : vector<8x4096xi1>, vector<8x4096xi32>
      %gt3A_1439 = arith.cmpi sgt, %select_n3A_1396, %select_n3A_1431 : vector<8x4096xi32>
      %eq3A_1440 = arith.cmpi eq, %select_n3A_1396, %select_n3A_1431 : vector<8x4096xi32>
      %lt3A_1441 = arith.cmpi slt, %select_n3A_1397, %select_n3A_1438 : vector<8x4096xi32>
      %and3A_1442 = arith.andi %eq3A_1440, %lt3A_1441 : vector<8x4096xi1>
      %or3A_1443 = arith.ori %gt3A_1439, %and3A_1442 : vector<8x4096xi1>
      %and3A_1444 = arith.andi %or3A_1417, %or3A_1443 : vector<8x4096xi1>
      %not3A_1445 = arith.constant dense<true> : vector<8x4096xi1>
      %not3A_1446 = arith.xori %or3A_1417, %not3A_1445 : vector<8x4096xi1>
      %not3A_1447 = arith.constant dense<true> : vector<8x4096xi1>
      %not3A_1448 = arith.xori %or3A_1443, %not3A_1447 : vector<8x4096xi1>
      %and3A_1449 = arith.andi %not3A_1446, %not3A_1448 : vector<8x4096xi1>
      %or3A_1450 = arith.ori %and3A_1444, %and3A_1449 : vector<8x4096xi1>
      %select_n3A_1451 = arith.select %or3A_1450, %select_n3A_1396, %select_n3A_1431 : vector<8x4096xi1>, vector<8x4096xi32>
      %select_n3A_1452 = arith.select %or3A_1450, %select_n3A_1397, %select_n3A_1438 : vector<8x4096xi1>, vector<8x4096xi32>
      %iota3A_1453 = tpu.iota {dimensions = array<i32: 1>} : vector<8x4096xi32>
      %and3A_1454 = arith.constant 2 : i32
      %and3A_1455 = vector.broadcast %and3A_1454 : i32 to vector<8x4096xi32>
      %and3A_1456 = arith.andi %iota3A_1453, %and3A_1455 : vector<8x4096xi32>
      %eq3A_1457 = arith.constant 0 : i32
      %eq3A_1458 = vector.broadcast %eq3A_1457 : i32 to vector<8x4096xi32>
      %eq3A_1459 = arith.cmpi eq, %and3A_1456, %eq3A_1458 : vector<8x4096xi32>
      %and3A_1460 = arith.constant 128 : i32
      %and3A_1461 = vector.broadcast %and3A_1460 : i32 to vector<8x4096xi32>
      %and3A_1462 = arith.andi %iota3A_1453, %and3A_1461 : vector<8x4096xi32>
      %eq3A_1463 = arith.constant 0 : i32
      %eq3A_1464 = vector.broadcast %eq3A_1463 : i32 to vector<8x4096xi32>
      %eq3A_1465 = arith.cmpi eq, %and3A_1462, %eq3A_1464 : vector<8x4096xi32>
      %and3A_1466 = arith.andi %eq3A_1459, %eq3A_1465 : vector<8x4096xi1>
      %not3A_1467 = arith.constant dense<true> : vector<8x4096xi1>
      %not3A_1468 = arith.xori %eq3A_1459, %not3A_1467 : vector<8x4096xi1>
      %not3A_1469 = arith.constant dense<true> : vector<8x4096xi1>
      %not3A_1470 = arith.xori %eq3A_1465, %not3A_1469 : vector<8x4096xi1>
      %and3A_1471 = arith.andi %not3A_1468, %not3A_1470 : vector<8x4096xi1>
      %or3A_1472 = arith.ori %and3A_1466, %and3A_1471 : vector<8x4096xi1>
      %iota3A_1473 = tpu.iota {dimensions = array<i32: 1>} : vector<8x4096xi32>
      %and3A_1474 = arith.constant 2 : i32
      %and3A_1475 = vector.broadcast %and3A_1474 : i32 to vector<8x4096xi32>
      %and3A_1476 = arith.andi %iota3A_1473, %and3A_1475 : vector<8x4096xi32>
      %eq3A_1477 = arith.constant 0 : i32
      %eq3A_1478 = vector.broadcast %eq3A_1477 : i32 to vector<8x4096xi32>
      %eq3A_1479 = arith.cmpi eq, %and3A_1476, %eq3A_1478 : vector<8x4096xi32>
      %slice3A_1480 = vector.extract_strided_slice %select_n3A_1451 {offsets = [0, 2], sizes = [8, 4094], strides = [1, 1]} : vector<8x4096xi32> to vector<8x4094xi32>
      %slice3A_1481 = vector.extract_strided_slice %select_n3A_1451 {offsets = [0, 0], sizes = [8, 2], strides = [1, 1]} : vector<8x4096xi32> to vector<8x2xi32>
      %concatenate3A_1482 = tpu.concatenate %slice3A_1480, %slice3A_1481 in 1 : vector<8x4094xi32>, vector<8x2xi32> -> vector<8x4096xi32>
      %slice3A_1483 = vector.extract_strided_slice %select_n3A_1451 {offsets = [0, 4094], sizes = [8, 2], strides = [1, 1]} : vector<8x4096xi32> to vector<8x2xi32>
      %slice3A_1484 = vector.extract_strided_slice %select_n3A_1451 {offsets = [0, 0], sizes = [8, 4094], strides = [1, 1]} : vector<8x4096xi32> to vector<8x4094xi32>
      %concatenate3A_1485 = tpu.concatenate %slice3A_1483, %slice3A_1484 in 1 : vector<8x2xi32>, vector<8x4094xi32> -> vector<8x4096xi32>
      %select_n3A_1486 = arith.select %eq3A_1479, %concatenate3A_1482, %concatenate3A_1485 : vector<8x4096xi1>, vector<8x4096xi32>
      %slice3A_1487 = vector.extract_strided_slice %select_n3A_1452 {offsets = [0, 2], sizes = [8, 4094], strides = [1, 1]} : vector<8x4096xi32> to vector<8x4094xi32>
      %slice3A_1488 = vector.extract_strided_slice %select_n3A_1452 {offsets = [0, 0], sizes = [8, 2], strides = [1, 1]} : vector<8x4096xi32> to vector<8x2xi32>
      %concatenate3A_1489 = tpu.concatenate %slice3A_1487, %slice3A_1488 in 1 : vector<8x4094xi32>, vector<8x2xi32> -> vector<8x4096xi32>
      %slice3A_1490 = vector.extract_strided_slice %select_n3A_1452 {offsets = [0, 4094], sizes = [8, 2], strides = [1, 1]} : vector<8x4096xi32> to vector<8x2xi32>
      %slice3A_1491 = vector.extract_strided_slice %select_n3A_1452 {offsets = [0, 0], sizes = [8, 4094], strides = [1, 1]} : vector<8x4096xi32> to vector<8x4094xi32>
      %concatenate3A_1492 = tpu.concatenate %slice3A_1490, %slice3A_1491 in 1 : vector<8x2xi32>, vector<8x4094xi32> -> vector<8x4096xi32>
      %select_n3A_1493 = arith.select %eq3A_1479, %concatenate3A_1489, %concatenate3A_1492 : vector<8x4096xi1>, vector<8x4096xi32>
      %gt3A_1494 = arith.cmpi sgt, %select_n3A_1451, %select_n3A_1486 : vector<8x4096xi32>
      %eq3A_1495 = arith.cmpi eq, %select_n3A_1451, %select_n3A_1486 : vector<8x4096xi32>
      %lt3A_1496 = arith.cmpi slt, %select_n3A_1452, %select_n3A_1493 : vector<8x4096xi32>
      %and3A_1497 = arith.andi %eq3A_1495, %lt3A_1496 : vector<8x4096xi1>
      %or3A_1498 = arith.ori %gt3A_1494, %and3A_1497 : vector<8x4096xi1>
      %and3A_1499 = arith.andi %or3A_1472, %or3A_1498 : vector<8x4096xi1>
      %not3A_1500 = arith.constant dense<true> : vector<8x4096xi1>
      %not3A_1501 = arith.xori %or3A_1472, %not3A_1500 : vector<8x4096xi1>
      %not3A_1502 = arith.constant dense<true> : vector<8x4096xi1>
      %not3A_1503 = arith.xori %or3A_1498, %not3A_1502 : vector<8x4096xi1>
      %and3A_1504 = arith.andi %not3A_1501, %not3A_1503 : vector<8x4096xi1>
      %or3A_1505 = arith.ori %and3A_1499, %and3A_1504 : vector<8x4096xi1>
      %select_n3A_1506 = arith.select %or3A_1505, %select_n3A_1451, %select_n3A_1486 : vector<8x4096xi1>, vector<8x4096xi32>
      %select_n3A_1507 = arith.select %or3A_1505, %select_n3A_1452, %select_n3A_1493 : vector<8x4096xi1>, vector<8x4096xi32>
      %iota3A_1508 = tpu.iota {dimensions = array<i32: 1>} : vector<8x4096xi32>
      %and3A_1509 = arith.constant 1 : i32
      %and3A_1510 = vector.broadcast %and3A_1509 : i32 to vector<8x4096xi32>
      %and3A_1511 = arith.andi %iota3A_1508, %and3A_1510 : vector<8x4096xi32>
      %eq3A_1512 = arith.constant 0 : i32
      %eq3A_1513 = vector.broadcast %eq3A_1512 : i32 to vector<8x4096xi32>
      %eq3A_1514 = arith.cmpi eq, %and3A_1511, %eq3A_1513 : vector<8x4096xi32>
      %and3A_1515 = arith.constant 128 : i32
      %and3A_1516 = vector.broadcast %and3A_1515 : i32 to vector<8x4096xi32>
      %and3A_1517 = arith.andi %iota3A_1508, %and3A_1516 : vector<8x4096xi32>
      %eq3A_1518 = arith.constant 0 : i32
      %eq3A_1519 = vector.broadcast %eq3A_1518 : i32 to vector<8x4096xi32>
      %eq3A_1520 = arith.cmpi eq, %and3A_1517, %eq3A_1519 : vector<8x4096xi32>
      %and3A_1521 = arith.andi %eq3A_1514, %eq3A_1520 : vector<8x4096xi1>
      %not3A_1522 = arith.constant dense<true> : vector<8x4096xi1>
      %not3A_1523 = arith.xori %eq3A_1514, %not3A_1522 : vector<8x4096xi1>
      %not3A_1524 = arith.constant dense<true> : vector<8x4096xi1>
      %not3A_1525 = arith.xori %eq3A_1520, %not3A_1524 : vector<8x4096xi1>
      %and3A_1526 = arith.andi %not3A_1523, %not3A_1525 : vector<8x4096xi1>
      %or3A_1527 = arith.ori %and3A_1521, %and3A_1526 : vector<8x4096xi1>
      %iota3A_1528 = tpu.iota {dimensions = array<i32: 1>} : vector<8x4096xi32>
      %and3A_1529 = arith.constant 1 : i32
      %and3A_1530 = vector.broadcast %and3A_1529 : i32 to vector<8x4096xi32>
      %and3A_1531 = arith.andi %iota3A_1528, %and3A_1530 : vector<8x4096xi32>
      %eq3A_1532 = arith.constant 0 : i32
      %eq3A_1533 = vector.broadcast %eq3A_1532 : i32 to vector<8x4096xi32>
      %eq3A_1534 = arith.cmpi eq, %and3A_1531, %eq3A_1533 : vector<8x4096xi32>
      %slice3A_1535 = vector.extract_strided_slice %select_n3A_1506 {offsets = [0, 1], sizes = [8, 4095], strides = [1, 1]} : vector<8x4096xi32> to vector<8x4095xi32>
      %slice3A_1536 = vector.extract_strided_slice %select_n3A_1506 {offsets = [0, 0], sizes = [8, 1], strides = [1, 1]} : vector<8x4096xi32> to vector<8x1xi32>
      %concatenate3A_1537 = tpu.concatenate %slice3A_1535, %slice3A_1536 in 1 : vector<8x4095xi32>, vector<8x1xi32> -> vector<8x4096xi32>
      %slice3A_1538 = vector.extract_strided_slice %select_n3A_1506 {offsets = [0, 4095], sizes = [8, 1], strides = [1, 1]} : vector<8x4096xi32> to vector<8x1xi32>
      %slice3A_1539 = vector.extract_strided_slice %select_n3A_1506 {offsets = [0, 0], sizes = [8, 4095], strides = [1, 1]} : vector<8x4096xi32> to vector<8x4095xi32>
      %concatenate3A_1540 = tpu.concatenate %slice3A_1538, %slice3A_1539 in 1 : vector<8x1xi32>, vector<8x4095xi32> -> vector<8x4096xi32>
      %select_n3A_1541 = arith.select %eq3A_1534, %concatenate3A_1537, %concatenate3A_1540 : vector<8x4096xi1>, vector<8x4096xi32>
      %slice3A_1542 = vector.extract_strided_slice %select_n3A_1507 {offsets = [0, 1], sizes = [8, 4095], strides = [1, 1]} : vector<8x4096xi32> to vector<8x4095xi32>
      %slice3A_1543 = vector.extract_strided_slice %select_n3A_1507 {offsets = [0, 0], sizes = [8, 1], strides = [1, 1]} : vector<8x4096xi32> to vector<8x1xi32>
      %concatenate3A_1544 = tpu.concatenate %slice3A_1542, %slice3A_1543 in 1 : vector<8x4095xi32>, vector<8x1xi32> -> vector<8x4096xi32>
      %slice3A_1545 = vector.extract_strided_slice %select_n3A_1507 {offsets = [0, 4095], sizes = [8, 1], strides = [1, 1]} : vector<8x4096xi32> to vector<8x1xi32>
      %slice3A_1546 = vector.extract_strided_slice %select_n3A_1507 {offsets = [0, 0], sizes = [8, 4095], strides = [1, 1]} : vector<8x4096xi32> to vector<8x4095xi32>
      %concatenate3A_1547 = tpu.concatenate %slice3A_1545, %slice3A_1546 in 1 : vector<8x1xi32>, vector<8x4095xi32> -> vector<8x4096xi32>
      %select_n3A_1548 = arith.select %eq3A_1534, %concatenate3A_1544, %concatenate3A_1547 : vector<8x4096xi1>, vector<8x4096xi32>
      %gt3A_1549 = arith.cmpi sgt, %select_n3A_1506, %select_n3A_1541 : vector<8x4096xi32>
      %eq3A_1550 = arith.cmpi eq, %select_n3A_1506, %select_n3A_1541 : vector<8x4096xi32>
      %lt3A_1551 = arith.cmpi slt, %select_n3A_1507, %select_n3A_1548 : vector<8x4096xi32>
      %and3A_1552 = arith.andi %eq3A_1550, %lt3A_1551 : vector<8x4096xi1>
      %or3A_1553 = arith.ori %gt3A_1549, %and3A_1552 : vector<8x4096xi1>
      %and3A_1554 = arith.andi %or3A_1527, %or3A_1553 : vector<8x4096xi1>
      %not3A_1555 = arith.constant dense<true> : vector<8x4096xi1>
      %not3A_1556 = arith.xori %or3A_1527, %not3A_1555 : vector<8x4096xi1>
      %not3A_1557 = arith.constant dense<true> : vector<8x4096xi1>
      %not3A_1558 = arith.xori %or3A_1553, %not3A_1557 : vector<8x4096xi1>
      %and3A_1559 = arith.andi %not3A_1556, %not3A_1558 : vector<8x4096xi1>
      %or3A_1560 = arith.ori %and3A_1554, %and3A_1559 : vector<8x4096xi1>
      %select_n3A_1561 = arith.select %or3A_1560, %select_n3A_1506, %select_n3A_1541 : vector<8x4096xi1>, vector<8x4096xi32>
      %select_n3A_1562 = arith.select %or3A_1560, %select_n3A_1507, %select_n3A_1548 : vector<8x4096xi1>, vector<8x4096xi32>
      %iota3A_1563 = tpu.iota {dimensions = array<i32: 1>} : vector<8x4096xi32>
      %and3A_1564 = arith.constant 128 : i32
      %and3A_1565 = vector.broadcast %and3A_1564 : i32 to vector<8x4096xi32>
      %and3A_1566 = arith.andi %iota3A_1563, %and3A_1565 : vector<8x4096xi32>
      %eq3A_1567 = arith.constant 0 : i32
      %eq3A_1568 = vector.broadcast %eq3A_1567 : i32 to vector<8x4096xi32>
      %eq3A_1569 = arith.cmpi eq, %and3A_1566, %eq3A_1568 : vector<8x4096xi32>
      %and3A_1570 = arith.constant 256 : i32
      %and3A_1571 = vector.broadcast %and3A_1570 : i32 to vector<8x4096xi32>
      %and3A_1572 = arith.andi %iota3A_1563, %and3A_1571 : vector<8x4096xi32>
      %eq3A_1573 = arith.constant 0 : i32
      %eq3A_1574 = vector.broadcast %eq3A_1573 : i32 to vector<8x4096xi32>
      %eq3A_1575 = arith.cmpi eq, %and3A_1572, %eq3A_1574 : vector<8x4096xi32>
      %and3A_1576 = arith.andi %eq3A_1569, %eq3A_1575 : vector<8x4096xi1>
      %not3A_1577 = arith.constant dense<true> : vector<8x4096xi1>
      %not3A_1578 = arith.xori %eq3A_1569, %not3A_1577 : vector<8x4096xi1>
      %not3A_1579 = arith.constant dense<true> : vector<8x4096xi1>
      %not3A_1580 = arith.xori %eq3A_1575, %not3A_1579 : vector<8x4096xi1>
      %and3A_1581 = arith.andi %not3A_1578, %not3A_1580 : vector<8x4096xi1>
      %or3A_1582 = arith.ori %and3A_1576, %and3A_1581 : vector<8x4096xi1>
      %iota3A_1583 = tpu.iota {dimensions = array<i32: 1>} : vector<8x4096xi32>
      %and3A_1584 = arith.constant 128 : i32
      %and3A_1585 = vector.broadcast %and3A_1584 : i32 to vector<8x4096xi32>
      %and3A_1586 = arith.andi %iota3A_1583, %and3A_1585 : vector<8x4096xi32>
      %eq3A_1587 = arith.constant 0 : i32
      %eq3A_1588 = vector.broadcast %eq3A_1587 : i32 to vector<8x4096xi32>
      %eq3A_1589 = arith.cmpi eq, %and3A_1586, %eq3A_1588 : vector<8x4096xi32>
      %slice3A_1590 = vector.extract_strided_slice %select_n3A_1561 {offsets = [0, 128], sizes = [8, 3968], strides = [1, 1]} : vector<8x4096xi32> to vector<8x3968xi32>
      %slice3A_1591 = vector.extract_strided_slice %select_n3A_1561 {offsets = [0, 0], sizes = [8, 128], strides = [1, 1]} : vector<8x4096xi32> to vector<8x128xi32>
      %concatenate3A_1592 = tpu.concatenate %slice3A_1590, %slice3A_1591 in 1 : vector<8x3968xi32>, vector<8x128xi32> -> vector<8x4096xi32>
      %slice3A_1593 = vector.extract_strided_slice %select_n3A_1561 {offsets = [0, 3968], sizes = [8, 128], strides = [1, 1]} : vector<8x4096xi32> to vector<8x128xi32>
      %slice3A_1594 = vector.extract_strided_slice %select_n3A_1561 {offsets = [0, 0], sizes = [8, 3968], strides = [1, 1]} : vector<8x4096xi32> to vector<8x3968xi32>
      %concatenate3A_1595 = tpu.concatenate %slice3A_1593, %slice3A_1594 in 1 : vector<8x128xi32>, vector<8x3968xi32> -> vector<8x4096xi32>
      %select_n3A_1596 = arith.select %eq3A_1589, %concatenate3A_1592, %concatenate3A_1595 : vector<8x4096xi1>, vector<8x4096xi32>
      %slice3A_1597 = vector.extract_strided_slice %select_n3A_1562 {offsets = [0, 128], sizes = [8, 3968], strides = [1, 1]} : vector<8x4096xi32> to vector<8x3968xi32>
      %slice3A_1598 = vector.extract_strided_slice %select_n3A_1562 {offsets = [0, 0], sizes = [8, 128], strides = [1, 1]} : vector<8x4096xi32> to vector<8x128xi32>
      %concatenate3A_1599 = tpu.concatenate %slice3A_1597, %slice3A_1598 in 1 : vector<8x3968xi32>, vector<8x128xi32> -> vector<8x4096xi32>
      %slice3A_1600 = vector.extract_strided_slice %select_n3A_1562 {offsets = [0, 3968], sizes = [8, 128], strides = [1, 1]} : vector<8x4096xi32> to vector<8x128xi32>
      %slice3A_1601 = vector.extract_strided_slice %select_n3A_1562 {offsets = [0, 0], sizes = [8, 3968], strides = [1, 1]} : vector<8x4096xi32> to vector<8x3968xi32>
      %concatenate3A_1602 = tpu.concatenate %slice3A_1600, %slice3A_1601 in 1 : vector<8x128xi32>, vector<8x3968xi32> -> vector<8x4096xi32>
      %select_n3A_1603 = arith.select %eq3A_1589, %concatenate3A_1599, %concatenate3A_1602 : vector<8x4096xi1>, vector<8x4096xi32>
      %gt3A_1604 = arith.cmpi sgt, %select_n3A_1561, %select_n3A_1596 : vector<8x4096xi32>
      %eq3A_1605 = arith.cmpi eq, %select_n3A_1561, %select_n3A_1596 : vector<8x4096xi32>
      %lt3A_1606 = arith.cmpi slt, %select_n3A_1562, %select_n3A_1603 : vector<8x4096xi32>
      %and3A_1607 = arith.andi %eq3A_1605, %lt3A_1606 : vector<8x4096xi1>
      %or3A_1608 = arith.ori %gt3A_1604, %and3A_1607 : vector<8x4096xi1>
      %and3A_1609 = arith.andi %or3A_1582, %or3A_1608 : vector<8x4096xi1>
      %not3A_1610 = arith.constant dense<true> : vector<8x4096xi1>
      %not3A_1611 = arith.xori %or3A_1582, %not3A_1610 : vector<8x4096xi1>
      %not3A_1612 = arith.constant dense<true> : vector<8x4096xi1>
      %not3A_1613 = arith.xori %or3A_1608, %not3A_1612 : vector<8x4096xi1>
      %and3A_1614 = arith.andi %not3A_1611, %not3A_1613 : vector<8x4096xi1>
      %or3A_1615 = arith.ori %and3A_1609, %and3A_1614 : vector<8x4096xi1>
      %select_n3A_1616 = arith.select %or3A_1615, %select_n3A_1561, %select_n3A_1596 : vector<8x4096xi1>, vector<8x4096xi32>
      %select_n3A_1617 = arith.select %or3A_1615, %select_n3A_1562, %select_n3A_1603 : vector<8x4096xi1>, vector<8x4096xi32>
      %iota3A_1618 = tpu.iota {dimensions = array<i32: 1>} : vector<8x4096xi32>
      %and3A_1619 = arith.constant 64 : i32
      %and3A_1620 = vector.broadcast %and3A_1619 : i32 to vector<8x4096xi32>
      %and3A_1621 = arith.andi %iota3A_1618, %and3A_1620 : vector<8x4096xi32>
      %eq3A_1622 = arith.constant 0 : i32
      %eq3A_1623 = vector.broadcast %eq3A_1622 : i32 to vector<8x4096xi32>
      %eq3A_1624 = arith.cmpi eq, %and3A_1621, %eq3A_1623 : vector<8x4096xi32>
      %and3A_1625 = arith.constant 256 : i32
      %and3A_1626 = vector.broadcast %and3A_1625 : i32 to vector<8x4096xi32>
      %and3A_1627 = arith.andi %iota3A_1618, %and3A_1626 : vector<8x4096xi32>
      %eq3A_1628 = arith.constant 0 : i32
      %eq3A_1629 = vector.broadcast %eq3A_1628 : i32 to vector<8x4096xi32>
      %eq3A_1630 = arith.cmpi eq, %and3A_1627, %eq3A_1629 : vector<8x4096xi32>
      %and3A_1631 = arith.andi %eq3A_1624, %eq3A_1630 : vector<8x4096xi1>
      %not3A_1632 = arith.constant dense<true> : vector<8x4096xi1>
      %not3A_1633 = arith.xori %eq3A_1624, %not3A_1632 : vector<8x4096xi1>
      %not3A_1634 = arith.constant dense<true> : vector<8x4096xi1>
      %not3A_1635 = arith.xori %eq3A_1630, %not3A_1634 : vector<8x4096xi1>
      %and3A_1636 = arith.andi %not3A_1633, %not3A_1635 : vector<8x4096xi1>
      %or3A_1637 = arith.ori %and3A_1631, %and3A_1636 : vector<8x4096xi1>
      %iota3A_1638 = tpu.iota {dimensions = array<i32: 1>} : vector<8x4096xi32>
      %and3A_1639 = arith.constant 64 : i32
      %and3A_1640 = vector.broadcast %and3A_1639 : i32 to vector<8x4096xi32>
      %and3A_1641 = arith.andi %iota3A_1638, %and3A_1640 : vector<8x4096xi32>
      %eq3A_1642 = arith.constant 0 : i32
      %eq3A_1643 = vector.broadcast %eq3A_1642 : i32 to vector<8x4096xi32>
      %eq3A_1644 = arith.cmpi eq, %and3A_1641, %eq3A_1643 : vector<8x4096xi32>
      %slice3A_1645 = vector.extract_strided_slice %select_n3A_1616 {offsets = [0, 64], sizes = [8, 4032], strides = [1, 1]} : vector<8x4096xi32> to vector<8x4032xi32>
      %slice3A_1646 = vector.extract_strided_slice %select_n3A_1616 {offsets = [0, 0], sizes = [8, 64], strides = [1, 1]} : vector<8x4096xi32> to vector<8x64xi32>
      %concatenate3A_1647 = tpu.concatenate %slice3A_1645, %slice3A_1646 in 1 : vector<8x4032xi32>, vector<8x64xi32> -> vector<8x4096xi32>
      %slice3A_1648 = vector.extract_strided_slice %select_n3A_1616 {offsets = [0, 4032], sizes = [8, 64], strides = [1, 1]} : vector<8x4096xi32> to vector<8x64xi32>
      %slice3A_1649 = vector.extract_strided_slice %select_n3A_1616 {offsets = [0, 0], sizes = [8, 4032], strides = [1, 1]} : vector<8x4096xi32> to vector<8x4032xi32>
      %concatenate3A_1650 = tpu.concatenate %slice3A_1648, %slice3A_1649 in 1 : vector<8x64xi32>, vector<8x4032xi32> -> vector<8x4096xi32>
      %select_n3A_1651 = arith.select %eq3A_1644, %concatenate3A_1647, %concatenate3A_1650 : vector<8x4096xi1>, vector<8x4096xi32>
      %slice3A_1652 = vector.extract_strided_slice %select_n3A_1617 {offsets = [0, 64], sizes = [8, 4032], strides = [1, 1]} : vector<8x4096xi32> to vector<8x4032xi32>
      %slice3A_1653 = vector.extract_strided_slice %select_n3A_1617 {offsets = [0, 0], sizes = [8, 64], strides = [1, 1]} : vector<8x4096xi32> to vector<8x64xi32>
      %concatenate3A_1654 = tpu.concatenate %slice3A_1652, %slice3A_1653 in 1 : vector<8x4032xi32>, vector<8x64xi32> -> vector<8x4096xi32>
      %slice3A_1655 = vector.extract_strided_slice %select_n3A_1617 {offsets = [0, 4032], sizes = [8, 64], strides = [1, 1]} : vector<8x4096xi32> to vector<8x64xi32>
      %slice3A_1656 = vector.extract_strided_slice %select_n3A_1617 {offsets = [0, 0], sizes = [8, 4032], strides = [1, 1]} : vector<8x4096xi32> to vector<8x4032xi32>
      %concatenate3A_1657 = tpu.concatenate %slice3A_1655, %slice3A_1656 in 1 : vector<8x64xi32>, vector<8x4032xi32> -> vector<8x4096xi32>
      %select_n3A_1658 = arith.select %eq3A_1644, %concatenate3A_1654, %concatenate3A_1657 : vector<8x4096xi1>, vector<8x4096xi32>
      %gt3A_1659 = arith.cmpi sgt, %select_n3A_1616, %select_n3A_1651 : vector<8x4096xi32>
      %eq3A_1660 = arith.cmpi eq, %select_n3A_1616, %select_n3A_1651 : vector<8x4096xi32>
      %lt3A_1661 = arith.cmpi slt, %select_n3A_1617, %select_n3A_1658 : vector<8x4096xi32>
      %and3A_1662 = arith.andi %eq3A_1660, %lt3A_1661 : vector<8x4096xi1>
      %or3A_1663 = arith.ori %gt3A_1659, %and3A_1662 : vector<8x4096xi1>
      %and3A_1664 = arith.andi %or3A_1637, %or3A_1663 : vector<8x4096xi1>
      %not3A_1665 = arith.constant dense<true> : vector<8x4096xi1>
      %not3A_1666 = arith.xori %or3A_1637, %not3A_1665 : vector<8x4096xi1>
      %not3A_1667 = arith.constant dense<true> : vector<8x4096xi1>
      %not3A_1668 = arith.xori %or3A_1663, %not3A_1667 : vector<8x4096xi1>
      %and3A_1669 = arith.andi %not3A_1666, %not3A_1668 : vector<8x4096xi1>
      %or3A_1670 = arith.ori %and3A_1664, %and3A_1669 : vector<8x4096xi1>
      %select_n3A_1671 = arith.select %or3A_1670, %select_n3A_1616, %select_n3A_1651 : vector<8x4096xi1>, vector<8x4096xi32>
      %select_n3A_1672 = arith.select %or3A_1670, %select_n3A_1617, %select_n3A_1658 : vector<8x4096xi1>, vector<8x4096xi32>
      %iota3A_1673 = tpu.iota {dimensions = array<i32: 1>} : vector<8x4096xi32>
      %and3A_1674 = arith.constant 32 : i32
      %and3A_1675 = vector.broadcast %and3A_1674 : i32 to vector<8x4096xi32>
      %and3A_1676 = arith.andi %iota3A_1673, %and3A_1675 : vector<8x4096xi32>
      %eq3A_1677 = arith.constant 0 : i32
      %eq3A_1678 = vector.broadcast %eq3A_1677 : i32 to vector<8x4096xi32>
      %eq3A_1679 = arith.cmpi eq, %and3A_1676, %eq3A_1678 : vector<8x4096xi32>
      %and3A_1680 = arith.constant 256 : i32
      %and3A_1681 = vector.broadcast %and3A_1680 : i32 to vector<8x4096xi32>
      %and3A_1682 = arith.andi %iota3A_1673, %and3A_1681 : vector<8x4096xi32>
      %eq3A_1683 = arith.constant 0 : i32
      %eq3A_1684 = vector.broadcast %eq3A_1683 : i32 to vector<8x4096xi32>
      %eq3A_1685 = arith.cmpi eq, %and3A_1682, %eq3A_1684 : vector<8x4096xi32>
      %and3A_1686 = arith.andi %eq3A_1679, %eq3A_1685 : vector<8x4096xi1>
      %not3A_1687 = arith.constant dense<true> : vector<8x4096xi1>
      %not3A_1688 = arith.xori %eq3A_1679, %not3A_1687 : vector<8x4096xi1>
      %not3A_1689 = arith.constant dense<true> : vector<8x4096xi1>
      %not3A_1690 = arith.xori %eq3A_1685, %not3A_1689 : vector<8x4096xi1>
      %and3A_1691 = arith.andi %not3A_1688, %not3A_1690 : vector<8x4096xi1>
      %or3A_1692 = arith.ori %and3A_1686, %and3A_1691 : vector<8x4096xi1>
      %iota3A_1693 = tpu.iota {dimensions = array<i32: 1>} : vector<8x4096xi32>
      %and3A_1694 = arith.constant 32 : i32
      %and3A_1695 = vector.broadcast %and3A_1694 : i32 to vector<8x4096xi32>
      %and3A_1696 = arith.andi %iota3A_1693, %and3A_1695 : vector<8x4096xi32>
      %eq3A_1697 = arith.constant 0 : i32
      %eq3A_1698 = vector.broadcast %eq3A_1697 : i32 to vector<8x4096xi32>
      %eq3A_1699 = arith.cmpi eq, %and3A_1696, %eq3A_1698 : vector<8x4096xi32>
      %slice3A_1700 = vector.extract_strided_slice %select_n3A_1671 {offsets = [0, 32], sizes = [8, 4064], strides = [1, 1]} : vector<8x4096xi32> to vector<8x4064xi32>
      %slice3A_1701 = vector.extract_strided_slice %select_n3A_1671 {offsets = [0, 0], sizes = [8, 32], strides = [1, 1]} : vector<8x4096xi32> to vector<8x32xi32>
      %concatenate3A_1702 = tpu.concatenate %slice3A_1700, %slice3A_1701 in 1 : vector<8x4064xi32>, vector<8x32xi32> -> vector<8x4096xi32>
      %slice3A_1703 = vector.extract_strided_slice %select_n3A_1671 {offsets = [0, 4064], sizes = [8, 32], strides = [1, 1]} : vector<8x4096xi32> to vector<8x32xi32>
      %slice3A_1704 = vector.extract_strided_slice %select_n3A_1671 {offsets = [0, 0], sizes = [8, 4064], strides = [1, 1]} : vector<8x4096xi32> to vector<8x4064xi32>
      %concatenate3A_1705 = tpu.concatenate %slice3A_1703, %slice3A_1704 in 1 : vector<8x32xi32>, vector<8x4064xi32> -> vector<8x4096xi32>
      %select_n3A_1706 = arith.select %eq3A_1699, %concatenate3A_1702, %concatenate3A_1705 : vector<8x4096xi1>, vector<8x4096xi32>
      %slice3A_1707 = vector.extract_strided_slice %select_n3A_1672 {offsets = [0, 32], sizes = [8, 4064], strides = [1, 1]} : vector<8x4096xi32> to vector<8x4064xi32>
      %slice3A_1708 = vector.extract_strided_slice %select_n3A_1672 {offsets = [0, 0], sizes = [8, 32], strides = [1, 1]} : vector<8x4096xi32> to vector<8x32xi32>
      %concatenate3A_1709 = tpu.concatenate %slice3A_1707, %slice3A_1708 in 1 : vector<8x4064xi32>, vector<8x32xi32> -> vector<8x4096xi32>
      %slice3A_1710 = vector.extract_strided_slice %select_n3A_1672 {offsets = [0, 4064], sizes = [8, 32], strides = [1, 1]} : vector<8x4096xi32> to vector<8x32xi32>
      %slice3A_1711 = vector.extract_strided_slice %select_n3A_1672 {offsets = [0, 0], sizes = [8, 4064], strides = [1, 1]} : vector<8x4096xi32> to vector<8x4064xi32>
      %concatenate3A_1712 = tpu.concatenate %slice3A_1710, %slice3A_1711 in 1 : vector<8x32xi32>, vector<8x4064xi32> -> vector<8x4096xi32>
      %select_n3A_1713 = arith.select %eq3A_1699, %concatenate3A_1709, %concatenate3A_1712 : vector<8x4096xi1>, vector<8x4096xi32>
      %gt3A_1714 = arith.cmpi sgt, %select_n3A_1671, %select_n3A_1706 : vector<8x4096xi32>
      %eq3A_1715 = arith.cmpi eq, %select_n3A_1671, %select_n3A_1706 : vector<8x4096xi32>
      %lt3A_1716 = arith.cmpi slt, %select_n3A_1672, %select_n3A_1713 : vector<8x4096xi32>
      %and3A_1717 = arith.andi %eq3A_1715, %lt3A_1716 : vector<8x4096xi1>
      %or3A_1718 = arith.ori %gt3A_1714, %and3A_1717 : vector<8x4096xi1>
      %and3A_1719 = arith.andi %or3A_1692, %or3A_1718 : vector<8x4096xi1>
      %not3A_1720 = arith.constant dense<true> : vector<8x4096xi1>
      %not3A_1721 = arith.xori %or3A_1692, %not3A_1720 : vector<8x4096xi1>
      %not3A_1722 = arith.constant dense<true> : vector<8x4096xi1>
      %not3A_1723 = arith.xori %or3A_1718, %not3A_1722 : vector<8x4096xi1>
      %and3A_1724 = arith.andi %not3A_1721, %not3A_1723 : vector<8x4096xi1>
      %or3A_1725 = arith.ori %and3A_1719, %and3A_1724 : vector<8x4096xi1>
      %select_n3A_1726 = arith.select %or3A_1725, %select_n3A_1671, %select_n3A_1706 : vector<8x4096xi1>, vector<8x4096xi32>
      %select_n3A_1727 = arith.select %or3A_1725, %select_n3A_1672, %select_n3A_1713 : vector<8x4096xi1>, vector<8x4096xi32>
      %iota3A_1728 = tpu.iota {dimensions = array<i32: 1>} : vector<8x4096xi32>
      %and3A_1729 = arith.constant 16 : i32
      %and3A_1730 = vector.broadcast %and3A_1729 : i32 to vector<8x4096xi32>
      %and3A_1731 = arith.andi %iota3A_1728, %and3A_1730 : vector<8x4096xi32>
      %eq3A_1732 = arith.constant 0 : i32
      %eq3A_1733 = vector.broadcast %eq3A_1732 : i32 to vector<8x4096xi32>
      %eq3A_1734 = arith.cmpi eq, %and3A_1731, %eq3A_1733 : vector<8x4096xi32>
      %and3A_1735 = arith.constant 256 : i32
      %and3A_1736 = vector.broadcast %and3A_1735 : i32 to vector<8x4096xi32>
      %and3A_1737 = arith.andi %iota3A_1728, %and3A_1736 : vector<8x4096xi32>
      %eq3A_1738 = arith.constant 0 : i32
      %eq3A_1739 = vector.broadcast %eq3A_1738 : i32 to vector<8x4096xi32>
      %eq3A_1740 = arith.cmpi eq, %and3A_1737, %eq3A_1739 : vector<8x4096xi32>
      %and3A_1741 = arith.andi %eq3A_1734, %eq3A_1740 : vector<8x4096xi1>
      %not3A_1742 = arith.constant dense<true> : vector<8x4096xi1>
      %not3A_1743 = arith.xori %eq3A_1734, %not3A_1742 : vector<8x4096xi1>
      %not3A_1744 = arith.constant dense<true> : vector<8x4096xi1>
      %not3A_1745 = arith.xori %eq3A_1740, %not3A_1744 : vector<8x4096xi1>
      %and3A_1746 = arith.andi %not3A_1743, %not3A_1745 : vector<8x4096xi1>
      %or3A_1747 = arith.ori %and3A_1741, %and3A_1746 : vector<8x4096xi1>
      %iota3A_1748 = tpu.iota {dimensions = array<i32: 1>} : vector<8x4096xi32>
      %and3A_1749 = arith.constant 16 : i32
      %and3A_1750 = vector.broadcast %and3A_1749 : i32 to vector<8x4096xi32>
      %and3A_1751 = arith.andi %iota3A_1748, %and3A_1750 : vector<8x4096xi32>
      %eq3A_1752 = arith.constant 0 : i32
      %eq3A_1753 = vector.broadcast %eq3A_1752 : i32 to vector<8x4096xi32>
      %eq3A_1754 = arith.cmpi eq, %and3A_1751, %eq3A_1753 : vector<8x4096xi32>
      %slice3A_1755 = vector.extract_strided_slice %select_n3A_1726 {offsets = [0, 16], sizes = [8, 4080], strides = [1, 1]} : vector<8x4096xi32> to vector<8x4080xi32>
      %slice3A_1756 = vector.extract_strided_slice %select_n3A_1726 {offsets = [0, 0], sizes = [8, 16], strides = [1, 1]} : vector<8x4096xi32> to vector<8x16xi32>
      %concatenate3A_1757 = tpu.concatenate %slice3A_1755, %slice3A_1756 in 1 : vector<8x4080xi32>, vector<8x16xi32> -> vector<8x4096xi32>
      %slice3A_1758 = vector.extract_strided_slice %select_n3A_1726 {offsets = [0, 4080], sizes = [8, 16], strides = [1, 1]} : vector<8x4096xi32> to vector<8x16xi32>
      %slice3A_1759 = vector.extract_strided_slice %select_n3A_1726 {offsets = [0, 0], sizes = [8, 4080], strides = [1, 1]} : vector<8x4096xi32> to vector<8x4080xi32>
      %concatenate3A_1760 = tpu.concatenate %slice3A_1758, %slice3A_1759 in 1 : vector<8x16xi32>, vector<8x4080xi32> -> vector<8x4096xi32>
      %select_n3A_1761 = arith.select %eq3A_1754, %concatenate3A_1757, %concatenate3A_1760 : vector<8x4096xi1>, vector<8x4096xi32>
      %slice3A_1762 = vector.extract_strided_slice %select_n3A_1727 {offsets = [0, 16], sizes = [8, 4080], strides = [1, 1]} : vector<8x4096xi32> to vector<8x4080xi32>
      %slice3A_1763 = vector.extract_strided_slice %select_n3A_1727 {offsets = [0, 0], sizes = [8, 16], strides = [1, 1]} : vector<8x4096xi32> to vector<8x16xi32>
      %concatenate3A_1764 = tpu.concatenate %slice3A_1762, %slice3A_1763 in 1 : vector<8x4080xi32>, vector<8x16xi32> -> vector<8x4096xi32>
      %slice3A_1765 = vector.extract_strided_slice %select_n3A_1727 {offsets = [0, 4080], sizes = [8, 16], strides = [1, 1]} : vector<8x4096xi32> to vector<8x16xi32>
      %slice3A_1766 = vector.extract_strided_slice %select_n3A_1727 {offsets = [0, 0], sizes = [8, 4080], strides = [1, 1]} : vector<8x4096xi32> to vector<8x4080xi32>
      %concatenate3A_1767 = tpu.concatenate %slice3A_1765, %slice3A_1766 in 1 : vector<8x16xi32>, vector<8x4080xi32> -> vector<8x4096xi32>
      %select_n3A_1768 = arith.select %eq3A_1754, %concatenate3A_1764, %concatenate3A_1767 : vector<8x4096xi1>, vector<8x4096xi32>
      %gt3A_1769 = arith.cmpi sgt, %select_n3A_1726, %select_n3A_1761 : vector<8x4096xi32>
      %eq3A_1770 = arith.cmpi eq, %select_n3A_1726, %select_n3A_1761 : vector<8x4096xi32>
      %lt3A_1771 = arith.cmpi slt, %select_n3A_1727, %select_n3A_1768 : vector<8x4096xi32>
      %and3A_1772 = arith.andi %eq3A_1770, %lt3A_1771 : vector<8x4096xi1>
      %or3A_1773 = arith.ori %gt3A_1769, %and3A_1772 : vector<8x4096xi1>
      %and3A_1774 = arith.andi %or3A_1747, %or3A_1773 : vector<8x4096xi1>
      %not3A_1775 = arith.constant dense<true> : vector<8x4096xi1>
      %not3A_1776 = arith.xori %or3A_1747, %not3A_1775 : vector<8x4096xi1>
      %not3A_1777 = arith.constant dense<true> : vector<8x4096xi1>
      %not3A_1778 = arith.xori %or3A_1773, %not3A_1777 : vector<8x4096xi1>
      %and3A_1779 = arith.andi %not3A_1776, %not3A_1778 : vector<8x4096xi1>
      %or3A_1780 = arith.ori %and3A_1774, %and3A_1779 : vector<8x4096xi1>
      %select_n3A_1781 = arith.select %or3A_1780, %select_n3A_1726, %select_n3A_1761 : vector<8x4096xi1>, vector<8x4096xi32>
      %select_n3A_1782 = arith.select %or3A_1780, %select_n3A_1727, %select_n3A_1768 : vector<8x4096xi1>, vector<8x4096xi32>
      %iota3A_1783 = tpu.iota {dimensions = array<i32: 1>} : vector<8x4096xi32>
      %and3A_1784 = arith.constant 8 : i32
      %and3A_1785 = vector.broadcast %and3A_1784 : i32 to vector<8x4096xi32>
      %and3A_1786 = arith.andi %iota3A_1783, %and3A_1785 : vector<8x4096xi32>
      %eq3A_1787 = arith.constant 0 : i32
      %eq3A_1788 = vector.broadcast %eq3A_1787 : i32 to vector<8x4096xi32>
      %eq3A_1789 = arith.cmpi eq, %and3A_1786, %eq3A_1788 : vector<8x4096xi32>
      %and3A_1790 = arith.constant 256 : i32
      %and3A_1791 = vector.broadcast %and3A_1790 : i32 to vector<8x4096xi32>
      %and3A_1792 = arith.andi %iota3A_1783, %and3A_1791 : vector<8x4096xi32>
      %eq3A_1793 = arith.constant 0 : i32
      %eq3A_1794 = vector.broadcast %eq3A_1793 : i32 to vector<8x4096xi32>
      %eq3A_1795 = arith.cmpi eq, %and3A_1792, %eq3A_1794 : vector<8x4096xi32>
      %and3A_1796 = arith.andi %eq3A_1789, %eq3A_1795 : vector<8x4096xi1>
      %not3A_1797 = arith.constant dense<true> : vector<8x4096xi1>
      %not3A_1798 = arith.xori %eq3A_1789, %not3A_1797 : vector<8x4096xi1>
      %not3A_1799 = arith.constant dense<true> : vector<8x4096xi1>
      %not3A_1800 = arith.xori %eq3A_1795, %not3A_1799 : vector<8x4096xi1>
      %and3A_1801 = arith.andi %not3A_1798, %not3A_1800 : vector<8x4096xi1>
      %or3A_1802 = arith.ori %and3A_1796, %and3A_1801 : vector<8x4096xi1>
      %iota3A_1803 = tpu.iota {dimensions = array<i32: 1>} : vector<8x4096xi32>
      %and3A_1804 = arith.constant 8 : i32
      %and3A_1805 = vector.broadcast %and3A_1804 : i32 to vector<8x4096xi32>
      %and3A_1806 = arith.andi %iota3A_1803, %and3A_1805 : vector<8x4096xi32>
      %eq3A_1807 = arith.constant 0 : i32
      %eq3A_1808 = vector.broadcast %eq3A_1807 : i32 to vector<8x4096xi32>
      %eq3A_1809 = arith.cmpi eq, %and3A_1806, %eq3A_1808 : vector<8x4096xi32>
      %slice3A_1810 = vector.extract_strided_slice %select_n3A_1781 {offsets = [0, 8], sizes = [8, 4088], strides = [1, 1]} : vector<8x4096xi32> to vector<8x4088xi32>
      %slice3A_1811 = vector.extract_strided_slice %select_n3A_1781 {offsets = [0, 0], sizes = [8, 8], strides = [1, 1]} : vector<8x4096xi32> to vector<8x8xi32>
      %concatenate3A_1812 = tpu.concatenate %slice3A_1810, %slice3A_1811 in 1 : vector<8x4088xi32>, vector<8x8xi32> -> vector<8x4096xi32>
      %slice3A_1813 = vector.extract_strided_slice %select_n3A_1781 {offsets = [0, 4088], sizes = [8, 8], strides = [1, 1]} : vector<8x4096xi32> to vector<8x8xi32>
      %slice3A_1814 = vector.extract_strided_slice %select_n3A_1781 {offsets = [0, 0], sizes = [8, 4088], strides = [1, 1]} : vector<8x4096xi32> to vector<8x4088xi32>
      %concatenate3A_1815 = tpu.concatenate %slice3A_1813, %slice3A_1814 in 1 : vector<8x8xi32>, vector<8x4088xi32> -> vector<8x4096xi32>
      %select_n3A_1816 = arith.select %eq3A_1809, %concatenate3A_1812, %concatenate3A_1815 : vector<8x4096xi1>, vector<8x4096xi32>
      %slice3A_1817 = vector.extract_strided_slice %select_n3A_1782 {offsets = [0, 8], sizes = [8, 4088], strides = [1, 1]} : vector<8x4096xi32> to vector<8x4088xi32>
      %slice3A_1818 = vector.extract_strided_slice %select_n3A_1782 {offsets = [0, 0], sizes = [8, 8], strides = [1, 1]} : vector<8x4096xi32> to vector<8x8xi32>
      %concatenate3A_1819 = tpu.concatenate %slice3A_1817, %slice3A_1818 in 1 : vector<8x4088xi32>, vector<8x8xi32> -> vector<8x4096xi32>
      %slice3A_1820 = vector.extract_strided_slice %select_n3A_1782 {offsets = [0, 4088], sizes = [8, 8], strides = [1, 1]} : vector<8x4096xi32> to vector<8x8xi32>
      %slice3A_1821 = vector.extract_strided_slice %select_n3A_1782 {offsets = [0, 0], sizes = [8, 4088], strides = [1, 1]} : vector<8x4096xi32> to vector<8x4088xi32>
      %concatenate3A_1822 = tpu.concatenate %slice3A_1820, %slice3A_1821 in 1 : vector<8x8xi32>, vector<8x4088xi32> -> vector<8x4096xi32>
      %select_n3A_1823 = arith.select %eq3A_1809, %concatenate3A_1819, %concatenate3A_1822 : vector<8x4096xi1>, vector<8x4096xi32>
      %gt3A_1824 = arith.cmpi sgt, %select_n3A_1781, %select_n3A_1816 : vector<8x4096xi32>
      %eq3A_1825 = arith.cmpi eq, %select_n3A_1781, %select_n3A_1816 : vector<8x4096xi32>
      %lt3A_1826 = arith.cmpi slt, %select_n3A_1782, %select_n3A_1823 : vector<8x4096xi32>
      %and3A_1827 = arith.andi %eq3A_1825, %lt3A_1826 : vector<8x4096xi1>
      %or3A_1828 = arith.ori %gt3A_1824, %and3A_1827 : vector<8x4096xi1>
      %and3A_1829 = arith.andi %or3A_1802, %or3A_1828 : vector<8x4096xi1>
      %not3A_1830 = arith.constant dense<true> : vector<8x4096xi1>
      %not3A_1831 = arith.xori %or3A_1802, %not3A_1830 : vector<8x4096xi1>
      %not3A_1832 = arith.constant dense<true> : vector<8x4096xi1>
      %not3A_1833 = arith.xori %or3A_1828, %not3A_1832 : vector<8x4096xi1>
      %and3A_1834 = arith.andi %not3A_1831, %not3A_1833 : vector<8x4096xi1>
      %or3A_1835 = arith.ori %and3A_1829, %and3A_1834 : vector<8x4096xi1>
      %select_n3A_1836 = arith.select %or3A_1835, %select_n3A_1781, %select_n3A_1816 : vector<8x4096xi1>, vector<8x4096xi32>
      %select_n3A_1837 = arith.select %or3A_1835, %select_n3A_1782, %select_n3A_1823 : vector<8x4096xi1>, vector<8x4096xi32>
      %iota3A_1838 = tpu.iota {dimensions = array<i32: 1>} : vector<8x4096xi32>
      %and3A_1839 = arith.constant 4 : i32
      %and3A_1840 = vector.broadcast %and3A_1839 : i32 to vector<8x4096xi32>
      %and3A_1841 = arith.andi %iota3A_1838, %and3A_1840 : vector<8x4096xi32>
      %eq3A_1842 = arith.constant 0 : i32
      %eq3A_1843 = vector.broadcast %eq3A_1842 : i32 to vector<8x4096xi32>
      %eq3A_1844 = arith.cmpi eq, %and3A_1841, %eq3A_1843 : vector<8x4096xi32>
      %and3A_1845 = arith.constant 256 : i32
      %and3A_1846 = vector.broadcast %and3A_1845 : i32 to vector<8x4096xi32>
      %and3A_1847 = arith.andi %iota3A_1838, %and3A_1846 : vector<8x4096xi32>
      %eq3A_1848 = arith.constant 0 : i32
      %eq3A_1849 = vector.broadcast %eq3A_1848 : i32 to vector<8x4096xi32>
      %eq3A_1850 = arith.cmpi eq, %and3A_1847, %eq3A_1849 : vector<8x4096xi32>
      %and3A_1851 = arith.andi %eq3A_1844, %eq3A_1850 : vector<8x4096xi1>
      %not3A_1852 = arith.constant dense<true> : vector<8x4096xi1>
      %not3A_1853 = arith.xori %eq3A_1844, %not3A_1852 : vector<8x4096xi1>
      %not3A_1854 = arith.constant dense<true> : vector<8x4096xi1>
      %not3A_1855 = arith.xori %eq3A_1850, %not3A_1854 : vector<8x4096xi1>
      %and3A_1856 = arith.andi %not3A_1853, %not3A_1855 : vector<8x4096xi1>
      %or3A_1857 = arith.ori %and3A_1851, %and3A_1856 : vector<8x4096xi1>
      %iota3A_1858 = tpu.iota {dimensions = array<i32: 1>} : vector<8x4096xi32>
      %and3A_1859 = arith.constant 4 : i32
      %and3A_1860 = vector.broadcast %and3A_1859 : i32 to vector<8x4096xi32>
      %and3A_1861 = arith.andi %iota3A_1858, %and3A_1860 : vector<8x4096xi32>
      %eq3A_1862 = arith.constant 0 : i32
      %eq3A_1863 = vector.broadcast %eq3A_1862 : i32 to vector<8x4096xi32>
      %eq3A_1864 = arith.cmpi eq, %and3A_1861, %eq3A_1863 : vector<8x4096xi32>
      %slice3A_1865 = vector.extract_strided_slice %select_n3A_1836 {offsets = [0, 4], sizes = [8, 4092], strides = [1, 1]} : vector<8x4096xi32> to vector<8x4092xi32>
      %slice3A_1866 = vector.extract_strided_slice %select_n3A_1836 {offsets = [0, 0], sizes = [8, 4], strides = [1, 1]} : vector<8x4096xi32> to vector<8x4xi32>
      %concatenate3A_1867 = tpu.concatenate %slice3A_1865, %slice3A_1866 in 1 : vector<8x4092xi32>, vector<8x4xi32> -> vector<8x4096xi32>
      %slice3A_1868 = vector.extract_strided_slice %select_n3A_1836 {offsets = [0, 4092], sizes = [8, 4], strides = [1, 1]} : vector<8x4096xi32> to vector<8x4xi32>
      %slice3A_1869 = vector.extract_strided_slice %select_n3A_1836 {offsets = [0, 0], sizes = [8, 4092], strides = [1, 1]} : vector<8x4096xi32> to vector<8x4092xi32>
      %concatenate3A_1870 = tpu.concatenate %slice3A_1868, %slice3A_1869 in 1 : vector<8x4xi32>, vector<8x4092xi32> -> vector<8x4096xi32>
      %select_n3A_1871 = arith.select %eq3A_1864, %concatenate3A_1867, %concatenate3A_1870 : vector<8x4096xi1>, vector<8x4096xi32>
      %slice3A_1872 = vector.extract_strided_slice %select_n3A_1837 {offsets = [0, 4], sizes = [8, 4092], strides = [1, 1]} : vector<8x4096xi32> to vector<8x4092xi32>
      %slice3A_1873 = vector.extract_strided_slice %select_n3A_1837 {offsets = [0, 0], sizes = [8, 4], strides = [1, 1]} : vector<8x4096xi32> to vector<8x4xi32>
      %concatenate3A_1874 = tpu.concatenate %slice3A_1872, %slice3A_1873 in 1 : vector<8x4092xi32>, vector<8x4xi32> -> vector<8x4096xi32>
      %slice3A_1875 = vector.extract_strided_slice %select_n3A_1837 {offsets = [0, 4092], sizes = [8, 4], strides = [1, 1]} : vector<8x4096xi32> to vector<8x4xi32>
      %slice3A_1876 = vector.extract_strided_slice %select_n3A_1837 {offsets = [0, 0], sizes = [8, 4092], strides = [1, 1]} : vector<8x4096xi32> to vector<8x4092xi32>
      %concatenate3A_1877 = tpu.concatenate %slice3A_1875, %slice3A_1876 in 1 : vector<8x4xi32>, vector<8x4092xi32> -> vector<8x4096xi32>
      %select_n3A_1878 = arith.select %eq3A_1864, %concatenate3A_1874, %concatenate3A_1877 : vector<8x4096xi1>, vector<8x4096xi32>
      %gt3A_1879 = arith.cmpi sgt, %select_n3A_1836, %select_n3A_1871 : vector<8x4096xi32>
      %eq3A_1880 = arith.cmpi eq, %select_n3A_1836, %select_n3A_1871 : vector<8x4096xi32>
      %lt3A_1881 = arith.cmpi slt, %select_n3A_1837, %select_n3A_1878 : vector<8x4096xi32>
      %and3A_1882 = arith.andi %eq3A_1880, %lt3A_1881 : vector<8x4096xi1>
      %or3A_1883 = arith.ori %gt3A_1879, %and3A_1882 : vector<8x4096xi1>
      %and3A_1884 = arith.andi %or3A_1857, %or3A_1883 : vector<8x4096xi1>
      %not3A_1885 = arith.constant dense<true> : vector<8x4096xi1>
      %not3A_1886 = arith.xori %or3A_1857, %not3A_1885 : vector<8x4096xi1>
      %not3A_1887 = arith.constant dense<true> : vector<8x4096xi1>
      %not3A_1888 = arith.xori %or3A_1883, %not3A_1887 : vector<8x4096xi1>
      %and3A_1889 = arith.andi %not3A_1886, %not3A_1888 : vector<8x4096xi1>
      %or3A_1890 = arith.ori %and3A_1884, %and3A_1889 : vector<8x4096xi1>
      %select_n3A_1891 = arith.select %or3A_1890, %select_n3A_1836, %select_n3A_1871 : vector<8x4096xi1>, vector<8x4096xi32>
      %select_n3A_1892 = arith.select %or3A_1890, %select_n3A_1837, %select_n3A_1878 : vector<8x4096xi1>, vector<8x4096xi32>
      %iota3A_1893 = tpu.iota {dimensions = array<i32: 1>} : vector<8x4096xi32>
      %and3A_1894 = arith.constant 2 : i32
      %and3A_1895 = vector.broadcast %and3A_1894 : i32 to vector<8x4096xi32>
      %and3A_1896 = arith.andi %iota3A_1893, %and3A_1895 : vector<8x4096xi32>
      %eq3A_1897 = arith.constant 0 : i32
      %eq3A_1898 = vector.broadcast %eq3A_1897 : i32 to vector<8x4096xi32>
      %eq3A_1899 = arith.cmpi eq, %and3A_1896, %eq3A_1898 : vector<8x4096xi32>
      %and3A_1900 = arith.constant 256 : i32
      %and3A_1901 = vector.broadcast %and3A_1900 : i32 to vector<8x4096xi32>
      %and3A_1902 = arith.andi %iota3A_1893, %and3A_1901 : vector<8x4096xi32>
      %eq3A_1903 = arith.constant 0 : i32
      %eq3A_1904 = vector.broadcast %eq3A_1903 : i32 to vector<8x4096xi32>
      %eq3A_1905 = arith.cmpi eq, %and3A_1902, %eq3A_1904 : vector<8x4096xi32>
      %and3A_1906 = arith.andi %eq3A_1899, %eq3A_1905 : vector<8x4096xi1>
      %not3A_1907 = arith.constant dense<true> : vector<8x4096xi1>
      %not3A_1908 = arith.xori %eq3A_1899, %not3A_1907 : vector<8x4096xi1>
      %not3A_1909 = arith.constant dense<true> : vector<8x4096xi1>
      %not3A_1910 = arith.xori %eq3A_1905, %not3A_1909 : vector<8x4096xi1>
      %and3A_1911 = arith.andi %not3A_1908, %not3A_1910 : vector<8x4096xi1>
      %or3A_1912 = arith.ori %and3A_1906, %and3A_1911 : vector<8x4096xi1>
      %iota3A_1913 = tpu.iota {dimensions = array<i32: 1>} : vector<8x4096xi32>
      %and3A_1914 = arith.constant 2 : i32
      %and3A_1915 = vector.broadcast %and3A_1914 : i32 to vector<8x4096xi32>
      %and3A_1916 = arith.andi %iota3A_1913, %and3A_1915 : vector<8x4096xi32>
      %eq3A_1917 = arith.constant 0 : i32
      %eq3A_1918 = vector.broadcast %eq3A_1917 : i32 to vector<8x4096xi32>
      %eq3A_1919 = arith.cmpi eq, %and3A_1916, %eq3A_1918 : vector<8x4096xi32>
      %slice3A_1920 = vector.extract_strided_slice %select_n3A_1891 {offsets = [0, 2], sizes = [8, 4094], strides = [1, 1]} : vector<8x4096xi32> to vector<8x4094xi32>
      %slice3A_1921 = vector.extract_strided_slice %select_n3A_1891 {offsets = [0, 0], sizes = [8, 2], strides = [1, 1]} : vector<8x4096xi32> to vector<8x2xi32>
      %concatenate3A_1922 = tpu.concatenate %slice3A_1920, %slice3A_1921 in 1 : vector<8x4094xi32>, vector<8x2xi32> -> vector<8x4096xi32>
      %slice3A_1923 = vector.extract_strided_slice %select_n3A_1891 {offsets = [0, 4094], sizes = [8, 2], strides = [1, 1]} : vector<8x4096xi32> to vector<8x2xi32>
      %slice3A_1924 = vector.extract_strided_slice %select_n3A_1891 {offsets = [0, 0], sizes = [8, 4094], strides = [1, 1]} : vector<8x4096xi32> to vector<8x4094xi32>
      %concatenate3A_1925 = tpu.concatenate %slice3A_1923, %slice3A_1924 in 1 : vector<8x2xi32>, vector<8x4094xi32> -> vector<8x4096xi32>
      %select_n3A_1926 = arith.select %eq3A_1919, %concatenate3A_1922, %concatenate3A_1925 : vector<8x4096xi1>, vector<8x4096xi32>
      %slice3A_1927 = vector.extract_strided_slice %select_n3A_1892 {offsets = [0, 2], sizes = [8, 4094], strides = [1, 1]} : vector<8x4096xi32> to vector<8x4094xi32>
      %slice3A_1928 = vector.extract_strided_slice %select_n3A_1892 {offsets = [0, 0], sizes = [8, 2], strides = [1, 1]} : vector<8x4096xi32> to vector<8x2xi32>
      %concatenate3A_1929 = tpu.concatenate %slice3A_1927, %slice3A_1928 in 1 : vector<8x4094xi32>, vector<8x2xi32> -> vector<8x4096xi32>
      %slice3A_1930 = vector.extract_strided_slice %select_n3A_1892 {offsets = [0, 4094], sizes = [8, 2], strides = [1, 1]} : vector<8x4096xi32> to vector<8x2xi32>
      %slice3A_1931 = vector.extract_strided_slice %select_n3A_1892 {offsets = [0, 0], sizes = [8, 4094], strides = [1, 1]} : vector<8x4096xi32> to vector<8x4094xi32>
      %concatenate3A_1932 = tpu.concatenate %slice3A_1930, %slice3A_1931 in 1 : vector<8x2xi32>, vector<8x4094xi32> -> vector<8x4096xi32>
      %select_n3A_1933 = arith.select %eq3A_1919, %concatenate3A_1929, %concatenate3A_1932 : vector<8x4096xi1>, vector<8x4096xi32>
      %gt3A_1934 = arith.cmpi sgt, %select_n3A_1891, %select_n3A_1926 : vector<8x4096xi32>
      %eq3A_1935 = arith.cmpi eq, %select_n3A_1891, %select_n3A_1926 : vector<8x4096xi32>
      %lt3A_1936 = arith.cmpi slt, %select_n3A_1892, %select_n3A_1933 : vector<8x4096xi32>
      %and3A_1937 = arith.andi %eq3A_1935, %lt3A_1936 : vector<8x4096xi1>
      %or3A_1938 = arith.ori %gt3A_1934, %and3A_1937 : vector<8x4096xi1>
      %and3A_1939 = arith.andi %or3A_1912, %or3A_1938 : vector<8x4096xi1>
      %not3A_1940 = arith.constant dense<true> : vector<8x4096xi1>
      %not3A_1941 = arith.xori %or3A_1912, %not3A_1940 : vector<8x4096xi1>
      %not3A_1942 = arith.constant dense<true> : vector<8x4096xi1>
      %not3A_1943 = arith.xori %or3A_1938, %not3A_1942 : vector<8x4096xi1>
      %and3A_1944 = arith.andi %not3A_1941, %not3A_1943 : vector<8x4096xi1>
      %or3A_1945 = arith.ori %and3A_1939, %and3A_1944 : vector<8x4096xi1>
      %select_n3A_1946 = arith.select %or3A_1945, %select_n3A_1891, %select_n3A_1926 : vector<8x4096xi1>, vector<8x4096xi32>
      %select_n3A_1947 = arith.select %or3A_1945, %select_n3A_1892, %select_n3A_1933 : vector<8x4096xi1>, vector<8x4096xi32>
      %iota3A_1948 = tpu.iota {dimensions = array<i32: 1>} : vector<8x4096xi32>
      %and3A_1949 = arith.constant 1 : i32
      %and3A_1950 = vector.broadcast %and3A_1949 : i32 to vector<8x4096xi32>
      %and3A_1951 = arith.andi %iota3A_1948, %and3A_1950 : vector<8x4096xi32>
      %eq3A_1952 = arith.constant 0 : i32
      %eq3A_1953 = vector.broadcast %eq3A_1952 : i32 to vector<8x4096xi32>
      %eq3A_1954 = arith.cmpi eq, %and3A_1951, %eq3A_1953 : vector<8x4096xi32>
      %and3A_1955 = arith.constant 256 : i32
      %and3A_1956 = vector.broadcast %and3A_1955 : i32 to vector<8x4096xi32>
      %and3A_1957 = arith.andi %iota3A_1948, %and3A_1956 : vector<8x4096xi32>
      %eq3A_1958 = arith.constant 0 : i32
      %eq3A_1959 = vector.broadcast %eq3A_1958 : i32 to vector<8x4096xi32>
      %eq3A_1960 = arith.cmpi eq, %and3A_1957, %eq3A_1959 : vector<8x4096xi32>
      %and3A_1961 = arith.andi %eq3A_1954, %eq3A_1960 : vector<8x4096xi1>
      %not3A_1962 = arith.constant dense<true> : vector<8x4096xi1>
      %not3A_1963 = arith.xori %eq3A_1954, %not3A_1962 : vector<8x4096xi1>
      %not3A_1964 = arith.constant dense<true> : vector<8x4096xi1>
      %not3A_1965 = arith.xori %eq3A_1960, %not3A_1964 : vector<8x4096xi1>
      %and3A_1966 = arith.andi %not3A_1963, %not3A_1965 : vector<8x4096xi1>
      %or3A_1967 = arith.ori %and3A_1961, %and3A_1966 : vector<8x4096xi1>
      %iota3A_1968 = tpu.iota {dimensions = array<i32: 1>} : vector<8x4096xi32>
      %and3A_1969 = arith.constant 1 : i32
      %and3A_1970 = vector.broadcast %and3A_1969 : i32 to vector<8x4096xi32>
      %and3A_1971 = arith.andi %iota3A_1968, %and3A_1970 : vector<8x4096xi32>
      %eq3A_1972 = arith.constant 0 : i32
      %eq3A_1973 = vector.broadcast %eq3A_1972 : i32 to vector<8x4096xi32>
      %eq3A_1974 = arith.cmpi eq, %and3A_1971, %eq3A_1973 : vector<8x4096xi32>
      %slice3A_1975 = vector.extract_strided_slice %select_n3A_1946 {offsets = [0, 1], sizes = [8, 4095], strides = [1, 1]} : vector<8x4096xi32> to vector<8x4095xi32>
      %slice3A_1976 = vector.extract_strided_slice %select_n3A_1946 {offsets = [0, 0], sizes = [8, 1], strides = [1, 1]} : vector<8x4096xi32> to vector<8x1xi32>
      %concatenate3A_1977 = tpu.concatenate %slice3A_1975, %slice3A_1976 in 1 : vector<8x4095xi32>, vector<8x1xi32> -> vector<8x4096xi32>
      %slice3A_1978 = vector.extract_strided_slice %select_n3A_1946 {offsets = [0, 4095], sizes = [8, 1], strides = [1, 1]} : vector<8x4096xi32> to vector<8x1xi32>
      %slice3A_1979 = vector.extract_strided_slice %select_n3A_1946 {offsets = [0, 0], sizes = [8, 4095], strides = [1, 1]} : vector<8x4096xi32> to vector<8x4095xi32>
      %concatenate3A_1980 = tpu.concatenate %slice3A_1978, %slice3A_1979 in 1 : vector<8x1xi32>, vector<8x4095xi32> -> vector<8x4096xi32>
      %select_n3A_1981 = arith.select %eq3A_1974, %concatenate3A_1977, %concatenate3A_1980 : vector<8x4096xi1>, vector<8x4096xi32>
      %slice3A_1982 = vector.extract_strided_slice %select_n3A_1947 {offsets = [0, 1], sizes = [8, 4095], strides = [1, 1]} : vector<8x4096xi32> to vector<8x4095xi32>
      %slice3A_1983 = vector.extract_strided_slice %select_n3A_1947 {offsets = [0, 0], sizes = [8, 1], strides = [1, 1]} : vector<8x4096xi32> to vector<8x1xi32>
      %concatenate3A_1984 = tpu.concatenate %slice3A_1982, %slice3A_1983 in 1 : vector<8x4095xi32>, vector<8x1xi32> -> vector<8x4096xi32>
      %slice3A_1985 = vector.extract_strided_slice %select_n3A_1947 {offsets = [0, 4095], sizes = [8, 1], strides = [1, 1]} : vector<8x4096xi32> to vector<8x1xi32>
      %slice3A_1986 = vector.extract_strided_slice %select_n3A_1947 {offsets = [0, 0], sizes = [8, 4095], strides = [1, 1]} : vector<8x4096xi32> to vector<8x4095xi32>
      %concatenate3A_1987 = tpu.concatenate %slice3A_1985, %slice3A_1986 in 1 : vector<8x1xi32>, vector<8x4095xi32> -> vector<8x4096xi32>
      %select_n3A_1988 = arith.select %eq3A_1974, %concatenate3A_1984, %concatenate3A_1987 : vector<8x4096xi1>, vector<8x4096xi32>
      %gt3A_1989 = arith.cmpi sgt, %select_n3A_1946, %select_n3A_1981 : vector<8x4096xi32>
      %eq3A_1990 = arith.cmpi eq, %select_n3A_1946, %select_n3A_1981 : vector<8x4096xi32>
      %lt3A_1991 = arith.cmpi slt, %select_n3A_1947, %select_n3A_1988 : vector<8x4096xi32>
      %and3A_1992 = arith.andi %eq3A_1990, %lt3A_1991 : vector<8x4096xi1>
      %or3A_1993 = arith.ori %gt3A_1989, %and3A_1992 : vector<8x4096xi1>
      %and3A_1994 = arith.andi %or3A_1967, %or3A_1993 : vector<8x4096xi1>
      %not3A_1995 = arith.constant dense<true> : vector<8x4096xi1>
      %not3A_1996 = arith.xori %or3A_1967, %not3A_1995 : vector<8x4096xi1>
      %not3A_1997 = arith.constant dense<true> : vector<8x4096xi1>
      %not3A_1998 = arith.xori %or3A_1993, %not3A_1997 : vector<8x4096xi1>
      %and3A_1999 = arith.andi %not3A_1996, %not3A_1998 : vector<8x4096xi1>
      %or3A_2000 = arith.ori %and3A_1994, %and3A_1999 : vector<8x4096xi1>
      %select_n3A_2001 = arith.select %or3A_2000, %select_n3A_1946, %select_n3A_1981 : vector<8x4096xi1>, vector<8x4096xi32>
      %select_n3A_2002 = arith.select %or3A_2000, %select_n3A_1947, %select_n3A_1988 : vector<8x4096xi1>, vector<8x4096xi32>
      %iota3A_2003 = tpu.iota {dimensions = array<i32: 1>} : vector<8x4096xi32>
      %and3A_2004 = arith.constant 256 : i32
      %and3A_2005 = vector.broadcast %and3A_2004 : i32 to vector<8x4096xi32>
      %and3A_2006 = arith.andi %iota3A_2003, %and3A_2005 : vector<8x4096xi32>
      %eq3A_2007 = arith.constant 0 : i32
      %eq3A_2008 = vector.broadcast %eq3A_2007 : i32 to vector<8x4096xi32>
      %eq3A_2009 = arith.cmpi eq, %and3A_2006, %eq3A_2008 : vector<8x4096xi32>
      %and3A_2010 = arith.constant 512 : i32
      %and3A_2011 = vector.broadcast %and3A_2010 : i32 to vector<8x4096xi32>
      %and3A_2012 = arith.andi %iota3A_2003, %and3A_2011 : vector<8x4096xi32>
      %eq3A_2013 = arith.constant 0 : i32
      %eq3A_2014 = vector.broadcast %eq3A_2013 : i32 to vector<8x4096xi32>
      %eq3A_2015 = arith.cmpi eq, %and3A_2012, %eq3A_2014 : vector<8x4096xi32>
      %and3A_2016 = arith.andi %eq3A_2009, %eq3A_2015 : vector<8x4096xi1>
      %not3A_2017 = arith.constant dense<true> : vector<8x4096xi1>
      %not3A_2018 = arith.xori %eq3A_2009, %not3A_2017 : vector<8x4096xi1>
      %not3A_2019 = arith.constant dense<true> : vector<8x4096xi1>
      %not3A_2020 = arith.xori %eq3A_2015, %not3A_2019 : vector<8x4096xi1>
      %and3A_2021 = arith.andi %not3A_2018, %not3A_2020 : vector<8x4096xi1>
      %or3A_2022 = arith.ori %and3A_2016, %and3A_2021 : vector<8x4096xi1>
      %iota3A_2023 = tpu.iota {dimensions = array<i32: 1>} : vector<8x4096xi32>
      %and3A_2024 = arith.constant 256 : i32
      %and3A_2025 = vector.broadcast %and3A_2024 : i32 to vector<8x4096xi32>
      %and3A_2026 = arith.andi %iota3A_2023, %and3A_2025 : vector<8x4096xi32>
      %eq3A_2027 = arith.constant 0 : i32
      %eq3A_2028 = vector.broadcast %eq3A_2027 : i32 to vector<8x4096xi32>
      %eq3A_2029 = arith.cmpi eq, %and3A_2026, %eq3A_2028 : vector<8x4096xi32>
      %slice3A_2030 = vector.extract_strided_slice %select_n3A_2001 {offsets = [0, 256], sizes = [8, 3840], strides = [1, 1]} : vector<8x4096xi32> to vector<8x3840xi32>
      %slice3A_2031 = vector.extract_strided_slice %select_n3A_2001 {offsets = [0, 0], sizes = [8, 256], strides = [1, 1]} : vector<8x4096xi32> to vector<8x256xi32>
      %concatenate3A_2032 = tpu.concatenate %slice3A_2030, %slice3A_2031 in 1 : vector<8x3840xi32>, vector<8x256xi32> -> vector<8x4096xi32>
      %slice3A_2033 = vector.extract_strided_slice %select_n3A_2001 {offsets = [0, 3840], sizes = [8, 256], strides = [1, 1]} : vector<8x4096xi32> to vector<8x256xi32>
      %slice3A_2034 = vector.extract_strided_slice %select_n3A_2001 {offsets = [0, 0], sizes = [8, 3840], strides = [1, 1]} : vector<8x4096xi32> to vector<8x3840xi32>
      %concatenate3A_2035 = tpu.concatenate %slice3A_2033, %slice3A_2034 in 1 : vector<8x256xi32>, vector<8x3840xi32> -> vector<8x4096xi32>
      %select_n3A_2036 = arith.select %eq3A_2029, %concatenate3A_2032, %concatenate3A_2035 : vector<8x4096xi1>, vector<8x4096xi32>
      %slice3A_2037 = vector.extract_strided_slice %select_n3A_2002 {offsets = [0, 256], sizes = [8, 3840], strides = [1, 1]} : vector<8x4096xi32> to vector<8x3840xi32>
      %slice3A_2038 = vector.extract_strided_slice %select_n3A_2002 {offsets = [0, 0], sizes = [8, 256], strides = [1, 1]} : vector<8x4096xi32> to vector<8x256xi32>
      %concatenate3A_2039 = tpu.concatenate %slice3A_2037, %slice3A_2038 in 1 : vector<8x3840xi32>, vector<8x256xi32> -> vector<8x4096xi32>
      %slice3A_2040 = vector.extract_strided_slice %select_n3A_2002 {offsets = [0, 3840], sizes = [8, 256], strides = [1, 1]} : vector<8x4096xi32> to vector<8x256xi32>
      %slice3A_2041 = vector.extract_strided_slice %select_n3A_2002 {offsets = [0, 0], sizes = [8, 3840], strides = [1, 1]} : vector<8x4096xi32> to vector<8x3840xi32>
      %concatenate3A_2042 = tpu.concatenate %slice3A_2040, %slice3A_2041 in 1 : vector<8x256xi32>, vector<8x3840xi32> -> vector<8x4096xi32>
      %select_n3A_2043 = arith.select %eq3A_2029, %concatenate3A_2039, %concatenate3A_2042 : vector<8x4096xi1>, vector<8x4096xi32>
      %gt3A_2044 = arith.cmpi sgt, %select_n3A_2001, %select_n3A_2036 : vector<8x4096xi32>
      %eq3A_2045 = arith.cmpi eq, %select_n3A_2001, %select_n3A_2036 : vector<8x4096xi32>
      %lt3A_2046 = arith.cmpi slt, %select_n3A_2002, %select_n3A_2043 : vector<8x4096xi32>
      %and3A_2047 = arith.andi %eq3A_2045, %lt3A_2046 : vector<8x4096xi1>
      %or3A_2048 = arith.ori %gt3A_2044, %and3A_2047 : vector<8x4096xi1>
      %and3A_2049 = arith.andi %or3A_2022, %or3A_2048 : vector<8x4096xi1>
      %not3A_2050 = arith.constant dense<true> : vector<8x4096xi1>
      %not3A_2051 = arith.xori %or3A_2022, %not3A_2050 : vector<8x4096xi1>
      %not3A_2052 = arith.constant dense<true> : vector<8x4096xi1>
      %not3A_2053 = arith.xori %or3A_2048, %not3A_2052 : vector<8x4096xi1>
      %and3A_2054 = arith.andi %not3A_2051, %not3A_2053 : vector<8x4096xi1>
      %or3A_2055 = arith.ori %and3A_2049, %and3A_2054 : vector<8x4096xi1>
      %select_n3A_2056 = arith.select %or3A_2055, %select_n3A_2001, %select_n3A_2036 : vector<8x4096xi1>, vector<8x4096xi32>
      %select_n3A_2057 = arith.select %or3A_2055, %select_n3A_2002, %select_n3A_2043 : vector<8x4096xi1>, vector<8x4096xi32>
      %iota3A_2058 = tpu.iota {dimensions = array<i32: 1>} : vector<8x4096xi32>
      %and3A_2059 = arith.constant 128 : i32
      %and3A_2060 = vector.broadcast %and3A_2059 : i32 to vector<8x4096xi32>
      %and3A_2061 = arith.andi %iota3A_2058, %and3A_2060 : vector<8x4096xi32>
      %eq3A_2062 = arith.constant 0 : i32
      %eq3A_2063 = vector.broadcast %eq3A_2062 : i32 to vector<8x4096xi32>
      %eq3A_2064 = arith.cmpi eq, %and3A_2061, %eq3A_2063 : vector<8x4096xi32>
      %and3A_2065 = arith.constant 512 : i32
      %and3A_2066 = vector.broadcast %and3A_2065 : i32 to vector<8x4096xi32>
      %and3A_2067 = arith.andi %iota3A_2058, %and3A_2066 : vector<8x4096xi32>
      %eq3A_2068 = arith.constant 0 : i32
      %eq3A_2069 = vector.broadcast %eq3A_2068 : i32 to vector<8x4096xi32>
      %eq3A_2070 = arith.cmpi eq, %and3A_2067, %eq3A_2069 : vector<8x4096xi32>
      %and3A_2071 = arith.andi %eq3A_2064, %eq3A_2070 : vector<8x4096xi1>
      %not3A_2072 = arith.constant dense<true> : vector<8x4096xi1>
      %not3A_2073 = arith.xori %eq3A_2064, %not3A_2072 : vector<8x4096xi1>
      %not3A_2074 = arith.constant dense<true> : vector<8x4096xi1>
      %not3A_2075 = arith.xori %eq3A_2070, %not3A_2074 : vector<8x4096xi1>
      %and3A_2076 = arith.andi %not3A_2073, %not3A_2075 : vector<8x4096xi1>
      %or3A_2077 = arith.ori %and3A_2071, %and3A_2076 : vector<8x4096xi1>
      %iota3A_2078 = tpu.iota {dimensions = array<i32: 1>} : vector<8x4096xi32>
      %and3A_2079 = arith.constant 128 : i32
      %and3A_2080 = vector.broadcast %and3A_2079 : i32 to vector<8x4096xi32>
      %and3A_2081 = arith.andi %iota3A_2078, %and3A_2080 : vector<8x4096xi32>
      %eq3A_2082 = arith.constant 0 : i32
      %eq3A_2083 = vector.broadcast %eq3A_2082 : i32 to vector<8x4096xi32>
      %eq3A_2084 = arith.cmpi eq, %and3A_2081, %eq3A_2083 : vector<8x4096xi32>
      %slice3A_2085 = vector.extract_strided_slice %select_n3A_2056 {offsets = [0, 128], sizes = [8, 3968], strides = [1, 1]} : vector<8x4096xi32> to vector<8x3968xi32>
      %slice3A_2086 = vector.extract_strided_slice %select_n3A_2056 {offsets = [0, 0], sizes = [8, 128], strides = [1, 1]} : vector<8x4096xi32> to vector<8x128xi32>
      %concatenate3A_2087 = tpu.concatenate %slice3A_2085, %slice3A_2086 in 1 : vector<8x3968xi32>, vector<8x128xi32> -> vector<8x4096xi32>
      %slice3A_2088 = vector.extract_strided_slice %select_n3A_2056 {offsets = [0, 3968], sizes = [8, 128], strides = [1, 1]} : vector<8x4096xi32> to vector<8x128xi32>
      %slice3A_2089 = vector.extract_strided_slice %select_n3A_2056 {offsets = [0, 0], sizes = [8, 3968], strides = [1, 1]} : vector<8x4096xi32> to vector<8x3968xi32>
      %concatenate3A_2090 = tpu.concatenate %slice3A_2088, %slice3A_2089 in 1 : vector<8x128xi32>, vector<8x3968xi32> -> vector<8x4096xi32>
      %select_n3A_2091 = arith.select %eq3A_2084, %concatenate3A_2087, %concatenate3A_2090 : vector<8x4096xi1>, vector<8x4096xi32>
      %slice3A_2092 = vector.extract_strided_slice %select_n3A_2057 {offsets = [0, 128], sizes = [8, 3968], strides = [1, 1]} : vector<8x4096xi32> to vector<8x3968xi32>
      %slice3A_2093 = vector.extract_strided_slice %select_n3A_2057 {offsets = [0, 0], sizes = [8, 128], strides = [1, 1]} : vector<8x4096xi32> to vector<8x128xi32>
      %concatenate3A_2094 = tpu.concatenate %slice3A_2092, %slice3A_2093 in 1 : vector<8x3968xi32>, vector<8x128xi32> -> vector<8x4096xi32>
      %slice3A_2095 = vector.extract_strided_slice %select_n3A_2057 {offsets = [0, 3968], sizes = [8, 128], strides = [1, 1]} : vector<8x4096xi32> to vector<8x128xi32>
      %slice3A_2096 = vector.extract_strided_slice %select_n3A_2057 {offsets = [0, 0], sizes = [8, 3968], strides = [1, 1]} : vector<8x4096xi32> to vector<8x3968xi32>
      %concatenate3A_2097 = tpu.concatenate %slice3A_2095, %slice3A_2096 in 1 : vector<8x128xi32>, vector<8x3968xi32> -> vector<8x4096xi32>
      %select_n3A_2098 = arith.select %eq3A_2084, %concatenate3A_2094, %concatenate3A_2097 : vector<8x4096xi1>, vector<8x4096xi32>
      %gt3A_2099 = arith.cmpi sgt, %select_n3A_2056, %select_n3A_2091 : vector<8x4096xi32>
      %eq3A_2100 = arith.cmpi eq, %select_n3A_2056, %select_n3A_2091 : vector<8x4096xi32>
      %lt3A_2101 = arith.cmpi slt, %select_n3A_2057, %select_n3A_2098 : vector<8x4096xi32>
      %and3A_2102 = arith.andi %eq3A_2100, %lt3A_2101 : vector<8x4096xi1>
      %or3A_2103 = arith.ori %gt3A_2099, %and3A_2102 : vector<8x4096xi1>
      %and3A_2104 = arith.andi %or3A_2077, %or3A_2103 : vector<8x4096xi1>
      %not3A_2105 = arith.constant dense<true> : vector<8x4096xi1>
      %not3A_2106 = arith.xori %or3A_2077, %not3A_2105 : vector<8x4096xi1>
      %not3A_2107 = arith.constant dense<true> : vector<8x4096xi1>
      %not3A_2108 = arith.xori %or3A_2103, %not3A_2107 : vector<8x4096xi1>
      %and3A_2109 = arith.andi %not3A_2106, %not3A_2108 : vector<8x4096xi1>
      %or3A_2110 = arith.ori %and3A_2104, %and3A_2109 : vector<8x4096xi1>
      %select_n3A_2111 = arith.select %or3A_2110, %select_n3A_2056, %select_n3A_2091 : vector<8x4096xi1>, vector<8x4096xi32>
      %select_n3A_2112 = arith.select %or3A_2110, %select_n3A_2057, %select_n3A_2098 : vector<8x4096xi1>, vector<8x4096xi32>
      %iota3A_2113 = tpu.iota {dimensions = array<i32: 1>} : vector<8x4096xi32>
      %and3A_2114 = arith.constant 64 : i32
      %and3A_2115 = vector.broadcast %and3A_2114 : i32 to vector<8x4096xi32>
      %and3A_2116 = arith.andi %iota3A_2113, %and3A_2115 : vector<8x4096xi32>
      %eq3A_2117 = arith.constant 0 : i32
      %eq3A_2118 = vector.broadcast %eq3A_2117 : i32 to vector<8x4096xi32>
      %eq3A_2119 = arith.cmpi eq, %and3A_2116, %eq3A_2118 : vector<8x4096xi32>
      %and3A_2120 = arith.constant 512 : i32
      %and3A_2121 = vector.broadcast %and3A_2120 : i32 to vector<8x4096xi32>
      %and3A_2122 = arith.andi %iota3A_2113, %and3A_2121 : vector<8x4096xi32>
      %eq3A_2123 = arith.constant 0 : i32
      %eq3A_2124 = vector.broadcast %eq3A_2123 : i32 to vector<8x4096xi32>
      %eq3A_2125 = arith.cmpi eq, %and3A_2122, %eq3A_2124 : vector<8x4096xi32>
      %and3A_2126 = arith.andi %eq3A_2119, %eq3A_2125 : vector<8x4096xi1>
      %not3A_2127 = arith.constant dense<true> : vector<8x4096xi1>
      %not3A_2128 = arith.xori %eq3A_2119, %not3A_2127 : vector<8x4096xi1>
      %not3A_2129 = arith.constant dense<true> : vector<8x4096xi1>
      %not3A_2130 = arith.xori %eq3A_2125, %not3A_2129 : vector<8x4096xi1>
      %and3A_2131 = arith.andi %not3A_2128, %not3A_2130 : vector<8x4096xi1>
      %or3A_2132 = arith.ori %and3A_2126, %and3A_2131 : vector<8x4096xi1>
      %iota3A_2133 = tpu.iota {dimensions = array<i32: 1>} : vector<8x4096xi32>
      %and3A_2134 = arith.constant 64 : i32
      %and3A_2135 = vector.broadcast %and3A_2134 : i32 to vector<8x4096xi32>
      %and3A_2136 = arith.andi %iota3A_2133, %and3A_2135 : vector<8x4096xi32>
      %eq3A_2137 = arith.constant 0 : i32
      %eq3A_2138 = vector.broadcast %eq3A_2137 : i32 to vector<8x4096xi32>
      %eq3A_2139 = arith.cmpi eq, %and3A_2136, %eq3A_2138 : vector<8x4096xi32>
      %slice3A_2140 = vector.extract_strided_slice %select_n3A_2111 {offsets = [0, 64], sizes = [8, 4032], strides = [1, 1]} : vector<8x4096xi32> to vector<8x4032xi32>
      %slice3A_2141 = vector.extract_strided_slice %select_n3A_2111 {offsets = [0, 0], sizes = [8, 64], strides = [1, 1]} : vector<8x4096xi32> to vector<8x64xi32>
      %concatenate3A_2142 = tpu.concatenate %slice3A_2140, %slice3A_2141 in 1 : vector<8x4032xi32>, vector<8x64xi32> -> vector<8x4096xi32>
      %slice3A_2143 = vector.extract_strided_slice %select_n3A_2111 {offsets = [0, 4032], sizes = [8, 64], strides = [1, 1]} : vector<8x4096xi32> to vector<8x64xi32>
      %slice3A_2144 = vector.extract_strided_slice %select_n3A_2111 {offsets = [0, 0], sizes = [8, 4032], strides = [1, 1]} : vector<8x4096xi32> to vector<8x4032xi32>
      %concatenate3A_2145 = tpu.concatenate %slice3A_2143, %slice3A_2144 in 1 : vector<8x64xi32>, vector<8x4032xi32> -> vector<8x4096xi32>
      %select_n3A_2146 = arith.select %eq3A_2139, %concatenate3A_2142, %concatenate3A_2145 : vector<8x4096xi1>, vector<8x4096xi32>
      %slice3A_2147 = vector.extract_strided_slice %select_n3A_2112 {offsets = [0, 64], sizes = [8, 4032], strides = [1, 1]} : vector<8x4096xi32> to vector<8x4032xi32>
      %slice3A_2148 = vector.extract_strided_slice %select_n3A_2112 {offsets = [0, 0], sizes = [8, 64], strides = [1, 1]} : vector<8x4096xi32> to vector<8x64xi32>
      %concatenate3A_2149 = tpu.concatenate %slice3A_2147, %slice3A_2148 in 1 : vector<8x4032xi32>, vector<8x64xi32> -> vector<8x4096xi32>
      %slice3A_2150 = vector.extract_strided_slice %select_n3A_2112 {offsets = [0, 4032], sizes = [8, 64], strides = [1, 1]} : vector<8x4096xi32> to vector<8x64xi32>
      %slice3A_2151 = vector.extract_strided_slice %select_n3A_2112 {offsets = [0, 0], sizes = [8, 4032], strides = [1, 1]} : vector<8x4096xi32> to vector<8x4032xi32>
      %concatenate3A_2152 = tpu.concatenate %slice3A_2150, %slice3A_2151 in 1 : vector<8x64xi32>, vector<8x4032xi32> -> vector<8x4096xi32>
      %select_n3A_2153 = arith.select %eq3A_2139, %concatenate3A_2149, %concatenate3A_2152 : vector<8x4096xi1>, vector<8x4096xi32>
      %gt3A_2154 = arith.cmpi sgt, %select_n3A_2111, %select_n3A_2146 : vector<8x4096xi32>
      %eq3A_2155 = arith.cmpi eq, %select_n3A_2111, %select_n3A_2146 : vector<8x4096xi32>
      %lt3A_2156 = arith.cmpi slt, %select_n3A_2112, %select_n3A_2153 : vector<8x4096xi32>
      %and3A_2157 = arith.andi %eq3A_2155, %lt3A_2156 : vector<8x4096xi1>
      %or3A_2158 = arith.ori %gt3A_2154, %and3A_2157 : vector<8x4096xi1>
      %and3A_2159 = arith.andi %or3A_2132, %or3A_2158 : vector<8x4096xi1>
      %not3A_2160 = arith.constant dense<true> : vector<8x4096xi1>
      %not3A_2161 = arith.xori %or3A_2132, %not3A_2160 : vector<8x4096xi1>
      %not3A_2162 = arith.constant dense<true> : vector<8x4096xi1>
      %not3A_2163 = arith.xori %or3A_2158, %not3A_2162 : vector<8x4096xi1>
      %and3A_2164 = arith.andi %not3A_2161, %not3A_2163 : vector<8x4096xi1>
      %or3A_2165 = arith.ori %and3A_2159, %and3A_2164 : vector<8x4096xi1>
      %select_n3A_2166 = arith.select %or3A_2165, %select_n3A_2111, %select_n3A_2146 : vector<8x4096xi1>, vector<8x4096xi32>
      %select_n3A_2167 = arith.select %or3A_2165, %select_n3A_2112, %select_n3A_2153 : vector<8x4096xi1>, vector<8x4096xi32>
      %iota3A_2168 = tpu.iota {dimensions = array<i32: 1>} : vector<8x4096xi32>
      %and3A_2169 = arith.constant 32 : i32
      %and3A_2170 = vector.broadcast %and3A_2169 : i32 to vector<8x4096xi32>
      %and3A_2171 = arith.andi %iota3A_2168, %and3A_2170 : vector<8x4096xi32>
      %eq3A_2172 = arith.constant 0 : i32
      %eq3A_2173 = vector.broadcast %eq3A_2172 : i32 to vector<8x4096xi32>
      %eq3A_2174 = arith.cmpi eq, %and3A_2171, %eq3A_2173 : vector<8x4096xi32>
      %and3A_2175 = arith.constant 512 : i32
      %and3A_2176 = vector.broadcast %and3A_2175 : i32 to vector<8x4096xi32>
      %and3A_2177 = arith.andi %iota3A_2168, %and3A_2176 : vector<8x4096xi32>
      %eq3A_2178 = arith.constant 0 : i32
      %eq3A_2179 = vector.broadcast %eq3A_2178 : i32 to vector<8x4096xi32>
      %eq3A_2180 = arith.cmpi eq, %and3A_2177, %eq3A_2179 : vector<8x4096xi32>
      %and3A_2181 = arith.andi %eq3A_2174, %eq3A_2180 : vector<8x4096xi1>
      %not3A_2182 = arith.constant dense<true> : vector<8x4096xi1>
      %not3A_2183 = arith.xori %eq3A_2174, %not3A_2182 : vector<8x4096xi1>
      %not3A_2184 = arith.constant dense<true> : vector<8x4096xi1>
      %not3A_2185 = arith.xori %eq3A_2180, %not3A_2184 : vector<8x4096xi1>
      %and3A_2186 = arith.andi %not3A_2183, %not3A_2185 : vector<8x4096xi1>
      %or3A_2187 = arith.ori %and3A_2181, %and3A_2186 : vector<8x4096xi1>
      %iota3A_2188 = tpu.iota {dimensions = array<i32: 1>} : vector<8x4096xi32>
      %and3A_2189 = arith.constant 32 : i32
      %and3A_2190 = vector.broadcast %and3A_2189 : i32 to vector<8x4096xi32>
      %and3A_2191 = arith.andi %iota3A_2188, %and3A_2190 : vector<8x4096xi32>
      %eq3A_2192 = arith.constant 0 : i32
      %eq3A_2193 = vector.broadcast %eq3A_2192 : i32 to vector<8x4096xi32>
      %eq3A_2194 = arith.cmpi eq, %and3A_2191, %eq3A_2193 : vector<8x4096xi32>
      %slice3A_2195 = vector.extract_strided_slice %select_n3A_2166 {offsets = [0, 32], sizes = [8, 4064], strides = [1, 1]} : vector<8x4096xi32> to vector<8x4064xi32>
      %slice3A_2196 = vector.extract_strided_slice %select_n3A_2166 {offsets = [0, 0], sizes = [8, 32], strides = [1, 1]} : vector<8x4096xi32> to vector<8x32xi32>
      %concatenate3A_2197 = tpu.concatenate %slice3A_2195, %slice3A_2196 in 1 : vector<8x4064xi32>, vector<8x32xi32> -> vector<8x4096xi32>
      %slice3A_2198 = vector.extract_strided_slice %select_n3A_2166 {offsets = [0, 4064], sizes = [8, 32], strides = [1, 1]} : vector<8x4096xi32> to vector<8x32xi32>
      %slice3A_2199 = vector.extract_strided_slice %select_n3A_2166 {offsets = [0, 0], sizes = [8, 4064], strides = [1, 1]} : vector<8x4096xi32> to vector<8x4064xi32>
      %concatenate3A_2200 = tpu.concatenate %slice3A_2198, %slice3A_2199 in 1 : vector<8x32xi32>, vector<8x4064xi32> -> vector<8x4096xi32>
      %select_n3A_2201 = arith.select %eq3A_2194, %concatenate3A_2197, %concatenate3A_2200 : vector<8x4096xi1>, vector<8x4096xi32>
      %slice3A_2202 = vector.extract_strided_slice %select_n3A_2167 {offsets = [0, 32], sizes = [8, 4064], strides = [1, 1]} : vector<8x4096xi32> to vector<8x4064xi32>
      %slice3A_2203 = vector.extract_strided_slice %select_n3A_2167 {offsets = [0, 0], sizes = [8, 32], strides = [1, 1]} : vector<8x4096xi32> to vector<8x32xi32>
      %concatenate3A_2204 = tpu.concatenate %slice3A_2202, %slice3A_2203 in 1 : vector<8x4064xi32>, vector<8x32xi32> -> vector<8x4096xi32>
      %slice3A_2205 = vector.extract_strided_slice %select_n3A_2167 {offsets = [0, 4064], sizes = [8, 32], strides = [1, 1]} : vector<8x4096xi32> to vector<8x32xi32>
      %slice3A_2206 = vector.extract_strided_slice %select_n3A_2167 {offsets = [0, 0], sizes = [8, 4064], strides = [1, 1]} : vector<8x4096xi32> to vector<8x4064xi32>
      %concatenate3A_2207 = tpu.concatenate %slice3A_2205, %slice3A_2206 in 1 : vector<8x32xi32>, vector<8x4064xi32> -> vector<8x4096xi32>
      %select_n3A_2208 = arith.select %eq3A_2194, %concatenate3A_2204, %concatenate3A_2207 : vector<8x4096xi1>, vector<8x4096xi32>
      %gt3A_2209 = arith.cmpi sgt, %select_n3A_2166, %select_n3A_2201 : vector<8x4096xi32>
      %eq3A_2210 = arith.cmpi eq, %select_n3A_2166, %select_n3A_2201 : vector<8x4096xi32>
      %lt3A_2211 = arith.cmpi slt, %select_n3A_2167, %select_n3A_2208 : vector<8x4096xi32>
      %and3A_2212 = arith.andi %eq3A_2210, %lt3A_2211 : vector<8x4096xi1>
      %or3A_2213 = arith.ori %gt3A_2209, %and3A_2212 : vector<8x4096xi1>
      %and3A_2214 = arith.andi %or3A_2187, %or3A_2213 : vector<8x4096xi1>
      %not3A_2215 = arith.constant dense<true> : vector<8x4096xi1>
      %not3A_2216 = arith.xori %or3A_2187, %not3A_2215 : vector<8x4096xi1>
      %not3A_2217 = arith.constant dense<true> : vector<8x4096xi1>
      %not3A_2218 = arith.xori %or3A_2213, %not3A_2217 : vector<8x4096xi1>
      %and3A_2219 = arith.andi %not3A_2216, %not3A_2218 : vector<8x4096xi1>
      %or3A_2220 = arith.ori %and3A_2214, %and3A_2219 : vector<8x4096xi1>
      %select_n3A_2221 = arith.select %or3A_2220, %select_n3A_2166, %select_n3A_2201 : vector<8x4096xi1>, vector<8x4096xi32>
      %select_n3A_2222 = arith.select %or3A_2220, %select_n3A_2167, %select_n3A_2208 : vector<8x4096xi1>, vector<8x4096xi32>
      %iota3A_2223 = tpu.iota {dimensions = array<i32: 1>} : vector<8x4096xi32>
      %and3A_2224 = arith.constant 16 : i32
      %and3A_2225 = vector.broadcast %and3A_2224 : i32 to vector<8x4096xi32>
      %and3A_2226 = arith.andi %iota3A_2223, %and3A_2225 : vector<8x4096xi32>
      %eq3A_2227 = arith.constant 0 : i32
      %eq3A_2228 = vector.broadcast %eq3A_2227 : i32 to vector<8x4096xi32>
      %eq3A_2229 = arith.cmpi eq, %and3A_2226, %eq3A_2228 : vector<8x4096xi32>
      %and3A_2230 = arith.constant 512 : i32
      %and3A_2231 = vector.broadcast %and3A_2230 : i32 to vector<8x4096xi32>
      %and3A_2232 = arith.andi %iota3A_2223, %and3A_2231 : vector<8x4096xi32>
      %eq3A_2233 = arith.constant 0 : i32
      %eq3A_2234 = vector.broadcast %eq3A_2233 : i32 to vector<8x4096xi32>
      %eq3A_2235 = arith.cmpi eq, %and3A_2232, %eq3A_2234 : vector<8x4096xi32>
      %and3A_2236 = arith.andi %eq3A_2229, %eq3A_2235 : vector<8x4096xi1>
      %not3A_2237 = arith.constant dense<true> : vector<8x4096xi1>
      %not3A_2238 = arith.xori %eq3A_2229, %not3A_2237 : vector<8x4096xi1>
      %not3A_2239 = arith.constant dense<true> : vector<8x4096xi1>
      %not3A_2240 = arith.xori %eq3A_2235, %not3A_2239 : vector<8x4096xi1>
      %and3A_2241 = arith.andi %not3A_2238, %not3A_2240 : vector<8x4096xi1>
      %or3A_2242 = arith.ori %and3A_2236, %and3A_2241 : vector<8x4096xi1>
      %iota3A_2243 = tpu.iota {dimensions = array<i32: 1>} : vector<8x4096xi32>
      %and3A_2244 = arith.constant 16 : i32
      %and3A_2245 = vector.broadcast %and3A_2244 : i32 to vector<8x4096xi32>
      %and3A_2246 = arith.andi %iota3A_2243, %and3A_2245 : vector<8x4096xi32>
      %eq3A_2247 = arith.constant 0 : i32
      %eq3A_2248 = vector.broadcast %eq3A_2247 : i32 to vector<8x4096xi32>
      %eq3A_2249 = arith.cmpi eq, %and3A_2246, %eq3A_2248 : vector<8x4096xi32>
      %slice3A_2250 = vector.extract_strided_slice %select_n3A_2221 {offsets = [0, 16], sizes = [8, 4080], strides = [1, 1]} : vector<8x4096xi32> to vector<8x4080xi32>
      %slice3A_2251 = vector.extract_strided_slice %select_n3A_2221 {offsets = [0, 0], sizes = [8, 16], strides = [1, 1]} : vector<8x4096xi32> to vector<8x16xi32>
      %concatenate3A_2252 = tpu.concatenate %slice3A_2250, %slice3A_2251 in 1 : vector<8x4080xi32>, vector<8x16xi32> -> vector<8x4096xi32>
      %slice3A_2253 = vector.extract_strided_slice %select_n3A_2221 {offsets = [0, 4080], sizes = [8, 16], strides = [1, 1]} : vector<8x4096xi32> to vector<8x16xi32>
      %slice3A_2254 = vector.extract_strided_slice %select_n3A_2221 {offsets = [0, 0], sizes = [8, 4080], strides = [1, 1]} : vector<8x4096xi32> to vector<8x4080xi32>
      %concatenate3A_2255 = tpu.concatenate %slice3A_2253, %slice3A_2254 in 1 : vector<8x16xi32>, vector<8x4080xi32> -> vector<8x4096xi32>
      %select_n3A_2256 = arith.select %eq3A_2249, %concatenate3A_2252, %concatenate3A_2255 : vector<8x4096xi1>, vector<8x4096xi32>
      %slice3A_2257 = vector.extract_strided_slice %select_n3A_2222 {offsets = [0, 16], sizes = [8, 4080], strides = [1, 1]} : vector<8x4096xi32> to vector<8x4080xi32>
      %slice3A_2258 = vector.extract_strided_slice %select_n3A_2222 {offsets = [0, 0], sizes = [8, 16], strides = [1, 1]} : vector<8x4096xi32> to vector<8x16xi32>
      %concatenate3A_2259 = tpu.concatenate %slice3A_2257, %slice3A_2258 in 1 : vector<8x4080xi32>, vector<8x16xi32> -> vector<8x4096xi32>
      %slice3A_2260 = vector.extract_strided_slice %select_n3A_2222 {offsets = [0, 4080], sizes = [8, 16], strides = [1, 1]} : vector<8x4096xi32> to vector<8x16xi32>
      %slice3A_2261 = vector.extract_strided_slice %select_n3A_2222 {offsets = [0, 0], sizes = [8, 4080], strides = [1, 1]} : vector<8x4096xi32> to vector<8x4080xi32>
      %concatenate3A_2262 = tpu.concatenate %slice3A_2260, %slice3A_2261 in 1 : vector<8x16xi32>, vector<8x4080xi32> -> vector<8x4096xi32>
      %select_n3A_2263 = arith.select %eq3A_2249, %concatenate3A_2259, %concatenate3A_2262 : vector<8x4096xi1>, vector<8x4096xi32>
      %gt3A_2264 = arith.cmpi sgt, %select_n3A_2221, %select_n3A_2256 : vector<8x4096xi32>
      %eq3A_2265 = arith.cmpi eq, %select_n3A_2221, %select_n3A_2256 : vector<8x4096xi32>
      %lt3A_2266 = arith.cmpi slt, %select_n3A_2222, %select_n3A_2263 : vector<8x4096xi32>
      %and3A_2267 = arith.andi %eq3A_2265, %lt3A_2266 : vector<8x4096xi1>
      %or3A_2268 = arith.ori %gt3A_2264, %and3A_2267 : vector<8x4096xi1>
      %and3A_2269 = arith.andi %or3A_2242, %or3A_2268 : vector<8x4096xi1>
      %not3A_2270 = arith.constant dense<true> : vector<8x4096xi1>
      %not3A_2271 = arith.xori %or3A_2242, %not3A_2270 : vector<8x4096xi1>
      %not3A_2272 = arith.constant dense<true> : vector<8x4096xi1>
      %not3A_2273 = arith.xori %or3A_2268, %not3A_2272 : vector<8x4096xi1>
      %and3A_2274 = arith.andi %not3A_2271, %not3A_2273 : vector<8x4096xi1>
      %or3A_2275 = arith.ori %and3A_2269, %and3A_2274 : vector<8x4096xi1>
      %select_n3A_2276 = arith.select %or3A_2275, %select_n3A_2221, %select_n3A_2256 : vector<8x4096xi1>, vector<8x4096xi32>
      %select_n3A_2277 = arith.select %or3A_2275, %select_n3A_2222, %select_n3A_2263 : vector<8x4096xi1>, vector<8x4096xi32>
      %iota3A_2278 = tpu.iota {dimensions = array<i32: 1>} : vector<8x4096xi32>
      %and3A_2279 = arith.constant 8 : i32
      %and3A_2280 = vector.broadcast %and3A_2279 : i32 to vector<8x4096xi32>
      %and3A_2281 = arith.andi %iota3A_2278, %and3A_2280 : vector<8x4096xi32>
      %eq3A_2282 = arith.constant 0 : i32
      %eq3A_2283 = vector.broadcast %eq3A_2282 : i32 to vector<8x4096xi32>
      %eq3A_2284 = arith.cmpi eq, %and3A_2281, %eq3A_2283 : vector<8x4096xi32>
      %and3A_2285 = arith.constant 512 : i32
      %and3A_2286 = vector.broadcast %and3A_2285 : i32 to vector<8x4096xi32>
      %and3A_2287 = arith.andi %iota3A_2278, %and3A_2286 : vector<8x4096xi32>
      %eq3A_2288 = arith.constant 0 : i32
      %eq3A_2289 = vector.broadcast %eq3A_2288 : i32 to vector<8x4096xi32>
      %eq3A_2290 = arith.cmpi eq, %and3A_2287, %eq3A_2289 : vector<8x4096xi32>
      %and3A_2291 = arith.andi %eq3A_2284, %eq3A_2290 : vector<8x4096xi1>
      %not3A_2292 = arith.constant dense<true> : vector<8x4096xi1>
      %not3A_2293 = arith.xori %eq3A_2284, %not3A_2292 : vector<8x4096xi1>
      %not3A_2294 = arith.constant dense<true> : vector<8x4096xi1>
      %not3A_2295 = arith.xori %eq3A_2290, %not3A_2294 : vector<8x4096xi1>
      %and3A_2296 = arith.andi %not3A_2293, %not3A_2295 : vector<8x4096xi1>
      %or3A_2297 = arith.ori %and3A_2291, %and3A_2296 : vector<8x4096xi1>
      %iota3A_2298 = tpu.iota {dimensions = array<i32: 1>} : vector<8x4096xi32>
      %and3A_2299 = arith.constant 8 : i32
      %and3A_2300 = vector.broadcast %and3A_2299 : i32 to vector<8x4096xi32>
      %and3A_2301 = arith.andi %iota3A_2298, %and3A_2300 : vector<8x4096xi32>
      %eq3A_2302 = arith.constant 0 : i32
      %eq3A_2303 = vector.broadcast %eq3A_2302 : i32 to vector<8x4096xi32>
      %eq3A_2304 = arith.cmpi eq, %and3A_2301, %eq3A_2303 : vector<8x4096xi32>
      %slice3A_2305 = vector.extract_strided_slice %select_n3A_2276 {offsets = [0, 8], sizes = [8, 4088], strides = [1, 1]} : vector<8x4096xi32> to vector<8x4088xi32>
      %slice3A_2306 = vector.extract_strided_slice %select_n3A_2276 {offsets = [0, 0], sizes = [8, 8], strides = [1, 1]} : vector<8x4096xi32> to vector<8x8xi32>
      %concatenate3A_2307 = tpu.concatenate %slice3A_2305, %slice3A_2306 in 1 : vector<8x4088xi32>, vector<8x8xi32> -> vector<8x4096xi32>
      %slice3A_2308 = vector.extract_strided_slice %select_n3A_2276 {offsets = [0, 4088], sizes = [8, 8], strides = [1, 1]} : vector<8x4096xi32> to vector<8x8xi32>
      %slice3A_2309 = vector.extract_strided_slice %select_n3A_2276 {offsets = [0, 0], sizes = [8, 4088], strides = [1, 1]} : vector<8x4096xi32> to vector<8x4088xi32>
      %concatenate3A_2310 = tpu.concatenate %slice3A_2308, %slice3A_2309 in 1 : vector<8x8xi32>, vector<8x4088xi32> -> vector<8x4096xi32>
      %select_n3A_2311 = arith.select %eq3A_2304, %concatenate3A_2307, %concatenate3A_2310 : vector<8x4096xi1>, vector<8x4096xi32>
      %slice3A_2312 = vector.extract_strided_slice %select_n3A_2277 {offsets = [0, 8], sizes = [8, 4088], strides = [1, 1]} : vector<8x4096xi32> to vector<8x4088xi32>
      %slice3A_2313 = vector.extract_strided_slice %select_n3A_2277 {offsets = [0, 0], sizes = [8, 8], strides = [1, 1]} : vector<8x4096xi32> to vector<8x8xi32>
      %concatenate3A_2314 = tpu.concatenate %slice3A_2312, %slice3A_2313 in 1 : vector<8x4088xi32>, vector<8x8xi32> -> vector<8x4096xi32>
      %slice3A_2315 = vector.extract_strided_slice %select_n3A_2277 {offsets = [0, 4088], sizes = [8, 8], strides = [1, 1]} : vector<8x4096xi32> to vector<8x8xi32>
      %slice3A_2316 = vector.extract_strided_slice %select_n3A_2277 {offsets = [0, 0], sizes = [8, 4088], strides = [1, 1]} : vector<8x4096xi32> to vector<8x4088xi32>
      %concatenate3A_2317 = tpu.concatenate %slice3A_2315, %slice3A_2316 in 1 : vector<8x8xi32>, vector<8x4088xi32> -> vector<8x4096xi32>
      %select_n3A_2318 = arith.select %eq3A_2304, %concatenate3A_2314, %concatenate3A_2317 : vector<8x4096xi1>, vector<8x4096xi32>
      %gt3A_2319 = arith.cmpi sgt, %select_n3A_2276, %select_n3A_2311 : vector<8x4096xi32>
      %eq3A_2320 = arith.cmpi eq, %select_n3A_2276, %select_n3A_2311 : vector<8x4096xi32>
      %lt3A_2321 = arith.cmpi slt, %select_n3A_2277, %select_n3A_2318 : vector<8x4096xi32>
      %and3A_2322 = arith.andi %eq3A_2320, %lt3A_2321 : vector<8x4096xi1>
      %or3A_2323 = arith.ori %gt3A_2319, %and3A_2322 : vector<8x4096xi1>
      %and3A_2324 = arith.andi %or3A_2297, %or3A_2323 : vector<8x4096xi1>
      %not3A_2325 = arith.constant dense<true> : vector<8x4096xi1>
      %not3A_2326 = arith.xori %or3A_2297, %not3A_2325 : vector<8x4096xi1>
      %not3A_2327 = arith.constant dense<true> : vector<8x4096xi1>
      %not3A_2328 = arith.xori %or3A_2323, %not3A_2327 : vector<8x4096xi1>
      %and3A_2329 = arith.andi %not3A_2326, %not3A_2328 : vector<8x4096xi1>
      %or3A_2330 = arith.ori %and3A_2324, %and3A_2329 : vector<8x4096xi1>
      %select_n3A_2331 = arith.select %or3A_2330, %select_n3A_2276, %select_n3A_2311 : vector<8x4096xi1>, vector<8x4096xi32>
      %select_n3A_2332 = arith.select %or3A_2330, %select_n3A_2277, %select_n3A_2318 : vector<8x4096xi1>, vector<8x4096xi32>
      %iota3A_2333 = tpu.iota {dimensions = array<i32: 1>} : vector<8x4096xi32>
      %and3A_2334 = arith.constant 4 : i32
      %and3A_2335 = vector.broadcast %and3A_2334 : i32 to vector<8x4096xi32>
      %and3A_2336 = arith.andi %iota3A_2333, %and3A_2335 : vector<8x4096xi32>
      %eq3A_2337 = arith.constant 0 : i32
      %eq3A_2338 = vector.broadcast %eq3A_2337 : i32 to vector<8x4096xi32>
      %eq3A_2339 = arith.cmpi eq, %and3A_2336, %eq3A_2338 : vector<8x4096xi32>
      %and3A_2340 = arith.constant 512 : i32
      %and3A_2341 = vector.broadcast %and3A_2340 : i32 to vector<8x4096xi32>
      %and3A_2342 = arith.andi %iota3A_2333, %and3A_2341 : vector<8x4096xi32>
      %eq3A_2343 = arith.constant 0 : i32
      %eq3A_2344 = vector.broadcast %eq3A_2343 : i32 to vector<8x4096xi32>
      %eq3A_2345 = arith.cmpi eq, %and3A_2342, %eq3A_2344 : vector<8x4096xi32>
      %and3A_2346 = arith.andi %eq3A_2339, %eq3A_2345 : vector<8x4096xi1>
      %not3A_2347 = arith.constant dense<true> : vector<8x4096xi1>
      %not3A_2348 = arith.xori %eq3A_2339, %not3A_2347 : vector<8x4096xi1>
      %not3A_2349 = arith.constant dense<true> : vector<8x4096xi1>
      %not3A_2350 = arith.xori %eq3A_2345, %not3A_2349 : vector<8x4096xi1>
      %and3A_2351 = arith.andi %not3A_2348, %not3A_2350 : vector<8x4096xi1>
      %or3A_2352 = arith.ori %and3A_2346, %and3A_2351 : vector<8x4096xi1>
      %iota3A_2353 = tpu.iota {dimensions = array<i32: 1>} : vector<8x4096xi32>
      %and3A_2354 = arith.constant 4 : i32
      %and3A_2355 = vector.broadcast %and3A_2354 : i32 to vector<8x4096xi32>
      %and3A_2356 = arith.andi %iota3A_2353, %and3A_2355 : vector<8x4096xi32>
      %eq3A_2357 = arith.constant 0 : i32
      %eq3A_2358 = vector.broadcast %eq3A_2357 : i32 to vector<8x4096xi32>
      %eq3A_2359 = arith.cmpi eq, %and3A_2356, %eq3A_2358 : vector<8x4096xi32>
      %slice3A_2360 = vector.extract_strided_slice %select_n3A_2331 {offsets = [0, 4], sizes = [8, 4092], strides = [1, 1]} : vector<8x4096xi32> to vector<8x4092xi32>
      %slice3A_2361 = vector.extract_strided_slice %select_n3A_2331 {offsets = [0, 0], sizes = [8, 4], strides = [1, 1]} : vector<8x4096xi32> to vector<8x4xi32>
      %concatenate3A_2362 = tpu.concatenate %slice3A_2360, %slice3A_2361 in 1 : vector<8x4092xi32>, vector<8x4xi32> -> vector<8x4096xi32>
      %slice3A_2363 = vector.extract_strided_slice %select_n3A_2331 {offsets = [0, 4092], sizes = [8, 4], strides = [1, 1]} : vector<8x4096xi32> to vector<8x4xi32>
      %slice3A_2364 = vector.extract_strided_slice %select_n3A_2331 {offsets = [0, 0], sizes = [8, 4092], strides = [1, 1]} : vector<8x4096xi32> to vector<8x4092xi32>
      %concatenate3A_2365 = tpu.concatenate %slice3A_2363, %slice3A_2364 in 1 : vector<8x4xi32>, vector<8x4092xi32> -> vector<8x4096xi32>
      %select_n3A_2366 = arith.select %eq3A_2359, %concatenate3A_2362, %concatenate3A_2365 : vector<8x4096xi1>, vector<8x4096xi32>
      %slice3A_2367 = vector.extract_strided_slice %select_n3A_2332 {offsets = [0, 4], sizes = [8, 4092], strides = [1, 1]} : vector<8x4096xi32> to vector<8x4092xi32>
      %slice3A_2368 = vector.extract_strided_slice %select_n3A_2332 {offsets = [0, 0], sizes = [8, 4], strides = [1, 1]} : vector<8x4096xi32> to vector<8x4xi32>
      %concatenate3A_2369 = tpu.concatenate %slice3A_2367, %slice3A_2368 in 1 : vector<8x4092xi32>, vector<8x4xi32> -> vector<8x4096xi32>
      %slice3A_2370 = vector.extract_strided_slice %select_n3A_2332 {offsets = [0, 4092], sizes = [8, 4], strides = [1, 1]} : vector<8x4096xi32> to vector<8x4xi32>
      %slice3A_2371 = vector.extract_strided_slice %select_n3A_2332 {offsets = [0, 0], sizes = [8, 4092], strides = [1, 1]} : vector<8x4096xi32> to vector<8x4092xi32>
      %concatenate3A_2372 = tpu.concatenate %slice3A_2370, %slice3A_2371 in 1 : vector<8x4xi32>, vector<8x4092xi32> -> vector<8x4096xi32>
      %select_n3A_2373 = arith.select %eq3A_2359, %concatenate3A_2369, %concatenate3A_2372 : vector<8x4096xi1>, vector<8x4096xi32>
      %gt3A_2374 = arith.cmpi sgt, %select_n3A_2331, %select_n3A_2366 : vector<8x4096xi32>
      %eq3A_2375 = arith.cmpi eq, %select_n3A_2331, %select_n3A_2366 : vector<8x4096xi32>
      %lt3A_2376 = arith.cmpi slt, %select_n3A_2332, %select_n3A_2373 : vector<8x4096xi32>
      %and3A_2377 = arith.andi %eq3A_2375, %lt3A_2376 : vector<8x4096xi1>
      %or3A_2378 = arith.ori %gt3A_2374, %and3A_2377 : vector<8x4096xi1>
      %and3A_2379 = arith.andi %or3A_2352, %or3A_2378 : vector<8x4096xi1>
      %not3A_2380 = arith.constant dense<true> : vector<8x4096xi1>
      %not3A_2381 = arith.xori %or3A_2352, %not3A_2380 : vector<8x4096xi1>
      %not3A_2382 = arith.constant dense<true> : vector<8x4096xi1>
      %not3A_2383 = arith.xori %or3A_2378, %not3A_2382 : vector<8x4096xi1>
      %and3A_2384 = arith.andi %not3A_2381, %not3A_2383 : vector<8x4096xi1>
      %or3A_2385 = arith.ori %and3A_2379, %and3A_2384 : vector<8x4096xi1>
      %select_n3A_2386 = arith.select %or3A_2385, %select_n3A_2331, %select_n3A_2366 : vector<8x4096xi1>, vector<8x4096xi32>
      %select_n3A_2387 = arith.select %or3A_2385, %select_n3A_2332, %select_n3A_2373 : vector<8x4096xi1>, vector<8x4096xi32>
      %iota3A_2388 = tpu.iota {dimensions = array<i32: 1>} : vector<8x4096xi32>
      %and3A_2389 = arith.constant 2 : i32
      %and3A_2390 = vector.broadcast %and3A_2389 : i32 to vector<8x4096xi32>
      %and3A_2391 = arith.andi %iota3A_2388, %and3A_2390 : vector<8x4096xi32>
      %eq3A_2392 = arith.constant 0 : i32
      %eq3A_2393 = vector.broadcast %eq3A_2392 : i32 to vector<8x4096xi32>
      %eq3A_2394 = arith.cmpi eq, %and3A_2391, %eq3A_2393 : vector<8x4096xi32>
      %and3A_2395 = arith.constant 512 : i32
      %and3A_2396 = vector.broadcast %and3A_2395 : i32 to vector<8x4096xi32>
      %and3A_2397 = arith.andi %iota3A_2388, %and3A_2396 : vector<8x4096xi32>
      %eq3A_2398 = arith.constant 0 : i32
      %eq3A_2399 = vector.broadcast %eq3A_2398 : i32 to vector<8x4096xi32>
      %eq3A_2400 = arith.cmpi eq, %and3A_2397, %eq3A_2399 : vector<8x4096xi32>
      %and3A_2401 = arith.andi %eq3A_2394, %eq3A_2400 : vector<8x4096xi1>
      %not3A_2402 = arith.constant dense<true> : vector<8x4096xi1>
      %not3A_2403 = arith.xori %eq3A_2394, %not3A_2402 : vector<8x4096xi1>
      %not3A_2404 = arith.constant dense<true> : vector<8x4096xi1>
      %not3A_2405 = arith.xori %eq3A_2400, %not3A_2404 : vector<8x4096xi1>
      %and3A_2406 = arith.andi %not3A_2403, %not3A_2405 : vector<8x4096xi1>
      %or3A_2407 = arith.ori %and3A_2401, %and3A_2406 : vector<8x4096xi1>
      %iota3A_2408 = tpu.iota {dimensions = array<i32: 1>} : vector<8x4096xi32>
      %and3A_2409 = arith.constant 2 : i32
      %and3A_2410 = vector.broadcast %and3A_2409 : i32 to vector<8x4096xi32>
      %and3A_2411 = arith.andi %iota3A_2408, %and3A_2410 : vector<8x4096xi32>
      %eq3A_2412 = arith.constant 0 : i32
      %eq3A_2413 = vector.broadcast %eq3A_2412 : i32 to vector<8x4096xi32>
      %eq3A_2414 = arith.cmpi eq, %and3A_2411, %eq3A_2413 : vector<8x4096xi32>
      %slice3A_2415 = vector.extract_strided_slice %select_n3A_2386 {offsets = [0, 2], sizes = [8, 4094], strides = [1, 1]} : vector<8x4096xi32> to vector<8x4094xi32>
      %slice3A_2416 = vector.extract_strided_slice %select_n3A_2386 {offsets = [0, 0], sizes = [8, 2], strides = [1, 1]} : vector<8x4096xi32> to vector<8x2xi32>
      %concatenate3A_2417 = tpu.concatenate %slice3A_2415, %slice3A_2416 in 1 : vector<8x4094xi32>, vector<8x2xi32> -> vector<8x4096xi32>
      %slice3A_2418 = vector.extract_strided_slice %select_n3A_2386 {offsets = [0, 4094], sizes = [8, 2], strides = [1, 1]} : vector<8x4096xi32> to vector<8x2xi32>
      %slice3A_2419 = vector.extract_strided_slice %select_n3A_2386 {offsets = [0, 0], sizes = [8, 4094], strides = [1, 1]} : vector<8x4096xi32> to vector<8x4094xi32>
      %concatenate3A_2420 = tpu.concatenate %slice3A_2418, %slice3A_2419 in 1 : vector<8x2xi32>, vector<8x4094xi32> -> vector<8x4096xi32>
      %select_n3A_2421 = arith.select %eq3A_2414, %concatenate3A_2417, %concatenate3A_2420 : vector<8x4096xi1>, vector<8x4096xi32>
      %slice3A_2422 = vector.extract_strided_slice %select_n3A_2387 {offsets = [0, 2], sizes = [8, 4094], strides = [1, 1]} : vector<8x4096xi32> to vector<8x4094xi32>
      %slice3A_2423 = vector.extract_strided_slice %select_n3A_2387 {offsets = [0, 0], sizes = [8, 2], strides = [1, 1]} : vector<8x4096xi32> to vector<8x2xi32>
      %concatenate3A_2424 = tpu.concatenate %slice3A_2422, %slice3A_2423 in 1 : vector<8x4094xi32>, vector<8x2xi32> -> vector<8x4096xi32>
      %slice3A_2425 = vector.extract_strided_slice %select_n3A_2387 {offsets = [0, 4094], sizes = [8, 2], strides = [1, 1]} : vector<8x4096xi32> to vector<8x2xi32>
      %slice3A_2426 = vector.extract_strided_slice %select_n3A_2387 {offsets = [0, 0], sizes = [8, 4094], strides = [1, 1]} : vector<8x4096xi32> to vector<8x4094xi32>
      %concatenate3A_2427 = tpu.concatenate %slice3A_2425, %slice3A_2426 in 1 : vector<8x2xi32>, vector<8x4094xi32> -> vector<8x4096xi32>
      %select_n3A_2428 = arith.select %eq3A_2414, %concatenate3A_2424, %concatenate3A_2427 : vector<8x4096xi1>, vector<8x4096xi32>
      %gt3A_2429 = arith.cmpi sgt, %select_n3A_2386, %select_n3A_2421 : vector<8x4096xi32>
      %eq3A_2430 = arith.cmpi eq, %select_n3A_2386, %select_n3A_2421 : vector<8x4096xi32>
      %lt3A_2431 = arith.cmpi slt, %select_n3A_2387, %select_n3A_2428 : vector<8x4096xi32>
      %and3A_2432 = arith.andi %eq3A_2430, %lt3A_2431 : vector<8x4096xi1>
      %or3A_2433 = arith.ori %gt3A_2429, %and3A_2432 : vector<8x4096xi1>
      %and3A_2434 = arith.andi %or3A_2407, %or3A_2433 : vector<8x4096xi1>
      %not3A_2435 = arith.constant dense<true> : vector<8x4096xi1>
      %not3A_2436 = arith.xori %or3A_2407, %not3A_2435 : vector<8x4096xi1>
      %not3A_2437 = arith.constant dense<true> : vector<8x4096xi1>
      %not3A_2438 = arith.xori %or3A_2433, %not3A_2437 : vector<8x4096xi1>
      %and3A_2439 = arith.andi %not3A_2436, %not3A_2438 : vector<8x4096xi1>
      %or3A_2440 = arith.ori %and3A_2434, %and3A_2439 : vector<8x4096xi1>
      %select_n3A_2441 = arith.select %or3A_2440, %select_n3A_2386, %select_n3A_2421 : vector<8x4096xi1>, vector<8x4096xi32>
      %select_n3A_2442 = arith.select %or3A_2440, %select_n3A_2387, %select_n3A_2428 : vector<8x4096xi1>, vector<8x4096xi32>
      %iota3A_2443 = tpu.iota {dimensions = array<i32: 1>} : vector<8x4096xi32>
      %and3A_2444 = arith.constant 1 : i32
      %and3A_2445 = vector.broadcast %and3A_2444 : i32 to vector<8x4096xi32>
      %and3A_2446 = arith.andi %iota3A_2443, %and3A_2445 : vector<8x4096xi32>
      %eq3A_2447 = arith.constant 0 : i32
      %eq3A_2448 = vector.broadcast %eq3A_2447 : i32 to vector<8x4096xi32>
      %eq3A_2449 = arith.cmpi eq, %and3A_2446, %eq3A_2448 : vector<8x4096xi32>
      %and3A_2450 = arith.constant 512 : i32
      %and3A_2451 = vector.broadcast %and3A_2450 : i32 to vector<8x4096xi32>
      %and3A_2452 = arith.andi %iota3A_2443, %and3A_2451 : vector<8x4096xi32>
      %eq3A_2453 = arith.constant 0 : i32
      %eq3A_2454 = vector.broadcast %eq3A_2453 : i32 to vector<8x4096xi32>
      %eq3A_2455 = arith.cmpi eq, %and3A_2452, %eq3A_2454 : vector<8x4096xi32>
      %and3A_2456 = arith.andi %eq3A_2449, %eq3A_2455 : vector<8x4096xi1>
      %not3A_2457 = arith.constant dense<true> : vector<8x4096xi1>
      %not3A_2458 = arith.xori %eq3A_2449, %not3A_2457 : vector<8x4096xi1>
      %not3A_2459 = arith.constant dense<true> : vector<8x4096xi1>
      %not3A_2460 = arith.xori %eq3A_2455, %not3A_2459 : vector<8x4096xi1>
      %and3A_2461 = arith.andi %not3A_2458, %not3A_2460 : vector<8x4096xi1>
      %or3A_2462 = arith.ori %and3A_2456, %and3A_2461 : vector<8x4096xi1>
      %iota3A_2463 = tpu.iota {dimensions = array<i32: 1>} : vector<8x4096xi32>
      %and3A_2464 = arith.constant 1 : i32
      %and3A_2465 = vector.broadcast %and3A_2464 : i32 to vector<8x4096xi32>
      %and3A_2466 = arith.andi %iota3A_2463, %and3A_2465 : vector<8x4096xi32>
      %eq3A_2467 = arith.constant 0 : i32
      %eq3A_2468 = vector.broadcast %eq3A_2467 : i32 to vector<8x4096xi32>
      %eq3A_2469 = arith.cmpi eq, %and3A_2466, %eq3A_2468 : vector<8x4096xi32>
      %slice3A_2470 = vector.extract_strided_slice %select_n3A_2441 {offsets = [0, 1], sizes = [8, 4095], strides = [1, 1]} : vector<8x4096xi32> to vector<8x4095xi32>
      %slice3A_2471 = vector.extract_strided_slice %select_n3A_2441 {offsets = [0, 0], sizes = [8, 1], strides = [1, 1]} : vector<8x4096xi32> to vector<8x1xi32>
      %concatenate3A_2472 = tpu.concatenate %slice3A_2470, %slice3A_2471 in 1 : vector<8x4095xi32>, vector<8x1xi32> -> vector<8x4096xi32>
      %slice3A_2473 = vector.extract_strided_slice %select_n3A_2441 {offsets = [0, 4095], sizes = [8, 1], strides = [1, 1]} : vector<8x4096xi32> to vector<8x1xi32>
      %slice3A_2474 = vector.extract_strided_slice %select_n3A_2441 {offsets = [0, 0], sizes = [8, 4095], strides = [1, 1]} : vector<8x4096xi32> to vector<8x4095xi32>
      %concatenate3A_2475 = tpu.concatenate %slice3A_2473, %slice3A_2474 in 1 : vector<8x1xi32>, vector<8x4095xi32> -> vector<8x4096xi32>
      %select_n3A_2476 = arith.select %eq3A_2469, %concatenate3A_2472, %concatenate3A_2475 : vector<8x4096xi1>, vector<8x4096xi32>
      %slice3A_2477 = vector.extract_strided_slice %select_n3A_2442 {offsets = [0, 1], sizes = [8, 4095], strides = [1, 1]} : vector<8x4096xi32> to vector<8x4095xi32>
      %slice3A_2478 = vector.extract_strided_slice %select_n3A_2442 {offsets = [0, 0], sizes = [8, 1], strides = [1, 1]} : vector<8x4096xi32> to vector<8x1xi32>
      %concatenate3A_2479 = tpu.concatenate %slice3A_2477, %slice3A_2478 in 1 : vector<8x4095xi32>, vector<8x1xi32> -> vector<8x4096xi32>
      %slice3A_2480 = vector.extract_strided_slice %select_n3A_2442 {offsets = [0, 4095], sizes = [8, 1], strides = [1, 1]} : vector<8x4096xi32> to vector<8x1xi32>
      %slice3A_2481 = vector.extract_strided_slice %select_n3A_2442 {offsets = [0, 0], sizes = [8, 4095], strides = [1, 1]} : vector<8x4096xi32> to vector<8x4095xi32>
      %concatenate3A_2482 = tpu.concatenate %slice3A_2480, %slice3A_2481 in 1 : vector<8x1xi32>, vector<8x4095xi32> -> vector<8x4096xi32>
      %select_n3A_2483 = arith.select %eq3A_2469, %concatenate3A_2479, %concatenate3A_2482 : vector<8x4096xi1>, vector<8x4096xi32>
      %gt3A_2484 = arith.cmpi sgt, %select_n3A_2441, %select_n3A_2476 : vector<8x4096xi32>
      %eq3A_2485 = arith.cmpi eq, %select_n3A_2441, %select_n3A_2476 : vector<8x4096xi32>
      %lt3A_2486 = arith.cmpi slt, %select_n3A_2442, %select_n3A_2483 : vector<8x4096xi32>
      %and3A_2487 = arith.andi %eq3A_2485, %lt3A_2486 : vector<8x4096xi1>
      %or3A_2488 = arith.ori %gt3A_2484, %and3A_2487 : vector<8x4096xi1>
      %and3A_2489 = arith.andi %or3A_2462, %or3A_2488 : vector<8x4096xi1>
      %not3A_2490 = arith.constant dense<true> : vector<8x4096xi1>
      %not3A_2491 = arith.xori %or3A_2462, %not3A_2490 : vector<8x4096xi1>
      %not3A_2492 = arith.constant dense<true> : vector<8x4096xi1>
      %not3A_2493 = arith.xori %or3A_2488, %not3A_2492 : vector<8x4096xi1>
      %and3A_2494 = arith.andi %not3A_2491, %not3A_2493 : vector<8x4096xi1>
      %or3A_2495 = arith.ori %and3A_2489, %and3A_2494 : vector<8x4096xi1>
      %select_n3A_2496 = arith.select %or3A_2495, %select_n3A_2441, %select_n3A_2476 : vector<8x4096xi1>, vector<8x4096xi32>
      %select_n3A_2497 = arith.select %or3A_2495, %select_n3A_2442, %select_n3A_2483 : vector<8x4096xi1>, vector<8x4096xi32>
      %iota3A_2498 = tpu.iota {dimensions = array<i32: 1>} : vector<8x4096xi32>
      %and3A_2499 = arith.constant 512 : i32
      %and3A_2500 = vector.broadcast %and3A_2499 : i32 to vector<8x4096xi32>
      %and3A_2501 = arith.andi %iota3A_2498, %and3A_2500 : vector<8x4096xi32>
      %eq3A_2502 = arith.constant 0 : i32
      %eq3A_2503 = vector.broadcast %eq3A_2502 : i32 to vector<8x4096xi32>
      %eq3A_2504 = arith.cmpi eq, %and3A_2501, %eq3A_2503 : vector<8x4096xi32>
      %iota3A_2505 = tpu.iota {dimensions = array<i32: 1>} : vector<8x4096xi32>
      %and3A_2506 = arith.constant 512 : i32
      %and3A_2507 = vector.broadcast %and3A_2506 : i32 to vector<8x4096xi32>
      %and3A_2508 = arith.andi %iota3A_2505, %and3A_2507 : vector<8x4096xi32>
      %eq3A_2509 = arith.constant 0 : i32
      %eq3A_2510 = vector.broadcast %eq3A_2509 : i32 to vector<8x4096xi32>
      %eq3A_2511 = arith.cmpi eq, %and3A_2508, %eq3A_2510 : vector<8x4096xi32>
      %slice3A_2512 = vector.extract_strided_slice %select_n3A_2496 {offsets = [0, 512], sizes = [8, 3584], strides = [1, 1]} : vector<8x4096xi32> to vector<8x3584xi32>
      %slice3A_2513 = vector.extract_strided_slice %select_n3A_2496 {offsets = [0, 0], sizes = [8, 512], strides = [1, 1]} : vector<8x4096xi32> to vector<8x512xi32>
      %concatenate3A_2514 = tpu.concatenate %slice3A_2512, %slice3A_2513 in 1 : vector<8x3584xi32>, vector<8x512xi32> -> vector<8x4096xi32>
      %slice3A_2515 = vector.extract_strided_slice %select_n3A_2496 {offsets = [0, 3584], sizes = [8, 512], strides = [1, 1]} : vector<8x4096xi32> to vector<8x512xi32>
      %slice3A_2516 = vector.extract_strided_slice %select_n3A_2496 {offsets = [0, 0], sizes = [8, 3584], strides = [1, 1]} : vector<8x4096xi32> to vector<8x3584xi32>
      %concatenate3A_2517 = tpu.concatenate %slice3A_2515, %slice3A_2516 in 1 : vector<8x512xi32>, vector<8x3584xi32> -> vector<8x4096xi32>
      %select_n3A_2518 = arith.select %eq3A_2511, %concatenate3A_2514, %concatenate3A_2517 : vector<8x4096xi1>, vector<8x4096xi32>
      %slice3A_2519 = vector.extract_strided_slice %select_n3A_2497 {offsets = [0, 512], sizes = [8, 3584], strides = [1, 1]} : vector<8x4096xi32> to vector<8x3584xi32>
      %slice3A_2520 = vector.extract_strided_slice %select_n3A_2497 {offsets = [0, 0], sizes = [8, 512], strides = [1, 1]} : vector<8x4096xi32> to vector<8x512xi32>
      %concatenate3A_2521 = tpu.concatenate %slice3A_2519, %slice3A_2520 in 1 : vector<8x3584xi32>, vector<8x512xi32> -> vector<8x4096xi32>
      %slice3A_2522 = vector.extract_strided_slice %select_n3A_2497 {offsets = [0, 3584], sizes = [8, 512], strides = [1, 1]} : vector<8x4096xi32> to vector<8x512xi32>
      %slice3A_2523 = vector.extract_strided_slice %select_n3A_2497 {offsets = [0, 0], sizes = [8, 3584], strides = [1, 1]} : vector<8x4096xi32> to vector<8x3584xi32>
      %concatenate3A_2524 = tpu.concatenate %slice3A_2522, %slice3A_2523 in 1 : vector<8x512xi32>, vector<8x3584xi32> -> vector<8x4096xi32>
      %select_n3A_2525 = arith.select %eq3A_2511, %concatenate3A_2521, %concatenate3A_2524 : vector<8x4096xi1>, vector<8x4096xi32>
      %gt3A_2526 = arith.cmpi sgt, %select_n3A_2496, %select_n3A_2518 : vector<8x4096xi32>
      %eq3A_2527 = arith.cmpi eq, %select_n3A_2496, %select_n3A_2518 : vector<8x4096xi32>
      %lt3A_2528 = arith.cmpi slt, %select_n3A_2497, %select_n3A_2525 : vector<8x4096xi32>
      %and3A_2529 = arith.andi %eq3A_2527, %lt3A_2528 : vector<8x4096xi1>
      %or3A_2530 = arith.ori %gt3A_2526, %and3A_2529 : vector<8x4096xi1>
      %and3A_2531 = arith.andi %eq3A_2504, %or3A_2530 : vector<8x4096xi1>
      %not3A_2532 = arith.constant dense<true> : vector<8x4096xi1>
      %not3A_2533 = arith.xori %eq3A_2504, %not3A_2532 : vector<8x4096xi1>
      %not3A_2534 = arith.constant dense<true> : vector<8x4096xi1>
      %not3A_2535 = arith.xori %or3A_2530, %not3A_2534 : vector<8x4096xi1>
      %and3A_2536 = arith.andi %not3A_2533, %not3A_2535 : vector<8x4096xi1>
      %or3A_2537 = arith.ori %and3A_2531, %and3A_2536 : vector<8x4096xi1>
      %select_n3A_2538 = arith.select %or3A_2537, %select_n3A_2496, %select_n3A_2518 : vector<8x4096xi1>, vector<8x4096xi32>
      %select_n3A_2539 = arith.select %or3A_2537, %select_n3A_2497, %select_n3A_2525 : vector<8x4096xi1>, vector<8x4096xi32>
      %slice3A_2540 = vector.extract_strided_slice %select_n3A_2538 {offsets = [0, 0], sizes = [8, 512], strides = [1, 1]} : vector<8x4096xi32> to vector<8x512xi32>
      %slice3A_2541 = vector.extract_strided_slice %select_n3A_2538 {offsets = [0, 1024], sizes = [8, 512], strides = [1, 1]} : vector<8x4096xi32> to vector<8x512xi32>
      %slice3A_2542 = vector.extract_strided_slice %select_n3A_2538 {offsets = [0, 2048], sizes = [8, 512], strides = [1, 1]} : vector<8x4096xi32> to vector<8x512xi32>
      %slice3A_2543 = vector.extract_strided_slice %select_n3A_2538 {offsets = [0, 3072], sizes = [8, 512], strides = [1, 1]} : vector<8x4096xi32> to vector<8x512xi32>
      %concatenate3A_2544 = tpu.concatenate %slice3A_2540, %slice3A_2541, %slice3A_2542, %slice3A_2543 in 1 : vector<8x512xi32>, vector<8x512xi32>, vector<8x512xi32>, vector<8x512xi32> -> vector<8x2048xi32>
      %slice3A_2545 = vector.extract_strided_slice %select_n3A_2539 {offsets = [0, 0], sizes = [8, 512], strides = [1, 1]} : vector<8x4096xi32> to vector<8x512xi32>
      %slice3A_2546 = vector.extract_strided_slice %select_n3A_2539 {offsets = [0, 1024], sizes = [8, 512], strides = [1, 1]} : vector<8x4096xi32> to vector<8x512xi32>
      %slice3A_2547 = vector.extract_strided_slice %select_n3A_2539 {offsets = [0, 2048], sizes = [8, 512], strides = [1, 1]} : vector<8x4096xi32> to vector<8x512xi32>
      %slice3A_2548 = vector.extract_strided_slice %select_n3A_2539 {offsets = [0, 3072], sizes = [8, 512], strides = [1, 1]} : vector<8x4096xi32> to vector<8x512xi32>
      %concatenate3A_2549 = tpu.concatenate %slice3A_2545, %slice3A_2546, %slice3A_2547, %slice3A_2548 in 1 : vector<8x512xi32>, vector<8x512xi32>, vector<8x512xi32>, vector<8x512xi32> -> vector<8x2048xi32>
      %iota3A_2550 = tpu.iota {dimensions = array<i32: 1>} : vector<8x2048xi32>
      %and3A_2551 = arith.constant 256 : i32
      %and3A_2552 = vector.broadcast %and3A_2551 : i32 to vector<8x2048xi32>
      %and3A_2553 = arith.andi %iota3A_2550, %and3A_2552 : vector<8x2048xi32>
      %eq3A_2554 = arith.constant 0 : i32
      %eq3A_2555 = vector.broadcast %eq3A_2554 : i32 to vector<8x2048xi32>
      %eq3A_2556 = arith.cmpi eq, %and3A_2553, %eq3A_2555 : vector<8x2048xi32>
      %and3A_2557 = arith.constant 512 : i32
      %and3A_2558 = vector.broadcast %and3A_2557 : i32 to vector<8x2048xi32>
      %and3A_2559 = arith.andi %iota3A_2550, %and3A_2558 : vector<8x2048xi32>
      %eq3A_2560 = arith.constant 0 : i32
      %eq3A_2561 = vector.broadcast %eq3A_2560 : i32 to vector<8x2048xi32>
      %eq3A_2562 = arith.cmpi eq, %and3A_2559, %eq3A_2561 : vector<8x2048xi32>
      %and3A_2563 = arith.andi %eq3A_2556, %eq3A_2562 : vector<8x2048xi1>
      %not3A_2564 = arith.constant dense<true> : vector<8x2048xi1>
      %not3A_2565 = arith.xori %eq3A_2556, %not3A_2564 : vector<8x2048xi1>
      %not3A_2566 = arith.constant dense<true> : vector<8x2048xi1>
      %not3A_2567 = arith.xori %eq3A_2562, %not3A_2566 : vector<8x2048xi1>
      %and3A_2568 = arith.andi %not3A_2565, %not3A_2567 : vector<8x2048xi1>
      %or3A_2569 = arith.ori %and3A_2563, %and3A_2568 : vector<8x2048xi1>
      %iota3A_2570 = tpu.iota {dimensions = array<i32: 1>} : vector<8x2048xi32>
      %and3A_2571 = arith.constant 256 : i32
      %and3A_2572 = vector.broadcast %and3A_2571 : i32 to vector<8x2048xi32>
      %and3A_2573 = arith.andi %iota3A_2570, %and3A_2572 : vector<8x2048xi32>
      %eq3A_2574 = arith.constant 0 : i32
      %eq3A_2575 = vector.broadcast %eq3A_2574 : i32 to vector<8x2048xi32>
      %eq3A_2576 = arith.cmpi eq, %and3A_2573, %eq3A_2575 : vector<8x2048xi32>
      %slice3A_2577 = vector.extract_strided_slice %concatenate3A_2544 {offsets = [0, 256], sizes = [8, 1792], strides = [1, 1]} : vector<8x2048xi32> to vector<8x1792xi32>
      %slice3A_2578 = vector.extract_strided_slice %concatenate3A_2544 {offsets = [0, 0], sizes = [8, 256], strides = [1, 1]} : vector<8x2048xi32> to vector<8x256xi32>
      %concatenate3A_2579 = tpu.concatenate %slice3A_2577, %slice3A_2578 in 1 : vector<8x1792xi32>, vector<8x256xi32> -> vector<8x2048xi32>
      %slice3A_2580 = vector.extract_strided_slice %concatenate3A_2544 {offsets = [0, 1792], sizes = [8, 256], strides = [1, 1]} : vector<8x2048xi32> to vector<8x256xi32>
      %slice3A_2581 = vector.extract_strided_slice %concatenate3A_2544 {offsets = [0, 0], sizes = [8, 1792], strides = [1, 1]} : vector<8x2048xi32> to vector<8x1792xi32>
      %concatenate3A_2582 = tpu.concatenate %slice3A_2580, %slice3A_2581 in 1 : vector<8x256xi32>, vector<8x1792xi32> -> vector<8x2048xi32>
      %select_n3A_2583 = arith.select %eq3A_2576, %concatenate3A_2579, %concatenate3A_2582 : vector<8x2048xi1>, vector<8x2048xi32>
      %slice3A_2584 = vector.extract_strided_slice %concatenate3A_2549 {offsets = [0, 256], sizes = [8, 1792], strides = [1, 1]} : vector<8x2048xi32> to vector<8x1792xi32>
      %slice3A_2585 = vector.extract_strided_slice %concatenate3A_2549 {offsets = [0, 0], sizes = [8, 256], strides = [1, 1]} : vector<8x2048xi32> to vector<8x256xi32>
      %concatenate3A_2586 = tpu.concatenate %slice3A_2584, %slice3A_2585 in 1 : vector<8x1792xi32>, vector<8x256xi32> -> vector<8x2048xi32>
      %slice3A_2587 = vector.extract_strided_slice %concatenate3A_2549 {offsets = [0, 1792], sizes = [8, 256], strides = [1, 1]} : vector<8x2048xi32> to vector<8x256xi32>
      %slice3A_2588 = vector.extract_strided_slice %concatenate3A_2549 {offsets = [0, 0], sizes = [8, 1792], strides = [1, 1]} : vector<8x2048xi32> to vector<8x1792xi32>
      %concatenate3A_2589 = tpu.concatenate %slice3A_2587, %slice3A_2588 in 1 : vector<8x256xi32>, vector<8x1792xi32> -> vector<8x2048xi32>
      %select_n3A_2590 = arith.select %eq3A_2576, %concatenate3A_2586, %concatenate3A_2589 : vector<8x2048xi1>, vector<8x2048xi32>
      %gt3A_2591 = arith.cmpi sgt, %concatenate3A_2544, %select_n3A_2583 : vector<8x2048xi32>
      %eq3A_2592 = arith.cmpi eq, %concatenate3A_2544, %select_n3A_2583 : vector<8x2048xi32>
      %lt3A_2593 = arith.cmpi slt, %concatenate3A_2549, %select_n3A_2590 : vector<8x2048xi32>
      %and3A_2594 = arith.andi %eq3A_2592, %lt3A_2593 : vector<8x2048xi1>
      %or3A_2595 = arith.ori %gt3A_2591, %and3A_2594 : vector<8x2048xi1>
      %and3A_2596 = arith.andi %or3A_2569, %or3A_2595 : vector<8x2048xi1>
      %not3A_2597 = arith.constant dense<true> : vector<8x2048xi1>
      %not3A_2598 = arith.xori %or3A_2569, %not3A_2597 : vector<8x2048xi1>
      %not3A_2599 = arith.constant dense<true> : vector<8x2048xi1>
      %not3A_2600 = arith.xori %or3A_2595, %not3A_2599 : vector<8x2048xi1>
      %and3A_2601 = arith.andi %not3A_2598, %not3A_2600 : vector<8x2048xi1>
      %or3A_2602 = arith.ori %and3A_2596, %and3A_2601 : vector<8x2048xi1>
      %select_n3A_2603 = arith.select %or3A_2602, %concatenate3A_2544, %select_n3A_2583 : vector<8x2048xi1>, vector<8x2048xi32>
      %select_n3A_2604 = arith.select %or3A_2602, %concatenate3A_2549, %select_n3A_2590 : vector<8x2048xi1>, vector<8x2048xi32>
      %iota3A_2605 = tpu.iota {dimensions = array<i32: 1>} : vector<8x2048xi32>
      %and3A_2606 = arith.constant 128 : i32
      %and3A_2607 = vector.broadcast %and3A_2606 : i32 to vector<8x2048xi32>
      %and3A_2608 = arith.andi %iota3A_2605, %and3A_2607 : vector<8x2048xi32>
      %eq3A_2609 = arith.constant 0 : i32
      %eq3A_2610 = vector.broadcast %eq3A_2609 : i32 to vector<8x2048xi32>
      %eq3A_2611 = arith.cmpi eq, %and3A_2608, %eq3A_2610 : vector<8x2048xi32>
      %and3A_2612 = arith.constant 512 : i32
      %and3A_2613 = vector.broadcast %and3A_2612 : i32 to vector<8x2048xi32>
      %and3A_2614 = arith.andi %iota3A_2605, %and3A_2613 : vector<8x2048xi32>
      %eq3A_2615 = arith.constant 0 : i32
      %eq3A_2616 = vector.broadcast %eq3A_2615 : i32 to vector<8x2048xi32>
      %eq3A_2617 = arith.cmpi eq, %and3A_2614, %eq3A_2616 : vector<8x2048xi32>
      %and3A_2618 = arith.andi %eq3A_2611, %eq3A_2617 : vector<8x2048xi1>
      %not3A_2619 = arith.constant dense<true> : vector<8x2048xi1>
      %not3A_2620 = arith.xori %eq3A_2611, %not3A_2619 : vector<8x2048xi1>
      %not3A_2621 = arith.constant dense<true> : vector<8x2048xi1>
      %not3A_2622 = arith.xori %eq3A_2617, %not3A_2621 : vector<8x2048xi1>
      %and3A_2623 = arith.andi %not3A_2620, %not3A_2622 : vector<8x2048xi1>
      %or3A_2624 = arith.ori %and3A_2618, %and3A_2623 : vector<8x2048xi1>
      %iota3A_2625 = tpu.iota {dimensions = array<i32: 1>} : vector<8x2048xi32>
      %and3A_2626 = arith.constant 128 : i32
      %and3A_2627 = vector.broadcast %and3A_2626 : i32 to vector<8x2048xi32>
      %and3A_2628 = arith.andi %iota3A_2625, %and3A_2627 : vector<8x2048xi32>
      %eq3A_2629 = arith.constant 0 : i32
      %eq3A_2630 = vector.broadcast %eq3A_2629 : i32 to vector<8x2048xi32>
      %eq3A_2631 = arith.cmpi eq, %and3A_2628, %eq3A_2630 : vector<8x2048xi32>
      %slice3A_2632 = vector.extract_strided_slice %select_n3A_2603 {offsets = [0, 128], sizes = [8, 1920], strides = [1, 1]} : vector<8x2048xi32> to vector<8x1920xi32>
      %slice3A_2633 = vector.extract_strided_slice %select_n3A_2603 {offsets = [0, 0], sizes = [8, 128], strides = [1, 1]} : vector<8x2048xi32> to vector<8x128xi32>
      %concatenate3A_2634 = tpu.concatenate %slice3A_2632, %slice3A_2633 in 1 : vector<8x1920xi32>, vector<8x128xi32> -> vector<8x2048xi32>
      %slice3A_2635 = vector.extract_strided_slice %select_n3A_2603 {offsets = [0, 1920], sizes = [8, 128], strides = [1, 1]} : vector<8x2048xi32> to vector<8x128xi32>
      %slice3A_2636 = vector.extract_strided_slice %select_n3A_2603 {offsets = [0, 0], sizes = [8, 1920], strides = [1, 1]} : vector<8x2048xi32> to vector<8x1920xi32>
      %concatenate3A_2637 = tpu.concatenate %slice3A_2635, %slice3A_2636 in 1 : vector<8x128xi32>, vector<8x1920xi32> -> vector<8x2048xi32>
      %select_n3A_2638 = arith.select %eq3A_2631, %concatenate3A_2634, %concatenate3A_2637 : vector<8x2048xi1>, vector<8x2048xi32>
      %slice3A_2639 = vector.extract_strided_slice %select_n3A_2604 {offsets = [0, 128], sizes = [8, 1920], strides = [1, 1]} : vector<8x2048xi32> to vector<8x1920xi32>
      %slice3A_2640 = vector.extract_strided_slice %select_n3A_2604 {offsets = [0, 0], sizes = [8, 128], strides = [1, 1]} : vector<8x2048xi32> to vector<8x128xi32>
      %concatenate3A_2641 = tpu.concatenate %slice3A_2639, %slice3A_2640 in 1 : vector<8x1920xi32>, vector<8x128xi32> -> vector<8x2048xi32>
      %slice3A_2642 = vector.extract_strided_slice %select_n3A_2604 {offsets = [0, 1920], sizes = [8, 128], strides = [1, 1]} : vector<8x2048xi32> to vector<8x128xi32>
      %slice3A_2643 = vector.extract_strided_slice %select_n3A_2604 {offsets = [0, 0], sizes = [8, 1920], strides = [1, 1]} : vector<8x2048xi32> to vector<8x1920xi32>
      %concatenate3A_2644 = tpu.concatenate %slice3A_2642, %slice3A_2643 in 1 : vector<8x128xi32>, vector<8x1920xi32> -> vector<8x2048xi32>
      %select_n3A_2645 = arith.select %eq3A_2631, %concatenate3A_2641, %concatenate3A_2644 : vector<8x2048xi1>, vector<8x2048xi32>
      %gt3A_2646 = arith.cmpi sgt, %select_n3A_2603, %select_n3A_2638 : vector<8x2048xi32>
      %eq3A_2647 = arith.cmpi eq, %select_n3A_2603, %select_n3A_2638 : vector<8x2048xi32>
      %lt3A_2648 = arith.cmpi slt, %select_n3A_2604, %select_n3A_2645 : vector<8x2048xi32>
      %and3A_2649 = arith.andi %eq3A_2647, %lt3A_2648 : vector<8x2048xi1>
      %or3A_2650 = arith.ori %gt3A_2646, %and3A_2649 : vector<8x2048xi1>
      %and3A_2651 = arith.andi %or3A_2624, %or3A_2650 : vector<8x2048xi1>
      %not3A_2652 = arith.constant dense<true> : vector<8x2048xi1>
      %not3A_2653 = arith.xori %or3A_2624, %not3A_2652 : vector<8x2048xi1>
      %not3A_2654 = arith.constant dense<true> : vector<8x2048xi1>
      %not3A_2655 = arith.xori %or3A_2650, %not3A_2654 : vector<8x2048xi1>
      %and3A_2656 = arith.andi %not3A_2653, %not3A_2655 : vector<8x2048xi1>
      %or3A_2657 = arith.ori %and3A_2651, %and3A_2656 : vector<8x2048xi1>
      %select_n3A_2658 = arith.select %or3A_2657, %select_n3A_2603, %select_n3A_2638 : vector<8x2048xi1>, vector<8x2048xi32>
      %select_n3A_2659 = arith.select %or3A_2657, %select_n3A_2604, %select_n3A_2645 : vector<8x2048xi1>, vector<8x2048xi32>
      %iota3A_2660 = tpu.iota {dimensions = array<i32: 1>} : vector<8x2048xi32>
      %and3A_2661 = arith.constant 64 : i32
      %and3A_2662 = vector.broadcast %and3A_2661 : i32 to vector<8x2048xi32>
      %and3A_2663 = arith.andi %iota3A_2660, %and3A_2662 : vector<8x2048xi32>
      %eq3A_2664 = arith.constant 0 : i32
      %eq3A_2665 = vector.broadcast %eq3A_2664 : i32 to vector<8x2048xi32>
      %eq3A_2666 = arith.cmpi eq, %and3A_2663, %eq3A_2665 : vector<8x2048xi32>
      %and3A_2667 = arith.constant 512 : i32
      %and3A_2668 = vector.broadcast %and3A_2667 : i32 to vector<8x2048xi32>
      %and3A_2669 = arith.andi %iota3A_2660, %and3A_2668 : vector<8x2048xi32>
      %eq3A_2670 = arith.constant 0 : i32
      %eq3A_2671 = vector.broadcast %eq3A_2670 : i32 to vector<8x2048xi32>
      %eq3A_2672 = arith.cmpi eq, %and3A_2669, %eq3A_2671 : vector<8x2048xi32>
      %and3A_2673 = arith.andi %eq3A_2666, %eq3A_2672 : vector<8x2048xi1>
      %not3A_2674 = arith.constant dense<true> : vector<8x2048xi1>
      %not3A_2675 = arith.xori %eq3A_2666, %not3A_2674 : vector<8x2048xi1>
      %not3A_2676 = arith.constant dense<true> : vector<8x2048xi1>
      %not3A_2677 = arith.xori %eq3A_2672, %not3A_2676 : vector<8x2048xi1>
      %and3A_2678 = arith.andi %not3A_2675, %not3A_2677 : vector<8x2048xi1>
      %or3A_2679 = arith.ori %and3A_2673, %and3A_2678 : vector<8x2048xi1>
      %iota3A_2680 = tpu.iota {dimensions = array<i32: 1>} : vector<8x2048xi32>
      %and3A_2681 = arith.constant 64 : i32
      %and3A_2682 = vector.broadcast %and3A_2681 : i32 to vector<8x2048xi32>
      %and3A_2683 = arith.andi %iota3A_2680, %and3A_2682 : vector<8x2048xi32>
      %eq3A_2684 = arith.constant 0 : i32
      %eq3A_2685 = vector.broadcast %eq3A_2684 : i32 to vector<8x2048xi32>
      %eq3A_2686 = arith.cmpi eq, %and3A_2683, %eq3A_2685 : vector<8x2048xi32>
      %slice3A_2687 = vector.extract_strided_slice %select_n3A_2658 {offsets = [0, 64], sizes = [8, 1984], strides = [1, 1]} : vector<8x2048xi32> to vector<8x1984xi32>
      %slice3A_2688 = vector.extract_strided_slice %select_n3A_2658 {offsets = [0, 0], sizes = [8, 64], strides = [1, 1]} : vector<8x2048xi32> to vector<8x64xi32>
      %concatenate3A_2689 = tpu.concatenate %slice3A_2687, %slice3A_2688 in 1 : vector<8x1984xi32>, vector<8x64xi32> -> vector<8x2048xi32>
      %slice3A_2690 = vector.extract_strided_slice %select_n3A_2658 {offsets = [0, 1984], sizes = [8, 64], strides = [1, 1]} : vector<8x2048xi32> to vector<8x64xi32>
      %slice3A_2691 = vector.extract_strided_slice %select_n3A_2658 {offsets = [0, 0], sizes = [8, 1984], strides = [1, 1]} : vector<8x2048xi32> to vector<8x1984xi32>
      %concatenate3A_2692 = tpu.concatenate %slice3A_2690, %slice3A_2691 in 1 : vector<8x64xi32>, vector<8x1984xi32> -> vector<8x2048xi32>
      %select_n3A_2693 = arith.select %eq3A_2686, %concatenate3A_2689, %concatenate3A_2692 : vector<8x2048xi1>, vector<8x2048xi32>
      %slice3A_2694 = vector.extract_strided_slice %select_n3A_2659 {offsets = [0, 64], sizes = [8, 1984], strides = [1, 1]} : vector<8x2048xi32> to vector<8x1984xi32>
      %slice3A_2695 = vector.extract_strided_slice %select_n3A_2659 {offsets = [0, 0], sizes = [8, 64], strides = [1, 1]} : vector<8x2048xi32> to vector<8x64xi32>
      %concatenate3A_2696 = tpu.concatenate %slice3A_2694, %slice3A_2695 in 1 : vector<8x1984xi32>, vector<8x64xi32> -> vector<8x2048xi32>
      %slice3A_2697 = vector.extract_strided_slice %select_n3A_2659 {offsets = [0, 1984], sizes = [8, 64], strides = [1, 1]} : vector<8x2048xi32> to vector<8x64xi32>
      %slice3A_2698 = vector.extract_strided_slice %select_n3A_2659 {offsets = [0, 0], sizes = [8, 1984], strides = [1, 1]} : vector<8x2048xi32> to vector<8x1984xi32>
      %concatenate3A_2699 = tpu.concatenate %slice3A_2697, %slice3A_2698 in 1 : vector<8x64xi32>, vector<8x1984xi32> -> vector<8x2048xi32>
      %select_n3A_2700 = arith.select %eq3A_2686, %concatenate3A_2696, %concatenate3A_2699 : vector<8x2048xi1>, vector<8x2048xi32>
      %gt3A_2701 = arith.cmpi sgt, %select_n3A_2658, %select_n3A_2693 : vector<8x2048xi32>
      %eq3A_2702 = arith.cmpi eq, %select_n3A_2658, %select_n3A_2693 : vector<8x2048xi32>
      %lt3A_2703 = arith.cmpi slt, %select_n3A_2659, %select_n3A_2700 : vector<8x2048xi32>
      %and3A_2704 = arith.andi %eq3A_2702, %lt3A_2703 : vector<8x2048xi1>
      %or3A_2705 = arith.ori %gt3A_2701, %and3A_2704 : vector<8x2048xi1>
      %and3A_2706 = arith.andi %or3A_2679, %or3A_2705 : vector<8x2048xi1>
      %not3A_2707 = arith.constant dense<true> : vector<8x2048xi1>
      %not3A_2708 = arith.xori %or3A_2679, %not3A_2707 : vector<8x2048xi1>
      %not3A_2709 = arith.constant dense<true> : vector<8x2048xi1>
      %not3A_2710 = arith.xori %or3A_2705, %not3A_2709 : vector<8x2048xi1>
      %and3A_2711 = arith.andi %not3A_2708, %not3A_2710 : vector<8x2048xi1>
      %or3A_2712 = arith.ori %and3A_2706, %and3A_2711 : vector<8x2048xi1>
      %select_n3A_2713 = arith.select %or3A_2712, %select_n3A_2658, %select_n3A_2693 : vector<8x2048xi1>, vector<8x2048xi32>
      %select_n3A_2714 = arith.select %or3A_2712, %select_n3A_2659, %select_n3A_2700 : vector<8x2048xi1>, vector<8x2048xi32>
      %iota3A_2715 = tpu.iota {dimensions = array<i32: 1>} : vector<8x2048xi32>
      %and3A_2716 = arith.constant 32 : i32
      %and3A_2717 = vector.broadcast %and3A_2716 : i32 to vector<8x2048xi32>
      %and3A_2718 = arith.andi %iota3A_2715, %and3A_2717 : vector<8x2048xi32>
      %eq3A_2719 = arith.constant 0 : i32
      %eq3A_2720 = vector.broadcast %eq3A_2719 : i32 to vector<8x2048xi32>
      %eq3A_2721 = arith.cmpi eq, %and3A_2718, %eq3A_2720 : vector<8x2048xi32>
      %and3A_2722 = arith.constant 512 : i32
      %and3A_2723 = vector.broadcast %and3A_2722 : i32 to vector<8x2048xi32>
      %and3A_2724 = arith.andi %iota3A_2715, %and3A_2723 : vector<8x2048xi32>
      %eq3A_2725 = arith.constant 0 : i32
      %eq3A_2726 = vector.broadcast %eq3A_2725 : i32 to vector<8x2048xi32>
      %eq3A_2727 = arith.cmpi eq, %and3A_2724, %eq3A_2726 : vector<8x2048xi32>
      %and3A_2728 = arith.andi %eq3A_2721, %eq3A_2727 : vector<8x2048xi1>
      %not3A_2729 = arith.constant dense<true> : vector<8x2048xi1>
      %not3A_2730 = arith.xori %eq3A_2721, %not3A_2729 : vector<8x2048xi1>
      %not3A_2731 = arith.constant dense<true> : vector<8x2048xi1>
      %not3A_2732 = arith.xori %eq3A_2727, %not3A_2731 : vector<8x2048xi1>
      %and3A_2733 = arith.andi %not3A_2730, %not3A_2732 : vector<8x2048xi1>
      %or3A_2734 = arith.ori %and3A_2728, %and3A_2733 : vector<8x2048xi1>
      %iota3A_2735 = tpu.iota {dimensions = array<i32: 1>} : vector<8x2048xi32>
      %and3A_2736 = arith.constant 32 : i32
      %and3A_2737 = vector.broadcast %and3A_2736 : i32 to vector<8x2048xi32>
      %and3A_2738 = arith.andi %iota3A_2735, %and3A_2737 : vector<8x2048xi32>
      %eq3A_2739 = arith.constant 0 : i32
      %eq3A_2740 = vector.broadcast %eq3A_2739 : i32 to vector<8x2048xi32>
      %eq3A_2741 = arith.cmpi eq, %and3A_2738, %eq3A_2740 : vector<8x2048xi32>
      %slice3A_2742 = vector.extract_strided_slice %select_n3A_2713 {offsets = [0, 32], sizes = [8, 2016], strides = [1, 1]} : vector<8x2048xi32> to vector<8x2016xi32>
      %slice3A_2743 = vector.extract_strided_slice %select_n3A_2713 {offsets = [0, 0], sizes = [8, 32], strides = [1, 1]} : vector<8x2048xi32> to vector<8x32xi32>
      %concatenate3A_2744 = tpu.concatenate %slice3A_2742, %slice3A_2743 in 1 : vector<8x2016xi32>, vector<8x32xi32> -> vector<8x2048xi32>
      %slice3A_2745 = vector.extract_strided_slice %select_n3A_2713 {offsets = [0, 2016], sizes = [8, 32], strides = [1, 1]} : vector<8x2048xi32> to vector<8x32xi32>
      %slice3A_2746 = vector.extract_strided_slice %select_n3A_2713 {offsets = [0, 0], sizes = [8, 2016], strides = [1, 1]} : vector<8x2048xi32> to vector<8x2016xi32>
      %concatenate3A_2747 = tpu.concatenate %slice3A_2745, %slice3A_2746 in 1 : vector<8x32xi32>, vector<8x2016xi32> -> vector<8x2048xi32>
      %select_n3A_2748 = arith.select %eq3A_2741, %concatenate3A_2744, %concatenate3A_2747 : vector<8x2048xi1>, vector<8x2048xi32>
      %slice3A_2749 = vector.extract_strided_slice %select_n3A_2714 {offsets = [0, 32], sizes = [8, 2016], strides = [1, 1]} : vector<8x2048xi32> to vector<8x2016xi32>
      %slice3A_2750 = vector.extract_strided_slice %select_n3A_2714 {offsets = [0, 0], sizes = [8, 32], strides = [1, 1]} : vector<8x2048xi32> to vector<8x32xi32>
      %concatenate3A_2751 = tpu.concatenate %slice3A_2749, %slice3A_2750 in 1 : vector<8x2016xi32>, vector<8x32xi32> -> vector<8x2048xi32>
      %slice3A_2752 = vector.extract_strided_slice %select_n3A_2714 {offsets = [0, 2016], sizes = [8, 32], strides = [1, 1]} : vector<8x2048xi32> to vector<8x32xi32>
      %slice3A_2753 = vector.extract_strided_slice %select_n3A_2714 {offsets = [0, 0], sizes = [8, 2016], strides = [1, 1]} : vector<8x2048xi32> to vector<8x2016xi32>
      %concatenate3A_2754 = tpu.concatenate %slice3A_2752, %slice3A_2753 in 1 : vector<8x32xi32>, vector<8x2016xi32> -> vector<8x2048xi32>
      %select_n3A_2755 = arith.select %eq3A_2741, %concatenate3A_2751, %concatenate3A_2754 : vector<8x2048xi1>, vector<8x2048xi32>
      %gt3A_2756 = arith.cmpi sgt, %select_n3A_2713, %select_n3A_2748 : vector<8x2048xi32>
      %eq3A_2757 = arith.cmpi eq, %select_n3A_2713, %select_n3A_2748 : vector<8x2048xi32>
      %lt3A_2758 = arith.cmpi slt, %select_n3A_2714, %select_n3A_2755 : vector<8x2048xi32>
      %and3A_2759 = arith.andi %eq3A_2757, %lt3A_2758 : vector<8x2048xi1>
      %or3A_2760 = arith.ori %gt3A_2756, %and3A_2759 : vector<8x2048xi1>
      %and3A_2761 = arith.andi %or3A_2734, %or3A_2760 : vector<8x2048xi1>
      %not3A_2762 = arith.constant dense<true> : vector<8x2048xi1>
      %not3A_2763 = arith.xori %or3A_2734, %not3A_2762 : vector<8x2048xi1>
      %not3A_2764 = arith.constant dense<true> : vector<8x2048xi1>
      %not3A_2765 = arith.xori %or3A_2760, %not3A_2764 : vector<8x2048xi1>
      %and3A_2766 = arith.andi %not3A_2763, %not3A_2765 : vector<8x2048xi1>
      %or3A_2767 = arith.ori %and3A_2761, %and3A_2766 : vector<8x2048xi1>
      %select_n3A_2768 = arith.select %or3A_2767, %select_n3A_2713, %select_n3A_2748 : vector<8x2048xi1>, vector<8x2048xi32>
      %select_n3A_2769 = arith.select %or3A_2767, %select_n3A_2714, %select_n3A_2755 : vector<8x2048xi1>, vector<8x2048xi32>
      %iota3A_2770 = tpu.iota {dimensions = array<i32: 1>} : vector<8x2048xi32>
      %and3A_2771 = arith.constant 16 : i32
      %and3A_2772 = vector.broadcast %and3A_2771 : i32 to vector<8x2048xi32>
      %and3A_2773 = arith.andi %iota3A_2770, %and3A_2772 : vector<8x2048xi32>
      %eq3A_2774 = arith.constant 0 : i32
      %eq3A_2775 = vector.broadcast %eq3A_2774 : i32 to vector<8x2048xi32>
      %eq3A_2776 = arith.cmpi eq, %and3A_2773, %eq3A_2775 : vector<8x2048xi32>
      %and3A_2777 = arith.constant 512 : i32
      %and3A_2778 = vector.broadcast %and3A_2777 : i32 to vector<8x2048xi32>
      %and3A_2779 = arith.andi %iota3A_2770, %and3A_2778 : vector<8x2048xi32>
      %eq3A_2780 = arith.constant 0 : i32
      %eq3A_2781 = vector.broadcast %eq3A_2780 : i32 to vector<8x2048xi32>
      %eq3A_2782 = arith.cmpi eq, %and3A_2779, %eq3A_2781 : vector<8x2048xi32>
      %and3A_2783 = arith.andi %eq3A_2776, %eq3A_2782 : vector<8x2048xi1>
      %not3A_2784 = arith.constant dense<true> : vector<8x2048xi1>
      %not3A_2785 = arith.xori %eq3A_2776, %not3A_2784 : vector<8x2048xi1>
      %not3A_2786 = arith.constant dense<true> : vector<8x2048xi1>
      %not3A_2787 = arith.xori %eq3A_2782, %not3A_2786 : vector<8x2048xi1>
      %and3A_2788 = arith.andi %not3A_2785, %not3A_2787 : vector<8x2048xi1>
      %or3A_2789 = arith.ori %and3A_2783, %and3A_2788 : vector<8x2048xi1>
      %iota3A_2790 = tpu.iota {dimensions = array<i32: 1>} : vector<8x2048xi32>
      %and3A_2791 = arith.constant 16 : i32
      %and3A_2792 = vector.broadcast %and3A_2791 : i32 to vector<8x2048xi32>
      %and3A_2793 = arith.andi %iota3A_2790, %and3A_2792 : vector<8x2048xi32>
      %eq3A_2794 = arith.constant 0 : i32
      %eq3A_2795 = vector.broadcast %eq3A_2794 : i32 to vector<8x2048xi32>
      %eq3A_2796 = arith.cmpi eq, %and3A_2793, %eq3A_2795 : vector<8x2048xi32>
      %slice3A_2797 = vector.extract_strided_slice %select_n3A_2768 {offsets = [0, 16], sizes = [8, 2032], strides = [1, 1]} : vector<8x2048xi32> to vector<8x2032xi32>
      %slice3A_2798 = vector.extract_strided_slice %select_n3A_2768 {offsets = [0, 0], sizes = [8, 16], strides = [1, 1]} : vector<8x2048xi32> to vector<8x16xi32>
      %concatenate3A_2799 = tpu.concatenate %slice3A_2797, %slice3A_2798 in 1 : vector<8x2032xi32>, vector<8x16xi32> -> vector<8x2048xi32>
      %slice3A_2800 = vector.extract_strided_slice %select_n3A_2768 {offsets = [0, 2032], sizes = [8, 16], strides = [1, 1]} : vector<8x2048xi32> to vector<8x16xi32>
      %slice3A_2801 = vector.extract_strided_slice %select_n3A_2768 {offsets = [0, 0], sizes = [8, 2032], strides = [1, 1]} : vector<8x2048xi32> to vector<8x2032xi32>
      %concatenate3A_2802 = tpu.concatenate %slice3A_2800, %slice3A_2801 in 1 : vector<8x16xi32>, vector<8x2032xi32> -> vector<8x2048xi32>
      %select_n3A_2803 = arith.select %eq3A_2796, %concatenate3A_2799, %concatenate3A_2802 : vector<8x2048xi1>, vector<8x2048xi32>
      %slice3A_2804 = vector.extract_strided_slice %select_n3A_2769 {offsets = [0, 16], sizes = [8, 2032], strides = [1, 1]} : vector<8x2048xi32> to vector<8x2032xi32>
      %slice3A_2805 = vector.extract_strided_slice %select_n3A_2769 {offsets = [0, 0], sizes = [8, 16], strides = [1, 1]} : vector<8x2048xi32> to vector<8x16xi32>
      %concatenate3A_2806 = tpu.concatenate %slice3A_2804, %slice3A_2805 in 1 : vector<8x2032xi32>, vector<8x16xi32> -> vector<8x2048xi32>
      %slice3A_2807 = vector.extract_strided_slice %select_n3A_2769 {offsets = [0, 2032], sizes = [8, 16], strides = [1, 1]} : vector<8x2048xi32> to vector<8x16xi32>
      %slice3A_2808 = vector.extract_strided_slice %select_n3A_2769 {offsets = [0, 0], sizes = [8, 2032], strides = [1, 1]} : vector<8x2048xi32> to vector<8x2032xi32>
      %concatenate3A_2809 = tpu.concatenate %slice3A_2807, %slice3A_2808 in 1 : vector<8x16xi32>, vector<8x2032xi32> -> vector<8x2048xi32>
      %select_n3A_2810 = arith.select %eq3A_2796, %concatenate3A_2806, %concatenate3A_2809 : vector<8x2048xi1>, vector<8x2048xi32>
      %gt3A_2811 = arith.cmpi sgt, %select_n3A_2768, %select_n3A_2803 : vector<8x2048xi32>
      %eq3A_2812 = arith.cmpi eq, %select_n3A_2768, %select_n3A_2803 : vector<8x2048xi32>
      %lt3A_2813 = arith.cmpi slt, %select_n3A_2769, %select_n3A_2810 : vector<8x2048xi32>
      %and3A_2814 = arith.andi %eq3A_2812, %lt3A_2813 : vector<8x2048xi1>
      %or3A_2815 = arith.ori %gt3A_2811, %and3A_2814 : vector<8x2048xi1>
      %and3A_2816 = arith.andi %or3A_2789, %or3A_2815 : vector<8x2048xi1>
      %not3A_2817 = arith.constant dense<true> : vector<8x2048xi1>
      %not3A_2818 = arith.xori %or3A_2789, %not3A_2817 : vector<8x2048xi1>
      %not3A_2819 = arith.constant dense<true> : vector<8x2048xi1>
      %not3A_2820 = arith.xori %or3A_2815, %not3A_2819 : vector<8x2048xi1>
      %and3A_2821 = arith.andi %not3A_2818, %not3A_2820 : vector<8x2048xi1>
      %or3A_2822 = arith.ori %and3A_2816, %and3A_2821 : vector<8x2048xi1>
      %select_n3A_2823 = arith.select %or3A_2822, %select_n3A_2768, %select_n3A_2803 : vector<8x2048xi1>, vector<8x2048xi32>
      %select_n3A_2824 = arith.select %or3A_2822, %select_n3A_2769, %select_n3A_2810 : vector<8x2048xi1>, vector<8x2048xi32>
      %iota3A_2825 = tpu.iota {dimensions = array<i32: 1>} : vector<8x2048xi32>
      %and3A_2826 = arith.constant 8 : i32
      %and3A_2827 = vector.broadcast %and3A_2826 : i32 to vector<8x2048xi32>
      %and3A_2828 = arith.andi %iota3A_2825, %and3A_2827 : vector<8x2048xi32>
      %eq3A_2829 = arith.constant 0 : i32
      %eq3A_2830 = vector.broadcast %eq3A_2829 : i32 to vector<8x2048xi32>
      %eq3A_2831 = arith.cmpi eq, %and3A_2828, %eq3A_2830 : vector<8x2048xi32>
      %and3A_2832 = arith.constant 512 : i32
      %and3A_2833 = vector.broadcast %and3A_2832 : i32 to vector<8x2048xi32>
      %and3A_2834 = arith.andi %iota3A_2825, %and3A_2833 : vector<8x2048xi32>
      %eq3A_2835 = arith.constant 0 : i32
      %eq3A_2836 = vector.broadcast %eq3A_2835 : i32 to vector<8x2048xi32>
      %eq3A_2837 = arith.cmpi eq, %and3A_2834, %eq3A_2836 : vector<8x2048xi32>
      %and3A_2838 = arith.andi %eq3A_2831, %eq3A_2837 : vector<8x2048xi1>
      %not3A_2839 = arith.constant dense<true> : vector<8x2048xi1>
      %not3A_2840 = arith.xori %eq3A_2831, %not3A_2839 : vector<8x2048xi1>
      %not3A_2841 = arith.constant dense<true> : vector<8x2048xi1>
      %not3A_2842 = arith.xori %eq3A_2837, %not3A_2841 : vector<8x2048xi1>
      %and3A_2843 = arith.andi %not3A_2840, %not3A_2842 : vector<8x2048xi1>
      %or3A_2844 = arith.ori %and3A_2838, %and3A_2843 : vector<8x2048xi1>
      %iota3A_2845 = tpu.iota {dimensions = array<i32: 1>} : vector<8x2048xi32>
      %and3A_2846 = arith.constant 8 : i32
      %and3A_2847 = vector.broadcast %and3A_2846 : i32 to vector<8x2048xi32>
      %and3A_2848 = arith.andi %iota3A_2845, %and3A_2847 : vector<8x2048xi32>
      %eq3A_2849 = arith.constant 0 : i32
      %eq3A_2850 = vector.broadcast %eq3A_2849 : i32 to vector<8x2048xi32>
      %eq3A_2851 = arith.cmpi eq, %and3A_2848, %eq3A_2850 : vector<8x2048xi32>
      %slice3A_2852 = vector.extract_strided_slice %select_n3A_2823 {offsets = [0, 8], sizes = [8, 2040], strides = [1, 1]} : vector<8x2048xi32> to vector<8x2040xi32>
      %slice3A_2853 = vector.extract_strided_slice %select_n3A_2823 {offsets = [0, 0], sizes = [8, 8], strides = [1, 1]} : vector<8x2048xi32> to vector<8x8xi32>
      %concatenate3A_2854 = tpu.concatenate %slice3A_2852, %slice3A_2853 in 1 : vector<8x2040xi32>, vector<8x8xi32> -> vector<8x2048xi32>
      %slice3A_2855 = vector.extract_strided_slice %select_n3A_2823 {offsets = [0, 2040], sizes = [8, 8], strides = [1, 1]} : vector<8x2048xi32> to vector<8x8xi32>
      %slice3A_2856 = vector.extract_strided_slice %select_n3A_2823 {offsets = [0, 0], sizes = [8, 2040], strides = [1, 1]} : vector<8x2048xi32> to vector<8x2040xi32>
      %concatenate3A_2857 = tpu.concatenate %slice3A_2855, %slice3A_2856 in 1 : vector<8x8xi32>, vector<8x2040xi32> -> vector<8x2048xi32>
      %select_n3A_2858 = arith.select %eq3A_2851, %concatenate3A_2854, %concatenate3A_2857 : vector<8x2048xi1>, vector<8x2048xi32>
      %slice3A_2859 = vector.extract_strided_slice %select_n3A_2824 {offsets = [0, 8], sizes = [8, 2040], strides = [1, 1]} : vector<8x2048xi32> to vector<8x2040xi32>
      %slice3A_2860 = vector.extract_strided_slice %select_n3A_2824 {offsets = [0, 0], sizes = [8, 8], strides = [1, 1]} : vector<8x2048xi32> to vector<8x8xi32>
      %concatenate3A_2861 = tpu.concatenate %slice3A_2859, %slice3A_2860 in 1 : vector<8x2040xi32>, vector<8x8xi32> -> vector<8x2048xi32>
      %slice3A_2862 = vector.extract_strided_slice %select_n3A_2824 {offsets = [0, 2040], sizes = [8, 8], strides = [1, 1]} : vector<8x2048xi32> to vector<8x8xi32>
      %slice3A_2863 = vector.extract_strided_slice %select_n3A_2824 {offsets = [0, 0], sizes = [8, 2040], strides = [1, 1]} : vector<8x2048xi32> to vector<8x2040xi32>
      %concatenate3A_2864 = tpu.concatenate %slice3A_2862, %slice3A_2863 in 1 : vector<8x8xi32>, vector<8x2040xi32> -> vector<8x2048xi32>
      %select_n3A_2865 = arith.select %eq3A_2851, %concatenate3A_2861, %concatenate3A_2864 : vector<8x2048xi1>, vector<8x2048xi32>
      %gt3A_2866 = arith.cmpi sgt, %select_n3A_2823, %select_n3A_2858 : vector<8x2048xi32>
      %eq3A_2867 = arith.cmpi eq, %select_n3A_2823, %select_n3A_2858 : vector<8x2048xi32>
      %lt3A_2868 = arith.cmpi slt, %select_n3A_2824, %select_n3A_2865 : vector<8x2048xi32>
      %and3A_2869 = arith.andi %eq3A_2867, %lt3A_2868 : vector<8x2048xi1>
      %or3A_2870 = arith.ori %gt3A_2866, %and3A_2869 : vector<8x2048xi1>
      %and3A_2871 = arith.andi %or3A_2844, %or3A_2870 : vector<8x2048xi1>
      %not3A_2872 = arith.constant dense<true> : vector<8x2048xi1>
      %not3A_2873 = arith.xori %or3A_2844, %not3A_2872 : vector<8x2048xi1>
      %not3A_2874 = arith.constant dense<true> : vector<8x2048xi1>
      %not3A_2875 = arith.xori %or3A_2870, %not3A_2874 : vector<8x2048xi1>
      %and3A_2876 = arith.andi %not3A_2873, %not3A_2875 : vector<8x2048xi1>
      %or3A_2877 = arith.ori %and3A_2871, %and3A_2876 : vector<8x2048xi1>
      %select_n3A_2878 = arith.select %or3A_2877, %select_n3A_2823, %select_n3A_2858 : vector<8x2048xi1>, vector<8x2048xi32>
      %select_n3A_2879 = arith.select %or3A_2877, %select_n3A_2824, %select_n3A_2865 : vector<8x2048xi1>, vector<8x2048xi32>
      %iota3A_2880 = tpu.iota {dimensions = array<i32: 1>} : vector<8x2048xi32>
      %and3A_2881 = arith.constant 4 : i32
      %and3A_2882 = vector.broadcast %and3A_2881 : i32 to vector<8x2048xi32>
      %and3A_2883 = arith.andi %iota3A_2880, %and3A_2882 : vector<8x2048xi32>
      %eq3A_2884 = arith.constant 0 : i32
      %eq3A_2885 = vector.broadcast %eq3A_2884 : i32 to vector<8x2048xi32>
      %eq3A_2886 = arith.cmpi eq, %and3A_2883, %eq3A_2885 : vector<8x2048xi32>
      %and3A_2887 = arith.constant 512 : i32
      %and3A_2888 = vector.broadcast %and3A_2887 : i32 to vector<8x2048xi32>
      %and3A_2889 = arith.andi %iota3A_2880, %and3A_2888 : vector<8x2048xi32>
      %eq3A_2890 = arith.constant 0 : i32
      %eq3A_2891 = vector.broadcast %eq3A_2890 : i32 to vector<8x2048xi32>
      %eq3A_2892 = arith.cmpi eq, %and3A_2889, %eq3A_2891 : vector<8x2048xi32>
      %and3A_2893 = arith.andi %eq3A_2886, %eq3A_2892 : vector<8x2048xi1>
      %not3A_2894 = arith.constant dense<true> : vector<8x2048xi1>
      %not3A_2895 = arith.xori %eq3A_2886, %not3A_2894 : vector<8x2048xi1>
      %not3A_2896 = arith.constant dense<true> : vector<8x2048xi1>
      %not3A_2897 = arith.xori %eq3A_2892, %not3A_2896 : vector<8x2048xi1>
      %and3A_2898 = arith.andi %not3A_2895, %not3A_2897 : vector<8x2048xi1>
      %or3A_2899 = arith.ori %and3A_2893, %and3A_2898 : vector<8x2048xi1>
      %iota3A_2900 = tpu.iota {dimensions = array<i32: 1>} : vector<8x2048xi32>
      %and3A_2901 = arith.constant 4 : i32
      %and3A_2902 = vector.broadcast %and3A_2901 : i32 to vector<8x2048xi32>
      %and3A_2903 = arith.andi %iota3A_2900, %and3A_2902 : vector<8x2048xi32>
      %eq3A_2904 = arith.constant 0 : i32
      %eq3A_2905 = vector.broadcast %eq3A_2904 : i32 to vector<8x2048xi32>
      %eq3A_2906 = arith.cmpi eq, %and3A_2903, %eq3A_2905 : vector<8x2048xi32>
      %slice3A_2907 = vector.extract_strided_slice %select_n3A_2878 {offsets = [0, 4], sizes = [8, 2044], strides = [1, 1]} : vector<8x2048xi32> to vector<8x2044xi32>
      %slice3A_2908 = vector.extract_strided_slice %select_n3A_2878 {offsets = [0, 0], sizes = [8, 4], strides = [1, 1]} : vector<8x2048xi32> to vector<8x4xi32>
      %concatenate3A_2909 = tpu.concatenate %slice3A_2907, %slice3A_2908 in 1 : vector<8x2044xi32>, vector<8x4xi32> -> vector<8x2048xi32>
      %slice3A_2910 = vector.extract_strided_slice %select_n3A_2878 {offsets = [0, 2044], sizes = [8, 4], strides = [1, 1]} : vector<8x2048xi32> to vector<8x4xi32>
      %slice3A_2911 = vector.extract_strided_slice %select_n3A_2878 {offsets = [0, 0], sizes = [8, 2044], strides = [1, 1]} : vector<8x2048xi32> to vector<8x2044xi32>
      %concatenate3A_2912 = tpu.concatenate %slice3A_2910, %slice3A_2911 in 1 : vector<8x4xi32>, vector<8x2044xi32> -> vector<8x2048xi32>
      %select_n3A_2913 = arith.select %eq3A_2906, %concatenate3A_2909, %concatenate3A_2912 : vector<8x2048xi1>, vector<8x2048xi32>
      %slice3A_2914 = vector.extract_strided_slice %select_n3A_2879 {offsets = [0, 4], sizes = [8, 2044], strides = [1, 1]} : vector<8x2048xi32> to vector<8x2044xi32>
      %slice3A_2915 = vector.extract_strided_slice %select_n3A_2879 {offsets = [0, 0], sizes = [8, 4], strides = [1, 1]} : vector<8x2048xi32> to vector<8x4xi32>
      %concatenate3A_2916 = tpu.concatenate %slice3A_2914, %slice3A_2915 in 1 : vector<8x2044xi32>, vector<8x4xi32> -> vector<8x2048xi32>
      %slice3A_2917 = vector.extract_strided_slice %select_n3A_2879 {offsets = [0, 2044], sizes = [8, 4], strides = [1, 1]} : vector<8x2048xi32> to vector<8x4xi32>
      %slice3A_2918 = vector.extract_strided_slice %select_n3A_2879 {offsets = [0, 0], sizes = [8, 2044], strides = [1, 1]} : vector<8x2048xi32> to vector<8x2044xi32>
      %concatenate3A_2919 = tpu.concatenate %slice3A_2917, %slice3A_2918 in 1 : vector<8x4xi32>, vector<8x2044xi32> -> vector<8x2048xi32>
      %select_n3A_2920 = arith.select %eq3A_2906, %concatenate3A_2916, %concatenate3A_2919 : vector<8x2048xi1>, vector<8x2048xi32>
      %gt3A_2921 = arith.cmpi sgt, %select_n3A_2878, %select_n3A_2913 : vector<8x2048xi32>
      %eq3A_2922 = arith.cmpi eq, %select_n3A_2878, %select_n3A_2913 : vector<8x2048xi32>
      %lt3A_2923 = arith.cmpi slt, %select_n3A_2879, %select_n3A_2920 : vector<8x2048xi32>
      %and3A_2924 = arith.andi %eq3A_2922, %lt3A_2923 : vector<8x2048xi1>
      %or3A_2925 = arith.ori %gt3A_2921, %and3A_2924 : vector<8x2048xi1>
      %and3A_2926 = arith.andi %or3A_2899, %or3A_2925 : vector<8x2048xi1>
      %not3A_2927 = arith.constant dense<true> : vector<8x2048xi1>
      %not3A_2928 = arith.xori %or3A_2899, %not3A_2927 : vector<8x2048xi1>
      %not3A_2929 = arith.constant dense<true> : vector<8x2048xi1>
      %not3A_2930 = arith.xori %or3A_2925, %not3A_2929 : vector<8x2048xi1>
      %and3A_2931 = arith.andi %not3A_2928, %not3A_2930 : vector<8x2048xi1>
      %or3A_2932 = arith.ori %and3A_2926, %and3A_2931 : vector<8x2048xi1>
      %select_n3A_2933 = arith.select %or3A_2932, %select_n3A_2878, %select_n3A_2913 : vector<8x2048xi1>, vector<8x2048xi32>
      %select_n3A_2934 = arith.select %or3A_2932, %select_n3A_2879, %select_n3A_2920 : vector<8x2048xi1>, vector<8x2048xi32>
      %iota3A_2935 = tpu.iota {dimensions = array<i32: 1>} : vector<8x2048xi32>
      %and3A_2936 = arith.constant 2 : i32
      %and3A_2937 = vector.broadcast %and3A_2936 : i32 to vector<8x2048xi32>
      %and3A_2938 = arith.andi %iota3A_2935, %and3A_2937 : vector<8x2048xi32>
      %eq3A_2939 = arith.constant 0 : i32
      %eq3A_2940 = vector.broadcast %eq3A_2939 : i32 to vector<8x2048xi32>
      %eq3A_2941 = arith.cmpi eq, %and3A_2938, %eq3A_2940 : vector<8x2048xi32>
      %and3A_2942 = arith.constant 512 : i32
      %and3A_2943 = vector.broadcast %and3A_2942 : i32 to vector<8x2048xi32>
      %and3A_2944 = arith.andi %iota3A_2935, %and3A_2943 : vector<8x2048xi32>
      %eq3A_2945 = arith.constant 0 : i32
      %eq3A_2946 = vector.broadcast %eq3A_2945 : i32 to vector<8x2048xi32>
      %eq3A_2947 = arith.cmpi eq, %and3A_2944, %eq3A_2946 : vector<8x2048xi32>
      %and3A_2948 = arith.andi %eq3A_2941, %eq3A_2947 : vector<8x2048xi1>
      %not3A_2949 = arith.constant dense<true> : vector<8x2048xi1>
      %not3A_2950 = arith.xori %eq3A_2941, %not3A_2949 : vector<8x2048xi1>
      %not3A_2951 = arith.constant dense<true> : vector<8x2048xi1>
      %not3A_2952 = arith.xori %eq3A_2947, %not3A_2951 : vector<8x2048xi1>
      %and3A_2953 = arith.andi %not3A_2950, %not3A_2952 : vector<8x2048xi1>
      %or3A_2954 = arith.ori %and3A_2948, %and3A_2953 : vector<8x2048xi1>
      %iota3A_2955 = tpu.iota {dimensions = array<i32: 1>} : vector<8x2048xi32>
      %and3A_2956 = arith.constant 2 : i32
      %and3A_2957 = vector.broadcast %and3A_2956 : i32 to vector<8x2048xi32>
      %and3A_2958 = arith.andi %iota3A_2955, %and3A_2957 : vector<8x2048xi32>
      %eq3A_2959 = arith.constant 0 : i32
      %eq3A_2960 = vector.broadcast %eq3A_2959 : i32 to vector<8x2048xi32>
      %eq3A_2961 = arith.cmpi eq, %and3A_2958, %eq3A_2960 : vector<8x2048xi32>
      %slice3A_2962 = vector.extract_strided_slice %select_n3A_2933 {offsets = [0, 2], sizes = [8, 2046], strides = [1, 1]} : vector<8x2048xi32> to vector<8x2046xi32>
      %slice3A_2963 = vector.extract_strided_slice %select_n3A_2933 {offsets = [0, 0], sizes = [8, 2], strides = [1, 1]} : vector<8x2048xi32> to vector<8x2xi32>
      %concatenate3A_2964 = tpu.concatenate %slice3A_2962, %slice3A_2963 in 1 : vector<8x2046xi32>, vector<8x2xi32> -> vector<8x2048xi32>
      %slice3A_2965 = vector.extract_strided_slice %select_n3A_2933 {offsets = [0, 2046], sizes = [8, 2], strides = [1, 1]} : vector<8x2048xi32> to vector<8x2xi32>
      %slice3A_2966 = vector.extract_strided_slice %select_n3A_2933 {offsets = [0, 0], sizes = [8, 2046], strides = [1, 1]} : vector<8x2048xi32> to vector<8x2046xi32>
      %concatenate3A_2967 = tpu.concatenate %slice3A_2965, %slice3A_2966 in 1 : vector<8x2xi32>, vector<8x2046xi32> -> vector<8x2048xi32>
      %select_n3A_2968 = arith.select %eq3A_2961, %concatenate3A_2964, %concatenate3A_2967 : vector<8x2048xi1>, vector<8x2048xi32>
      %slice3A_2969 = vector.extract_strided_slice %select_n3A_2934 {offsets = [0, 2], sizes = [8, 2046], strides = [1, 1]} : vector<8x2048xi32> to vector<8x2046xi32>
      %slice3A_2970 = vector.extract_strided_slice %select_n3A_2934 {offsets = [0, 0], sizes = [8, 2], strides = [1, 1]} : vector<8x2048xi32> to vector<8x2xi32>
      %concatenate3A_2971 = tpu.concatenate %slice3A_2969, %slice3A_2970 in 1 : vector<8x2046xi32>, vector<8x2xi32> -> vector<8x2048xi32>
      %slice3A_2972 = vector.extract_strided_slice %select_n3A_2934 {offsets = [0, 2046], sizes = [8, 2], strides = [1, 1]} : vector<8x2048xi32> to vector<8x2xi32>
      %slice3A_2973 = vector.extract_strided_slice %select_n3A_2934 {offsets = [0, 0], sizes = [8, 2046], strides = [1, 1]} : vector<8x2048xi32> to vector<8x2046xi32>
      %concatenate3A_2974 = tpu.concatenate %slice3A_2972, %slice3A_2973 in 1 : vector<8x2xi32>, vector<8x2046xi32> -> vector<8x2048xi32>
      %select_n3A_2975 = arith.select %eq3A_2961, %concatenate3A_2971, %concatenate3A_2974 : vector<8x2048xi1>, vector<8x2048xi32>
      %gt3A_2976 = arith.cmpi sgt, %select_n3A_2933, %select_n3A_2968 : vector<8x2048xi32>
      %eq3A_2977 = arith.cmpi eq, %select_n3A_2933, %select_n3A_2968 : vector<8x2048xi32>
      %lt3A_2978 = arith.cmpi slt, %select_n3A_2934, %select_n3A_2975 : vector<8x2048xi32>
      %and3A_2979 = arith.andi %eq3A_2977, %lt3A_2978 : vector<8x2048xi1>
      %or3A_2980 = arith.ori %gt3A_2976, %and3A_2979 : vector<8x2048xi1>
      %and3A_2981 = arith.andi %or3A_2954, %or3A_2980 : vector<8x2048xi1>
      %not3A_2982 = arith.constant dense<true> : vector<8x2048xi1>
      %not3A_2983 = arith.xori %or3A_2954, %not3A_2982 : vector<8x2048xi1>
      %not3A_2984 = arith.constant dense<true> : vector<8x2048xi1>
      %not3A_2985 = arith.xori %or3A_2980, %not3A_2984 : vector<8x2048xi1>
      %and3A_2986 = arith.andi %not3A_2983, %not3A_2985 : vector<8x2048xi1>
      %or3A_2987 = arith.ori %and3A_2981, %and3A_2986 : vector<8x2048xi1>
      %select_n3A_2988 = arith.select %or3A_2987, %select_n3A_2933, %select_n3A_2968 : vector<8x2048xi1>, vector<8x2048xi32>
      %select_n3A_2989 = arith.select %or3A_2987, %select_n3A_2934, %select_n3A_2975 : vector<8x2048xi1>, vector<8x2048xi32>
      %iota3A_2990 = tpu.iota {dimensions = array<i32: 1>} : vector<8x2048xi32>
      %and3A_2991 = arith.constant 1 : i32
      %and3A_2992 = vector.broadcast %and3A_2991 : i32 to vector<8x2048xi32>
      %and3A_2993 = arith.andi %iota3A_2990, %and3A_2992 : vector<8x2048xi32>
      %eq3A_2994 = arith.constant 0 : i32
      %eq3A_2995 = vector.broadcast %eq3A_2994 : i32 to vector<8x2048xi32>
      %eq3A_2996 = arith.cmpi eq, %and3A_2993, %eq3A_2995 : vector<8x2048xi32>
      %and3A_2997 = arith.constant 512 : i32
      %and3A_2998 = vector.broadcast %and3A_2997 : i32 to vector<8x2048xi32>
      %and3A_2999 = arith.andi %iota3A_2990, %and3A_2998 : vector<8x2048xi32>
      %eq3A_3000 = arith.constant 0 : i32
      %eq3A_3001 = vector.broadcast %eq3A_3000 : i32 to vector<8x2048xi32>
      %eq3A_3002 = arith.cmpi eq, %and3A_2999, %eq3A_3001 : vector<8x2048xi32>
      %and3A_3003 = arith.andi %eq3A_2996, %eq3A_3002 : vector<8x2048xi1>
      %not3A_3004 = arith.constant dense<true> : vector<8x2048xi1>
      %not3A_3005 = arith.xori %eq3A_2996, %not3A_3004 : vector<8x2048xi1>
      %not3A_3006 = arith.constant dense<true> : vector<8x2048xi1>
      %not3A_3007 = arith.xori %eq3A_3002, %not3A_3006 : vector<8x2048xi1>
      %and3A_3008 = arith.andi %not3A_3005, %not3A_3007 : vector<8x2048xi1>
      %or3A_3009 = arith.ori %and3A_3003, %and3A_3008 : vector<8x2048xi1>
      %iota3A_3010 = tpu.iota {dimensions = array<i32: 1>} : vector<8x2048xi32>
      %and3A_3011 = arith.constant 1 : i32
      %and3A_3012 = vector.broadcast %and3A_3011 : i32 to vector<8x2048xi32>
      %and3A_3013 = arith.andi %iota3A_3010, %and3A_3012 : vector<8x2048xi32>
      %eq3A_3014 = arith.constant 0 : i32
      %eq3A_3015 = vector.broadcast %eq3A_3014 : i32 to vector<8x2048xi32>
      %eq3A_3016 = arith.cmpi eq, %and3A_3013, %eq3A_3015 : vector<8x2048xi32>
      %slice3A_3017 = vector.extract_strided_slice %select_n3A_2988 {offsets = [0, 1], sizes = [8, 2047], strides = [1, 1]} : vector<8x2048xi32> to vector<8x2047xi32>
      %slice3A_3018 = vector.extract_strided_slice %select_n3A_2988 {offsets = [0, 0], sizes = [8, 1], strides = [1, 1]} : vector<8x2048xi32> to vector<8x1xi32>
      %concatenate3A_3019 = tpu.concatenate %slice3A_3017, %slice3A_3018 in 1 : vector<8x2047xi32>, vector<8x1xi32> -> vector<8x2048xi32>
      %slice3A_3020 = vector.extract_strided_slice %select_n3A_2988 {offsets = [0, 2047], sizes = [8, 1], strides = [1, 1]} : vector<8x2048xi32> to vector<8x1xi32>
      %slice3A_3021 = vector.extract_strided_slice %select_n3A_2988 {offsets = [0, 0], sizes = [8, 2047], strides = [1, 1]} : vector<8x2048xi32> to vector<8x2047xi32>
      %concatenate3A_3022 = tpu.concatenate %slice3A_3020, %slice3A_3021 in 1 : vector<8x1xi32>, vector<8x2047xi32> -> vector<8x2048xi32>
      %select_n3A_3023 = arith.select %eq3A_3016, %concatenate3A_3019, %concatenate3A_3022 : vector<8x2048xi1>, vector<8x2048xi32>
      %slice3A_3024 = vector.extract_strided_slice %select_n3A_2989 {offsets = [0, 1], sizes = [8, 2047], strides = [1, 1]} : vector<8x2048xi32> to vector<8x2047xi32>
      %slice3A_3025 = vector.extract_strided_slice %select_n3A_2989 {offsets = [0, 0], sizes = [8, 1], strides = [1, 1]} : vector<8x2048xi32> to vector<8x1xi32>
      %concatenate3A_3026 = tpu.concatenate %slice3A_3024, %slice3A_3025 in 1 : vector<8x2047xi32>, vector<8x1xi32> -> vector<8x2048xi32>
      %slice3A_3027 = vector.extract_strided_slice %select_n3A_2989 {offsets = [0, 2047], sizes = [8, 1], strides = [1, 1]} : vector<8x2048xi32> to vector<8x1xi32>
      %slice3A_3028 = vector.extract_strided_slice %select_n3A_2989 {offsets = [0, 0], sizes = [8, 2047], strides = [1, 1]} : vector<8x2048xi32> to vector<8x2047xi32>
      %concatenate3A_3029 = tpu.concatenate %slice3A_3027, %slice3A_3028 in 1 : vector<8x1xi32>, vector<8x2047xi32> -> vector<8x2048xi32>
      %select_n3A_3030 = arith.select %eq3A_3016, %concatenate3A_3026, %concatenate3A_3029 : vector<8x2048xi1>, vector<8x2048xi32>
      %gt3A_3031 = arith.cmpi sgt, %select_n3A_2988, %select_n3A_3023 : vector<8x2048xi32>
      %eq3A_3032 = arith.cmpi eq, %select_n3A_2988, %select_n3A_3023 : vector<8x2048xi32>
      %lt3A_3033 = arith.cmpi slt, %select_n3A_2989, %select_n3A_3030 : vector<8x2048xi32>
      %and3A_3034 = arith.andi %eq3A_3032, %lt3A_3033 : vector<8x2048xi1>
      %or3A_3035 = arith.ori %gt3A_3031, %and3A_3034 : vector<8x2048xi1>
      %and3A_3036 = arith.andi %or3A_3009, %or3A_3035 : vector<8x2048xi1>
      %not3A_3037 = arith.constant dense<true> : vector<8x2048xi1>
      %not3A_3038 = arith.xori %or3A_3009, %not3A_3037 : vector<8x2048xi1>
      %not3A_3039 = arith.constant dense<true> : vector<8x2048xi1>
      %not3A_3040 = arith.xori %or3A_3035, %not3A_3039 : vector<8x2048xi1>
      %and3A_3041 = arith.andi %not3A_3038, %not3A_3040 : vector<8x2048xi1>
      %or3A_3042 = arith.ori %and3A_3036, %and3A_3041 : vector<8x2048xi1>
      %select_n3A_3043 = arith.select %or3A_3042, %select_n3A_2988, %select_n3A_3023 : vector<8x2048xi1>, vector<8x2048xi32>
      %select_n3A_3044 = arith.select %or3A_3042, %select_n3A_2989, %select_n3A_3030 : vector<8x2048xi1>, vector<8x2048xi32>
      %iota3A_3045 = tpu.iota {dimensions = array<i32: 1>} : vector<8x2048xi32>
      %and3A_3046 = arith.constant 512 : i32
      %and3A_3047 = vector.broadcast %and3A_3046 : i32 to vector<8x2048xi32>
      %and3A_3048 = arith.andi %iota3A_3045, %and3A_3047 : vector<8x2048xi32>
      %eq3A_3049 = arith.constant 0 : i32
      %eq3A_3050 = vector.broadcast %eq3A_3049 : i32 to vector<8x2048xi32>
      %eq3A_3051 = arith.cmpi eq, %and3A_3048, %eq3A_3050 : vector<8x2048xi32>
      %iota3A_3052 = tpu.iota {dimensions = array<i32: 1>} : vector<8x2048xi32>
      %and3A_3053 = arith.constant 512 : i32
      %and3A_3054 = vector.broadcast %and3A_3053 : i32 to vector<8x2048xi32>
      %and3A_3055 = arith.andi %iota3A_3052, %and3A_3054 : vector<8x2048xi32>
      %eq3A_3056 = arith.constant 0 : i32
      %eq3A_3057 = vector.broadcast %eq3A_3056 : i32 to vector<8x2048xi32>
      %eq3A_3058 = arith.cmpi eq, %and3A_3055, %eq3A_3057 : vector<8x2048xi32>
      %slice3A_3059 = vector.extract_strided_slice %select_n3A_3043 {offsets = [0, 512], sizes = [8, 1536], strides = [1, 1]} : vector<8x2048xi32> to vector<8x1536xi32>
      %slice3A_3060 = vector.extract_strided_slice %select_n3A_3043 {offsets = [0, 0], sizes = [8, 512], strides = [1, 1]} : vector<8x2048xi32> to vector<8x512xi32>
      %concatenate3A_3061 = tpu.concatenate %slice3A_3059, %slice3A_3060 in 1 : vector<8x1536xi32>, vector<8x512xi32> -> vector<8x2048xi32>
      %slice3A_3062 = vector.extract_strided_slice %select_n3A_3043 {offsets = [0, 1536], sizes = [8, 512], strides = [1, 1]} : vector<8x2048xi32> to vector<8x512xi32>
      %slice3A_3063 = vector.extract_strided_slice %select_n3A_3043 {offsets = [0, 0], sizes = [8, 1536], strides = [1, 1]} : vector<8x2048xi32> to vector<8x1536xi32>
      %concatenate3A_3064 = tpu.concatenate %slice3A_3062, %slice3A_3063 in 1 : vector<8x512xi32>, vector<8x1536xi32> -> vector<8x2048xi32>
      %select_n3A_3065 = arith.select %eq3A_3058, %concatenate3A_3061, %concatenate3A_3064 : vector<8x2048xi1>, vector<8x2048xi32>
      %slice3A_3066 = vector.extract_strided_slice %select_n3A_3044 {offsets = [0, 512], sizes = [8, 1536], strides = [1, 1]} : vector<8x2048xi32> to vector<8x1536xi32>
      %slice3A_3067 = vector.extract_strided_slice %select_n3A_3044 {offsets = [0, 0], sizes = [8, 512], strides = [1, 1]} : vector<8x2048xi32> to vector<8x512xi32>
      %concatenate3A_3068 = tpu.concatenate %slice3A_3066, %slice3A_3067 in 1 : vector<8x1536xi32>, vector<8x512xi32> -> vector<8x2048xi32>
      %slice3A_3069 = vector.extract_strided_slice %select_n3A_3044 {offsets = [0, 1536], sizes = [8, 512], strides = [1, 1]} : vector<8x2048xi32> to vector<8x512xi32>
      %slice3A_3070 = vector.extract_strided_slice %select_n3A_3044 {offsets = [0, 0], sizes = [8, 1536], strides = [1, 1]} : vector<8x2048xi32> to vector<8x1536xi32>
      %concatenate3A_3071 = tpu.concatenate %slice3A_3069, %slice3A_3070 in 1 : vector<8x512xi32>, vector<8x1536xi32> -> vector<8x2048xi32>
      %select_n3A_3072 = arith.select %eq3A_3058, %concatenate3A_3068, %concatenate3A_3071 : vector<8x2048xi1>, vector<8x2048xi32>
      %gt3A_3073 = arith.cmpi sgt, %select_n3A_3043, %select_n3A_3065 : vector<8x2048xi32>
      %eq3A_3074 = arith.cmpi eq, %select_n3A_3043, %select_n3A_3065 : vector<8x2048xi32>
      %lt3A_3075 = arith.cmpi slt, %select_n3A_3044, %select_n3A_3072 : vector<8x2048xi32>
      %and3A_3076 = arith.andi %eq3A_3074, %lt3A_3075 : vector<8x2048xi1>
      %or3A_3077 = arith.ori %gt3A_3073, %and3A_3076 : vector<8x2048xi1>
      %and3A_3078 = arith.andi %eq3A_3051, %or3A_3077 : vector<8x2048xi1>
      %not3A_3079 = arith.constant dense<true> : vector<8x2048xi1>
      %not3A_3080 = arith.xori %eq3A_3051, %not3A_3079 : vector<8x2048xi1>
      %not3A_3081 = arith.constant dense<true> : vector<8x2048xi1>
      %not3A_3082 = arith.xori %or3A_3077, %not3A_3081 : vector<8x2048xi1>
      %and3A_3083 = arith.andi %not3A_3080, %not3A_3082 : vector<8x2048xi1>
      %or3A_3084 = arith.ori %and3A_3078, %and3A_3083 : vector<8x2048xi1>
      %select_n3A_3085 = arith.select %or3A_3084, %select_n3A_3043, %select_n3A_3065 : vector<8x2048xi1>, vector<8x2048xi32>
      %select_n3A_3086 = arith.select %or3A_3084, %select_n3A_3044, %select_n3A_3072 : vector<8x2048xi1>, vector<8x2048xi32>
      %slice3A_3087 = vector.extract_strided_slice %select_n3A_3085 {offsets = [0, 0], sizes = [8, 512], strides = [1, 1]} : vector<8x2048xi32> to vector<8x512xi32>
      %slice3A_3088 = vector.extract_strided_slice %select_n3A_3085 {offsets = [0, 1024], sizes = [8, 512], strides = [1, 1]} : vector<8x2048xi32> to vector<8x512xi32>
      %concatenate3A_3089 = tpu.concatenate %slice3A_3087, %slice3A_3088 in 1 : vector<8x512xi32>, vector<8x512xi32> -> vector<8x1024xi32>
      %slice3A_3090 = vector.extract_strided_slice %select_n3A_3086 {offsets = [0, 0], sizes = [8, 512], strides = [1, 1]} : vector<8x2048xi32> to vector<8x512xi32>
      %slice3A_3091 = vector.extract_strided_slice %select_n3A_3086 {offsets = [0, 1024], sizes = [8, 512], strides = [1, 1]} : vector<8x2048xi32> to vector<8x512xi32>
      %concatenate3A_3092 = tpu.concatenate %slice3A_3090, %slice3A_3091 in 1 : vector<8x512xi32>, vector<8x512xi32> -> vector<8x1024xi32>
      %iota3A_3093 = tpu.iota {dimensions = array<i32: 1>} : vector<8x1024xi32>
      %and3A_3094 = arith.constant 256 : i32
      %and3A_3095 = vector.broadcast %and3A_3094 : i32 to vector<8x1024xi32>
      %and3A_3096 = arith.andi %iota3A_3093, %and3A_3095 : vector<8x1024xi32>
      %eq3A_3097 = arith.constant 0 : i32
      %eq3A_3098 = vector.broadcast %eq3A_3097 : i32 to vector<8x1024xi32>
      %eq3A_3099 = arith.cmpi eq, %and3A_3096, %eq3A_3098 : vector<8x1024xi32>
      %and3A_3100 = arith.constant 512 : i32
      %and3A_3101 = vector.broadcast %and3A_3100 : i32 to vector<8x1024xi32>
      %and3A_3102 = arith.andi %iota3A_3093, %and3A_3101 : vector<8x1024xi32>
      %eq3A_3103 = arith.constant 0 : i32
      %eq3A_3104 = vector.broadcast %eq3A_3103 : i32 to vector<8x1024xi32>
      %eq3A_3105 = arith.cmpi eq, %and3A_3102, %eq3A_3104 : vector<8x1024xi32>
      %and3A_3106 = arith.andi %eq3A_3099, %eq3A_3105 : vector<8x1024xi1>
      %not3A_3107 = arith.constant dense<true> : vector<8x1024xi1>
      %not3A_3108 = arith.xori %eq3A_3099, %not3A_3107 : vector<8x1024xi1>
      %not3A_3109 = arith.constant dense<true> : vector<8x1024xi1>
      %not3A_3110 = arith.xori %eq3A_3105, %not3A_3109 : vector<8x1024xi1>
      %and3A_3111 = arith.andi %not3A_3108, %not3A_3110 : vector<8x1024xi1>
      %or3A_3112 = arith.ori %and3A_3106, %and3A_3111 : vector<8x1024xi1>
      %iota3A_3113 = tpu.iota {dimensions = array<i32: 1>} : vector<8x1024xi32>
      %and3A_3114 = arith.constant 256 : i32
      %and3A_3115 = vector.broadcast %and3A_3114 : i32 to vector<8x1024xi32>
      %and3A_3116 = arith.andi %iota3A_3113, %and3A_3115 : vector<8x1024xi32>
      %eq3A_3117 = arith.constant 0 : i32
      %eq3A_3118 = vector.broadcast %eq3A_3117 : i32 to vector<8x1024xi32>
      %eq3A_3119 = arith.cmpi eq, %and3A_3116, %eq3A_3118 : vector<8x1024xi32>
      %slice3A_3120 = vector.extract_strided_slice %concatenate3A_3089 {offsets = [0, 256], sizes = [8, 768], strides = [1, 1]} : vector<8x1024xi32> to vector<8x768xi32>
      %slice3A_3121 = vector.extract_strided_slice %concatenate3A_3089 {offsets = [0, 0], sizes = [8, 256], strides = [1, 1]} : vector<8x1024xi32> to vector<8x256xi32>
      %concatenate3A_3122 = tpu.concatenate %slice3A_3120, %slice3A_3121 in 1 : vector<8x768xi32>, vector<8x256xi32> -> vector<8x1024xi32>
      %slice3A_3123 = vector.extract_strided_slice %concatenate3A_3089 {offsets = [0, 768], sizes = [8, 256], strides = [1, 1]} : vector<8x1024xi32> to vector<8x256xi32>
      %slice3A_3124 = vector.extract_strided_slice %concatenate3A_3089 {offsets = [0, 0], sizes = [8, 768], strides = [1, 1]} : vector<8x1024xi32> to vector<8x768xi32>
      %concatenate3A_3125 = tpu.concatenate %slice3A_3123, %slice3A_3124 in 1 : vector<8x256xi32>, vector<8x768xi32> -> vector<8x1024xi32>
      %select_n3A_3126 = arith.select %eq3A_3119, %concatenate3A_3122, %concatenate3A_3125 : vector<8x1024xi1>, vector<8x1024xi32>
      %slice3A_3127 = vector.extract_strided_slice %concatenate3A_3092 {offsets = [0, 256], sizes = [8, 768], strides = [1, 1]} : vector<8x1024xi32> to vector<8x768xi32>
      %slice3A_3128 = vector.extract_strided_slice %concatenate3A_3092 {offsets = [0, 0], sizes = [8, 256], strides = [1, 1]} : vector<8x1024xi32> to vector<8x256xi32>
      %concatenate3A_3129 = tpu.concatenate %slice3A_3127, %slice3A_3128 in 1 : vector<8x768xi32>, vector<8x256xi32> -> vector<8x1024xi32>
      %slice3A_3130 = vector.extract_strided_slice %concatenate3A_3092 {offsets = [0, 768], sizes = [8, 256], strides = [1, 1]} : vector<8x1024xi32> to vector<8x256xi32>
      %slice3A_3131 = vector.extract_strided_slice %concatenate3A_3092 {offsets = [0, 0], sizes = [8, 768], strides = [1, 1]} : vector<8x1024xi32> to vector<8x768xi32>
      %concatenate3A_3132 = tpu.concatenate %slice3A_3130, %slice3A_3131 in 1 : vector<8x256xi32>, vector<8x768xi32> -> vector<8x1024xi32>
      %select_n3A_3133 = arith.select %eq3A_3119, %concatenate3A_3129, %concatenate3A_3132 : vector<8x1024xi1>, vector<8x1024xi32>
      %gt3A_3134 = arith.cmpi sgt, %concatenate3A_3089, %select_n3A_3126 : vector<8x1024xi32>
      %eq3A_3135 = arith.cmpi eq, %concatenate3A_3089, %select_n3A_3126 : vector<8x1024xi32>
      %lt3A_3136 = arith.cmpi slt, %concatenate3A_3092, %select_n3A_3133 : vector<8x1024xi32>
      %and3A_3137 = arith.andi %eq3A_3135, %lt3A_3136 : vector<8x1024xi1>
      %or3A_3138 = arith.ori %gt3A_3134, %and3A_3137 : vector<8x1024xi1>
      %and3A_3139 = arith.andi %or3A_3112, %or3A_3138 : vector<8x1024xi1>
      %not3A_3140 = arith.constant dense<true> : vector<8x1024xi1>
      %not3A_3141 = arith.xori %or3A_3112, %not3A_3140 : vector<8x1024xi1>
      %not3A_3142 = arith.constant dense<true> : vector<8x1024xi1>
      %not3A_3143 = arith.xori %or3A_3138, %not3A_3142 : vector<8x1024xi1>
      %and3A_3144 = arith.andi %not3A_3141, %not3A_3143 : vector<8x1024xi1>
      %or3A_3145 = arith.ori %and3A_3139, %and3A_3144 : vector<8x1024xi1>
      %select_n3A_3146 = arith.select %or3A_3145, %concatenate3A_3089, %select_n3A_3126 : vector<8x1024xi1>, vector<8x1024xi32>
      %select_n3A_3147 = arith.select %or3A_3145, %concatenate3A_3092, %select_n3A_3133 : vector<8x1024xi1>, vector<8x1024xi32>
      %iota3A_3148 = tpu.iota {dimensions = array<i32: 1>} : vector<8x1024xi32>
      %and3A_3149 = arith.constant 128 : i32
      %and3A_3150 = vector.broadcast %and3A_3149 : i32 to vector<8x1024xi32>
      %and3A_3151 = arith.andi %iota3A_3148, %and3A_3150 : vector<8x1024xi32>
      %eq3A_3152 = arith.constant 0 : i32
      %eq3A_3153 = vector.broadcast %eq3A_3152 : i32 to vector<8x1024xi32>
      %eq3A_3154 = arith.cmpi eq, %and3A_3151, %eq3A_3153 : vector<8x1024xi32>
      %and3A_3155 = arith.constant 512 : i32
      %and3A_3156 = vector.broadcast %and3A_3155 : i32 to vector<8x1024xi32>
      %and3A_3157 = arith.andi %iota3A_3148, %and3A_3156 : vector<8x1024xi32>
      %eq3A_3158 = arith.constant 0 : i32
      %eq3A_3159 = vector.broadcast %eq3A_3158 : i32 to vector<8x1024xi32>
      %eq3A_3160 = arith.cmpi eq, %and3A_3157, %eq3A_3159 : vector<8x1024xi32>
      %and3A_3161 = arith.andi %eq3A_3154, %eq3A_3160 : vector<8x1024xi1>
      %not3A_3162 = arith.constant dense<true> : vector<8x1024xi1>
      %not3A_3163 = arith.xori %eq3A_3154, %not3A_3162 : vector<8x1024xi1>
      %not3A_3164 = arith.constant dense<true> : vector<8x1024xi1>
      %not3A_3165 = arith.xori %eq3A_3160, %not3A_3164 : vector<8x1024xi1>
      %and3A_3166 = arith.andi %not3A_3163, %not3A_3165 : vector<8x1024xi1>
      %or3A_3167 = arith.ori %and3A_3161, %and3A_3166 : vector<8x1024xi1>
      %iota3A_3168 = tpu.iota {dimensions = array<i32: 1>} : vector<8x1024xi32>
      %and3A_3169 = arith.constant 128 : i32
      %and3A_3170 = vector.broadcast %and3A_3169 : i32 to vector<8x1024xi32>
      %and3A_3171 = arith.andi %iota3A_3168, %and3A_3170 : vector<8x1024xi32>
      %eq3A_3172 = arith.constant 0 : i32
      %eq3A_3173 = vector.broadcast %eq3A_3172 : i32 to vector<8x1024xi32>
      %eq3A_3174 = arith.cmpi eq, %and3A_3171, %eq3A_3173 : vector<8x1024xi32>
      %slice3A_3175 = vector.extract_strided_slice %select_n3A_3146 {offsets = [0, 128], sizes = [8, 896], strides = [1, 1]} : vector<8x1024xi32> to vector<8x896xi32>
      %slice3A_3176 = vector.extract_strided_slice %select_n3A_3146 {offsets = [0, 0], sizes = [8, 128], strides = [1, 1]} : vector<8x1024xi32> to vector<8x128xi32>
      %concatenate3A_3177 = tpu.concatenate %slice3A_3175, %slice3A_3176 in 1 : vector<8x896xi32>, vector<8x128xi32> -> vector<8x1024xi32>
      %slice3A_3178 = vector.extract_strided_slice %select_n3A_3146 {offsets = [0, 896], sizes = [8, 128], strides = [1, 1]} : vector<8x1024xi32> to vector<8x128xi32>
      %slice3A_3179 = vector.extract_strided_slice %select_n3A_3146 {offsets = [0, 0], sizes = [8, 896], strides = [1, 1]} : vector<8x1024xi32> to vector<8x896xi32>
      %concatenate3A_3180 = tpu.concatenate %slice3A_3178, %slice3A_3179 in 1 : vector<8x128xi32>, vector<8x896xi32> -> vector<8x1024xi32>
      %select_n3A_3181 = arith.select %eq3A_3174, %concatenate3A_3177, %concatenate3A_3180 : vector<8x1024xi1>, vector<8x1024xi32>
      %slice3A_3182 = vector.extract_strided_slice %select_n3A_3147 {offsets = [0, 128], sizes = [8, 896], strides = [1, 1]} : vector<8x1024xi32> to vector<8x896xi32>
      %slice3A_3183 = vector.extract_strided_slice %select_n3A_3147 {offsets = [0, 0], sizes = [8, 128], strides = [1, 1]} : vector<8x1024xi32> to vector<8x128xi32>
      %concatenate3A_3184 = tpu.concatenate %slice3A_3182, %slice3A_3183 in 1 : vector<8x896xi32>, vector<8x128xi32> -> vector<8x1024xi32>
      %slice3A_3185 = vector.extract_strided_slice %select_n3A_3147 {offsets = [0, 896], sizes = [8, 128], strides = [1, 1]} : vector<8x1024xi32> to vector<8x128xi32>
      %slice3A_3186 = vector.extract_strided_slice %select_n3A_3147 {offsets = [0, 0], sizes = [8, 896], strides = [1, 1]} : vector<8x1024xi32> to vector<8x896xi32>
      %concatenate3A_3187 = tpu.concatenate %slice3A_3185, %slice3A_3186 in 1 : vector<8x128xi32>, vector<8x896xi32> -> vector<8x1024xi32>
      %select_n3A_3188 = arith.select %eq3A_3174, %concatenate3A_3184, %concatenate3A_3187 : vector<8x1024xi1>, vector<8x1024xi32>
      %gt3A_3189 = arith.cmpi sgt, %select_n3A_3146, %select_n3A_3181 : vector<8x1024xi32>
      %eq3A_3190 = arith.cmpi eq, %select_n3A_3146, %select_n3A_3181 : vector<8x1024xi32>
      %lt3A_3191 = arith.cmpi slt, %select_n3A_3147, %select_n3A_3188 : vector<8x1024xi32>
      %and3A_3192 = arith.andi %eq3A_3190, %lt3A_3191 : vector<8x1024xi1>
      %or3A_3193 = arith.ori %gt3A_3189, %and3A_3192 : vector<8x1024xi1>
      %and3A_3194 = arith.andi %or3A_3167, %or3A_3193 : vector<8x1024xi1>
      %not3A_3195 = arith.constant dense<true> : vector<8x1024xi1>
      %not3A_3196 = arith.xori %or3A_3167, %not3A_3195 : vector<8x1024xi1>
      %not3A_3197 = arith.constant dense<true> : vector<8x1024xi1>
      %not3A_3198 = arith.xori %or3A_3193, %not3A_3197 : vector<8x1024xi1>
      %and3A_3199 = arith.andi %not3A_3196, %not3A_3198 : vector<8x1024xi1>
      %or3A_3200 = arith.ori %and3A_3194, %and3A_3199 : vector<8x1024xi1>
      %select_n3A_3201 = arith.select %or3A_3200, %select_n3A_3146, %select_n3A_3181 : vector<8x1024xi1>, vector<8x1024xi32>
      %select_n3A_3202 = arith.select %or3A_3200, %select_n3A_3147, %select_n3A_3188 : vector<8x1024xi1>, vector<8x1024xi32>
      %iota3A_3203 = tpu.iota {dimensions = array<i32: 1>} : vector<8x1024xi32>
      %and3A_3204 = arith.constant 64 : i32
      %and3A_3205 = vector.broadcast %and3A_3204 : i32 to vector<8x1024xi32>
      %and3A_3206 = arith.andi %iota3A_3203, %and3A_3205 : vector<8x1024xi32>
      %eq3A_3207 = arith.constant 0 : i32
      %eq3A_3208 = vector.broadcast %eq3A_3207 : i32 to vector<8x1024xi32>
      %eq3A_3209 = arith.cmpi eq, %and3A_3206, %eq3A_3208 : vector<8x1024xi32>
      %and3A_3210 = arith.constant 512 : i32
      %and3A_3211 = vector.broadcast %and3A_3210 : i32 to vector<8x1024xi32>
      %and3A_3212 = arith.andi %iota3A_3203, %and3A_3211 : vector<8x1024xi32>
      %eq3A_3213 = arith.constant 0 : i32
      %eq3A_3214 = vector.broadcast %eq3A_3213 : i32 to vector<8x1024xi32>
      %eq3A_3215 = arith.cmpi eq, %and3A_3212, %eq3A_3214 : vector<8x1024xi32>
      %and3A_3216 = arith.andi %eq3A_3209, %eq3A_3215 : vector<8x1024xi1>
      %not3A_3217 = arith.constant dense<true> : vector<8x1024xi1>
      %not3A_3218 = arith.xori %eq3A_3209, %not3A_3217 : vector<8x1024xi1>
      %not3A_3219 = arith.constant dense<true> : vector<8x1024xi1>
      %not3A_3220 = arith.xori %eq3A_3215, %not3A_3219 : vector<8x1024xi1>
      %and3A_3221 = arith.andi %not3A_3218, %not3A_3220 : vector<8x1024xi1>
      %or3A_3222 = arith.ori %and3A_3216, %and3A_3221 : vector<8x1024xi1>
      %iota3A_3223 = tpu.iota {dimensions = array<i32: 1>} : vector<8x1024xi32>
      %and3A_3224 = arith.constant 64 : i32
      %and3A_3225 = vector.broadcast %and3A_3224 : i32 to vector<8x1024xi32>
      %and3A_3226 = arith.andi %iota3A_3223, %and3A_3225 : vector<8x1024xi32>
      %eq3A_3227 = arith.constant 0 : i32
      %eq3A_3228 = vector.broadcast %eq3A_3227 : i32 to vector<8x1024xi32>
      %eq3A_3229 = arith.cmpi eq, %and3A_3226, %eq3A_3228 : vector<8x1024xi32>
      %slice3A_3230 = vector.extract_strided_slice %select_n3A_3201 {offsets = [0, 64], sizes = [8, 960], strides = [1, 1]} : vector<8x1024xi32> to vector<8x960xi32>
      %slice3A_3231 = vector.extract_strided_slice %select_n3A_3201 {offsets = [0, 0], sizes = [8, 64], strides = [1, 1]} : vector<8x1024xi32> to vector<8x64xi32>
      %concatenate3A_3232 = tpu.concatenate %slice3A_3230, %slice3A_3231 in 1 : vector<8x960xi32>, vector<8x64xi32> -> vector<8x1024xi32>
      %slice3A_3233 = vector.extract_strided_slice %select_n3A_3201 {offsets = [0, 960], sizes = [8, 64], strides = [1, 1]} : vector<8x1024xi32> to vector<8x64xi32>
      %slice3A_3234 = vector.extract_strided_slice %select_n3A_3201 {offsets = [0, 0], sizes = [8, 960], strides = [1, 1]} : vector<8x1024xi32> to vector<8x960xi32>
      %concatenate3A_3235 = tpu.concatenate %slice3A_3233, %slice3A_3234 in 1 : vector<8x64xi32>, vector<8x960xi32> -> vector<8x1024xi32>
      %select_n3A_3236 = arith.select %eq3A_3229, %concatenate3A_3232, %concatenate3A_3235 : vector<8x1024xi1>, vector<8x1024xi32>
      %slice3A_3237 = vector.extract_strided_slice %select_n3A_3202 {offsets = [0, 64], sizes = [8, 960], strides = [1, 1]} : vector<8x1024xi32> to vector<8x960xi32>
      %slice3A_3238 = vector.extract_strided_slice %select_n3A_3202 {offsets = [0, 0], sizes = [8, 64], strides = [1, 1]} : vector<8x1024xi32> to vector<8x64xi32>
      %concatenate3A_3239 = tpu.concatenate %slice3A_3237, %slice3A_3238 in 1 : vector<8x960xi32>, vector<8x64xi32> -> vector<8x1024xi32>
      %slice3A_3240 = vector.extract_strided_slice %select_n3A_3202 {offsets = [0, 960], sizes = [8, 64], strides = [1, 1]} : vector<8x1024xi32> to vector<8x64xi32>
      %slice3A_3241 = vector.extract_strided_slice %select_n3A_3202 {offsets = [0, 0], sizes = [8, 960], strides = [1, 1]} : vector<8x1024xi32> to vector<8x960xi32>
      %concatenate3A_3242 = tpu.concatenate %slice3A_3240, %slice3A_3241 in 1 : vector<8x64xi32>, vector<8x960xi32> -> vector<8x1024xi32>
      %select_n3A_3243 = arith.select %eq3A_3229, %concatenate3A_3239, %concatenate3A_3242 : vector<8x1024xi1>, vector<8x1024xi32>
      %gt3A_3244 = arith.cmpi sgt, %select_n3A_3201, %select_n3A_3236 : vector<8x1024xi32>
      %eq3A_3245 = arith.cmpi eq, %select_n3A_3201, %select_n3A_3236 : vector<8x1024xi32>
      %lt3A_3246 = arith.cmpi slt, %select_n3A_3202, %select_n3A_3243 : vector<8x1024xi32>
      %and3A_3247 = arith.andi %eq3A_3245, %lt3A_3246 : vector<8x1024xi1>
      %or3A_3248 = arith.ori %gt3A_3244, %and3A_3247 : vector<8x1024xi1>
      %and3A_3249 = arith.andi %or3A_3222, %or3A_3248 : vector<8x1024xi1>
      %not3A_3250 = arith.constant dense<true> : vector<8x1024xi1>
      %not3A_3251 = arith.xori %or3A_3222, %not3A_3250 : vector<8x1024xi1>
      %not3A_3252 = arith.constant dense<true> : vector<8x1024xi1>
      %not3A_3253 = arith.xori %or3A_3248, %not3A_3252 : vector<8x1024xi1>
      %and3A_3254 = arith.andi %not3A_3251, %not3A_3253 : vector<8x1024xi1>
      %or3A_3255 = arith.ori %and3A_3249, %and3A_3254 : vector<8x1024xi1>
      %select_n3A_3256 = arith.select %or3A_3255, %select_n3A_3201, %select_n3A_3236 : vector<8x1024xi1>, vector<8x1024xi32>
      %select_n3A_3257 = arith.select %or3A_3255, %select_n3A_3202, %select_n3A_3243 : vector<8x1024xi1>, vector<8x1024xi32>
      %iota3A_3258 = tpu.iota {dimensions = array<i32: 1>} : vector<8x1024xi32>
      %and3A_3259 = arith.constant 32 : i32
      %and3A_3260 = vector.broadcast %and3A_3259 : i32 to vector<8x1024xi32>
      %and3A_3261 = arith.andi %iota3A_3258, %and3A_3260 : vector<8x1024xi32>
      %eq3A_3262 = arith.constant 0 : i32
      %eq3A_3263 = vector.broadcast %eq3A_3262 : i32 to vector<8x1024xi32>
      %eq3A_3264 = arith.cmpi eq, %and3A_3261, %eq3A_3263 : vector<8x1024xi32>
      %and3A_3265 = arith.constant 512 : i32
      %and3A_3266 = vector.broadcast %and3A_3265 : i32 to vector<8x1024xi32>
      %and3A_3267 = arith.andi %iota3A_3258, %and3A_3266 : vector<8x1024xi32>
      %eq3A_3268 = arith.constant 0 : i32
      %eq3A_3269 = vector.broadcast %eq3A_3268 : i32 to vector<8x1024xi32>
      %eq3A_3270 = arith.cmpi eq, %and3A_3267, %eq3A_3269 : vector<8x1024xi32>
      %and3A_3271 = arith.andi %eq3A_3264, %eq3A_3270 : vector<8x1024xi1>
      %not3A_3272 = arith.constant dense<true> : vector<8x1024xi1>
      %not3A_3273 = arith.xori %eq3A_3264, %not3A_3272 : vector<8x1024xi1>
      %not3A_3274 = arith.constant dense<true> : vector<8x1024xi1>
      %not3A_3275 = arith.xori %eq3A_3270, %not3A_3274 : vector<8x1024xi1>
      %and3A_3276 = arith.andi %not3A_3273, %not3A_3275 : vector<8x1024xi1>
      %or3A_3277 = arith.ori %and3A_3271, %and3A_3276 : vector<8x1024xi1>
      %iota3A_3278 = tpu.iota {dimensions = array<i32: 1>} : vector<8x1024xi32>
      %and3A_3279 = arith.constant 32 : i32
      %and3A_3280 = vector.broadcast %and3A_3279 : i32 to vector<8x1024xi32>
      %and3A_3281 = arith.andi %iota3A_3278, %and3A_3280 : vector<8x1024xi32>
      %eq3A_3282 = arith.constant 0 : i32
      %eq3A_3283 = vector.broadcast %eq3A_3282 : i32 to vector<8x1024xi32>
      %eq3A_3284 = arith.cmpi eq, %and3A_3281, %eq3A_3283 : vector<8x1024xi32>
      %slice3A_3285 = vector.extract_strided_slice %select_n3A_3256 {offsets = [0, 32], sizes = [8, 992], strides = [1, 1]} : vector<8x1024xi32> to vector<8x992xi32>
      %slice3A_3286 = vector.extract_strided_slice %select_n3A_3256 {offsets = [0, 0], sizes = [8, 32], strides = [1, 1]} : vector<8x1024xi32> to vector<8x32xi32>
      %concatenate3A_3287 = tpu.concatenate %slice3A_3285, %slice3A_3286 in 1 : vector<8x992xi32>, vector<8x32xi32> -> vector<8x1024xi32>
      %slice3A_3288 = vector.extract_strided_slice %select_n3A_3256 {offsets = [0, 992], sizes = [8, 32], strides = [1, 1]} : vector<8x1024xi32> to vector<8x32xi32>
      %slice3A_3289 = vector.extract_strided_slice %select_n3A_3256 {offsets = [0, 0], sizes = [8, 992], strides = [1, 1]} : vector<8x1024xi32> to vector<8x992xi32>
      %concatenate3A_3290 = tpu.concatenate %slice3A_3288, %slice3A_3289 in 1 : vector<8x32xi32>, vector<8x992xi32> -> vector<8x1024xi32>
      %select_n3A_3291 = arith.select %eq3A_3284, %concatenate3A_3287, %concatenate3A_3290 : vector<8x1024xi1>, vector<8x1024xi32>
      %slice3A_3292 = vector.extract_strided_slice %select_n3A_3257 {offsets = [0, 32], sizes = [8, 992], strides = [1, 1]} : vector<8x1024xi32> to vector<8x992xi32>
      %slice3A_3293 = vector.extract_strided_slice %select_n3A_3257 {offsets = [0, 0], sizes = [8, 32], strides = [1, 1]} : vector<8x1024xi32> to vector<8x32xi32>
      %concatenate3A_3294 = tpu.concatenate %slice3A_3292, %slice3A_3293 in 1 : vector<8x992xi32>, vector<8x32xi32> -> vector<8x1024xi32>
      %slice3A_3295 = vector.extract_strided_slice %select_n3A_3257 {offsets = [0, 992], sizes = [8, 32], strides = [1, 1]} : vector<8x1024xi32> to vector<8x32xi32>
      %slice3A_3296 = vector.extract_strided_slice %select_n3A_3257 {offsets = [0, 0], sizes = [8, 992], strides = [1, 1]} : vector<8x1024xi32> to vector<8x992xi32>
      %concatenate3A_3297 = tpu.concatenate %slice3A_3295, %slice3A_3296 in 1 : vector<8x32xi32>, vector<8x992xi32> -> vector<8x1024xi32>
      %select_n3A_3298 = arith.select %eq3A_3284, %concatenate3A_3294, %concatenate3A_3297 : vector<8x1024xi1>, vector<8x1024xi32>
      %gt3A_3299 = arith.cmpi sgt, %select_n3A_3256, %select_n3A_3291 : vector<8x1024xi32>
      %eq3A_3300 = arith.cmpi eq, %select_n3A_3256, %select_n3A_3291 : vector<8x1024xi32>
      %lt3A_3301 = arith.cmpi slt, %select_n3A_3257, %select_n3A_3298 : vector<8x1024xi32>
      %and3A_3302 = arith.andi %eq3A_3300, %lt3A_3301 : vector<8x1024xi1>
      %or3A_3303 = arith.ori %gt3A_3299, %and3A_3302 : vector<8x1024xi1>
      %and3A_3304 = arith.andi %or3A_3277, %or3A_3303 : vector<8x1024xi1>
      %not3A_3305 = arith.constant dense<true> : vector<8x1024xi1>
      %not3A_3306 = arith.xori %or3A_3277, %not3A_3305 : vector<8x1024xi1>
      %not3A_3307 = arith.constant dense<true> : vector<8x1024xi1>
      %not3A_3308 = arith.xori %or3A_3303, %not3A_3307 : vector<8x1024xi1>
      %and3A_3309 = arith.andi %not3A_3306, %not3A_3308 : vector<8x1024xi1>
      %or3A_3310 = arith.ori %and3A_3304, %and3A_3309 : vector<8x1024xi1>
      %select_n3A_3311 = arith.select %or3A_3310, %select_n3A_3256, %select_n3A_3291 : vector<8x1024xi1>, vector<8x1024xi32>
      %select_n3A_3312 = arith.select %or3A_3310, %select_n3A_3257, %select_n3A_3298 : vector<8x1024xi1>, vector<8x1024xi32>
      %iota3A_3313 = tpu.iota {dimensions = array<i32: 1>} : vector<8x1024xi32>
      %and3A_3314 = arith.constant 16 : i32
      %and3A_3315 = vector.broadcast %and3A_3314 : i32 to vector<8x1024xi32>
      %and3A_3316 = arith.andi %iota3A_3313, %and3A_3315 : vector<8x1024xi32>
      %eq3A_3317 = arith.constant 0 : i32
      %eq3A_3318 = vector.broadcast %eq3A_3317 : i32 to vector<8x1024xi32>
      %eq3A_3319 = arith.cmpi eq, %and3A_3316, %eq3A_3318 : vector<8x1024xi32>
      %and3A_3320 = arith.constant 512 : i32
      %and3A_3321 = vector.broadcast %and3A_3320 : i32 to vector<8x1024xi32>
      %and3A_3322 = arith.andi %iota3A_3313, %and3A_3321 : vector<8x1024xi32>
      %eq3A_3323 = arith.constant 0 : i32
      %eq3A_3324 = vector.broadcast %eq3A_3323 : i32 to vector<8x1024xi32>
      %eq3A_3325 = arith.cmpi eq, %and3A_3322, %eq3A_3324 : vector<8x1024xi32>
      %and3A_3326 = arith.andi %eq3A_3319, %eq3A_3325 : vector<8x1024xi1>
      %not3A_3327 = arith.constant dense<true> : vector<8x1024xi1>
      %not3A_3328 = arith.xori %eq3A_3319, %not3A_3327 : vector<8x1024xi1>
      %not3A_3329 = arith.constant dense<true> : vector<8x1024xi1>
      %not3A_3330 = arith.xori %eq3A_3325, %not3A_3329 : vector<8x1024xi1>
      %and3A_3331 = arith.andi %not3A_3328, %not3A_3330 : vector<8x1024xi1>
      %or3A_3332 = arith.ori %and3A_3326, %and3A_3331 : vector<8x1024xi1>
      %iota3A_3333 = tpu.iota {dimensions = array<i32: 1>} : vector<8x1024xi32>
      %and3A_3334 = arith.constant 16 : i32
      %and3A_3335 = vector.broadcast %and3A_3334 : i32 to vector<8x1024xi32>
      %and3A_3336 = arith.andi %iota3A_3333, %and3A_3335 : vector<8x1024xi32>
      %eq3A_3337 = arith.constant 0 : i32
      %eq3A_3338 = vector.broadcast %eq3A_3337 : i32 to vector<8x1024xi32>
      %eq3A_3339 = arith.cmpi eq, %and3A_3336, %eq3A_3338 : vector<8x1024xi32>
      %slice3A_3340 = vector.extract_strided_slice %select_n3A_3311 {offsets = [0, 16], sizes = [8, 1008], strides = [1, 1]} : vector<8x1024xi32> to vector<8x1008xi32>
      %slice3A_3341 = vector.extract_strided_slice %select_n3A_3311 {offsets = [0, 0], sizes = [8, 16], strides = [1, 1]} : vector<8x1024xi32> to vector<8x16xi32>
      %concatenate3A_3342 = tpu.concatenate %slice3A_3340, %slice3A_3341 in 1 : vector<8x1008xi32>, vector<8x16xi32> -> vector<8x1024xi32>
      %slice3A_3343 = vector.extract_strided_slice %select_n3A_3311 {offsets = [0, 1008], sizes = [8, 16], strides = [1, 1]} : vector<8x1024xi32> to vector<8x16xi32>
      %slice3A_3344 = vector.extract_strided_slice %select_n3A_3311 {offsets = [0, 0], sizes = [8, 1008], strides = [1, 1]} : vector<8x1024xi32> to vector<8x1008xi32>
      %concatenate3A_3345 = tpu.concatenate %slice3A_3343, %slice3A_3344 in 1 : vector<8x16xi32>, vector<8x1008xi32> -> vector<8x1024xi32>
      %select_n3A_3346 = arith.select %eq3A_3339, %concatenate3A_3342, %concatenate3A_3345 : vector<8x1024xi1>, vector<8x1024xi32>
      %slice3A_3347 = vector.extract_strided_slice %select_n3A_3312 {offsets = [0, 16], sizes = [8, 1008], strides = [1, 1]} : vector<8x1024xi32> to vector<8x1008xi32>
      %slice3A_3348 = vector.extract_strided_slice %select_n3A_3312 {offsets = [0, 0], sizes = [8, 16], strides = [1, 1]} : vector<8x1024xi32> to vector<8x16xi32>
      %concatenate3A_3349 = tpu.concatenate %slice3A_3347, %slice3A_3348 in 1 : vector<8x1008xi32>, vector<8x16xi32> -> vector<8x1024xi32>
      %slice3A_3350 = vector.extract_strided_slice %select_n3A_3312 {offsets = [0, 1008], sizes = [8, 16], strides = [1, 1]} : vector<8x1024xi32> to vector<8x16xi32>
      %slice3A_3351 = vector.extract_strided_slice %select_n3A_3312 {offsets = [0, 0], sizes = [8, 1008], strides = [1, 1]} : vector<8x1024xi32> to vector<8x1008xi32>
      %concatenate3A_3352 = tpu.concatenate %slice3A_3350, %slice3A_3351 in 1 : vector<8x16xi32>, vector<8x1008xi32> -> vector<8x1024xi32>
      %select_n3A_3353 = arith.select %eq3A_3339, %concatenate3A_3349, %concatenate3A_3352 : vector<8x1024xi1>, vector<8x1024xi32>
      %gt3A_3354 = arith.cmpi sgt, %select_n3A_3311, %select_n3A_3346 : vector<8x1024xi32>
      %eq3A_3355 = arith.cmpi eq, %select_n3A_3311, %select_n3A_3346 : vector<8x1024xi32>
      %lt3A_3356 = arith.cmpi slt, %select_n3A_3312, %select_n3A_3353 : vector<8x1024xi32>
      %and3A_3357 = arith.andi %eq3A_3355, %lt3A_3356 : vector<8x1024xi1>
      %or3A_3358 = arith.ori %gt3A_3354, %and3A_3357 : vector<8x1024xi1>
      %and3A_3359 = arith.andi %or3A_3332, %or3A_3358 : vector<8x1024xi1>
      %not3A_3360 = arith.constant dense<true> : vector<8x1024xi1>
      %not3A_3361 = arith.xori %or3A_3332, %not3A_3360 : vector<8x1024xi1>
      %not3A_3362 = arith.constant dense<true> : vector<8x1024xi1>
      %not3A_3363 = arith.xori %or3A_3358, %not3A_3362 : vector<8x1024xi1>
      %and3A_3364 = arith.andi %not3A_3361, %not3A_3363 : vector<8x1024xi1>
      %or3A_3365 = arith.ori %and3A_3359, %and3A_3364 : vector<8x1024xi1>
      %select_n3A_3366 = arith.select %or3A_3365, %select_n3A_3311, %select_n3A_3346 : vector<8x1024xi1>, vector<8x1024xi32>
      %select_n3A_3367 = arith.select %or3A_3365, %select_n3A_3312, %select_n3A_3353 : vector<8x1024xi1>, vector<8x1024xi32>
      %iota3A_3368 = tpu.iota {dimensions = array<i32: 1>} : vector<8x1024xi32>
      %and3A_3369 = arith.constant 8 : i32
      %and3A_3370 = vector.broadcast %and3A_3369 : i32 to vector<8x1024xi32>
      %and3A_3371 = arith.andi %iota3A_3368, %and3A_3370 : vector<8x1024xi32>
      %eq3A_3372 = arith.constant 0 : i32
      %eq3A_3373 = vector.broadcast %eq3A_3372 : i32 to vector<8x1024xi32>
      %eq3A_3374 = arith.cmpi eq, %and3A_3371, %eq3A_3373 : vector<8x1024xi32>
      %and3A_3375 = arith.constant 512 : i32
      %and3A_3376 = vector.broadcast %and3A_3375 : i32 to vector<8x1024xi32>
      %and3A_3377 = arith.andi %iota3A_3368, %and3A_3376 : vector<8x1024xi32>
      %eq3A_3378 = arith.constant 0 : i32
      %eq3A_3379 = vector.broadcast %eq3A_3378 : i32 to vector<8x1024xi32>
      %eq3A_3380 = arith.cmpi eq, %and3A_3377, %eq3A_3379 : vector<8x1024xi32>
      %and3A_3381 = arith.andi %eq3A_3374, %eq3A_3380 : vector<8x1024xi1>
      %not3A_3382 = arith.constant dense<true> : vector<8x1024xi1>
      %not3A_3383 = arith.xori %eq3A_3374, %not3A_3382 : vector<8x1024xi1>
      %not3A_3384 = arith.constant dense<true> : vector<8x1024xi1>
      %not3A_3385 = arith.xori %eq3A_3380, %not3A_3384 : vector<8x1024xi1>
      %and3A_3386 = arith.andi %not3A_3383, %not3A_3385 : vector<8x1024xi1>
      %or3A_3387 = arith.ori %and3A_3381, %and3A_3386 : vector<8x1024xi1>
      %iota3A_3388 = tpu.iota {dimensions = array<i32: 1>} : vector<8x1024xi32>
      %and3A_3389 = arith.constant 8 : i32
      %and3A_3390 = vector.broadcast %and3A_3389 : i32 to vector<8x1024xi32>
      %and3A_3391 = arith.andi %iota3A_3388, %and3A_3390 : vector<8x1024xi32>
      %eq3A_3392 = arith.constant 0 : i32
      %eq3A_3393 = vector.broadcast %eq3A_3392 : i32 to vector<8x1024xi32>
      %eq3A_3394 = arith.cmpi eq, %and3A_3391, %eq3A_3393 : vector<8x1024xi32>
      %slice3A_3395 = vector.extract_strided_slice %select_n3A_3366 {offsets = [0, 8], sizes = [8, 1016], strides = [1, 1]} : vector<8x1024xi32> to vector<8x1016xi32>
      %slice3A_3396 = vector.extract_strided_slice %select_n3A_3366 {offsets = [0, 0], sizes = [8, 8], strides = [1, 1]} : vector<8x1024xi32> to vector<8x8xi32>
      %concatenate3A_3397 = tpu.concatenate %slice3A_3395, %slice3A_3396 in 1 : vector<8x1016xi32>, vector<8x8xi32> -> vector<8x1024xi32>
      %slice3A_3398 = vector.extract_strided_slice %select_n3A_3366 {offsets = [0, 1016], sizes = [8, 8], strides = [1, 1]} : vector<8x1024xi32> to vector<8x8xi32>
      %slice3A_3399 = vector.extract_strided_slice %select_n3A_3366 {offsets = [0, 0], sizes = [8, 1016], strides = [1, 1]} : vector<8x1024xi32> to vector<8x1016xi32>
      %concatenate3A_3400 = tpu.concatenate %slice3A_3398, %slice3A_3399 in 1 : vector<8x8xi32>, vector<8x1016xi32> -> vector<8x1024xi32>
      %select_n3A_3401 = arith.select %eq3A_3394, %concatenate3A_3397, %concatenate3A_3400 : vector<8x1024xi1>, vector<8x1024xi32>
      %slice3A_3402 = vector.extract_strided_slice %select_n3A_3367 {offsets = [0, 8], sizes = [8, 1016], strides = [1, 1]} : vector<8x1024xi32> to vector<8x1016xi32>
      %slice3A_3403 = vector.extract_strided_slice %select_n3A_3367 {offsets = [0, 0], sizes = [8, 8], strides = [1, 1]} : vector<8x1024xi32> to vector<8x8xi32>
      %concatenate3A_3404 = tpu.concatenate %slice3A_3402, %slice3A_3403 in 1 : vector<8x1016xi32>, vector<8x8xi32> -> vector<8x1024xi32>
      %slice3A_3405 = vector.extract_strided_slice %select_n3A_3367 {offsets = [0, 1016], sizes = [8, 8], strides = [1, 1]} : vector<8x1024xi32> to vector<8x8xi32>
      %slice3A_3406 = vector.extract_strided_slice %select_n3A_3367 {offsets = [0, 0], sizes = [8, 1016], strides = [1, 1]} : vector<8x1024xi32> to vector<8x1016xi32>
      %concatenate3A_3407 = tpu.concatenate %slice3A_3405, %slice3A_3406 in 1 : vector<8x8xi32>, vector<8x1016xi32> -> vector<8x1024xi32>
      %select_n3A_3408 = arith.select %eq3A_3394, %concatenate3A_3404, %concatenate3A_3407 : vector<8x1024xi1>, vector<8x1024xi32>
      %gt3A_3409 = arith.cmpi sgt, %select_n3A_3366, %select_n3A_3401 : vector<8x1024xi32>
      %eq3A_3410 = arith.cmpi eq, %select_n3A_3366, %select_n3A_3401 : vector<8x1024xi32>
      %lt3A_3411 = arith.cmpi slt, %select_n3A_3367, %select_n3A_3408 : vector<8x1024xi32>
      %and3A_3412 = arith.andi %eq3A_3410, %lt3A_3411 : vector<8x1024xi1>
      %or3A_3413 = arith.ori %gt3A_3409, %and3A_3412 : vector<8x1024xi1>
      %and3A_3414 = arith.andi %or3A_3387, %or3A_3413 : vector<8x1024xi1>
      %not3A_3415 = arith.constant dense<true> : vector<8x1024xi1>
      %not3A_3416 = arith.xori %or3A_3387, %not3A_3415 : vector<8x1024xi1>
      %not3A_3417 = arith.constant dense<true> : vector<8x1024xi1>
      %not3A_3418 = arith.xori %or3A_3413, %not3A_3417 : vector<8x1024xi1>
      %and3A_3419 = arith.andi %not3A_3416, %not3A_3418 : vector<8x1024xi1>
      %or3A_3420 = arith.ori %and3A_3414, %and3A_3419 : vector<8x1024xi1>
      %select_n3A_3421 = arith.select %or3A_3420, %select_n3A_3366, %select_n3A_3401 : vector<8x1024xi1>, vector<8x1024xi32>
      %select_n3A_3422 = arith.select %or3A_3420, %select_n3A_3367, %select_n3A_3408 : vector<8x1024xi1>, vector<8x1024xi32>
      %iota3A_3423 = tpu.iota {dimensions = array<i32: 1>} : vector<8x1024xi32>
      %and3A_3424 = arith.constant 4 : i32
      %and3A_3425 = vector.broadcast %and3A_3424 : i32 to vector<8x1024xi32>
      %and3A_3426 = arith.andi %iota3A_3423, %and3A_3425 : vector<8x1024xi32>
      %eq3A_3427 = arith.constant 0 : i32
      %eq3A_3428 = vector.broadcast %eq3A_3427 : i32 to vector<8x1024xi32>
      %eq3A_3429 = arith.cmpi eq, %and3A_3426, %eq3A_3428 : vector<8x1024xi32>
      %and3A_3430 = arith.constant 512 : i32
      %and3A_3431 = vector.broadcast %and3A_3430 : i32 to vector<8x1024xi32>
      %and3A_3432 = arith.andi %iota3A_3423, %and3A_3431 : vector<8x1024xi32>
      %eq3A_3433 = arith.constant 0 : i32
      %eq3A_3434 = vector.broadcast %eq3A_3433 : i32 to vector<8x1024xi32>
      %eq3A_3435 = arith.cmpi eq, %and3A_3432, %eq3A_3434 : vector<8x1024xi32>
      %and3A_3436 = arith.andi %eq3A_3429, %eq3A_3435 : vector<8x1024xi1>
      %not3A_3437 = arith.constant dense<true> : vector<8x1024xi1>
      %not3A_3438 = arith.xori %eq3A_3429, %not3A_3437 : vector<8x1024xi1>
      %not3A_3439 = arith.constant dense<true> : vector<8x1024xi1>
      %not3A_3440 = arith.xori %eq3A_3435, %not3A_3439 : vector<8x1024xi1>
      %and3A_3441 = arith.andi %not3A_3438, %not3A_3440 : vector<8x1024xi1>
      %or3A_3442 = arith.ori %and3A_3436, %and3A_3441 : vector<8x1024xi1>
      %iota3A_3443 = tpu.iota {dimensions = array<i32: 1>} : vector<8x1024xi32>
      %and3A_3444 = arith.constant 4 : i32
      %and3A_3445 = vector.broadcast %and3A_3444 : i32 to vector<8x1024xi32>
      %and3A_3446 = arith.andi %iota3A_3443, %and3A_3445 : vector<8x1024xi32>
      %eq3A_3447 = arith.constant 0 : i32
      %eq3A_3448 = vector.broadcast %eq3A_3447 : i32 to vector<8x1024xi32>
      %eq3A_3449 = arith.cmpi eq, %and3A_3446, %eq3A_3448 : vector<8x1024xi32>
      %slice3A_3450 = vector.extract_strided_slice %select_n3A_3421 {offsets = [0, 4], sizes = [8, 1020], strides = [1, 1]} : vector<8x1024xi32> to vector<8x1020xi32>
      %slice3A_3451 = vector.extract_strided_slice %select_n3A_3421 {offsets = [0, 0], sizes = [8, 4], strides = [1, 1]} : vector<8x1024xi32> to vector<8x4xi32>
      %concatenate3A_3452 = tpu.concatenate %slice3A_3450, %slice3A_3451 in 1 : vector<8x1020xi32>, vector<8x4xi32> -> vector<8x1024xi32>
      %slice3A_3453 = vector.extract_strided_slice %select_n3A_3421 {offsets = [0, 1020], sizes = [8, 4], strides = [1, 1]} : vector<8x1024xi32> to vector<8x4xi32>
      %slice3A_3454 = vector.extract_strided_slice %select_n3A_3421 {offsets = [0, 0], sizes = [8, 1020], strides = [1, 1]} : vector<8x1024xi32> to vector<8x1020xi32>
      %concatenate3A_3455 = tpu.concatenate %slice3A_3453, %slice3A_3454 in 1 : vector<8x4xi32>, vector<8x1020xi32> -> vector<8x1024xi32>
      %select_n3A_3456 = arith.select %eq3A_3449, %concatenate3A_3452, %concatenate3A_3455 : vector<8x1024xi1>, vector<8x1024xi32>
      %slice3A_3457 = vector.extract_strided_slice %select_n3A_3422 {offsets = [0, 4], sizes = [8, 1020], strides = [1, 1]} : vector<8x1024xi32> to vector<8x1020xi32>
      %slice3A_3458 = vector.extract_strided_slice %select_n3A_3422 {offsets = [0, 0], sizes = [8, 4], strides = [1, 1]} : vector<8x1024xi32> to vector<8x4xi32>
      %concatenate3A_3459 = tpu.concatenate %slice3A_3457, %slice3A_3458 in 1 : vector<8x1020xi32>, vector<8x4xi32> -> vector<8x1024xi32>
      %slice3A_3460 = vector.extract_strided_slice %select_n3A_3422 {offsets = [0, 1020], sizes = [8, 4], strides = [1, 1]} : vector<8x1024xi32> to vector<8x4xi32>
      %slice3A_3461 = vector.extract_strided_slice %select_n3A_3422 {offsets = [0, 0], sizes = [8, 1020], strides = [1, 1]} : vector<8x1024xi32> to vector<8x1020xi32>
      %concatenate3A_3462 = tpu.concatenate %slice3A_3460, %slice3A_3461 in 1 : vector<8x4xi32>, vector<8x1020xi32> -> vector<8x1024xi32>
      %select_n3A_3463 = arith.select %eq3A_3449, %concatenate3A_3459, %concatenate3A_3462 : vector<8x1024xi1>, vector<8x1024xi32>
      %gt3A_3464 = arith.cmpi sgt, %select_n3A_3421, %select_n3A_3456 : vector<8x1024xi32>
      %eq3A_3465 = arith.cmpi eq, %select_n3A_3421, %select_n3A_3456 : vector<8x1024xi32>
      %lt3A_3466 = arith.cmpi slt, %select_n3A_3422, %select_n3A_3463 : vector<8x1024xi32>
      %and3A_3467 = arith.andi %eq3A_3465, %lt3A_3466 : vector<8x1024xi1>
      %or3A_3468 = arith.ori %gt3A_3464, %and3A_3467 : vector<8x1024xi1>
      %and3A_3469 = arith.andi %or3A_3442, %or3A_3468 : vector<8x1024xi1>
      %not3A_3470 = arith.constant dense<true> : vector<8x1024xi1>
      %not3A_3471 = arith.xori %or3A_3442, %not3A_3470 : vector<8x1024xi1>
      %not3A_3472 = arith.constant dense<true> : vector<8x1024xi1>
      %not3A_3473 = arith.xori %or3A_3468, %not3A_3472 : vector<8x1024xi1>
      %and3A_3474 = arith.andi %not3A_3471, %not3A_3473 : vector<8x1024xi1>
      %or3A_3475 = arith.ori %and3A_3469, %and3A_3474 : vector<8x1024xi1>
      %select_n3A_3476 = arith.select %or3A_3475, %select_n3A_3421, %select_n3A_3456 : vector<8x1024xi1>, vector<8x1024xi32>
      %select_n3A_3477 = arith.select %or3A_3475, %select_n3A_3422, %select_n3A_3463 : vector<8x1024xi1>, vector<8x1024xi32>
      %iota3A_3478 = tpu.iota {dimensions = array<i32: 1>} : vector<8x1024xi32>
      %and3A_3479 = arith.constant 2 : i32
      %and3A_3480 = vector.broadcast %and3A_3479 : i32 to vector<8x1024xi32>
      %and3A_3481 = arith.andi %iota3A_3478, %and3A_3480 : vector<8x1024xi32>
      %eq3A_3482 = arith.constant 0 : i32
      %eq3A_3483 = vector.broadcast %eq3A_3482 : i32 to vector<8x1024xi32>
      %eq3A_3484 = arith.cmpi eq, %and3A_3481, %eq3A_3483 : vector<8x1024xi32>
      %and3A_3485 = arith.constant 512 : i32
      %and3A_3486 = vector.broadcast %and3A_3485 : i32 to vector<8x1024xi32>
      %and3A_3487 = arith.andi %iota3A_3478, %and3A_3486 : vector<8x1024xi32>
      %eq3A_3488 = arith.constant 0 : i32
      %eq3A_3489 = vector.broadcast %eq3A_3488 : i32 to vector<8x1024xi32>
      %eq3A_3490 = arith.cmpi eq, %and3A_3487, %eq3A_3489 : vector<8x1024xi32>
      %and3A_3491 = arith.andi %eq3A_3484, %eq3A_3490 : vector<8x1024xi1>
      %not3A_3492 = arith.constant dense<true> : vector<8x1024xi1>
      %not3A_3493 = arith.xori %eq3A_3484, %not3A_3492 : vector<8x1024xi1>
      %not3A_3494 = arith.constant dense<true> : vector<8x1024xi1>
      %not3A_3495 = arith.xori %eq3A_3490, %not3A_3494 : vector<8x1024xi1>
      %and3A_3496 = arith.andi %not3A_3493, %not3A_3495 : vector<8x1024xi1>
      %or3A_3497 = arith.ori %and3A_3491, %and3A_3496 : vector<8x1024xi1>
      %iota3A_3498 = tpu.iota {dimensions = array<i32: 1>} : vector<8x1024xi32>
      %and3A_3499 = arith.constant 2 : i32
      %and3A_3500 = vector.broadcast %and3A_3499 : i32 to vector<8x1024xi32>
      %and3A_3501 = arith.andi %iota3A_3498, %and3A_3500 : vector<8x1024xi32>
      %eq3A_3502 = arith.constant 0 : i32
      %eq3A_3503 = vector.broadcast %eq3A_3502 : i32 to vector<8x1024xi32>
      %eq3A_3504 = arith.cmpi eq, %and3A_3501, %eq3A_3503 : vector<8x1024xi32>
      %slice3A_3505 = vector.extract_strided_slice %select_n3A_3476 {offsets = [0, 2], sizes = [8, 1022], strides = [1, 1]} : vector<8x1024xi32> to vector<8x1022xi32>
      %slice3A_3506 = vector.extract_strided_slice %select_n3A_3476 {offsets = [0, 0], sizes = [8, 2], strides = [1, 1]} : vector<8x1024xi32> to vector<8x2xi32>
      %concatenate3A_3507 = tpu.concatenate %slice3A_3505, %slice3A_3506 in 1 : vector<8x1022xi32>, vector<8x2xi32> -> vector<8x1024xi32>
      %slice3A_3508 = vector.extract_strided_slice %select_n3A_3476 {offsets = [0, 1022], sizes = [8, 2], strides = [1, 1]} : vector<8x1024xi32> to vector<8x2xi32>
      %slice3A_3509 = vector.extract_strided_slice %select_n3A_3476 {offsets = [0, 0], sizes = [8, 1022], strides = [1, 1]} : vector<8x1024xi32> to vector<8x1022xi32>
      %concatenate3A_3510 = tpu.concatenate %slice3A_3508, %slice3A_3509 in 1 : vector<8x2xi32>, vector<8x1022xi32> -> vector<8x1024xi32>
      %select_n3A_3511 = arith.select %eq3A_3504, %concatenate3A_3507, %concatenate3A_3510 : vector<8x1024xi1>, vector<8x1024xi32>
      %slice3A_3512 = vector.extract_strided_slice %select_n3A_3477 {offsets = [0, 2], sizes = [8, 1022], strides = [1, 1]} : vector<8x1024xi32> to vector<8x1022xi32>
      %slice3A_3513 = vector.extract_strided_slice %select_n3A_3477 {offsets = [0, 0], sizes = [8, 2], strides = [1, 1]} : vector<8x1024xi32> to vector<8x2xi32>
      %concatenate3A_3514 = tpu.concatenate %slice3A_3512, %slice3A_3513 in 1 : vector<8x1022xi32>, vector<8x2xi32> -> vector<8x1024xi32>
      %slice3A_3515 = vector.extract_strided_slice %select_n3A_3477 {offsets = [0, 1022], sizes = [8, 2], strides = [1, 1]} : vector<8x1024xi32> to vector<8x2xi32>
      %slice3A_3516 = vector.extract_strided_slice %select_n3A_3477 {offsets = [0, 0], sizes = [8, 1022], strides = [1, 1]} : vector<8x1024xi32> to vector<8x1022xi32>
      %concatenate3A_3517 = tpu.concatenate %slice3A_3515, %slice3A_3516 in 1 : vector<8x2xi32>, vector<8x1022xi32> -> vector<8x1024xi32>
      %select_n3A_3518 = arith.select %eq3A_3504, %concatenate3A_3514, %concatenate3A_3517 : vector<8x1024xi1>, vector<8x1024xi32>
      %gt3A_3519 = arith.cmpi sgt, %select_n3A_3476, %select_n3A_3511 : vector<8x1024xi32>
      %eq3A_3520 = arith.cmpi eq, %select_n3A_3476, %select_n3A_3511 : vector<8x1024xi32>
      %lt3A_3521 = arith.cmpi slt, %select_n3A_3477, %select_n3A_3518 : vector<8x1024xi32>
      %and3A_3522 = arith.andi %eq3A_3520, %lt3A_3521 : vector<8x1024xi1>
      %or3A_3523 = arith.ori %gt3A_3519, %and3A_3522 : vector<8x1024xi1>
      %and3A_3524 = arith.andi %or3A_3497, %or3A_3523 : vector<8x1024xi1>
      %not3A_3525 = arith.constant dense<true> : vector<8x1024xi1>
      %not3A_3526 = arith.xori %or3A_3497, %not3A_3525 : vector<8x1024xi1>
      %not3A_3527 = arith.constant dense<true> : vector<8x1024xi1>
      %not3A_3528 = arith.xori %or3A_3523, %not3A_3527 : vector<8x1024xi1>
      %and3A_3529 = arith.andi %not3A_3526, %not3A_3528 : vector<8x1024xi1>
      %or3A_3530 = arith.ori %and3A_3524, %and3A_3529 : vector<8x1024xi1>
      %select_n3A_3531 = arith.select %or3A_3530, %select_n3A_3476, %select_n3A_3511 : vector<8x1024xi1>, vector<8x1024xi32>
      %select_n3A_3532 = arith.select %or3A_3530, %select_n3A_3477, %select_n3A_3518 : vector<8x1024xi1>, vector<8x1024xi32>
      %iota3A_3533 = tpu.iota {dimensions = array<i32: 1>} : vector<8x1024xi32>
      %and3A_3534 = arith.constant 1 : i32
      %and3A_3535 = vector.broadcast %and3A_3534 : i32 to vector<8x1024xi32>
      %and3A_3536 = arith.andi %iota3A_3533, %and3A_3535 : vector<8x1024xi32>
      %eq3A_3537 = arith.constant 0 : i32
      %eq3A_3538 = vector.broadcast %eq3A_3537 : i32 to vector<8x1024xi32>
      %eq3A_3539 = arith.cmpi eq, %and3A_3536, %eq3A_3538 : vector<8x1024xi32>
      %and3A_3540 = arith.constant 512 : i32
      %and3A_3541 = vector.broadcast %and3A_3540 : i32 to vector<8x1024xi32>
      %and3A_3542 = arith.andi %iota3A_3533, %and3A_3541 : vector<8x1024xi32>
      %eq3A_3543 = arith.constant 0 : i32
      %eq3A_3544 = vector.broadcast %eq3A_3543 : i32 to vector<8x1024xi32>
      %eq3A_3545 = arith.cmpi eq, %and3A_3542, %eq3A_3544 : vector<8x1024xi32>
      %and3A_3546 = arith.andi %eq3A_3539, %eq3A_3545 : vector<8x1024xi1>
      %not3A_3547 = arith.constant dense<true> : vector<8x1024xi1>
      %not3A_3548 = arith.xori %eq3A_3539, %not3A_3547 : vector<8x1024xi1>
      %not3A_3549 = arith.constant dense<true> : vector<8x1024xi1>
      %not3A_3550 = arith.xori %eq3A_3545, %not3A_3549 : vector<8x1024xi1>
      %and3A_3551 = arith.andi %not3A_3548, %not3A_3550 : vector<8x1024xi1>
      %or3A_3552 = arith.ori %and3A_3546, %and3A_3551 : vector<8x1024xi1>
      %iota3A_3553 = tpu.iota {dimensions = array<i32: 1>} : vector<8x1024xi32>
      %and3A_3554 = arith.constant 1 : i32
      %and3A_3555 = vector.broadcast %and3A_3554 : i32 to vector<8x1024xi32>
      %and3A_3556 = arith.andi %iota3A_3553, %and3A_3555 : vector<8x1024xi32>
      %eq3A_3557 = arith.constant 0 : i32
      %eq3A_3558 = vector.broadcast %eq3A_3557 : i32 to vector<8x1024xi32>
      %eq3A_3559 = arith.cmpi eq, %and3A_3556, %eq3A_3558 : vector<8x1024xi32>
      %slice3A_3560 = vector.extract_strided_slice %select_n3A_3531 {offsets = [0, 1], sizes = [8, 1023], strides = [1, 1]} : vector<8x1024xi32> to vector<8x1023xi32>
      %slice3A_3561 = vector.extract_strided_slice %select_n3A_3531 {offsets = [0, 0], sizes = [8, 1], strides = [1, 1]} : vector<8x1024xi32> to vector<8x1xi32>
      %concatenate3A_3562 = tpu.concatenate %slice3A_3560, %slice3A_3561 in 1 : vector<8x1023xi32>, vector<8x1xi32> -> vector<8x1024xi32>
      %slice3A_3563 = vector.extract_strided_slice %select_n3A_3531 {offsets = [0, 1023], sizes = [8, 1], strides = [1, 1]} : vector<8x1024xi32> to vector<8x1xi32>
      %slice3A_3564 = vector.extract_strided_slice %select_n3A_3531 {offsets = [0, 0], sizes = [8, 1023], strides = [1, 1]} : vector<8x1024xi32> to vector<8x1023xi32>
      %concatenate3A_3565 = tpu.concatenate %slice3A_3563, %slice3A_3564 in 1 : vector<8x1xi32>, vector<8x1023xi32> -> vector<8x1024xi32>
      %select_n3A_3566 = arith.select %eq3A_3559, %concatenate3A_3562, %concatenate3A_3565 : vector<8x1024xi1>, vector<8x1024xi32>
      %slice3A_3567 = vector.extract_strided_slice %select_n3A_3532 {offsets = [0, 1], sizes = [8, 1023], strides = [1, 1]} : vector<8x1024xi32> to vector<8x1023xi32>
      %slice3A_3568 = vector.extract_strided_slice %select_n3A_3532 {offsets = [0, 0], sizes = [8, 1], strides = [1, 1]} : vector<8x1024xi32> to vector<8x1xi32>
      %concatenate3A_3569 = tpu.concatenate %slice3A_3567, %slice3A_3568 in 1 : vector<8x1023xi32>, vector<8x1xi32> -> vector<8x1024xi32>
      %slice3A_3570 = vector.extract_strided_slice %select_n3A_3532 {offsets = [0, 1023], sizes = [8, 1], strides = [1, 1]} : vector<8x1024xi32> to vector<8x1xi32>
      %slice3A_3571 = vector.extract_strided_slice %select_n3A_3532 {offsets = [0, 0], sizes = [8, 1023], strides = [1, 1]} : vector<8x1024xi32> to vector<8x1023xi32>
      %concatenate3A_3572 = tpu.concatenate %slice3A_3570, %slice3A_3571 in 1 : vector<8x1xi32>, vector<8x1023xi32> -> vector<8x1024xi32>
      %select_n3A_3573 = arith.select %eq3A_3559, %concatenate3A_3569, %concatenate3A_3572 : vector<8x1024xi1>, vector<8x1024xi32>
      %gt3A_3574 = arith.cmpi sgt, %select_n3A_3531, %select_n3A_3566 : vector<8x1024xi32>
      %eq3A_3575 = arith.cmpi eq, %select_n3A_3531, %select_n3A_3566 : vector<8x1024xi32>
      %lt3A_3576 = arith.cmpi slt, %select_n3A_3532, %select_n3A_3573 : vector<8x1024xi32>
      %and3A_3577 = arith.andi %eq3A_3575, %lt3A_3576 : vector<8x1024xi1>
      %or3A_3578 = arith.ori %gt3A_3574, %and3A_3577 : vector<8x1024xi1>
      %and3A_3579 = arith.andi %or3A_3552, %or3A_3578 : vector<8x1024xi1>
      %not3A_3580 = arith.constant dense<true> : vector<8x1024xi1>
      %not3A_3581 = arith.xori %or3A_3552, %not3A_3580 : vector<8x1024xi1>
      %not3A_3582 = arith.constant dense<true> : vector<8x1024xi1>
      %not3A_3583 = arith.xori %or3A_3578, %not3A_3582 : vector<8x1024xi1>
      %and3A_3584 = arith.andi %not3A_3581, %not3A_3583 : vector<8x1024xi1>
      %or3A_3585 = arith.ori %and3A_3579, %and3A_3584 : vector<8x1024xi1>
      %select_n3A_3586 = arith.select %or3A_3585, %select_n3A_3531, %select_n3A_3566 : vector<8x1024xi1>, vector<8x1024xi32>
      %select_n3A_3587 = arith.select %or3A_3585, %select_n3A_3532, %select_n3A_3573 : vector<8x1024xi1>, vector<8x1024xi32>
      %iota3A_3588 = tpu.iota {dimensions = array<i32: 1>} : vector<8x1024xi32>
      %and3A_3589 = arith.constant 512 : i32
      %and3A_3590 = vector.broadcast %and3A_3589 : i32 to vector<8x1024xi32>
      %and3A_3591 = arith.andi %iota3A_3588, %and3A_3590 : vector<8x1024xi32>
      %eq3A_3592 = arith.constant 0 : i32
      %eq3A_3593 = vector.broadcast %eq3A_3592 : i32 to vector<8x1024xi32>
      %eq3A_3594 = arith.cmpi eq, %and3A_3591, %eq3A_3593 : vector<8x1024xi32>
      %iota3A_3595 = tpu.iota {dimensions = array<i32: 1>} : vector<8x1024xi32>
      %and3A_3596 = arith.constant 512 : i32
      %and3A_3597 = vector.broadcast %and3A_3596 : i32 to vector<8x1024xi32>
      %and3A_3598 = arith.andi %iota3A_3595, %and3A_3597 : vector<8x1024xi32>
      %eq3A_3599 = arith.constant 0 : i32
      %eq3A_3600 = vector.broadcast %eq3A_3599 : i32 to vector<8x1024xi32>
      %eq3A_3601 = arith.cmpi eq, %and3A_3598, %eq3A_3600 : vector<8x1024xi32>
      %slice3A_3602 = vector.extract_strided_slice %select_n3A_3586 {offsets = [0, 512], sizes = [8, 512], strides = [1, 1]} : vector<8x1024xi32> to vector<8x512xi32>
      %slice3A_3603 = vector.extract_strided_slice %select_n3A_3586 {offsets = [0, 0], sizes = [8, 512], strides = [1, 1]} : vector<8x1024xi32> to vector<8x512xi32>
      %concatenate3A_3604 = tpu.concatenate %slice3A_3602, %slice3A_3603 in 1 : vector<8x512xi32>, vector<8x512xi32> -> vector<8x1024xi32>
      %slice3A_3605 = vector.extract_strided_slice %select_n3A_3586 {offsets = [0, 512], sizes = [8, 512], strides = [1, 1]} : vector<8x1024xi32> to vector<8x512xi32>
      %slice3A_3606 = vector.extract_strided_slice %select_n3A_3586 {offsets = [0, 0], sizes = [8, 512], strides = [1, 1]} : vector<8x1024xi32> to vector<8x512xi32>
      %concatenate3A_3607 = tpu.concatenate %slice3A_3605, %slice3A_3606 in 1 : vector<8x512xi32>, vector<8x512xi32> -> vector<8x1024xi32>
      %select_n3A_3608 = arith.select %eq3A_3601, %concatenate3A_3604, %concatenate3A_3607 : vector<8x1024xi1>, vector<8x1024xi32>
      %slice3A_3609 = vector.extract_strided_slice %select_n3A_3587 {offsets = [0, 512], sizes = [8, 512], strides = [1, 1]} : vector<8x1024xi32> to vector<8x512xi32>
      %slice3A_3610 = vector.extract_strided_slice %select_n3A_3587 {offsets = [0, 0], sizes = [8, 512], strides = [1, 1]} : vector<8x1024xi32> to vector<8x512xi32>
      %concatenate3A_3611 = tpu.concatenate %slice3A_3609, %slice3A_3610 in 1 : vector<8x512xi32>, vector<8x512xi32> -> vector<8x1024xi32>
      %slice3A_3612 = vector.extract_strided_slice %select_n3A_3587 {offsets = [0, 512], sizes = [8, 512], strides = [1, 1]} : vector<8x1024xi32> to vector<8x512xi32>
      %slice3A_3613 = vector.extract_strided_slice %select_n3A_3587 {offsets = [0, 0], sizes = [8, 512], strides = [1, 1]} : vector<8x1024xi32> to vector<8x512xi32>
      %concatenate3A_3614 = tpu.concatenate %slice3A_3612, %slice3A_3613 in 1 : vector<8x512xi32>, vector<8x512xi32> -> vector<8x1024xi32>
      %select_n3A_3615 = arith.select %eq3A_3601, %concatenate3A_3611, %concatenate3A_3614 : vector<8x1024xi1>, vector<8x1024xi32>
      %gt3A_3616 = arith.cmpi sgt, %select_n3A_3586, %select_n3A_3608 : vector<8x1024xi32>
      %eq3A_3617 = arith.cmpi eq, %select_n3A_3586, %select_n3A_3608 : vector<8x1024xi32>
      %lt3A_3618 = arith.cmpi slt, %select_n3A_3587, %select_n3A_3615 : vector<8x1024xi32>
      %and3A_3619 = arith.andi %eq3A_3617, %lt3A_3618 : vector<8x1024xi1>
      %or3A_3620 = arith.ori %gt3A_3616, %and3A_3619 : vector<8x1024xi1>
      %and3A_3621 = arith.andi %eq3A_3594, %or3A_3620 : vector<8x1024xi1>
      %not3A_3622 = arith.constant dense<true> : vector<8x1024xi1>
      %not3A_3623 = arith.xori %eq3A_3594, %not3A_3622 : vector<8x1024xi1>
      %not3A_3624 = arith.constant dense<true> : vector<8x1024xi1>
      %not3A_3625 = arith.xori %or3A_3620, %not3A_3624 : vector<8x1024xi1>
      %and3A_3626 = arith.andi %not3A_3623, %not3A_3625 : vector<8x1024xi1>
      %or3A_3627 = arith.ori %and3A_3621, %and3A_3626 : vector<8x1024xi1>
      %select_n3A_3628 = arith.select %or3A_3627, %select_n3A_3586, %select_n3A_3608 : vector<8x1024xi1>, vector<8x1024xi32>
      %select_n3A_3629 = arith.select %or3A_3627, %select_n3A_3587, %select_n3A_3615 : vector<8x1024xi1>, vector<8x1024xi32>
      %slice3A_3630 = vector.extract_strided_slice %select_n3A_3628 {offsets = [0, 0], sizes = [8, 512], strides = [1, 1]} : vector<8x1024xi32> to vector<8x512xi32>
      %slice3A_3631 = vector.extract_strided_slice %select_n3A_3629 {offsets = [0, 0], sizes = [8, 512], strides = [1, 1]} : vector<8x1024xi32> to vector<8x512xi32>
      %iota3A_3632 = tpu.iota {dimensions = array<i32: 1>} : vector<8x512xi32>
      %and3A_3633 = arith.constant 256 : i32
      %and3A_3634 = vector.broadcast %and3A_3633 : i32 to vector<8x512xi32>
      %and3A_3635 = arith.andi %iota3A_3632, %and3A_3634 : vector<8x512xi32>
      %eq3A_3636 = arith.constant 0 : i32
      %eq3A_3637 = vector.broadcast %eq3A_3636 : i32 to vector<8x512xi32>
      %eq3A_3638 = arith.cmpi eq, %and3A_3635, %eq3A_3637 : vector<8x512xi32>
      %iota3A_3639 = tpu.iota {dimensions = array<i32: 1>} : vector<8x512xi32>
      %and3A_3640 = arith.constant 256 : i32
      %and3A_3641 = vector.broadcast %and3A_3640 : i32 to vector<8x512xi32>
      %and3A_3642 = arith.andi %iota3A_3639, %and3A_3641 : vector<8x512xi32>
      %eq3A_3643 = arith.constant 0 : i32
      %eq3A_3644 = vector.broadcast %eq3A_3643 : i32 to vector<8x512xi32>
      %eq3A_3645 = arith.cmpi eq, %and3A_3642, %eq3A_3644 : vector<8x512xi32>
      %slice3A_3646 = vector.extract_strided_slice %slice3A_3630 {offsets = [0, 256], sizes = [8, 256], strides = [1, 1]} : vector<8x512xi32> to vector<8x256xi32>
      %slice3A_3647 = vector.extract_strided_slice %slice3A_3630 {offsets = [0, 0], sizes = [8, 256], strides = [1, 1]} : vector<8x512xi32> to vector<8x256xi32>
      %concatenate3A_3648 = tpu.concatenate %slice3A_3646, %slice3A_3647 in 1 : vector<8x256xi32>, vector<8x256xi32> -> vector<8x512xi32>
      %slice3A_3649 = vector.extract_strided_slice %slice3A_3630 {offsets = [0, 256], sizes = [8, 256], strides = [1, 1]} : vector<8x512xi32> to vector<8x256xi32>
      %slice3A_3650 = vector.extract_strided_slice %slice3A_3630 {offsets = [0, 0], sizes = [8, 256], strides = [1, 1]} : vector<8x512xi32> to vector<8x256xi32>
      %concatenate3A_3651 = tpu.concatenate %slice3A_3649, %slice3A_3650 in 1 : vector<8x256xi32>, vector<8x256xi32> -> vector<8x512xi32>
      %select_n3A_3652 = arith.select %eq3A_3645, %concatenate3A_3648, %concatenate3A_3651 : vector<8x512xi1>, vector<8x512xi32>
      %slice3A_3653 = vector.extract_strided_slice %slice3A_3631 {offsets = [0, 256], sizes = [8, 256], strides = [1, 1]} : vector<8x512xi32> to vector<8x256xi32>
      %slice3A_3654 = vector.extract_strided_slice %slice3A_3631 {offsets = [0, 0], sizes = [8, 256], strides = [1, 1]} : vector<8x512xi32> to vector<8x256xi32>
      %concatenate3A_3655 = tpu.concatenate %slice3A_3653, %slice3A_3654 in 1 : vector<8x256xi32>, vector<8x256xi32> -> vector<8x512xi32>
      %slice3A_3656 = vector.extract_strided_slice %slice3A_3631 {offsets = [0, 256], sizes = [8, 256], strides = [1, 1]} : vector<8x512xi32> to vector<8x256xi32>
      %slice3A_3657 = vector.extract_strided_slice %slice3A_3631 {offsets = [0, 0], sizes = [8, 256], strides = [1, 1]} : vector<8x512xi32> to vector<8x256xi32>
      %concatenate3A_3658 = tpu.concatenate %slice3A_3656, %slice3A_3657 in 1 : vector<8x256xi32>, vector<8x256xi32> -> vector<8x512xi32>
      %select_n3A_3659 = arith.select %eq3A_3645, %concatenate3A_3655, %concatenate3A_3658 : vector<8x512xi1>, vector<8x512xi32>
      %gt3A_3660 = arith.cmpi sgt, %slice3A_3630, %select_n3A_3652 : vector<8x512xi32>
      %eq3A_3661 = arith.cmpi eq, %slice3A_3630, %select_n3A_3652 : vector<8x512xi32>
      %lt3A_3662 = arith.cmpi slt, %slice3A_3631, %select_n3A_3659 : vector<8x512xi32>
      %and3A_3663 = arith.andi %eq3A_3661, %lt3A_3662 : vector<8x512xi1>
      %or3A_3664 = arith.ori %gt3A_3660, %and3A_3663 : vector<8x512xi1>
      %and3A_3665 = arith.andi %eq3A_3638, %or3A_3664 : vector<8x512xi1>
      %not3A_3666 = arith.constant dense<true> : vector<8x512xi1>
      %not3A_3667 = arith.xori %eq3A_3638, %not3A_3666 : vector<8x512xi1>
      %not3A_3668 = arith.constant dense<true> : vector<8x512xi1>
      %not3A_3669 = arith.xori %or3A_3664, %not3A_3668 : vector<8x512xi1>
      %and3A_3670 = arith.andi %not3A_3667, %not3A_3669 : vector<8x512xi1>
      %or3A_3671 = arith.ori %and3A_3665, %and3A_3670 : vector<8x512xi1>
      %select_n3A_3672 = arith.select %or3A_3671, %slice3A_3630, %select_n3A_3652 : vector<8x512xi1>, vector<8x512xi32>
      %select_n3A_3673 = arith.select %or3A_3671, %slice3A_3631, %select_n3A_3659 : vector<8x512xi1>, vector<8x512xi32>
      %iota3A_3674 = tpu.iota {dimensions = array<i32: 1>} : vector<8x512xi32>
      %and3A_3675 = arith.constant 128 : i32
      %and3A_3676 = vector.broadcast %and3A_3675 : i32 to vector<8x512xi32>
      %and3A_3677 = arith.andi %iota3A_3674, %and3A_3676 : vector<8x512xi32>
      %eq3A_3678 = arith.constant 0 : i32
      %eq3A_3679 = vector.broadcast %eq3A_3678 : i32 to vector<8x512xi32>
      %eq3A_3680 = arith.cmpi eq, %and3A_3677, %eq3A_3679 : vector<8x512xi32>
      %iota3A_3681 = tpu.iota {dimensions = array<i32: 1>} : vector<8x512xi32>
      %and3A_3682 = arith.constant 128 : i32
      %and3A_3683 = vector.broadcast %and3A_3682 : i32 to vector<8x512xi32>
      %and3A_3684 = arith.andi %iota3A_3681, %and3A_3683 : vector<8x512xi32>
      %eq3A_3685 = arith.constant 0 : i32
      %eq3A_3686 = vector.broadcast %eq3A_3685 : i32 to vector<8x512xi32>
      %eq3A_3687 = arith.cmpi eq, %and3A_3684, %eq3A_3686 : vector<8x512xi32>
      %slice3A_3688 = vector.extract_strided_slice %select_n3A_3672 {offsets = [0, 128], sizes = [8, 384], strides = [1, 1]} : vector<8x512xi32> to vector<8x384xi32>
      %slice3A_3689 = vector.extract_strided_slice %select_n3A_3672 {offsets = [0, 0], sizes = [8, 128], strides = [1, 1]} : vector<8x512xi32> to vector<8x128xi32>
      %concatenate3A_3690 = tpu.concatenate %slice3A_3688, %slice3A_3689 in 1 : vector<8x384xi32>, vector<8x128xi32> -> vector<8x512xi32>
      %slice3A_3691 = vector.extract_strided_slice %select_n3A_3672 {offsets = [0, 384], sizes = [8, 128], strides = [1, 1]} : vector<8x512xi32> to vector<8x128xi32>
      %slice3A_3692 = vector.extract_strided_slice %select_n3A_3672 {offsets = [0, 0], sizes = [8, 384], strides = [1, 1]} : vector<8x512xi32> to vector<8x384xi32>
      %concatenate3A_3693 = tpu.concatenate %slice3A_3691, %slice3A_3692 in 1 : vector<8x128xi32>, vector<8x384xi32> -> vector<8x512xi32>
      %select_n3A_3694 = arith.select %eq3A_3687, %concatenate3A_3690, %concatenate3A_3693 : vector<8x512xi1>, vector<8x512xi32>
      %slice3A_3695 = vector.extract_strided_slice %select_n3A_3673 {offsets = [0, 128], sizes = [8, 384], strides = [1, 1]} : vector<8x512xi32> to vector<8x384xi32>
      %slice3A_3696 = vector.extract_strided_slice %select_n3A_3673 {offsets = [0, 0], sizes = [8, 128], strides = [1, 1]} : vector<8x512xi32> to vector<8x128xi32>
      %concatenate3A_3697 = tpu.concatenate %slice3A_3695, %slice3A_3696 in 1 : vector<8x384xi32>, vector<8x128xi32> -> vector<8x512xi32>
      %slice3A_3698 = vector.extract_strided_slice %select_n3A_3673 {offsets = [0, 384], sizes = [8, 128], strides = [1, 1]} : vector<8x512xi32> to vector<8x128xi32>
      %slice3A_3699 = vector.extract_strided_slice %select_n3A_3673 {offsets = [0, 0], sizes = [8, 384], strides = [1, 1]} : vector<8x512xi32> to vector<8x384xi32>
      %concatenate3A_3700 = tpu.concatenate %slice3A_3698, %slice3A_3699 in 1 : vector<8x128xi32>, vector<8x384xi32> -> vector<8x512xi32>
      %select_n3A_3701 = arith.select %eq3A_3687, %concatenate3A_3697, %concatenate3A_3700 : vector<8x512xi1>, vector<8x512xi32>
      %gt3A_3702 = arith.cmpi sgt, %select_n3A_3672, %select_n3A_3694 : vector<8x512xi32>
      %eq3A_3703 = arith.cmpi eq, %select_n3A_3672, %select_n3A_3694 : vector<8x512xi32>
      %lt3A_3704 = arith.cmpi slt, %select_n3A_3673, %select_n3A_3701 : vector<8x512xi32>
      %and3A_3705 = arith.andi %eq3A_3703, %lt3A_3704 : vector<8x512xi1>
      %or3A_3706 = arith.ori %gt3A_3702, %and3A_3705 : vector<8x512xi1>
      %and3A_3707 = arith.andi %eq3A_3680, %or3A_3706 : vector<8x512xi1>
      %not3A_3708 = arith.constant dense<true> : vector<8x512xi1>
      %not3A_3709 = arith.xori %eq3A_3680, %not3A_3708 : vector<8x512xi1>
      %not3A_3710 = arith.constant dense<true> : vector<8x512xi1>
      %not3A_3711 = arith.xori %or3A_3706, %not3A_3710 : vector<8x512xi1>
      %and3A_3712 = arith.andi %not3A_3709, %not3A_3711 : vector<8x512xi1>
      %or3A_3713 = arith.ori %and3A_3707, %and3A_3712 : vector<8x512xi1>
      %select_n3A_3714 = arith.select %or3A_3713, %select_n3A_3672, %select_n3A_3694 : vector<8x512xi1>, vector<8x512xi32>
      %select_n3A_3715 = arith.select %or3A_3713, %select_n3A_3673, %select_n3A_3701 : vector<8x512xi1>, vector<8x512xi32>
      %iota3A_3716 = tpu.iota {dimensions = array<i32: 1>} : vector<8x512xi32>
      %and3A_3717 = arith.constant 64 : i32
      %and3A_3718 = vector.broadcast %and3A_3717 : i32 to vector<8x512xi32>
      %and3A_3719 = arith.andi %iota3A_3716, %and3A_3718 : vector<8x512xi32>
      %eq3A_3720 = arith.constant 0 : i32
      %eq3A_3721 = vector.broadcast %eq3A_3720 : i32 to vector<8x512xi32>
      %eq3A_3722 = arith.cmpi eq, %and3A_3719, %eq3A_3721 : vector<8x512xi32>
      %iota3A_3723 = tpu.iota {dimensions = array<i32: 1>} : vector<8x512xi32>
      %and3A_3724 = arith.constant 64 : i32
      %and3A_3725 = vector.broadcast %and3A_3724 : i32 to vector<8x512xi32>
      %and3A_3726 = arith.andi %iota3A_3723, %and3A_3725 : vector<8x512xi32>
      %eq3A_3727 = arith.constant 0 : i32
      %eq3A_3728 = vector.broadcast %eq3A_3727 : i32 to vector<8x512xi32>
      %eq3A_3729 = arith.cmpi eq, %and3A_3726, %eq3A_3728 : vector<8x512xi32>
      %slice3A_3730 = vector.extract_strided_slice %select_n3A_3714 {offsets = [0, 64], sizes = [8, 448], strides = [1, 1]} : vector<8x512xi32> to vector<8x448xi32>
      %slice3A_3731 = vector.extract_strided_slice %select_n3A_3714 {offsets = [0, 0], sizes = [8, 64], strides = [1, 1]} : vector<8x512xi32> to vector<8x64xi32>
      %concatenate3A_3732 = tpu.concatenate %slice3A_3730, %slice3A_3731 in 1 : vector<8x448xi32>, vector<8x64xi32> -> vector<8x512xi32>
      %slice3A_3733 = vector.extract_strided_slice %select_n3A_3714 {offsets = [0, 448], sizes = [8, 64], strides = [1, 1]} : vector<8x512xi32> to vector<8x64xi32>
      %slice3A_3734 = vector.extract_strided_slice %select_n3A_3714 {offsets = [0, 0], sizes = [8, 448], strides = [1, 1]} : vector<8x512xi32> to vector<8x448xi32>
      %concatenate3A_3735 = tpu.concatenate %slice3A_3733, %slice3A_3734 in 1 : vector<8x64xi32>, vector<8x448xi32> -> vector<8x512xi32>
      %select_n3A_3736 = arith.select %eq3A_3729, %concatenate3A_3732, %concatenate3A_3735 : vector<8x512xi1>, vector<8x512xi32>
      %slice3A_3737 = vector.extract_strided_slice %select_n3A_3715 {offsets = [0, 64], sizes = [8, 448], strides = [1, 1]} : vector<8x512xi32> to vector<8x448xi32>
      %slice3A_3738 = vector.extract_strided_slice %select_n3A_3715 {offsets = [0, 0], sizes = [8, 64], strides = [1, 1]} : vector<8x512xi32> to vector<8x64xi32>
      %concatenate3A_3739 = tpu.concatenate %slice3A_3737, %slice3A_3738 in 1 : vector<8x448xi32>, vector<8x64xi32> -> vector<8x512xi32>
      %slice3A_3740 = vector.extract_strided_slice %select_n3A_3715 {offsets = [0, 448], sizes = [8, 64], strides = [1, 1]} : vector<8x512xi32> to vector<8x64xi32>
      %slice3A_3741 = vector.extract_strided_slice %select_n3A_3715 {offsets = [0, 0], sizes = [8, 448], strides = [1, 1]} : vector<8x512xi32> to vector<8x448xi32>
      %concatenate3A_3742 = tpu.concatenate %slice3A_3740, %slice3A_3741 in 1 : vector<8x64xi32>, vector<8x448xi32> -> vector<8x512xi32>
      %select_n3A_3743 = arith.select %eq3A_3729, %concatenate3A_3739, %concatenate3A_3742 : vector<8x512xi1>, vector<8x512xi32>
      %gt3A_3744 = arith.cmpi sgt, %select_n3A_3714, %select_n3A_3736 : vector<8x512xi32>
      %eq3A_3745 = arith.cmpi eq, %select_n3A_3714, %select_n3A_3736 : vector<8x512xi32>
      %lt3A_3746 = arith.cmpi slt, %select_n3A_3715, %select_n3A_3743 : vector<8x512xi32>
      %and3A_3747 = arith.andi %eq3A_3745, %lt3A_3746 : vector<8x512xi1>
      %or3A_3748 = arith.ori %gt3A_3744, %and3A_3747 : vector<8x512xi1>
      %and3A_3749 = arith.andi %eq3A_3722, %or3A_3748 : vector<8x512xi1>
      %not3A_3750 = arith.constant dense<true> : vector<8x512xi1>
      %not3A_3751 = arith.xori %eq3A_3722, %not3A_3750 : vector<8x512xi1>
      %not3A_3752 = arith.constant dense<true> : vector<8x512xi1>
      %not3A_3753 = arith.xori %or3A_3748, %not3A_3752 : vector<8x512xi1>
      %and3A_3754 = arith.andi %not3A_3751, %not3A_3753 : vector<8x512xi1>
      %or3A_3755 = arith.ori %and3A_3749, %and3A_3754 : vector<8x512xi1>
      %select_n3A_3756 = arith.select %or3A_3755, %select_n3A_3714, %select_n3A_3736 : vector<8x512xi1>, vector<8x512xi32>
      %select_n3A_3757 = arith.select %or3A_3755, %select_n3A_3715, %select_n3A_3743 : vector<8x512xi1>, vector<8x512xi32>
      %iota3A_3758 = tpu.iota {dimensions = array<i32: 1>} : vector<8x512xi32>
      %and3A_3759 = arith.constant 32 : i32
      %and3A_3760 = vector.broadcast %and3A_3759 : i32 to vector<8x512xi32>
      %and3A_3761 = arith.andi %iota3A_3758, %and3A_3760 : vector<8x512xi32>
      %eq3A_3762 = arith.constant 0 : i32
      %eq3A_3763 = vector.broadcast %eq3A_3762 : i32 to vector<8x512xi32>
      %eq3A_3764 = arith.cmpi eq, %and3A_3761, %eq3A_3763 : vector<8x512xi32>
      %iota3A_3765 = tpu.iota {dimensions = array<i32: 1>} : vector<8x512xi32>
      %and3A_3766 = arith.constant 32 : i32
      %and3A_3767 = vector.broadcast %and3A_3766 : i32 to vector<8x512xi32>
      %and3A_3768 = arith.andi %iota3A_3765, %and3A_3767 : vector<8x512xi32>
      %eq3A_3769 = arith.constant 0 : i32
      %eq3A_3770 = vector.broadcast %eq3A_3769 : i32 to vector<8x512xi32>
      %eq3A_3771 = arith.cmpi eq, %and3A_3768, %eq3A_3770 : vector<8x512xi32>
      %slice3A_3772 = vector.extract_strided_slice %select_n3A_3756 {offsets = [0, 32], sizes = [8, 480], strides = [1, 1]} : vector<8x512xi32> to vector<8x480xi32>
      %slice3A_3773 = vector.extract_strided_slice %select_n3A_3756 {offsets = [0, 0], sizes = [8, 32], strides = [1, 1]} : vector<8x512xi32> to vector<8x32xi32>
      %concatenate3A_3774 = tpu.concatenate %slice3A_3772, %slice3A_3773 in 1 : vector<8x480xi32>, vector<8x32xi32> -> vector<8x512xi32>
      %slice3A_3775 = vector.extract_strided_slice %select_n3A_3756 {offsets = [0, 480], sizes = [8, 32], strides = [1, 1]} : vector<8x512xi32> to vector<8x32xi32>
      %slice3A_3776 = vector.extract_strided_slice %select_n3A_3756 {offsets = [0, 0], sizes = [8, 480], strides = [1, 1]} : vector<8x512xi32> to vector<8x480xi32>
      %concatenate3A_3777 = tpu.concatenate %slice3A_3775, %slice3A_3776 in 1 : vector<8x32xi32>, vector<8x480xi32> -> vector<8x512xi32>
      %select_n3A_3778 = arith.select %eq3A_3771, %concatenate3A_3774, %concatenate3A_3777 : vector<8x512xi1>, vector<8x512xi32>
      %slice3A_3779 = vector.extract_strided_slice %select_n3A_3757 {offsets = [0, 32], sizes = [8, 480], strides = [1, 1]} : vector<8x512xi32> to vector<8x480xi32>
      %slice3A_3780 = vector.extract_strided_slice %select_n3A_3757 {offsets = [0, 0], sizes = [8, 32], strides = [1, 1]} : vector<8x512xi32> to vector<8x32xi32>
      %concatenate3A_3781 = tpu.concatenate %slice3A_3779, %slice3A_3780 in 1 : vector<8x480xi32>, vector<8x32xi32> -> vector<8x512xi32>
      %slice3A_3782 = vector.extract_strided_slice %select_n3A_3757 {offsets = [0, 480], sizes = [8, 32], strides = [1, 1]} : vector<8x512xi32> to vector<8x32xi32>
      %slice3A_3783 = vector.extract_strided_slice %select_n3A_3757 {offsets = [0, 0], sizes = [8, 480], strides = [1, 1]} : vector<8x512xi32> to vector<8x480xi32>
      %concatenate3A_3784 = tpu.concatenate %slice3A_3782, %slice3A_3783 in 1 : vector<8x32xi32>, vector<8x480xi32> -> vector<8x512xi32>
      %select_n3A_3785 = arith.select %eq3A_3771, %concatenate3A_3781, %concatenate3A_3784 : vector<8x512xi1>, vector<8x512xi32>
      %gt3A_3786 = arith.cmpi sgt, %select_n3A_3756, %select_n3A_3778 : vector<8x512xi32>
      %eq3A_3787 = arith.cmpi eq, %select_n3A_3756, %select_n3A_3778 : vector<8x512xi32>
      %lt3A_3788 = arith.cmpi slt, %select_n3A_3757, %select_n3A_3785 : vector<8x512xi32>
      %and3A_3789 = arith.andi %eq3A_3787, %lt3A_3788 : vector<8x512xi1>
      %or3A_3790 = arith.ori %gt3A_3786, %and3A_3789 : vector<8x512xi1>
      %and3A_3791 = arith.andi %eq3A_3764, %or3A_3790 : vector<8x512xi1>
      %not3A_3792 = arith.constant dense<true> : vector<8x512xi1>
      %not3A_3793 = arith.xori %eq3A_3764, %not3A_3792 : vector<8x512xi1>
      %not3A_3794 = arith.constant dense<true> : vector<8x512xi1>
      %not3A_3795 = arith.xori %or3A_3790, %not3A_3794 : vector<8x512xi1>
      %and3A_3796 = arith.andi %not3A_3793, %not3A_3795 : vector<8x512xi1>
      %or3A_3797 = arith.ori %and3A_3791, %and3A_3796 : vector<8x512xi1>
      %select_n3A_3798 = arith.select %or3A_3797, %select_n3A_3756, %select_n3A_3778 : vector<8x512xi1>, vector<8x512xi32>
      %select_n3A_3799 = arith.select %or3A_3797, %select_n3A_3757, %select_n3A_3785 : vector<8x512xi1>, vector<8x512xi32>
      %iota3A_3800 = tpu.iota {dimensions = array<i32: 1>} : vector<8x512xi32>
      %and3A_3801 = arith.constant 16 : i32
      %and3A_3802 = vector.broadcast %and3A_3801 : i32 to vector<8x512xi32>
      %and3A_3803 = arith.andi %iota3A_3800, %and3A_3802 : vector<8x512xi32>
      %eq3A_3804 = arith.constant 0 : i32
      %eq3A_3805 = vector.broadcast %eq3A_3804 : i32 to vector<8x512xi32>
      %eq3A_3806 = arith.cmpi eq, %and3A_3803, %eq3A_3805 : vector<8x512xi32>
      %iota3A_3807 = tpu.iota {dimensions = array<i32: 1>} : vector<8x512xi32>
      %and3A_3808 = arith.constant 16 : i32
      %and3A_3809 = vector.broadcast %and3A_3808 : i32 to vector<8x512xi32>
      %and3A_3810 = arith.andi %iota3A_3807, %and3A_3809 : vector<8x512xi32>
      %eq3A_3811 = arith.constant 0 : i32
      %eq3A_3812 = vector.broadcast %eq3A_3811 : i32 to vector<8x512xi32>
      %eq3A_3813 = arith.cmpi eq, %and3A_3810, %eq3A_3812 : vector<8x512xi32>
      %slice3A_3814 = vector.extract_strided_slice %select_n3A_3798 {offsets = [0, 16], sizes = [8, 496], strides = [1, 1]} : vector<8x512xi32> to vector<8x496xi32>
      %slice3A_3815 = vector.extract_strided_slice %select_n3A_3798 {offsets = [0, 0], sizes = [8, 16], strides = [1, 1]} : vector<8x512xi32> to vector<8x16xi32>
      %concatenate3A_3816 = tpu.concatenate %slice3A_3814, %slice3A_3815 in 1 : vector<8x496xi32>, vector<8x16xi32> -> vector<8x512xi32>
      %slice3A_3817 = vector.extract_strided_slice %select_n3A_3798 {offsets = [0, 496], sizes = [8, 16], strides = [1, 1]} : vector<8x512xi32> to vector<8x16xi32>
      %slice3A_3818 = vector.extract_strided_slice %select_n3A_3798 {offsets = [0, 0], sizes = [8, 496], strides = [1, 1]} : vector<8x512xi32> to vector<8x496xi32>
      %concatenate3A_3819 = tpu.concatenate %slice3A_3817, %slice3A_3818 in 1 : vector<8x16xi32>, vector<8x496xi32> -> vector<8x512xi32>
      %select_n3A_3820 = arith.select %eq3A_3813, %concatenate3A_3816, %concatenate3A_3819 : vector<8x512xi1>, vector<8x512xi32>
      %slice3A_3821 = vector.extract_strided_slice %select_n3A_3799 {offsets = [0, 16], sizes = [8, 496], strides = [1, 1]} : vector<8x512xi32> to vector<8x496xi32>
      %slice3A_3822 = vector.extract_strided_slice %select_n3A_3799 {offsets = [0, 0], sizes = [8, 16], strides = [1, 1]} : vector<8x512xi32> to vector<8x16xi32>
      %concatenate3A_3823 = tpu.concatenate %slice3A_3821, %slice3A_3822 in 1 : vector<8x496xi32>, vector<8x16xi32> -> vector<8x512xi32>
      %slice3A_3824 = vector.extract_strided_slice %select_n3A_3799 {offsets = [0, 496], sizes = [8, 16], strides = [1, 1]} : vector<8x512xi32> to vector<8x16xi32>
      %slice3A_3825 = vector.extract_strided_slice %select_n3A_3799 {offsets = [0, 0], sizes = [8, 496], strides = [1, 1]} : vector<8x512xi32> to vector<8x496xi32>
      %concatenate3A_3826 = tpu.concatenate %slice3A_3824, %slice3A_3825 in 1 : vector<8x16xi32>, vector<8x496xi32> -> vector<8x512xi32>
      %select_n3A_3827 = arith.select %eq3A_3813, %concatenate3A_3823, %concatenate3A_3826 : vector<8x512xi1>, vector<8x512xi32>
      %gt3A_3828 = arith.cmpi sgt, %select_n3A_3798, %select_n3A_3820 : vector<8x512xi32>
      %eq3A_3829 = arith.cmpi eq, %select_n3A_3798, %select_n3A_3820 : vector<8x512xi32>
      %lt3A_3830 = arith.cmpi slt, %select_n3A_3799, %select_n3A_3827 : vector<8x512xi32>
      %and3A_3831 = arith.andi %eq3A_3829, %lt3A_3830 : vector<8x512xi1>
      %or3A_3832 = arith.ori %gt3A_3828, %and3A_3831 : vector<8x512xi1>
      %and3A_3833 = arith.andi %eq3A_3806, %or3A_3832 : vector<8x512xi1>
      %not3A_3834 = arith.constant dense<true> : vector<8x512xi1>
      %not3A_3835 = arith.xori %eq3A_3806, %not3A_3834 : vector<8x512xi1>
      %not3A_3836 = arith.constant dense<true> : vector<8x512xi1>
      %not3A_3837 = arith.xori %or3A_3832, %not3A_3836 : vector<8x512xi1>
      %and3A_3838 = arith.andi %not3A_3835, %not3A_3837 : vector<8x512xi1>
      %or3A_3839 = arith.ori %and3A_3833, %and3A_3838 : vector<8x512xi1>
      %select_n3A_3840 = arith.select %or3A_3839, %select_n3A_3798, %select_n3A_3820 : vector<8x512xi1>, vector<8x512xi32>
      %select_n3A_3841 = arith.select %or3A_3839, %select_n3A_3799, %select_n3A_3827 : vector<8x512xi1>, vector<8x512xi32>
      %iota3A_3842 = tpu.iota {dimensions = array<i32: 1>} : vector<8x512xi32>
      %and3A_3843 = arith.constant 8 : i32
      %and3A_3844 = vector.broadcast %and3A_3843 : i32 to vector<8x512xi32>
      %and3A_3845 = arith.andi %iota3A_3842, %and3A_3844 : vector<8x512xi32>
      %eq3A_3846 = arith.constant 0 : i32
      %eq3A_3847 = vector.broadcast %eq3A_3846 : i32 to vector<8x512xi32>
      %eq3A_3848 = arith.cmpi eq, %and3A_3845, %eq3A_3847 : vector<8x512xi32>
      %iota3A_3849 = tpu.iota {dimensions = array<i32: 1>} : vector<8x512xi32>
      %and3A_3850 = arith.constant 8 : i32
      %and3A_3851 = vector.broadcast %and3A_3850 : i32 to vector<8x512xi32>
      %and3A_3852 = arith.andi %iota3A_3849, %and3A_3851 : vector<8x512xi32>
      %eq3A_3853 = arith.constant 0 : i32
      %eq3A_3854 = vector.broadcast %eq3A_3853 : i32 to vector<8x512xi32>
      %eq3A_3855 = arith.cmpi eq, %and3A_3852, %eq3A_3854 : vector<8x512xi32>
      %slice3A_3856 = vector.extract_strided_slice %select_n3A_3840 {offsets = [0, 8], sizes = [8, 504], strides = [1, 1]} : vector<8x512xi32> to vector<8x504xi32>
      %slice3A_3857 = vector.extract_strided_slice %select_n3A_3840 {offsets = [0, 0], sizes = [8, 8], strides = [1, 1]} : vector<8x512xi32> to vector<8x8xi32>
      %concatenate3A_3858 = tpu.concatenate %slice3A_3856, %slice3A_3857 in 1 : vector<8x504xi32>, vector<8x8xi32> -> vector<8x512xi32>
      %slice3A_3859 = vector.extract_strided_slice %select_n3A_3840 {offsets = [0, 504], sizes = [8, 8], strides = [1, 1]} : vector<8x512xi32> to vector<8x8xi32>
      %slice3A_3860 = vector.extract_strided_slice %select_n3A_3840 {offsets = [0, 0], sizes = [8, 504], strides = [1, 1]} : vector<8x512xi32> to vector<8x504xi32>
      %concatenate3A_3861 = tpu.concatenate %slice3A_3859, %slice3A_3860 in 1 : vector<8x8xi32>, vector<8x504xi32> -> vector<8x512xi32>
      %select_n3A_3862 = arith.select %eq3A_3855, %concatenate3A_3858, %concatenate3A_3861 : vector<8x512xi1>, vector<8x512xi32>
      %slice3A_3863 = vector.extract_strided_slice %select_n3A_3841 {offsets = [0, 8], sizes = [8, 504], strides = [1, 1]} : vector<8x512xi32> to vector<8x504xi32>
      %slice3A_3864 = vector.extract_strided_slice %select_n3A_3841 {offsets = [0, 0], sizes = [8, 8], strides = [1, 1]} : vector<8x512xi32> to vector<8x8xi32>
      %concatenate3A_3865 = tpu.concatenate %slice3A_3863, %slice3A_3864 in 1 : vector<8x504xi32>, vector<8x8xi32> -> vector<8x512xi32>
      %slice3A_3866 = vector.extract_strided_slice %select_n3A_3841 {offsets = [0, 504], sizes = [8, 8], strides = [1, 1]} : vector<8x512xi32> to vector<8x8xi32>
      %slice3A_3867 = vector.extract_strided_slice %select_n3A_3841 {offsets = [0, 0], sizes = [8, 504], strides = [1, 1]} : vector<8x512xi32> to vector<8x504xi32>
      %concatenate3A_3868 = tpu.concatenate %slice3A_3866, %slice3A_3867 in 1 : vector<8x8xi32>, vector<8x504xi32> -> vector<8x512xi32>
      %select_n3A_3869 = arith.select %eq3A_3855, %concatenate3A_3865, %concatenate3A_3868 : vector<8x512xi1>, vector<8x512xi32>
      %gt3A_3870 = arith.cmpi sgt, %select_n3A_3840, %select_n3A_3862 : vector<8x512xi32>
      %eq3A_3871 = arith.cmpi eq, %select_n3A_3840, %select_n3A_3862 : vector<8x512xi32>
      %lt3A_3872 = arith.cmpi slt, %select_n3A_3841, %select_n3A_3869 : vector<8x512xi32>
      %and3A_3873 = arith.andi %eq3A_3871, %lt3A_3872 : vector<8x512xi1>
      %or3A_3874 = arith.ori %gt3A_3870, %and3A_3873 : vector<8x512xi1>
      %and3A_3875 = arith.andi %eq3A_3848, %or3A_3874 : vector<8x512xi1>
      %not3A_3876 = arith.constant dense<true> : vector<8x512xi1>
      %not3A_3877 = arith.xori %eq3A_3848, %not3A_3876 : vector<8x512xi1>
      %not3A_3878 = arith.constant dense<true> : vector<8x512xi1>
      %not3A_3879 = arith.xori %or3A_3874, %not3A_3878 : vector<8x512xi1>
      %and3A_3880 = arith.andi %not3A_3877, %not3A_3879 : vector<8x512xi1>
      %or3A_3881 = arith.ori %and3A_3875, %and3A_3880 : vector<8x512xi1>
      %select_n3A_3882 = arith.select %or3A_3881, %select_n3A_3840, %select_n3A_3862 : vector<8x512xi1>, vector<8x512xi32>
      %select_n3A_3883 = arith.select %or3A_3881, %select_n3A_3841, %select_n3A_3869 : vector<8x512xi1>, vector<8x512xi32>
      %iota3A_3884 = tpu.iota {dimensions = array<i32: 1>} : vector<8x512xi32>
      %and3A_3885 = arith.constant 4 : i32
      %and3A_3886 = vector.broadcast %and3A_3885 : i32 to vector<8x512xi32>
      %and3A_3887 = arith.andi %iota3A_3884, %and3A_3886 : vector<8x512xi32>
      %eq3A_3888 = arith.constant 0 : i32
      %eq3A_3889 = vector.broadcast %eq3A_3888 : i32 to vector<8x512xi32>
      %eq3A_3890 = arith.cmpi eq, %and3A_3887, %eq3A_3889 : vector<8x512xi32>
      %iota3A_3891 = tpu.iota {dimensions = array<i32: 1>} : vector<8x512xi32>
      %and3A_3892 = arith.constant 4 : i32
      %and3A_3893 = vector.broadcast %and3A_3892 : i32 to vector<8x512xi32>
      %and3A_3894 = arith.andi %iota3A_3891, %and3A_3893 : vector<8x512xi32>
      %eq3A_3895 = arith.constant 0 : i32
      %eq3A_3896 = vector.broadcast %eq3A_3895 : i32 to vector<8x512xi32>
      %eq3A_3897 = arith.cmpi eq, %and3A_3894, %eq3A_3896 : vector<8x512xi32>
      %slice3A_3898 = vector.extract_strided_slice %select_n3A_3882 {offsets = [0, 4], sizes = [8, 508], strides = [1, 1]} : vector<8x512xi32> to vector<8x508xi32>
      %slice3A_3899 = vector.extract_strided_slice %select_n3A_3882 {offsets = [0, 0], sizes = [8, 4], strides = [1, 1]} : vector<8x512xi32> to vector<8x4xi32>
      %concatenate3A_3900 = tpu.concatenate %slice3A_3898, %slice3A_3899 in 1 : vector<8x508xi32>, vector<8x4xi32> -> vector<8x512xi32>
      %slice3A_3901 = vector.extract_strided_slice %select_n3A_3882 {offsets = [0, 508], sizes = [8, 4], strides = [1, 1]} : vector<8x512xi32> to vector<8x4xi32>
      %slice3A_3902 = vector.extract_strided_slice %select_n3A_3882 {offsets = [0, 0], sizes = [8, 508], strides = [1, 1]} : vector<8x512xi32> to vector<8x508xi32>
      %concatenate3A_3903 = tpu.concatenate %slice3A_3901, %slice3A_3902 in 1 : vector<8x4xi32>, vector<8x508xi32> -> vector<8x512xi32>
      %select_n3A_3904 = arith.select %eq3A_3897, %concatenate3A_3900, %concatenate3A_3903 : vector<8x512xi1>, vector<8x512xi32>
      %slice3A_3905 = vector.extract_strided_slice %select_n3A_3883 {offsets = [0, 4], sizes = [8, 508], strides = [1, 1]} : vector<8x512xi32> to vector<8x508xi32>
      %slice3A_3906 = vector.extract_strided_slice %select_n3A_3883 {offsets = [0, 0], sizes = [8, 4], strides = [1, 1]} : vector<8x512xi32> to vector<8x4xi32>
      %concatenate3A_3907 = tpu.concatenate %slice3A_3905, %slice3A_3906 in 1 : vector<8x508xi32>, vector<8x4xi32> -> vector<8x512xi32>
      %slice3A_3908 = vector.extract_strided_slice %select_n3A_3883 {offsets = [0, 508], sizes = [8, 4], strides = [1, 1]} : vector<8x512xi32> to vector<8x4xi32>
      %slice3A_3909 = vector.extract_strided_slice %select_n3A_3883 {offsets = [0, 0], sizes = [8, 508], strides = [1, 1]} : vector<8x512xi32> to vector<8x508xi32>
      %concatenate3A_3910 = tpu.concatenate %slice3A_3908, %slice3A_3909 in 1 : vector<8x4xi32>, vector<8x508xi32> -> vector<8x512xi32>
      %select_n3A_3911 = arith.select %eq3A_3897, %concatenate3A_3907, %concatenate3A_3910 : vector<8x512xi1>, vector<8x512xi32>
      %gt3A_3912 = arith.cmpi sgt, %select_n3A_3882, %select_n3A_3904 : vector<8x512xi32>
      %eq3A_3913 = arith.cmpi eq, %select_n3A_3882, %select_n3A_3904 : vector<8x512xi32>
      %lt3A_3914 = arith.cmpi slt, %select_n3A_3883, %select_n3A_3911 : vector<8x512xi32>
      %and3A_3915 = arith.andi %eq3A_3913, %lt3A_3914 : vector<8x512xi1>
      %or3A_3916 = arith.ori %gt3A_3912, %and3A_3915 : vector<8x512xi1>
      %and3A_3917 = arith.andi %eq3A_3890, %or3A_3916 : vector<8x512xi1>
      %not3A_3918 = arith.constant dense<true> : vector<8x512xi1>
      %not3A_3919 = arith.xori %eq3A_3890, %not3A_3918 : vector<8x512xi1>
      %not3A_3920 = arith.constant dense<true> : vector<8x512xi1>
      %not3A_3921 = arith.xori %or3A_3916, %not3A_3920 : vector<8x512xi1>
      %and3A_3922 = arith.andi %not3A_3919, %not3A_3921 : vector<8x512xi1>
      %or3A_3923 = arith.ori %and3A_3917, %and3A_3922 : vector<8x512xi1>
      %select_n3A_3924 = arith.select %or3A_3923, %select_n3A_3882, %select_n3A_3904 : vector<8x512xi1>, vector<8x512xi32>
      %select_n3A_3925 = arith.select %or3A_3923, %select_n3A_3883, %select_n3A_3911 : vector<8x512xi1>, vector<8x512xi32>
      %iota3A_3926 = tpu.iota {dimensions = array<i32: 1>} : vector<8x512xi32>
      %and3A_3927 = arith.constant 2 : i32
      %and3A_3928 = vector.broadcast %and3A_3927 : i32 to vector<8x512xi32>
      %and3A_3929 = arith.andi %iota3A_3926, %and3A_3928 : vector<8x512xi32>
      %eq3A_3930 = arith.constant 0 : i32
      %eq3A_3931 = vector.broadcast %eq3A_3930 : i32 to vector<8x512xi32>
      %eq3A_3932 = arith.cmpi eq, %and3A_3929, %eq3A_3931 : vector<8x512xi32>
      %iota3A_3933 = tpu.iota {dimensions = array<i32: 1>} : vector<8x512xi32>
      %and3A_3934 = arith.constant 2 : i32
      %and3A_3935 = vector.broadcast %and3A_3934 : i32 to vector<8x512xi32>
      %and3A_3936 = arith.andi %iota3A_3933, %and3A_3935 : vector<8x512xi32>
      %eq3A_3937 = arith.constant 0 : i32
      %eq3A_3938 = vector.broadcast %eq3A_3937 : i32 to vector<8x512xi32>
      %eq3A_3939 = arith.cmpi eq, %and3A_3936, %eq3A_3938 : vector<8x512xi32>
      %slice3A_3940 = vector.extract_strided_slice %select_n3A_3924 {offsets = [0, 2], sizes = [8, 510], strides = [1, 1]} : vector<8x512xi32> to vector<8x510xi32>
      %slice3A_3941 = vector.extract_strided_slice %select_n3A_3924 {offsets = [0, 0], sizes = [8, 2], strides = [1, 1]} : vector<8x512xi32> to vector<8x2xi32>
      %concatenate3A_3942 = tpu.concatenate %slice3A_3940, %slice3A_3941 in 1 : vector<8x510xi32>, vector<8x2xi32> -> vector<8x512xi32>
      %slice3A_3943 = vector.extract_strided_slice %select_n3A_3924 {offsets = [0, 510], sizes = [8, 2], strides = [1, 1]} : vector<8x512xi32> to vector<8x2xi32>
      %slice3A_3944 = vector.extract_strided_slice %select_n3A_3924 {offsets = [0, 0], sizes = [8, 510], strides = [1, 1]} : vector<8x512xi32> to vector<8x510xi32>
      %concatenate3A_3945 = tpu.concatenate %slice3A_3943, %slice3A_3944 in 1 : vector<8x2xi32>, vector<8x510xi32> -> vector<8x512xi32>
      %select_n3A_3946 = arith.select %eq3A_3939, %concatenate3A_3942, %concatenate3A_3945 : vector<8x512xi1>, vector<8x512xi32>
      %slice3A_3947 = vector.extract_strided_slice %select_n3A_3925 {offsets = [0, 2], sizes = [8, 510], strides = [1, 1]} : vector<8x512xi32> to vector<8x510xi32>
      %slice3A_3948 = vector.extract_strided_slice %select_n3A_3925 {offsets = [0, 0], sizes = [8, 2], strides = [1, 1]} : vector<8x512xi32> to vector<8x2xi32>
      %concatenate3A_3949 = tpu.concatenate %slice3A_3947, %slice3A_3948 in 1 : vector<8x510xi32>, vector<8x2xi32> -> vector<8x512xi32>
      %slice3A_3950 = vector.extract_strided_slice %select_n3A_3925 {offsets = [0, 510], sizes = [8, 2], strides = [1, 1]} : vector<8x512xi32> to vector<8x2xi32>
      %slice3A_3951 = vector.extract_strided_slice %select_n3A_3925 {offsets = [0, 0], sizes = [8, 510], strides = [1, 1]} : vector<8x512xi32> to vector<8x510xi32>
      %concatenate3A_3952 = tpu.concatenate %slice3A_3950, %slice3A_3951 in 1 : vector<8x2xi32>, vector<8x510xi32> -> vector<8x512xi32>
      %select_n3A_3953 = arith.select %eq3A_3939, %concatenate3A_3949, %concatenate3A_3952 : vector<8x512xi1>, vector<8x512xi32>
      %gt3A_3954 = arith.cmpi sgt, %select_n3A_3924, %select_n3A_3946 : vector<8x512xi32>
      %eq3A_3955 = arith.cmpi eq, %select_n3A_3924, %select_n3A_3946 : vector<8x512xi32>
      %lt3A_3956 = arith.cmpi slt, %select_n3A_3925, %select_n3A_3953 : vector<8x512xi32>
      %and3A_3957 = arith.andi %eq3A_3955, %lt3A_3956 : vector<8x512xi1>
      %or3A_3958 = arith.ori %gt3A_3954, %and3A_3957 : vector<8x512xi1>
      %and3A_3959 = arith.andi %eq3A_3932, %or3A_3958 : vector<8x512xi1>
      %not3A_3960 = arith.constant dense<true> : vector<8x512xi1>
      %not3A_3961 = arith.xori %eq3A_3932, %not3A_3960 : vector<8x512xi1>
      %not3A_3962 = arith.constant dense<true> : vector<8x512xi1>
      %not3A_3963 = arith.xori %or3A_3958, %not3A_3962 : vector<8x512xi1>
      %and3A_3964 = arith.andi %not3A_3961, %not3A_3963 : vector<8x512xi1>
      %or3A_3965 = arith.ori %and3A_3959, %and3A_3964 : vector<8x512xi1>
      %select_n3A_3966 = arith.select %or3A_3965, %select_n3A_3924, %select_n3A_3946 : vector<8x512xi1>, vector<8x512xi32>
      %select_n3A_3967 = arith.select %or3A_3965, %select_n3A_3925, %select_n3A_3953 : vector<8x512xi1>, vector<8x512xi32>
      %iota3A_3968 = tpu.iota {dimensions = array<i32: 1>} : vector<8x512xi32>
      %and3A_3969 = arith.constant 1 : i32
      %and3A_3970 = vector.broadcast %and3A_3969 : i32 to vector<8x512xi32>
      %and3A_3971 = arith.andi %iota3A_3968, %and3A_3970 : vector<8x512xi32>
      %eq3A_3972 = arith.constant 0 : i32
      %eq3A_3973 = vector.broadcast %eq3A_3972 : i32 to vector<8x512xi32>
      %eq3A_3974 = arith.cmpi eq, %and3A_3971, %eq3A_3973 : vector<8x512xi32>
      %iota3A_3975 = tpu.iota {dimensions = array<i32: 1>} : vector<8x512xi32>
      %and3A_3976 = arith.constant 1 : i32
      %and3A_3977 = vector.broadcast %and3A_3976 : i32 to vector<8x512xi32>
      %and3A_3978 = arith.andi %iota3A_3975, %and3A_3977 : vector<8x512xi32>
      %eq3A_3979 = arith.constant 0 : i32
      %eq3A_3980 = vector.broadcast %eq3A_3979 : i32 to vector<8x512xi32>
      %eq3A_3981 = arith.cmpi eq, %and3A_3978, %eq3A_3980 : vector<8x512xi32>
      %slice3A_3982 = vector.extract_strided_slice %select_n3A_3966 {offsets = [0, 1], sizes = [8, 511], strides = [1, 1]} : vector<8x512xi32> to vector<8x511xi32>
      %slice3A_3983 = vector.extract_strided_slice %select_n3A_3966 {offsets = [0, 0], sizes = [8, 1], strides = [1, 1]} : vector<8x512xi32> to vector<8x1xi32>
      %concatenate3A_3984 = tpu.concatenate %slice3A_3982, %slice3A_3983 in 1 : vector<8x511xi32>, vector<8x1xi32> -> vector<8x512xi32>
      %slice3A_3985 = vector.extract_strided_slice %select_n3A_3966 {offsets = [0, 511], sizes = [8, 1], strides = [1, 1]} : vector<8x512xi32> to vector<8x1xi32>
      %slice3A_3986 = vector.extract_strided_slice %select_n3A_3966 {offsets = [0, 0], sizes = [8, 511], strides = [1, 1]} : vector<8x512xi32> to vector<8x511xi32>
      %concatenate3A_3987 = tpu.concatenate %slice3A_3985, %slice3A_3986 in 1 : vector<8x1xi32>, vector<8x511xi32> -> vector<8x512xi32>
      %select_n3A_3988 = arith.select %eq3A_3981, %concatenate3A_3984, %concatenate3A_3987 : vector<8x512xi1>, vector<8x512xi32>
      %slice3A_3989 = vector.extract_strided_slice %select_n3A_3967 {offsets = [0, 1], sizes = [8, 511], strides = [1, 1]} : vector<8x512xi32> to vector<8x511xi32>
      %slice3A_3990 = vector.extract_strided_slice %select_n3A_3967 {offsets = [0, 0], sizes = [8, 1], strides = [1, 1]} : vector<8x512xi32> to vector<8x1xi32>
      %concatenate3A_3991 = tpu.concatenate %slice3A_3989, %slice3A_3990 in 1 : vector<8x511xi32>, vector<8x1xi32> -> vector<8x512xi32>
      %slice3A_3992 = vector.extract_strided_slice %select_n3A_3967 {offsets = [0, 511], sizes = [8, 1], strides = [1, 1]} : vector<8x512xi32> to vector<8x1xi32>
      %slice3A_3993 = vector.extract_strided_slice %select_n3A_3967 {offsets = [0, 0], sizes = [8, 511], strides = [1, 1]} : vector<8x512xi32> to vector<8x511xi32>
      %concatenate3A_3994 = tpu.concatenate %slice3A_3992, %slice3A_3993 in 1 : vector<8x1xi32>, vector<8x511xi32> -> vector<8x512xi32>
      %select_n3A_3995 = arith.select %eq3A_3981, %concatenate3A_3991, %concatenate3A_3994 : vector<8x512xi1>, vector<8x512xi32>
      %gt3A_3996 = arith.cmpi sgt, %select_n3A_3966, %select_n3A_3988 : vector<8x512xi32>
      %eq3A_3997 = arith.cmpi eq, %select_n3A_3966, %select_n3A_3988 : vector<8x512xi32>
      %lt3A_3998 = arith.cmpi slt, %select_n3A_3967, %select_n3A_3995 : vector<8x512xi32>
      %and3A_3999 = arith.andi %eq3A_3997, %lt3A_3998 : vector<8x512xi1>
      %or3A_4000 = arith.ori %gt3A_3996, %and3A_3999 : vector<8x512xi1>
      %and3A_4001 = arith.andi %eq3A_3974, %or3A_4000 : vector<8x512xi1>
      %not3A_4002 = arith.constant dense<true> : vector<8x512xi1>
      %not3A_4003 = arith.xori %eq3A_3974, %not3A_4002 : vector<8x512xi1>
      %not3A_4004 = arith.constant dense<true> : vector<8x512xi1>
      %not3A_4005 = arith.xori %or3A_4000, %not3A_4004 : vector<8x512xi1>
      %and3A_4006 = arith.andi %not3A_4003, %not3A_4005 : vector<8x512xi1>
      %or3A_4007 = arith.ori %and3A_4001, %and3A_4006 : vector<8x512xi1>
      %select_n3A_4008 = arith.select %or3A_4007, %select_n3A_3966, %select_n3A_3988 : vector<8x512xi1>, vector<8x512xi32>
      %select_n3A_4009 = arith.select %or3A_4007, %select_n3A_3967, %select_n3A_3995 : vector<8x512xi1>, vector<8x512xi32>
      %bitcast_convert_type3A_4010 = tpu.bitcast %select_n3A_4008 : vector<8x512xi32> -> vector<8x512xf32>
      %swap3A_4011 = arith.constant 0 : index
      %swap3A_4012 = arith.constant 0 : index
      %swap3A_4013 = vector.load %arg5[%swap3A_4011, %swap3A_4012] : memref<8x512xf32, #tpu.memory_space<vmem>>, vector<8x512xf32>
      tpu.vector_store %arg5[%swap3A_4011, %swap3A_4012], %bitcast_convert_type3A_4010 {strides = array<i32>} : memref<8x512xf32, #tpu.memory_space<vmem>>, vector<8x512xf32>,
      %swap3A_4014 = arith.constant 0 : index
      %swap3A_4015 = arith.constant 0 : index
      %swap3A_4016 = vector.load %arg6[%swap3A_4014, %swap3A_4015] : memref<8x512xi32, #tpu.memory_space<vmem>>, vector<8x512xi32>
      tpu.vector_store %arg6[%swap3A_4014, %swap3A_4015], %select_n3A_4009 {strides = array<i32>} : memref<8x512xi32, #tpu.memory_space<vmem>>, vector<8x512xi32>,
      %iota3A_4017 = tpu.iota {dimensions = array<i32: 0>} : vector<8x512xi32>
      %mul3A_4018 = arith.constant 4096 : i32
      %mul3A_4019 = vector.broadcast %mul3A_4018 : i32 to vector<8x512xi32>
      %mul3A_4020 = arith.muli %mul3A_4019, %iota3A_4017 : vector<8x512xi32>
      %add3A_4021 = arith.addi %select_n3A_4009, %mul3A_4020 : vector<8x512xi32>
      %swap3A_4022 = arith.constant 0 : index
      %swap3A_4023 = arith.constant 0 : index
      %swap3A_4024 = vector.load %arg7[%swap3A_4022, %swap3A_4023] : memref<8x512xi32, #tpu.memory_space<vmem>>, vector<8x512xi32>
      tpu.vector_store %arg7[%swap3A_4022, %swap3A_4023], %add3A_4021 {strides = array<i32>} : memref<8x512xi32, #tpu.memory_space<vmem>>, vector<8x512xi32>,
    } else {
    }
    return
  }
  func.func @transform_0(%arg0: i32, %arg1: i32) -> (i32, i32, i32) {
    %c0_i32 = arith.constant 0 : i32
    %c0_i32_0 = arith.constant 0 : i32
    return %arg0, %arg1, %c0_i32 : i32, i32, i32
  }
  func.func @transform_1(%arg0: i32, %arg1: i32) -> (i32, i32) {
    %c0_i32 = arith.constant 0 : i32
    %c0_i32_0 = arith.constant 0 : i32
    %c0_i32_1 = arith.constant 0 : i32
    return %c0_i32, %c0_i32_0 : i32, i32
  }
  func.func @transform_2(%arg0: i32, %arg1: i32) -> i32 {
    %c0_i32 = arith.constant 0 : i32
    %c0_i32_0 = arith.constant 0 : i32
    return %c0_i32 : i32
  }
  func.func @transform_3(%arg0: i32, %arg1: i32) -> (i32, i32) {
    %c0_i32 = arith.constant 0 : i32
    %c0_i32_0 = arith.constant 0 : i32
    %c0_i32_1 = arith.constant 0 : i32
    return %c0_i32, %c0_i32_0 : i32, i32
  }
  func.func @transform_4(%arg0: i32, %arg1: i32) -> (i32, i32) {
    %c0_i32 = arith.constant 0 : i32
    %c0_i32_0 = arith.constant 0 : i32
    %c0_i32_1 = arith.constant 0 : i32
    return %c0_i32, %c0_i32_0 : i32, i32
  }
  func.func @transform_5(%arg0: i32, %arg1: i32) -> (i32, i32) {
    %c0_i32 = arith.constant 0 : i32
    %c0_i32_0 = arith.constant 0 : i32
    %c0_i32_1 = arith.constant 0 : i32
    return %c0_i32, %c0_i32_0 : i32, i32
  }
}

</mosaic_0001>

<sc_bundles>
// kernel: kernel.4.cloned.1.call-start
scs
__scs_entry_jumppad:
0x0: {  	(pc) =	sbr.rel $0x88, $3  }
0x1: {  	(tag) =	ssettag $0x0;
	lr =	simm.s32 $0x1  }
0x2: {  	[smem:$0x3F9D] =	sst lr;
	_ =	strace $0xD0000000  }
0x3: {  	_ = 	snop  }
0x4: {  	_ = 	snop  }
0x5: {  	_ = 	snop  }
0x6: {  	_ = 	snop  }
0x7: {  	_ = 	snop  }
__scs_overlays_trampoline_lowered:
0x8: {  	[smem:$0x3FAC] =	sst s0  }
0x9: {  	[smem:$0x3FAD] =	sst s1  }
0xa: {  	[smem:$0x3FAE] =	sst s2  }
0xb: {  	[smem:$0x3FAF] =	sst s3  }
0xc: {  	[smem:$0x3FB0] =	sst s4  }
0xd: {  	[smem:$0x3FB1] =	sst s5  }
0xe: {  	[smem:$0x3FB2] =	sst s6  }
0xf: {  	[smem:$0x3FB3] =	sst s7  }
0x10: {  	[smem:$0x3FB4] =	sst s8  }
0x11: {  	[smem:$0x3FB5] =	sst s9;
	s0 =	simm.s32 @!p0 $0x0  }
0x12: {  	s1 =	sld [smem:$0x3F9B];
	s0 =	simm.s32 @p0 $0x1  }
0x13: {  	[smem:$0x3FB6] =	sst s0;
	s0 =	simm.s32 @!p1 $0x0  }
0x14: {  	s2 =	sld [smem:$0x3F9A];
	s0 =	simm.s32 @p1 $0x1  }
0x15: {  	[smem:$0x3FB7] =	sst s0;
	s0 =	simm.s32 @!p2 $0x0  }
0x16: {  	s3 =	sld [smem:$0x3FDB];
	s0 =	simm.s32 @p2 $0x1  }
0x17: {  	s4 =	simm.s32 $0x1BF5;
	[smem:$0x3FB9] =	sst s0  }
0x18: {  	s0 =	sld [smem:$0x3F9C];
	_ =	swait.ge [sflag:s4], $0x0  }
0x19: {  	s7 =	sld [smem:$0x3F9D]  }
0x1a: {  	s8 =	sadd.s32 $0xFFFFE003, lr  }
0x1b: {  	s9 =	sadd.s32 $0xFFFFFEF7, lr;
	s5 =	simm.s32 $0xFFFFFFFF;
	p2 =	slt.u32 s8, $0xFFFFF086  }
0x1c: {  	p1 =	slt.u32 s9, $0xF7A;
	s5 =	simm.s32 @!p2 $0x0  }
0x1d: {  	s5 =	simm.s32 @p1 $0x1;
	p0 =	seq.s32 s7, s2  }
0x1e: {  	s7 =	smul.u32 @!p0 $0xF7A, s2;
	p2 =	seq.s32 @!p0 s5, $0x0  }
0x1f: {  	s9 =	smul.u32 $0xF7A, s1;
	s8 =	simm.s32 @!p0 $0x1BF5;
	p2 =	por !p2, p0  }
0x20: {  	[sflag:s8] =	ssyncset.s32 @!p0 $0xFFFFF086;
	s6 =	sadd.s32 @!p0 s3, s7;
	s7 =	simm.s32 @!p0 $0x108  }
0x21: {  	s3 =	sadd.s32 s3, s9;
	s6 =	sadd.s32 @!p0 $0x88, s6;
	s7 =	simm.s32 @p2 $0x1082  }
0x22: {  	[simem:s7], [sflag:s8] =	dma.local @!p0 [hbm:s6], $0xF7A  }
0x23: {  	s9 =	sor.u32 $0xD0000000, s2;
	s6 =	simm.s32 $0x108;
	_ =	swait.ge @!p0 [sflag:s8], $0x0  }
0x24: {  	s3 =	sadd.s32 $0x88, s3;
	s6 =	simm.s32 @!p1 $0x1082;
	[sflag:s4] =	ssyncset.s32 $0xFFFFF086  }
0x25: {  	[simem:s6], [sflag:s4] =	dma.local [hbm:s3], $0xF7A  }
0x26: {  	[smem:$0x3F9D] =	sst s1;
	(tag) =	ssettag s2;
	_ =	strace s9  }
0x27: {  	s1 =	sld [smem:$0x3FAD]  }
0x28: {  	s2 =	sld [smem:$0x3FAE]  }
0x29: {  	s4 =	sld [smem:$0x3FB0]  }
0x2a: {  	p0 =	seq.s32 s5, $0x0;
	s5 =	sld [smem:$0x3FB1]  }
0x2b: {  	s6 =	sld [smem:$0x3FB2]  }
0x2c: {  	s7 =	sld [smem:$0x3FB3]  }
0x2d: {  	s3 =	simm.s32 $0x108;
	s8 =	sld [smem:$0x3FB4]  }
0x2e: {  	s3 =	simm.s32 @!p0 $0x1082;
	s9 =	sld [smem:$0x3FB5]  }
0x2f: {  	lr =	sadd.s32 s0, s3;
	s0 =	sld [smem:$0x3FAC]  }
0x30: {  	s3 =	sld [smem:$0x3FAF]  }
0x31: {  	[smem:$0x3FB8] =	sst s10  }
0x32: {  	s10 =	sld [smem:$0x3FB6];
	_ =	sdelay $0x3  }
0x33: {  	p0 =	seq.s32 s10, $0x1;
	s10 =	sld [smem:$0x3FB8];
	_ =	sdelay $0x3  }
0x34: {  	[smem:$0x3FB8] =	sst s10  }
0x35: {  	s10 =	sld [smem:$0x3FB7];
	_ =	sdelay $0x3  }
0x36: {  	p1 =	seq.s32 s10, $0x1;
	s10 =	sld [smem:$0x3FB8];
	_ =	sdelay $0x3  }
0x37: {  	[smem:$0x3FB8] =	sst s10  }
0x38: {  	s10 =	sld [smem:$0x3FB9]  }
0x39: {  	_ = 	snop;
	(pc) =	sbr.ind lr, $3  }
0x3a: {  	_ = 	snop  }
0x3b: {  	_ = 	snop  }
0x3c: {  	p2 =	seq.s32 s10, $0x1;
	s10 =	sld [smem:$0x3FB8]  }
0x3d: {  	_ =	shalt  }
0x3e: {  	_ =	shalt  }
0x3f: {  	_ =	shalt  }
0x40: {  	_ =	shalt  }
0x41: {  	_ =	shalt  }
0x42: {  	_ =	shalt  }
0x43: {  	_ =	shalt  }
0x44: {  	_ =	shalt  }
0x45: {  	_ =	shalt  }
0x46: {  	_ =	shalt  }
0x47: {  	_ =	shalt  }
0x48: {  	_ =	shalt  }
0x49: {  	_ =	shalt  }
0x4a: {  	_ =	shalt  }
0x4b: {  	_ =	shalt  }
0x4c: {  	_ =	shalt  }
0x4d: {  	_ =	shalt  }
0x4e: {  	_ =	shalt  }
0x4f: {  	_ =	shalt  }
0x50: {  	_ =	shalt  }
0x51: {  	_ =	shalt  }
0x52: {  	_ =	shalt  }
0x53: {  	_ =	shalt  }
0x54: {  	_ =	shalt  }
0x55: {  	_ =	shalt  }
0x56: {  	_ =	shalt  }
0x57: {  	_ =	shalt  }
0x58: {  	_ =	shalt  }
0x59: {  	_ =	shalt  }
0x5a: {  	_ =	shalt  }
0x5b: {  	_ =	shalt  }
0x5c: {  	_ =	shalt  }
0x5d: {  	_ =	shalt  }
0x5e: {  	_ =	shalt  }
0x5f: {  	_ =	shalt  }
0x60: {  	_ =	shalt  }
0x61: {  	_ =	shalt  }
0x62: {  	_ =	shalt  }
0x63: {  	_ =	shalt  }
0x64: {  	_ =	shalt  }
0x65: {  	_ =	shalt  }
0x66: {  	_ =	shalt  }
0x67: {  	_ =	shalt  }
0x68: {  	_ =	shalt  }
0x69: {  	_ =	shalt  }
0x6a: {  	_ =	shalt  }
0x6b: {  	_ =	shalt  }
0x6c: {  	_ =	shalt  }
0x6d: {  	_ =	shalt  }
0x6e: {  	_ =	shalt  }
0x6f: {  	_ =	shalt  }
0x70: {  	_ =	shalt  }
0x71: {  	_ =	shalt  }
0x72: {  	_ =	shalt  }
0x73: {  	_ =	shalt  }
0x74: {  	_ =	shalt  }
0x75: {  	_ =	shalt  }
0x76: {  	_ =	shalt  }
0x77: {  	_ =	shalt  }
0x78: {  	_ =	shalt  }
0x79: {  	_ =	shalt  }
0x7a: {  	_ =	shalt  }
0x7b: {  	_ =	shalt  }
0x7c: {  	_ =	shalt  }
0x7d: {  	_ =	shalt  }
0x7e: {  	_ =	shalt  }
0x7f: {  	_ =	shalt  }
0x80: {  	_ =	shalt  }
0x81: {  	_ =	shalt  }
0x82: {  	_ =	shalt  }
0x83: {  	_ =	shalt  }
0x84: {  	_ =	shalt  }
0x85: {  	_ =	shalt  }
0x86: {  	_ =	shalt  }
0x87: {  	_ =	shalt  }
.Lfunc_end0:
.L_simem_size_0:
called_computation_lowered:
.L_overlay_start_0:
0x88: {  	s2 =	sld [smem:$0x3FD9]  }
0x89: {  	s3 =	sld [smem:$0x3FFE];
	_ =	sdelay $0x1  }
0x8a: {  	s1 =	srdreg.scid  }
0x8b: {  	s0 =	sand.u32 $0x1, s1  }
0x8c: {  	s14 =	sshll.u32 s0, $0xA;
	s2 =	sadd.s32 s3, s2  }
0x8d: {  	s2 =	sadd.s32 s2, s14  }
0x8e: {  	[smem:$0x3FC4] =	sst s2  }
0x8f: {  	_ = 	snop  }
0x90: {  	s2 =	sld [smem:$0x3FD0];
	_ =	sdelay $0x2  }
0x91: {  	s4 =	simm.s32 $0xA;
	s5 =	simm.s32 $0x10;
	s15 =	sld [smem:$0x3FC9]  }
0x92: {  	[smem:s5], [sflag:s4] =	dma.local [hbm:s2], $0x1  }
0x93: {  	_ =	swait.eq [sflag:s4], $0x1  }
0x94: {  	[sflag:s4] =	ssyncset.done $0x0  }
0x95: {  	[sflag:s4] =	ssyncadd.s32 $0xFFFFFFFF  }
0x96: {  	s16 =	sld [smem:$0x10];
	(tm) =	ssettm $0x1  }
0x97: {  	s17 =	sld [smem:$0x3FFB];
	_ =	sdelay $0x3  }
0x98: {  	_ =	strace s17  }
0x99: {  	s4 =	sld [smem:$0x3FFC];
	_ =	sdelay $0x3  }
0x9a: {  	_ =	strace s4  }
0x9b: {  	s4 =	sld [smem:$0x3FFD];
	_ =	sdelay $0x3  }
0x9c: {  	_ =	strace s4  }
0x9d: {  	_ =	strace $0x8FFFFFFF  }
0x9e: {  	s18 =	sld [smem:$0x3FDB];
	_ =	sdelay $0x1  }
0x9f: {  	s19 =	simm.s32 $_scs_section_size  }
0xa0: {  	s6 =	simm.s32 $_size__tile_overlayer_lowered;
	s7 =	simm.s32 $_tile_overlayer_lowered  }
0xa1: {  	s22 =	simm.s32 $0x1BFF;
	s21 =	sshll.u32 s7, $0x1;
	s4 =	sadd.s32 s19, s18  }
0xa2: {  	s8 =	simm.s32 $0x0;
	s20 =	sshll.u32 s6, $0x1;
	s6 =	sadd.s32 s21, s4  }
0xa3: {  	[timem:s8], [sflag:s22] =	dma.local [hbm:s6], s20  }
0xa4: {  	_ =	swait.ge [sflag:s22], s20  }
0xa5: {  	s5 =	ssub.s32 $0x0, s20;
	[sflag:s22] =	ssyncset.done $0x0  }
0xa6: {  	[sflag:s22] =	ssyncadd.s32 s5;
	_ =	sdelay $0x1  }
0xa7: {  	s23 =	simm.s32 $0x1B8B  }
0xa8: {  	_ =	swait.ge [sflag:s23], $0x1  }
0xa9: {  	[sflag:s23] =	ssyncset.done $0x0  }
0xaa: {  	s25 =	simm.s32 $0x1B8E;
	s24 =	sld [smem:$0x3FFE];
	[sflag:s23] =	ssyncadd.s32 $0xFFFFFFFF  }
0xab: {  	s26 =	simm.s32 $execute0_lowered;
	[smem:$0x3FD2] =	sst s25  }
0xac: {  	s6 =	sshll.u32 s26, $0x1;
	_ =	strace $0x80000046;
	[dreg:$0x1] =	wrdreg $0xFFFFFFFF  }
0xad: {  	s28 =	simm.s32 $_size_execute0_lowered;
	s4 =	sadd.s32 s4, s6;
	[dreg:$0x0] =	wrdreg $0x0  }
0xae: {  	s6 =	sshll.u32 s28, $0x1;
	[dreg:$0x2] =	wrdreg s4  }
0xaf: {  	[dreg:$0x3] =	wrdreg s6  }
0xb0: {  	[dreg:$0x4] =	wrdreg $0xC0  }
0xb1: {  	_ =	task [dreg:s8], $0x5FFFF  }
0xb2: {  	[dreg:$0x1] =	wrdreg $0xFFFFFFFF  }
0xb3: {  	[dreg:$0x0] =	wrdreg $0x60  }
0xb4: {  	[dreg:$0x2] =	wrdreg s15  }
0xb5: {  	[dreg:$0x3] =	wrdreg s24  }
0xb6: {  	[dreg:$0x4] =	wrdreg s16  }
0xb7: {  	[dreg:$0x5] =	wrdreg $0x9  }
0xb8: {  	_ =	task.clear_ibuf [dreg:s8], $0x6FFFF;
	_ =	strace $0x90000046  }
0xb9: {  	s29 =	simm.s32 $0x9;
	_ =	strace $0x80000048  }
0xba: {  	_ =	swait.ge [sflag:s29], $0x1  }
0xbb: {  	[sflag:s29] =	ssyncadd.s32 $0xFFFFFFFF  }
0xbc: {  	_ =	strace $0x90000048  }
0xbd: {  	_ =	sfence  }
0xbe: {  	s30 =	sld [smem:$0x0];
	_ =	sdelay $0x2  }
0xbf: {  	s31 =	sshll.u32 s1, $0xD;
	s1 =	sshrl.u32 s1, $0x2  }
0xc0: {  	s3 =	sand.u32 $0x4000, s31;
	s1 =	sadd.s32 s1, s30  }
0xc1: {  	s0 =	sor.u32 s3, s0;
	s1 =	sshll.u32 s1, $0x11  }
0xc2: {  	s0 =	sor.u32 s1, s0  }
0xc3: {  	s0 =	sadd.s32 $0x8F2B, s0  }
0xc4: {  	[sflag:s0] =	ssyncadd.remote.s32 $0x1  }
0xc5: {  	_ =	sfence.sel $0xFFFF  }
0xc6: {  	[dreg:$0x0] =	wrdreg $0xFFFFFFFF;
	(pc) =	sbr.abs _section_cstart, $3  }
0xc7: {  	[dreg:$0x1] =	wrdreg $0xFFFFFFFF  }
0xc8: {  	_ =	task.clear_ibuf [dreg:s8], $0x2FFFF;
	_ =	strace $0x9FFFFFFF  }
0xc9: {  	(tm) =	ssettm $0x7FFFFFFF  }
tec
execute0_lowered:
.L_overlay_start_1:
0x0: {  	(tag) =	ssettag $0x1  }
0x1: {  	s1 =	rddreg [dreg:$0x0]  }
0x2: {  	s0 =	rddreg [dreg:$0x1]  }
0x3: {  	s2 =	rddreg [dreg:$0x2]  }
0x4: {  	s3 =	simm.s32 $0x0;
	s6 =	stileid.u32;
	s4 =	srdreg.scid  }
0x5: {  	s11 =	simm.s32 $0x1880;
	s12 =	simm.s32 $0x2080;
	s13 =	simm.s32 $0x2880  }
0x6: {  	s14 =	simm.s32 $0x3080;
	s15 =	simm.s32 $0x3880;
	s16 =	simm.s32 $0x4080  }
0x7: {  	s17 =	simm.s32 $0x4880;
	s18 =	simm.s32 $0x5080;
	s19 =	simm.s32 $0x5880  }
0x8: {  	s20 =	simm.s32 $0x6080;
	s21 =	simm.s32 $0x6880;
	s22 =	simm.s32 $0x7080  }
0x9: {  	s23 =	simm.s32 $0x7880;
	s24 =	simm.s32 $0x8080;
	s25 =	simm.s32 $0x1  }
0xa: {  	s26 =	simm.s32 $0x0;
	[smem:$0x7FF] =	sst s3;
	s5 =	sshll.u32 s6, $0x3  }
0xb: {  	s4 =	sand.u32 $0x1, s4;
	s6 =	sshll.u32 s6, $0x1;
	_ =	strace $0x80000047  }
0xc: {  	s5 =	sand.u32 $0x70, s5;
	s6 =	sor.u32 s4, s6;
	s4 =	ssub.s32 $0x2, s4  }
0xd: {  	s5 =	sadd.s32 s5, s0;
	s7 =	sshll.u32 s6, $0x7;
	s8 =	sshll.u32 s6, $0x8  }
0xe: {  	s9 =	sshrl.u32 s4, $0x1;
	s31 =	sshll.u32 s6, $0xC;
	s7 =	sand.u32 $0x180, s7  }
0xf: {  	v2 =	vlaneseq.u32;
	s0 =	sadd.s32 s8, s0;
	s29 =	ssub.s32 s4, s9;
	s6 =	sadd.s32 s2, s31  }
0x10: {  	vm0 =	vmmov $0xffff;
	v1 =	vshrl.u32 v2, $0x3;
	s8 =	simm.s32 $0x2;
	s9 =	simm.s32 $0x880;
	s30 =	sadd.s32 s7, s5  }
0x11: {  	v0 =	vand.u32 $0x7, v2;
	v2 =	vor.u32 $0x8, v2;
	v1 =	vmul.u32 $0x8, v1;
	s5 =	sadd.s32 $0x600, s0;
	s7 =	smax.u32 s29, $0x1;
	s4 =	sadd.s32 $0x400, s30  }
.LBB2_1:
0x12: {  	[tilespmem:s3], [sflag:$0x2] =	stream.linear.gather [hbm4b:s4+s3], $0x80, $0x38;
	[tilespmem:$0x8880] =	vst v63  }
0x13: {  	_ =	swait.ge [sflag:s8], $0x80  }
0x14: {  	[sflag:s8] =	ssyncset.done $0x0  }
0x15: {  	s29 =	simm.s32 $0x80;
	[sflag:s8] =	ssyncadd.s32 $0xFFFFFF80  }
0x16: {  	[tilespmem:s29], [sflag:$0x2] =	stream.linear.gather [hbm4b:s5+s3], $0x800, $0x38;
	[tilespmem:$0x8880] =	vst v63  }
0x17: {  	_ =	swait.ge [sflag:s8], $0x800  }
0x18: {  	[sflag:s8] =	ssyncset.done $0x0  }
0x19: {  	[sflag:s8] =	ssyncadd.s32 $0xFFFFF800  }
0x1a: {  	v3 =	vld [tilespmem:$0x0];
	_ =	sdelay $0x4  }
0x1b: {  	v4 =	vshll.u32 v3, $0x1  }
0x1c: {  	v3 =	vand.u32 $0x7, v3;
	v4 =	vand.u32 $0xFFFFFFF0, v4  }
0x1d: {  	v3 =	vor.u32 v3, v4  }
0x1e: {  	v4 =	vperm.xlane v3, v0;
	_ =	sdelay $0x1  }
0x1f: {  	v3 =	vperm.xlane v3, v2;
	v4 =	vadd.s32 v1, v4;
	_ =	sdelay $0x1  }
0x20: {  	v3 =	vadd.s32 v1, v3;
	_ =	sdelay $0x2  }
0x21: {  	[tilespmem:s9], [sflag:$0x1] =	stream.indirect_vreg.gather [hbm4b:s1+s3], $0x80, v4, vm0, $0xb8;
	[tilespmem:$0x8880] =	vst v63  }
0x22: {  	s0 =	simm.s32 $0x1080  }
0x23: {  	[tilespmem:s0], [sflag:$0x1] =	stream.indirect_vreg.gather [hbm4b:s1+s3], $0x80, v3, vm0, $0xb8;
	[tilespmem:$0x8880] =	vst v63  }
0x24: {  	v3 =	vld [tilespmem:$0x10];
	_ =	sdelay $0x4  }
0x25: {  	v4 =	vshll.u32 v3, $0x1  }
0x26: {  	v3 =	vand.u32 $0x7, v3;
	v4 =	vand.u32 $0xFFFFFFF0, v4  }
0x27: {  	v3 =	vor.u32 v3, v4  }
0x28: {  	v4 =	vperm.xlane v3, v0;
	_ =	sdelay $0x1  }
0x29: {  	v3 =	vperm.xlane v3, v2;
	v4 =	vadd.s32 v1, v4;
	_ =	sdelay $0x1  }
0x2a: {  	v3 =	vadd.s32 v1, v3;
	_ =	sdelay $0x2  }
0x2b: {  	[tilespmem:s11], [sflag:$0x1] =	stream.indirect_vreg.gather [hbm4b:s1+s3], $0x80, v4, vm0, $0xb8;
	[tilespmem:$0x8880] =	vst v63  }
0x2c: {  	_ = 	snop  }
0x2d: {  	[tilespmem:s12], [sflag:$0x1] =	stream.indirect_vreg.gather [hbm4b:s1+s3], $0x80, v3, vm0, $0xb8;
	[tilespmem:$0x8880] =	vst v63  }
0x2e: {  	v3 =	vld [tilespmem:$0x20];
	_ =	sdelay $0x4  }
0x2f: {  	v4 =	vshll.u32 v3, $0x1  }
0x30: {  	v3 =	vand.u32 $0x7, v3;
	v4 =	vand.u32 $0xFFFFFFF0, v4  }
0x31: {  	v3 =	vor.u32 v3, v4  }
0x32: {  	v4 =	vperm.xlane v3, v0;
	_ =	sdelay $0x1  }
0x33: {  	v3 =	vperm.xlane v3, v2;
	v4 =	vadd.s32 v1, v4;
	_ =	sdelay $0x1  }
0x34: {  	v3 =	vadd.s32 v1, v3;
	_ =	sdelay $0x2  }
0x35: {  	[tilespmem:s13], [sflag:$0x1] =	stream.indirect_vreg.gather [hbm4b:s1+s3], $0x80, v4, vm0, $0xb8;
	[tilespmem:$0x8880] =	vst v63  }
0x36: {  	_ = 	snop  }
0x37: {  	[tilespmem:s14], [sflag:$0x1] =	stream.indirect_vreg.gather [hbm4b:s1+s3], $0x80, v3, vm0, $0xb8;
	[tilespmem:$0x8880] =	vst v63  }
0x38: {  	v3 =	vld [tilespmem:$0x30];
	_ =	sdelay $0x4  }
0x39: {  	v4 =	vshll.u32 v3, $0x1  }
0x3a: {  	v3 =	vand.u32 $0x7, v3;
	v4 =	vand.u32 $0xFFFFFFF0, v4  }
0x3b: {  	v3 =	vor.u32 v3, v4  }
0x3c: {  	v4 =	vperm.xlane v3, v0;
	_ =	sdelay $0x1  }
0x3d: {  	v3 =	vperm.xlane v3, v2;
	v4 =	vadd.s32 v1, v4;
	_ =	sdelay $0x1  }
0x3e: {  	v3 =	vadd.s32 v1, v3;
	_ =	sdelay $0x2  }
0x3f: {  	[tilespmem:s15], [sflag:$0x1] =	stream.indirect_vreg.gather [hbm4b:s1+s3], $0x80, v4, vm0, $0xb8;
	[tilespmem:$0x8880] =	vst v63  }
0x40: {  	_ = 	snop  }
0x41: {  	[tilespmem:s16], [sflag:$0x1] =	stream.indirect_vreg.gather [hbm4b:s1+s3], $0x80, v3, vm0, $0xb8;
	[tilespmem:$0x8880] =	vst v63  }
0x42: {  	v3 =	vld [tilespmem:$0x40];
	_ =	sdelay $0x4  }
0x43: {  	v4 =	vshll.u32 v3, $0x1  }
0x44: {  	v3 =	vand.u32 $0x7, v3;
	v4 =	vand.u32 $0xFFFFFFF0, v4  }
0x45: {  	v3 =	vor.u32 v3, v4  }
0x46: {  	v4 =	vperm.xlane v3, v0;
	_ =	sdelay $0x1  }
0x47: {  	v3 =	vperm.xlane v3, v2;
	v4 =	vadd.s32 v1, v4;
	_ =	sdelay $0x1  }
0x48: {  	v3 =	vadd.s32 v1, v3;
	_ =	sdelay $0x2  }
0x49: {  	[tilespmem:s17], [sflag:$0x1] =	stream.indirect_vreg.gather [hbm4b:s1+s3], $0x80, v4, vm0, $0xb8;
	[tilespmem:$0x8880] =	vst v63  }
0x4a: {  	_ = 	snop  }
0x4b: {  	[tilespmem:s18], [sflag:$0x1] =	stream.indirect_vreg.gather [hbm4b:s1+s3], $0x80, v3, vm0, $0xb8;
	[tilespmem:$0x8880] =	vst v63  }
0x4c: {  	v3 =	vld [tilespmem:$0x50];
	_ =	sdelay $0x4  }
0x4d: {  	v4 =	vshll.u32 v3, $0x1  }
0x4e: {  	v3 =	vand.u32 $0x7, v3;
	v4 =	vand.u32 $0xFFFFFFF0, v4  }
0x4f: {  	v3 =	vor.u32 v3, v4  }
0x50: {  	v4 =	vperm.xlane v3, v0;
	_ =	sdelay $0x1  }
0x51: {  	v3 =	vperm.xlane v3, v2;
	v4 =	vadd.s32 v1, v4;
	_ =	sdelay $0x1  }
0x52: {  	v3 =	vadd.s32 v1, v3;
	_ =	sdelay $0x2  }
0x53: {  	[tilespmem:s19], [sflag:$0x1] =	stream.indirect_vreg.gather [hbm4b:s1+s3], $0x80, v4, vm0, $0xb8;
	[tilespmem:$0x8880] =	vst v63  }
0x54: {  	_ = 	snop  }
0x55: {  	[tilespmem:s20], [sflag:$0x1] =	stream.indirect_vreg.gather [hbm4b:s1+s3], $0x80, v3, vm0, $0xb8;
	[tilespmem:$0x8880] =	vst v63  }
0x56: {  	v3 =	vld [tilespmem:$0x60];
	_ =	sdelay $0x4  }
0x57: {  	v4 =	vshll.u32 v3, $0x1  }
0x58: {  	v3 =	vand.u32 $0x7, v3;
	v4 =	vand.u32 $0xFFFFFFF0, v4  }
0x59: {  	v3 =	vor.u32 v3, v4  }
0x5a: {  	v4 =	vperm.xlane v3, v0;
	_ =	sdelay $0x1  }
0x5b: {  	v3 =	vperm.xlane v3, v2;
	v4 =	vadd.s32 v1, v4;
	_ =	sdelay $0x1  }
0x5c: {  	v3 =	vadd.s32 v1, v3;
	_ =	sdelay $0x2  }
0x5d: {  	[tilespmem:s21], [sflag:$0x1] =	stream.indirect_vreg.gather [hbm4b:s1+s3], $0x80, v4, vm0, $0xb8;
	[tilespmem:$0x8880] =	vst v63  }
0x5e: {  	_ = 	snop  }
0x5f: {  	[tilespmem:s22], [sflag:$0x1] =	stream.indirect_vreg.gather [hbm4b:s1+s3], $0x80, v3, vm0, $0xb8;
	[tilespmem:$0x8880] =	vst v63  }
0x60: {  	v3 =	vld [tilespmem:$0x70];
	_ =	sdelay $0x4  }
0x61: {  	v4 =	vshll.u32 v3, $0x1  }
0x62: {  	v3 =	vand.u32 $0x7, v3;
	v4 =	vand.u32 $0xFFFFFFF0, v4  }
0x63: {  	v3 =	vor.u32 v3, v4  }
0x64: {  	v4 =	vperm.xlane v3, v0;
	_ =	sdelay $0x1  }
0x65: {  	v3 =	vperm.xlane v3, v2;
	v4 =	vadd.s32 v1, v4;
	_ =	sdelay $0x1  }
0x66: {  	v3 =	vadd.s32 v1, v3;
	_ =	sdelay $0x2  }
0x67: {  	[tilespmem:s23], [sflag:$0x1] =	stream.indirect_vreg.gather [hbm4b:s1+s3], $0x80, v4, vm0, $0xb8;
	[tilespmem:$0x8880] =	vst v63  }
0x68: {  	_ = 	snop  }
0x69: {  	[tilespmem:s24], [sflag:$0x1] =	stream.indirect_vreg.gather [hbm4b:s1+s3], $0x80, v3, vm0, $0xb8;
	[tilespmem:$0x8880] =	vst v63  }
0x6a: {  	_ =	swait.ge [sflag:s25], $0x8000  }
0x6b: {  	s10 =	sand.u32 $0x7800, s3;
	s2 =	sand.u32 $0x380, s3;
	[sflag:s25] =	ssyncset.done $0x0  }
0x6c: {  	s28 =	sor.u32 s2, s10;
	[sflag:s25] =	ssyncadd.s32 $0xFFFF8000  }
0x6d: {  	v5 =	vld [tilespmem:s28+$0xCB0]  }
0x6e: {  	v10 =	vld [tilespmem:s29+$0x0]  }
0x6f: {  	v7 =	vld [tilespmem:s28+$0xCD0]  }
0x70: {  	v3 =	vld [tilespmem:s28+$0xCC0]  }
0x71: {  	v8 =	vld [tilespmem:s28+$0xC80]  }
0x72: {  	v9 =	vld [tilespmem:s28+$0x8D0]  }
0x73: {  	v4 =	vld [tilespmem:s28+$0xC90];
	v5 =	vmul.f32 v5, v10  }
0x74: {  	v6 =	vld [tilespmem:s28+$0x8C0];
	v7 =	vmul.f32 v7, v10  }
0x75: {  	v11 =	vld [tilespmem:s28+$0xCF0];
	v3 =	vmul.f32 v3, v10;
	[tilespmem:s28+$0xCB0] =	vst v5  }
0x76: {  	v13 =	vld [tilespmem:s28+$0x8B0];
	v8 =	vmul.f32 v8, v10;
	[tilespmem:s28+$0xCD0] =	vst v7  }
0x77: {  	v14 =	vld [tilespmem:s28+$0x8A0];
	v9 =	vmul.f32 v9, v10;
	[tilespmem:s28+$0xCC0] =	vst v3  }
0x78: {  	v12 =	vld [tilespmem:s28+$0xCA0];
	v4 =	vmul.f32 v4, v10;
	[tilespmem:s28+$0xC80] =	vst v8  }
0x79: {  	s2 =	simm.s32 $0x100;
	s29 =	simm.s32 $0x80;
	v6 =	vmul.f32 v6, v10;
	v7 =	vld [tilespmem:s28+$0x8E0];
	[tilespmem:s28+$0x8D0] =	vst v9  }
0x7a: {  	s0 =	sand.u32 $0x7800, s2;
	s10 =	sand.u32 $0x380, s29;
	v11 =	vmul.f32 v11, v10;
	v5 =	vld [tilespmem:s28+$0xCE0];
	[tilespmem:s28+$0xC90] =	vst v4  }
0x7b: {  	s30 =	sor.u32 s10, s0;
	v3 =	vld [tilespmem:s28+$0x8F0];
	v9 =	vmul.f32 v13, v10;
	[tilespmem:s28+$0x8C0] =	vst v6  }
0x7c: {  	v4 =	vmul.f32 v14, v10;
	v6 =	vld [tilespmem:s30+$0xCC0];
	[tilespmem:s28+$0xCF0] =	vst v11  }
0x7d: {  	v8 =	vld [tilespmem:s28+$0x890];
	[tilespmem:s28+$0x8B0] =	vst v9;
	v9 =	vmul.f32 v12, v10  }
0x7e: {  	v62 =	vld [tilespmem:s28+$0x880];
	[tilespmem:s28+$0x8A0] =	vst v4;
	v7 =	vmul.f32 v7, v10  }
0x7f: {  	v4 =	vld [tilespmem:s30+$0xC90];
	[tilespmem:s28+$0xCA0] =	vst v9;
	v5 =	vmul.f32 v5, v10  }
0x80: {  	v3 =	vmul.f32 v3, v10;
	v9 =	vld [tilespmem:s30+$0xC80];
	[tilespmem:s28+$0x8E0] =	vst v7  }
0x81: {  	[tilespmem:s28+$0xCE0] =	vst v5;
	v7 =	vld [tilespmem:s30+$0x8C0]  }
0x82: {  	v63 =	vmul.f32 v8, v10;
	[tilespmem:s28+$0x8F0] =	vst v3;
	v5 =	vld [tilespmem:s30+$0xCF0]  }
0x83: {  	v10 =	vmul.f32 v62, v10;
	v3 =	vld [tilespmem:s30+$0x8F0]  }
0x84: {  	s31 =	simm.s32 $0x90;
	s2 =	simm.s32 $0x90;
	s0 =	simm.s32 $0x200;
	[tilespmem:s28+$0x890] =	vst v63;
	v8 =	vld [tilespmem:s30+$0x8D0]  }
.LBB2_2:
0x85: {  	p0 =	sne.s32 s0, $0x7F00;
	v11 =	vld [tilespmem:s30+$0xCB0];
	s29 =	sadd.s32 $0x80, s29;
	s31 =	sadd.s32 $0x10, s31;
	[tilespmem:s28+$0x880] =	vst v10  }
0x86: {  	s10 =	smov.u32 s0;
	s0 =	sadd.s32 $0x100, s0;
	v12 =	vld [tilespmem:s2+$0x0];
	s2 =	smov.u32 s31  }
0x87: {  	s28 =	smov.u32 s30;
	v10 =	vld [tilespmem:s30+$0xCD0]  }
0x88: {  	v13 =	vld [tilespmem:s28+$0x8A0]  }
0x89: {  	v14 =	vld [tilespmem:s28+$0xCA0]  }
0x8a: {  	v15 =	vld [tilespmem:s28+$0x8B0]  }
0x8b: {  	v16 =	vld [tilespmem:s28+$0x880];
	v11 =	vmul.f32 v11, v12  }
0x8c: {  	v17 =	vld [tilespmem:s28+$0x890];
	v10 =	vmul.f32 v10, v12  }
0x8d: {  	v7 =	vmul.f32 v7, v12;
	v6 =	vmul.f32 v6, v12;
	[tilespmem:s28+$0xCB0] =	vst v11;
	v11 =	vld [tilespmem:s28+$0xCE0]  }
0x8e: {  	v9 =	vmul.f32 v9, v12;
	v18 =	vld [tilespmem:s28+$0x8E0];
	v14 =	vmul.f32 v14, v12;
	[tilespmem:s28+$0xCD0] =	vst v10  }
0x8f: {  	v8 =	vmul.f32 v8, v12;
	v15 =	vmul.f32 v15, v12;
	[tilespmem:s28+$0xCC0] =	vst v6  }
0x90: {  	v4 =	vmul.f32 v4, v12;
	v10 =	vmul.f32 v16, v12;
	[tilespmem:s28+$0xC80] =	vst v9  }
0x91: {  	v3 =	vmul.f32 v3, v12;
	v16 =	vmul.f32 v17, v12;
	[tilespmem:s28+$0x8D0] =	vst v8  }
0x92: {  	v5 =	vmul.f32 v5, v12;
	[tilespmem:s28+$0xC90] =	vst v4;
	v11 =	vmul.f32 v11, v12  }
0x93: {  	s10 =	sand.u32 $0x7800, s10;
	s30 =	sand.u32 $0x380, s29;
	v4 =	vmul.f32 v13, v12;
	[tilespmem:s28+$0x8C0] =	vst v7;
	v7 =	vmul.f32 v18, v12  }
0x94: {  	s30 =	sor.u32 s30, s10;
	[tilespmem:s28+$0x8B0] =	vst v15  }
0x95: {  	v6 =	vld [tilespmem:s30+$0xCC0];
	[tilespmem:s28+$0x8A0] =	vst v4  }
0x96: {  	v4 =	vld [tilespmem:s30+$0xC90];
	[tilespmem:s28+$0x8E0] =	vst v7  }
.Ltmp0:
0x97: {  	v7 =	vld [tilespmem:s30+$0x8C0];
	[tilespmem:s28+$0x8F0] =	vst v3;
	(pc) =	sbr.rel @p0 .LBB2_2-.Ltmp0, $4  }
0x98: {  	v3 =	vld [tilespmem:s30+$0x8F0];
	[tilespmem:s28+$0xCA0] =	vst v14  }
0x99: {  	v9 =	vld [tilespmem:s30+$0xC80];
	[tilespmem:s28+$0xCF0] =	vst v5  }
0x9a: {  	v8 =	vld [tilespmem:s30+$0x8D0];
	[tilespmem:s28+$0xCE0] =	vst v11  }
0x9b: {  	v5 =	vld [tilespmem:s30+$0xCF0];
	[tilespmem:s28+$0x890] =	vst v16  }
0x9c: {  	v11 =	vld [tilespmem:s30+$0xCB0];
	[tilespmem:s28+$0x880] =	vst v10  }
0x9d: {  	v10 =	vld [tilespmem:s2+$0x0]  }
0x9e: {  	v12 =	vld [tilespmem:s30+$0xCD0];
	_ =	sdelay $0x3  }
0x9f: {  	v11 =	vmul.f32 v11, v10  }
0xa0: {  	v12 =	vmul.f32 v12, v10  }
0xa1: {  	v14 =	vld [tilespmem:s30+$0x8B0];
	v6 =	vmul.f32 v6, v10;
	[tilespmem:s30+$0xCB0] =	vst v11  }
0xa2: {  	v15 =	vld [tilespmem:s30+$0x8A0];
	v9 =	vmul.f32 v9, v10;
	[tilespmem:s30+$0xCD0] =	vst v12  }
0xa3: {  	v55 =	vld [tilespmem:s30+$0x8E0];
	v8 =	vmul.f32 v8, v10;
	[tilespmem:s30+$0xCC0] =	vst v6  }
0xa4: {  	v4 =	vmul.f32 v4, v10;
	[tilespmem:s30+$0xC80] =	vst v9  }
0xa5: {  	v13 =	vld [tilespmem:s30+$0xCA0];
	v56 =	vmul.f32 v7, v10;
	[tilespmem:s30+$0x8D0] =	vst v8  }
0xa6: {  	v58 =	vmul.f32 v14, v10;
	[tilespmem:s30+$0xC90] =	vst v4  }
0xa7: {  	v57 =	vld [tilespmem:s30+$0x890];
	v60 =	vmul.f32 v15, v10;
	[tilespmem:s30+$0x8C0] =	vst v56  }
0xa8: {  	v54 =	vld [tilespmem:s30+$0xCE0];
	v61 =	vmul.f32 v55, v10;
	[tilespmem:s30+$0x8B0] =	vst v58  }
0xa9: {  	v59 =	vld [tilespmem:s30+$0x880];
	v3 =	vmul.f32 v3, v10;
	[tilespmem:s30+$0x8A0] =	vst v60  }
0xaa: {  	v62 =	vmul.f32 v13, v10;
	[tilespmem:s30+$0x8E0] =	vst v61  }
0xab: {  	v5 =	vmul.f32 v5, v10;
	[tilespmem:s30+$0x8F0] =	vst v3  }
0xac: {  	v63 =	vmul.f32 v57, v10;
	[tilespmem:s30+$0xCA0] =	vst v62  }
0xad: {  	v3 =	vmul.f32 v54, v10;
	[tilespmem:s30+$0xCF0] =	vst v5  }
0xae: {  	s26 =	sadd.s32 $0x1, s26;
	v4 =	vmul.f32 v59, v10;
	[tilespmem:s30+$0x890] =	vst v63  }
0xaf: {  	p0 =	sne.s32 s26, s7;
	[tilespmem:s30+$0xCE0] =	vst v3  }
.Ltmp1:
0xb0: {  	[tilespmem:s30+$0x880] =	vst v4;
	(pc) =	sbr.rel @p0 .LBB2_1-.Ltmp1, $4  }
0xb1: {  	[hbm4b:s6+s3] =	stream.linear.scatter [tilespmem:s9], [sflag:$0x2], $0x8000, $0x38;
	[tilespmem:$0x8880] =	vst v63  }
0xb2: {  	_ =	swait.ge [sflag:s8], $0x8000  }
0xb3: {  	[sflag:s8] =	ssyncset.done $0x0  }
0xb4: {  	[sflag:s8] =	ssyncadd.s32 $0xFFFF8000  }
0xb5: {  	_ =	sfence.sel $0x180000  }
0xb6: {  	[bflag:$0x0] =	sbarrier.arrive $0xFFFF  }
0xb7: {  	_ =	strace $0x90000047  }
0xb8: {  	s0 =	stileid.u32;
	[bflag:$0x2] =	sbarrier.arrive $0xFFFF  }
0xb9: {  	p0 =	sne.s32 s0, $0x0;
	s0 =	rddreg [dreg:$0x3]  }
0xba: {  	s0 =	sadd.s32 @!p0 $0x100000, s0  }
0xbb: {  	[sflag:s0] =	ssyncadd.tile.s32 @!p0 $0x1;
	_ =	shalt  }
.Lfunc_end2:
_tile_overlayer_lowered:
.L_overlay_start_2:
0xbc: {  	(tag) =	ssettag $0x2  }
0xbd: {  	s0 =	rddreg [dreg:$0x0];
	s2 =	stileid.u32  }
0xbe: {  	s1 =	rddreg [dreg:$0x1];
	p0 =	sne.s32 s2, $0x0  }
0xbf: {  	s3 =	rddreg [dreg:$0x2];
	[bflag:$0x3] =	sbarrier.arrive $0xFFFF;
	s2 =	simm.s32 @!p0 $0x1C02  }
0xc0: {  	[timem:s3], [sflag:s2] =	dma.local @!p0 [hbm:s0], s1  }
0xc1: {  	s0 =	simm.s32 @!p0 $0x2  }
0xc2: {  	_ =	swait.ge @!p0 [sflag:s0], s1  }
0xc3: {  	s1 =	ssub.s32 @!p0 $0x0, s1;
	[sflag:s0] =	ssyncset.done @!p0 $0x0  }
0xc4: {  	[sflag:s0] =	ssyncadd.s32 @!p0 s1  }
0xc5: {  	[bflag:$0x3] =	sbarrier.arrive $0xFFFF  }
0xc6: {  	_ =	shalt  }

</sc_bundles>
